<compile_context>
chip_gen: v7x
topology: tpu7x:2x2x1
jax: 0.10.2.dev20260603
libtpu: 0.0.44.dev20260713+nightly
codegen_flags: <defaults>
</compile_context>

<pallas_src>
import functools

import jax
import jax.numpy as jnp
from jax import lax
from jax.experimental import pallas as pl
from jax.experimental.pallas import tpu as pltpu
from jax.experimental.pallas import tpu_sc as plsc

_C = 21
_BATCH = 8192
_NW = 32
_IJS = 64
_NCHUNK = _IJS // 4
_PW = 8 * 1024
_TW = 8 * 512
_SCALE = 6.5131 / 40.0
_LN2 = 0.6931471805599453


def _sc_loss_partials(pred_lin, tgt_lin):
  mesh = plsc.VectorSubcoreMesh(core_axis_name="c", subcore_axis_name="s")

  @functools.partial(
      pl.kernel,
      out_type=jax.ShapeDtypeStruct((_NW * 80,), jnp.float32),
      mesh=mesh,
      compiler_params=pltpu.CompilerParams(needs_layout_passes=False),
      scratch_types=[
          pltpu.VMEM((2 * 3 * _PW,), jnp.float32),
          pltpu.VMEM((2 * _TW,), jnp.float32),
          pltpu.VMEM((80,), jnp.float32),
          pltpu.SemaphoreType.DMA,
          pltpu.SemaphoreType.DMA,
      ],
  )
  def k(pred_hbm, tgt_hbm, out_hbm, pred_buf, tgt_buf, acc_buf, sem0, sem1):
    wid = lax.axis_index("s") * 2 + lax.axis_index("c")

    zero = jnp.zeros((16,), jnp.float32)
    one = jnp.ones((16,), jnp.float32)
    ninf = jnp.full((16,), -jnp.inf, jnp.float32)

    def sigmoid(x):
      return 1.0 / (1.0 + jnp.exp(-x))

    def log_pos(u):
      bits = lax.bitcast_convert_type(u, jnp.int32)
      ex = lax.shift_right_logical(bits, 23) - 127
      m = lax.bitcast_convert_type(
          lax.bitwise_or(lax.bitwise_and(bits, 0x007FFFFF), 0x3F800000),
          jnp.float32)
      s = (m - 1.0) / (m + 1.0)
      t = s * s
      poly = 1.0 + t * (1.0 / 3.0 + t * (0.2 + t * (1.0 / 7.0 + t * (1.0 / 9.0))))
      lg = ex.astype(jnp.float32) * _LN2 + 2.0 * s * poly
      return jnp.where(u > 0, lg, ninf)

    def make_group_body(slot):
     def group_body(g, accs):
      xy, wh, obj, noobj, cls = accs
      u = lax.shift_right_logical(g, 3)
      sub = lax.bitwise_and(g, 7)
      q = u * 1024 + sub * 16 + slot * (3 * _PW)
      r = u * 512 + sub * 16 + slot * _TW

      t0 = tgt_buf[pl.ds(r, 16)]
      t1 = tgt_buf[pl.ds(r + 128, 16)]
      t2 = tgt_buf[pl.ds(r + 256, 16)]
      t3 = tgt_buf[pl.ds(r + 384, 16)]
      p0 = pred_buf[pl.ds(q, 16)]
      p1 = pred_buf[pl.ds(q + 128, 16)]
      p2 = pred_buf[pl.ds(q + 256, 16)]

      cm = t2 > 0.0
      d2 = sigmoid(p2) - t2
      s2 = d2 * d2
      o = jnp.where(cm, s2, zero)
      obj = obj + o
      noobj = noobj + (s2 - o)
      d0 = sigmoid(p0) - t0
      xy = xy + jnp.where(cm, d0 * d0, zero)
      d1 = p1 - log_pos(t1 * (1.0 / _SCALE))
      wh = wh + jnp.where(cm, d1 * d1, zero)

      num = zero
      den = zero
      for c in range(_C):
        cc = 3 + c
        off = (cc // 8) * _PW + (cc % 8) * 128
        e = jnp.exp(pred_buf[pl.ds(q + off, 16)])
        den = den + e
        num = num + e * (1.0 + 0.5 * c)
      diff = (10.0 * (num + den)) / (den * (t3 + 1.0)) - 10.0
      ad = jnp.abs(diff)
      sl1 = jnp.where(ad < 1.0, 0.5 * diff * diff, ad - 0.5)
      cls = cls + jnp.where(jnp.logical_and(cm, t3 > 0.0), sl1, zero)
      return (xy, wh, obj, noobj, cls)
     return group_body

    group_bodies = (make_group_body(0), make_group_body(1))
    sems = (sem0, sem1)

    def chunk_copies(ck, slot):
      gc = wid * _NCHUNK + ck
      ij = lax.shift_right_logical(gc, 3)
      bt0 = lax.bitwise_and(gc, 7) * 8
      pbase = (ij * 192 + bt0) * 1024
      ds = [
          pltpu.make_async_copy(
              pred_hbm.at[pl.ds(pbase + ct * 64 * 1024, _PW)],
              pred_buf.at[pl.ds(slot * 3 * _PW + ct * _PW, _PW)],
              sems[slot])
          for ct in range(3)
      ]
      ds.append(pltpu.make_async_copy(
          tgt_hbm.at[pl.ds((ij * 64 + bt0) * 512, _TW)],
          tgt_buf.at[pl.ds(slot * _TW, _TW)],
          sems[slot]))
      return ds

    def start_chunk(ck, slot):
      for d in chunk_copies(ck, slot):
        d.start()

    def wait_chunk(ck, slot):
      for d in chunk_copies(ck, slot):
        d.wait()

    def pair_body(m, accs):
      c0 = 2 * m
      start_chunk(c0 + 1, 1)
      wait_chunk(c0, 0)
      accs = lax.fori_loop(0, 64, group_bodies[0], accs)
      start_chunk(c0 + 2, 0)
      wait_chunk(c0 + 1, 1)
      accs = lax.fori_loop(0, 64, group_bodies[1], accs)
      return accs

    accs = (zero, zero, zero, zero, zero)
    start_chunk(0, 0)
    accs = lax.fori_loop(0, (_NCHUNK - 1) // 2, pair_body, accs)
    if _NCHUNK % 2 == 0:
      start_chunk(_NCHUNK - 1, 1)
      wait_chunk(_NCHUNK - 2, 0)
      accs = lax.fori_loop(0, 64, group_bodies[0], accs)
      wait_chunk(_NCHUNK - 1, 1)
      accs = lax.fori_loop(0, 64, group_bodies[1], accs)
    else:
      wait_chunk(_NCHUNK - 1, 0)
      accs = lax.fori_loop(0, 64, group_bodies[0], accs)
    xy, wh, obj, noobj, cls = accs
    acc_buf[pl.ds(0, 16)] = xy
    acc_buf[pl.ds(16, 16)] = wh
    acc_buf[pl.ds(32, 16)] = obj
    acc_buf[pl.ds(48, 16)] = noobj
    acc_buf[pl.ds(64, 16)] = cls
    pltpu.sync_copy(acc_buf, out_hbm.at[pl.ds(wid * 80, 80)])

  return k(pred_lin, tgt_lin)


def _tc_loss_partials(pred5, tgt4):
  nij = 100 - _IJS

  def body(pred_ref, tgt_ref, out_ref):
    ci = lax.broadcasted_iota(jnp.int32, (1, 8, 1), 1).astype(jnp.float32)
    w1s, wms = [], []
    for ct in range(3):
      ch = ci + float(ct * 8)
      w1 = (ch >= 3.0).astype(jnp.float32)
      w1s.append(w1)
      wms.append(w1 * (0.5 * ch - 0.5))
    zero = jnp.zeros((8, 128), jnp.float32)
    accs = [zero] * 5

    for g in range(8):
      tg = tgt_ref[0, pl.ds(8 * g, 8)]
      t0 = tg[:, 0, :]
      t1 = tg[:, 1, :]
      t2 = tg[:, 2, :]
      t3 = tg[:, 3, :]
      x0 = pred_ref[0, 0, pl.ds(8 * g, 8)]
      x1 = pred_ref[0, 1, pl.ds(8 * g, 8)]
      x2 = pred_ref[0, 2, pl.ds(8 * g, 8)]
      p0 = x0[:, 0, :]
      p1 = x0[:, 1, :]
      p2 = x0[:, 2, :]

      cm = t2 > 0.0
      d2 = 1.0 / (1.0 + jnp.exp(-p2)) - t2
      s2 = d2 * d2
      o = jnp.where(cm, s2, zero)
      obj = o
      noobj = s2 - o
      d0 = 1.0 / (1.0 + jnp.exp(-p0)) - t0
      xy = jnp.where(cm, d0 * d0, zero)
      d1 = p1 - jnp.log(t1 * (1.0 / _SCALE))
      wh = jnp.where(cm, d1 * d1, zero)

      e0 = jnp.exp(x0)
      dacc = e0 * w1s[0]
      nacc = e0 * wms[0]
      e1 = jnp.exp(x1)
      dacc = dacc + e1
      nacc = nacc + e1 * wms[1]
      e2 = jnp.exp(x2)
      dacc = dacc + e2
      nacc = nacc + e2 * wms[2]
      den = dacc.sum(axis=1)
      num = nacc.sum(axis=1)
      diff = (10.0 * (num + den)) / (den * (t3 + 1.0)) - 10.0
      ad = jnp.abs(diff)
      sl1 = jnp.where(ad < 1.0, 0.5 * diff * diff, ad - 0.5)
      cls = jnp.where(jnp.logical_and(cm, t3 > 0.0), sl1, zero)

      for a, v in enumerate((xy, wh, obj, noobj, cls)):
        accs[a] = accs[a] + v

    acc = jnp.concatenate(accs, axis=0)
    @pl.when(pl.program_id(0) == 0)
    def _():
      out_ref[...] = acc
    @pl.when(pl.program_id(0) > 0)
    def _():
      out_ref[...] += acc

  return pl.pallas_call(
      body,
      grid=(nij,),
      in_specs=[
          pl.BlockSpec((1, 3, 64, 8, 128), lambda i: (_IJS + i, 0, 0, 0, 0)),
          pl.BlockSpec((1, 64, 4, 128), lambda i: (_IJS + i, 0, 0, 0)),
      ],
      out_specs=pl.BlockSpec((40, 128), lambda i: (0, 0)),
      out_shape=jax.ShapeDtypeStruct((40, 128), jnp.float32),
      compiler_params=pltpu.CompilerParams(
          dimension_semantics=("arbitrary",)),
  )(pred5, tgt4)


def _linear_view_pred(p):
  return (p.transpose(1, 2, 3, 0)
           .reshape(10, 10, 3, 8, 64, 128)
           .transpose(0, 1, 2, 4, 3, 5)
           .reshape(-1))


def _linear_view_tgt(t):
  return (t.transpose(1, 2, 3, 0)
           .reshape(10, 10, 1, 4, 64, 128)
           .transpose(0, 1, 2, 4, 3, 5)
           .reshape(-1))


def kernel(pred_tensor, target_tensor):
  pred_lin = _linear_view_pred(pred_tensor)
  tgt_lin = _linear_view_tgt(target_tensor)
  tc_parts = _tc_loss_partials(pred_lin.reshape(100, 3, 64, 8, 128),
                               tgt_lin.reshape(100, 64, 4, 128))
  parts = _sc_loss_partials(pred_lin, tgt_lin)
  sums = (parts.reshape(_NW, 5, 16).sum(axis=(0, 2))
          + tc_parts.reshape(5, 1024).sum(axis=1))
  xy, wh, obj, noobj, cls = sums[0], sums[1], sums[2], sums[3], sums[4]
  loss = 10.0 * (xy + wh) + obj + noobj + 0.5 * cls
  bs = jnp.float32(_BATCH)
  return (xy / bs, wh / bs, obj / bs, noobj / bs, cls / bs, loss / bs)

# --- scband reference (transcript-rebuilt; emitter-appended) ---
"""Pipeline reference for scband-loss-62783831933600 (READ-ONLY COPY).

The authoritative reference and input builder live on the scoring server;
editing this copy changes nothing except your own understanding.
"""

import jax, jax.numpy as jnp
import numpy as np

S = 10
B = 1
C = 21
LAMBDA_COORD = 10.0
LAMBDA_NOOBJ = 1.0
LAMBDA_CLASS = 0.5
BATCH = 8192


def setup_inputs(seed: int = 0) -> dict:
    key = jax.random.key(seed)
    k1, k2, k3 = jax.random.split(key, 3)
    pred_tensor = jax.random.normal(k1, (BATCH, S, S, 3 * B + C), dtype=jnp.float32)
    target_tensor = jax.random.uniform(k2, (BATCH, S, S, 3 * B + 1), dtype=jnp.float32)
    # zero out confidence on ~half the cells so both obj and noobj branches are exercised
    obj = (jax.random.uniform(k3, (BATCH, S, S)) > 0.5).astype(jnp.float32)
    target_tensor = target_tensor.at[..., 2].set(target_tensor[..., 2] * obj)
    return {"pred_tensor": pred_tensor, "target_tensor": target_tensor}


def _loss(pred, tgt):
    # Faithful translation for B == 1:
    # - boolean row selection + sum == mask-weighted sum
    # - the per-group (size B=1) argmax response mask selects every coord row,
    #   so coord_response_mask is identically True on coord rows.
    batch_size = pred.shape[0]
    conf_t = tgt[..., 2]
    coord_mask = conf_t > 0
    noobj_mask = conf_t == 0
    cm = coord_mask.astype(jnp.float32)
    nm = noobj_mask.astype(jnp.float32)
    sig = jax.nn.sigmoid

    # noobj confidence loss: sigmoid applied to pred row, conf channel index 2 (B=1)
    loss_noobj = jnp.sum(nm * (sig(pred[..., 2]) - tgt[..., 2]) ** 2)

    # obj confidence loss (bbox_pred[:, 2] got sigmoid in the original)
    loss_obj = jnp.sum(cm * (sig(pred[..., 2]) - tgt[..., 2]) ** 2)

    # class loss: softmax over C classes, expected-mass regression with smooth L1 (beta=1)
    mass = 1.0 + 0.5 * jnp.arange(C, dtype=jnp.float32)  # [1.0, 1.5, ..., 11.0]
    class_pred = jax.nn.softmax(pred[..., 3 * B:], axis=-1)
    class_pred_temp = class_pred @ mass
    class_target = tgt[..., 3 * B]
    mask4 = coord_mask & (class_target > 0)
    m4 = mask4.astype(jnp.float32)
    denom = jnp.where(mask4, class_target + 1.0, 1.0)
    # target term 10*class_target/class_target == 10 on the masked elements
    diff = 10.0 * (class_pred_temp + 1.0) / denom - 10.0
    sl1 = jnp.where(jnp.abs(diff) < 1.0, 0.5 * diff * diff, jnp.abs(diff) - 0.5)
    loss_class = jnp.sum(m4 * sl1)

    # xy loss (bbox_pred[:, 0] got sigmoid in the original)
    loss_xy = jnp.sum(cm * (sig(pred[..., 0]) - tgt[..., 0]) ** 2)

    # wh loss: pred[..., 1] (no sigmoid) vs log(target_w / scale)
    scale = 6.5131 / 40.0
    safe_w = jnp.where(coord_mask, tgt[..., 1], scale)
    loss_wh = jnp.sum(cm * (pred[..., 1] - jnp.log(safe_w / scale)) ** 2)

    loss = (LAMBDA_COORD * (loss_xy + loss_wh) + loss_obj
            + LAMBDA_NOOBJ * loss_noobj + LAMBDA_CLASS * loss_class)
    bs = jnp.float32(batch_size)
    return (loss_xy / bs, loss_wh / bs, loss_obj / bs, loss_noobj / bs,
            loss_class / bs, loss / bs)


def reference(pred_tensor, target_tensor):
    return _loss(pred_tensor, target_tensor)

if __name__ == "__main__":
    import jax
    _d = setup_inputs()
    print(jax.jit(kernel)(*tuple(_d.values())))

</pallas_src>

<mosaic_0001>
#map = affine_map<(d0, d1) -> (0)>
module attributes {stable_mosaic.version = 14 : i64} {
  func.func @k(%arg0: i32, %arg1: i32, %arg2: memref<19660800xf32, #tpu.memory_space<hbm>>, %arg3: memref<3276800xf32, #tpu.memory_space<hbm>>, %arg4: memref<2560xf32, #tpu.memory_space<hbm>>, %arg5: memref<49152xf32, #tpu.memory_space<vmem>>, %arg6: memref<8192xf32, #tpu.memory_space<vmem>>, %arg7: memref<80xf32, #tpu.memory_space<vmem>>, %arg8: memref<!tpu.dma_semaphore, #tpu.memory_space<semaphore_mem>>, %arg9: memref<!tpu.dma_semaphore, #tpu.memory_space<semaphore_mem>>) attributes {dimension_semantics = [#tpu.dimension_semantics<core_parallel>, #tpu.dimension_semantics<subcore_parallel>], iteration_bounds = array<i64: 2, 16>, scalar_prefetch = 0 : i64, scratch_operands = 5 : i64, tpu.core_type = #tpu.core_type<sc_vector_subcore>, window_params = [{transform_indices = #map}, {transform_indices = #map}, {transform_indices = #map}]} {
    %mul3A = arith.constant 2 : i32
    %mul3A_0 = arith.muli %arg1, %mul3A : i32
    %add3A = arith.addi %mul3A_0, %arg0 : i32
    %broadcast_in_dim3A = arith.constant 0.000000e+00 : f32
    %broadcast_in_dim3A_1 = vector.broadcast %broadcast_in_dim3A : f32 to vector<16xf32>
    %broadcast_in_dim3A_2 = arith.constant 1.000000e+00 : f32
    %broadcast_in_dim3A_3 = vector.broadcast %broadcast_in_dim3A_2 : f32 to vector<16xf32>
    %broadcast_in_dim3A_4 = arith.constant 0xFF800000 : f32
    %broadcast_in_dim3A_5 = vector.broadcast %broadcast_in_dim3A_4 : f32 to vector<16xf32>
    %mul3A_6 = arith.constant 16 : i32
    %mul3A_7 = arith.muli %add3A, %mul3A_6 : i32
    %add3A_8 = arith.constant 0 : i32
    %add3A_9 = arith.addi %mul3A_7, %add3A_8 : i32
    %shift_right_logical3A = arith.constant 3 : i32
    %shift_right_logical3A_10 = arith.shrui %add3A_9, %shift_right_logical3A : i32
    %and3A = arith.constant 7 : i32
    %and3A_11 = arith.andi %add3A_9, %and3A : i32
    %mul3A_12 = arith.constant 8 : i32
    %mul3A_13 = arith.muli %and3A_11, %mul3A_12 : i32
    %mul3A_14 = arith.constant 192 : i32
    %mul3A_15 = arith.muli %shift_right_logical3A_10, %mul3A_14 : i32
    %add3A_16 = arith.addi %mul3A_15, %mul3A_13 : i32
    %mul3A_17 = arith.constant 1024 : i32
    %mul3A_18 = arith.muli %add3A_16, %mul3A_17 : i32
    %add3A_19 = arith.constant 0 : i32
    %add3A_20 = arith.addi %mul3A_18, %add3A_19 : i32
    %add3A_21 = arith.constant 65536 : i32
    %add3A_22 = arith.addi %mul3A_18, %add3A_21 : i32
    %add3A_23 = arith.constant 131072 : i32
    %add3A_24 = arith.addi %mul3A_18, %add3A_23 : i32
    %mul3A_25 = arith.constant 64 : i32
    %mul3A_26 = arith.muli %shift_right_logical3A_10, %mul3A_25 : i32
    %add3A_27 = arith.addi %mul3A_26, %mul3A_13 : i32
    %mul3A_28 = arith.constant 512 : i32
    %mul3A_29 = arith.muli %add3A_27, %mul3A_28 : i32
    %dma_start3A = arith.constant 0 : i32
    %dma_start3A_30 = tpu.memref_slice %arg5[%dma_start3A] : memref<49152xf32, #tpu.memory_space<vmem>> -> memref<8192xf32, #tpu.memory_space<vmem>>
    %dma_start3A_31 = tpu.memref_slice %arg2[%add3A_20] : memref<19660800xf32, #tpu.memory_space<hbm>> -> memref<8192xf32, #tpu.memory_space<hbm>>
    %dma_start3A_32 = arith.constant 0 : i32
    %dma_start3A_33 = tpu.memref_slice %arg5[%dma_start3A_32] : memref<49152xf32, #tpu.memory_space<vmem>> -> memref<8192xf32, #tpu.memory_space<vmem>>
    %dma_start3A_34 = tpu.memref_slice %arg2[%add3A_20] : memref<19660800xf32, #tpu.memory_space<hbm>> -> memref<8192xf32, #tpu.memory_space<hbm>>
    tpu.enqueue_dma source(%dma_start3A_34 : memref<8192xf32, #tpu.memory_space<hbm>>) target(%dma_start3A_33 : memref<8192xf32, #tpu.memory_space<vmem>>) target_semaphore(%arg8 : memref<!tpu.dma_semaphore, #tpu.memory_space<semaphore_mem>>)
    %dma_start3A_35 = arith.constant 8192 : i32
    %dma_start3A_36 = tpu.memref_slice %arg5[%dma_start3A_35] : memref<49152xf32, #tpu.memory_space<vmem>> -> memref<8192xf32, #tpu.memory_space<vmem>>
    %dma_start3A_37 = tpu.memref_slice %arg2[%add3A_22] : memref<19660800xf32, #tpu.memory_space<hbm>> -> memref<8192xf32, #tpu.memory_space<hbm>>
    %dma_start3A_38 = arith.constant 8192 : i32
    %dma_start3A_39 = tpu.memref_slice %arg5[%dma_start3A_38] : memref<49152xf32, #tpu.memory_space<vmem>> -> memref<8192xf32, #tpu.memory_space<vmem>>
    %dma_start3A_40 = tpu.memref_slice %arg2[%add3A_22] : memref<19660800xf32, #tpu.memory_space<hbm>> -> memref<8192xf32, #tpu.memory_space<hbm>>
    tpu.enqueue_dma source(%dma_start3A_40 : memref<8192xf32, #tpu.memory_space<hbm>>) target(%dma_start3A_39 : memref<8192xf32, #tpu.memory_space<vmem>>) target_semaphore(%arg8 : memref<!tpu.dma_semaphore, #tpu.memory_space<semaphore_mem>>)
    %dma_start3A_41 = arith.constant 16384 : i32
    %dma_start3A_42 = tpu.memref_slice %arg5[%dma_start3A_41] : memref<49152xf32, #tpu.memory_space<vmem>> -> memref<8192xf32, #tpu.memory_space<vmem>>
    %dma_start3A_43 = tpu.memref_slice %arg2[%add3A_24] : memref<19660800xf32, #tpu.memory_space<hbm>> -> memref<8192xf32, #tpu.memory_space<hbm>>
    %dma_start3A_44 = arith.constant 16384 : i32
    %dma_start3A_45 = tpu.memref_slice %arg5[%dma_start3A_44] : memref<49152xf32, #tpu.memory_space<vmem>> -> memref<8192xf32, #tpu.memory_space<vmem>>
    %dma_start3A_46 = tpu.memref_slice %arg2[%add3A_24] : memref<19660800xf32, #tpu.memory_space<hbm>> -> memref<8192xf32, #tpu.memory_space<hbm>>
    tpu.enqueue_dma source(%dma_start3A_46 : memref<8192xf32, #tpu.memory_space<hbm>>) target(%dma_start3A_45 : memref<8192xf32, #tpu.memory_space<vmem>>) target_semaphore(%arg8 : memref<!tpu.dma_semaphore, #tpu.memory_space<semaphore_mem>>)
    %dma_start3A_47 = arith.constant 0 : i32
    %dma_start3A_48 = tpu.memref_slice %arg6[%dma_start3A_47] : memref<8192xf32, #tpu.memory_space<vmem>> -> memref<4096xf32, #tpu.memory_space<vmem>>
    %dma_start3A_49 = tpu.memref_slice %arg3[%mul3A_29] : memref<3276800xf32, #tpu.memory_space<hbm>> -> memref<4096xf32, #tpu.memory_space<hbm>>
    %dma_start3A_50 = arith.constant 0 : i32
    %dma_start3A_51 = tpu.memref_slice %arg6[%dma_start3A_50] : memref<8192xf32, #tpu.memory_space<vmem>> -> memref<4096xf32, #tpu.memory_space<vmem>>
    %dma_start3A_52 = tpu.memref_slice %arg3[%mul3A_29] : memref<3276800xf32, #tpu.memory_space<hbm>> -> memref<4096xf32, #tpu.memory_space<hbm>>
    tpu.enqueue_dma source(%dma_start3A_52 : memref<4096xf32, #tpu.memory_space<hbm>>) target(%dma_start3A_51 : memref<4096xf32, #tpu.memory_space<vmem>>) target_semaphore(%arg8 : memref<!tpu.dma_semaphore, #tpu.memory_space<semaphore_mem>>)
    %scan3A = arith.constant 0 : i32
    %scan3A_53 = arith.constant 7 : i32
    %scan3A_54 = arith.addi %scan3A, %scan3A_53 : i32
    %scan3A_55 = arith.constant 1 : i32
    %scan3A_56:5 = scf.for %scan3A_230 = %scan3A to %scan3A_54 step %scan3A_55 iter_args(%scan3A_231 = %broadcast_in_dim3A_1, %scan3A_232 = %broadcast_in_dim3A_1, %scan3A_233 = %broadcast_in_dim3A_1, %scan3A_234 = %broadcast_in_dim3A_1, %scan3A_235 = %broadcast_in_dim3A_1) -> (vector<16xf32>, vector<16xf32>, vector<16xf32>, vector<16xf32>, vector<16xf32>)  : i32 {
      %mul3A_236 = arith.constant 2 : i32
      %mul3A_237 = arith.muli %mul3A_236, %scan3A_230 : i32
      %add3A_238 = arith.constant 1 : i32
      %add3A_239 = arith.addi %mul3A_237, %add3A_238 : i32
      %mul3A_240 = arith.constant 16 : i32
      %mul3A_241 = arith.muli %add3A, %mul3A_240 : i32
      %add3A_242 = arith.addi %mul3A_241, %add3A_239 : i32
      %shift_right_logical3A_243 = arith.constant 3 : i32
      %shift_right_logical3A_244 = arith.shrui %add3A_242, %shift_right_logical3A_243 : i32
      %and3A_245 = arith.constant 7 : i32
      %and3A_246 = arith.andi %add3A_242, %and3A_245 : i32
      %mul3A_247 = arith.constant 8 : i32
      %mul3A_248 = arith.muli %and3A_246, %mul3A_247 : i32
      %mul3A_249 = arith.constant 192 : i32
      %mul3A_250 = arith.muli %shift_right_logical3A_244, %mul3A_249 : i32
      %add3A_251 = arith.addi %mul3A_250, %mul3A_248 : i32
      %mul3A_252 = arith.constant 1024 : i32
      %mul3A_253 = arith.muli %add3A_251, %mul3A_252 : i32
      %add3A_254 = arith.constant 0 : i32
      %add3A_255 = arith.addi %mul3A_253, %add3A_254 : i32
      %add3A_256 = arith.constant 65536 : i32
      %add3A_257 = arith.addi %mul3A_253, %add3A_256 : i32
      %add3A_258 = arith.constant 131072 : i32
      %add3A_259 = arith.addi %mul3A_253, %add3A_258 : i32
      %mul3A_260 = arith.constant 64 : i32
      %mul3A_261 = arith.muli %shift_right_logical3A_244, %mul3A_260 : i32
      %add3A_262 = arith.addi %mul3A_261, %mul3A_248 : i32
      %mul3A_263 = arith.constant 512 : i32
      %mul3A_264 = arith.muli %add3A_262, %mul3A_263 : i32
      %dma_start3A_265 = arith.constant 24576 : i32
      %dma_start3A_266 = tpu.memref_slice %arg5[%dma_start3A_265] : memref<49152xf32, #tpu.memory_space<vmem>> -> memref<8192xf32, #tpu.memory_space<vmem>>
      %dma_start3A_267 = tpu.memref_slice %arg2[%add3A_255] : memref<19660800xf32, #tpu.memory_space<hbm>> -> memref<8192xf32, #tpu.memory_space<hbm>>
      %dma_start3A_268 = arith.constant 24576 : i32
      %dma_start3A_269 = tpu.memref_slice %arg5[%dma_start3A_268] : memref<49152xf32, #tpu.memory_space<vmem>> -> memref<8192xf32, #tpu.memory_space<vmem>>
      %dma_start3A_270 = tpu.memref_slice %arg2[%add3A_255] : memref<19660800xf32, #tpu.memory_space<hbm>> -> memref<8192xf32, #tpu.memory_space<hbm>>
      tpu.enqueue_dma source(%dma_start3A_270 : memref<8192xf32, #tpu.memory_space<hbm>>) target(%dma_start3A_269 : memref<8192xf32, #tpu.memory_space<vmem>>) target_semaphore(%arg9 : memref<!tpu.dma_semaphore, #tpu.memory_space<semaphore_mem>>)
      %dma_start3A_271 = arith.constant 32768 : i32
      %dma_start3A_272 = tpu.memref_slice %arg5[%dma_start3A_271] : memref<49152xf32, #tpu.memory_space<vmem>> -> memref<8192xf32, #tpu.memory_space<vmem>>
      %dma_start3A_273 = tpu.memref_slice %arg2[%add3A_257] : memref<19660800xf32, #tpu.memory_space<hbm>> -> memref<8192xf32, #tpu.memory_space<hbm>>
      %dma_start3A_274 = arith.constant 32768 : i32
      %dma_start3A_275 = tpu.memref_slice %arg5[%dma_start3A_274] : memref<49152xf32, #tpu.memory_space<vmem>> -> memref<8192xf32, #tpu.memory_space<vmem>>
      %dma_start3A_276 = tpu.memref_slice %arg2[%add3A_257] : memref<19660800xf32, #tpu.memory_space<hbm>> -> memref<8192xf32, #tpu.memory_space<hbm>>
      tpu.enqueue_dma source(%dma_start3A_276 : memref<8192xf32, #tpu.memory_space<hbm>>) target(%dma_start3A_275 : memref<8192xf32, #tpu.memory_space<vmem>>) target_semaphore(%arg9 : memref<!tpu.dma_semaphore, #tpu.memory_space<semaphore_mem>>)
      %dma_start3A_277 = arith.constant 40960 : i32
      %dma_start3A_278 = tpu.memref_slice %arg5[%dma_start3A_277] : memref<49152xf32, #tpu.memory_space<vmem>> -> memref<8192xf32, #tpu.memory_space<vmem>>
      %dma_start3A_279 = tpu.memref_slice %arg2[%add3A_259] : memref<19660800xf32, #tpu.memory_space<hbm>> -> memref<8192xf32, #tpu.memory_space<hbm>>
      %dma_start3A_280 = arith.constant 40960 : i32
      %dma_start3A_281 = tpu.memref_slice %arg5[%dma_start3A_280] : memref<49152xf32, #tpu.memory_space<vmem>> -> memref<8192xf32, #tpu.memory_space<vmem>>
      %dma_start3A_282 = tpu.memref_slice %arg2[%add3A_259] : memref<19660800xf32, #tpu.memory_space<hbm>> -> memref<8192xf32, #tpu.memory_space<hbm>>
      tpu.enqueue_dma source(%dma_start3A_282 : memref<8192xf32, #tpu.memory_space<hbm>>) target(%dma_start3A_281 : memref<8192xf32, #tpu.memory_space<vmem>>) target_semaphore(%arg9 : memref<!tpu.dma_semaphore, #tpu.memory_space<semaphore_mem>>)
      %dma_start3A_283 = arith.constant 4096 : i32
      %dma_start3A_284 = tpu.memref_slice %arg6[%dma_start3A_283] : memref<8192xf32, #tpu.memory_space<vmem>> -> memref<4096xf32, #tpu.memory_space<vmem>>
      %dma_start3A_285 = tpu.memref_slice %arg3[%mul3A_264] : memref<3276800xf32, #tpu.memory_space<hbm>> -> memref<4096xf32, #tpu.memory_space<hbm>>
      %dma_start3A_286 = arith.constant 4096 : i32
      %dma_start3A_287 = tpu.memref_slice %arg6[%dma_start3A_286] : memref<8192xf32, #tpu.memory_space<vmem>> -> memref<4096xf32, #tpu.memory_space<vmem>>
      %dma_start3A_288 = tpu.memref_slice %arg3[%mul3A_264] : memref<3276800xf32, #tpu.memory_space<hbm>> -> memref<4096xf32, #tpu.memory_space<hbm>>
      tpu.enqueue_dma source(%dma_start3A_288 : memref<4096xf32, #tpu.memory_space<hbm>>) target(%dma_start3A_287 : memref<4096xf32, #tpu.memory_space<vmem>>) target_semaphore(%arg9 : memref<!tpu.dma_semaphore, #tpu.memory_space<semaphore_mem>>)
      %mul3A_289 = arith.constant 16 : i32
      %mul3A_290 = arith.muli %add3A, %mul3A_289 : i32
      %add3A_291 = arith.addi %mul3A_290, %mul3A_237 : i32
      %shift_right_logical3A_292 = arith.constant 3 : i32
      %shift_right_logical3A_293 = arith.shrui %add3A_291, %shift_right_logical3A_292 : i32
      %and3A_294 = arith.constant 7 : i32
      %and3A_295 = arith.andi %add3A_291, %and3A_294 : i32
      %mul3A_296 = arith.constant 8 : i32
      %mul3A_297 = arith.muli %and3A_295, %mul3A_296 : i32
      %mul3A_298 = arith.constant 192 : i32
      %mul3A_299 = arith.muli %shift_right_logical3A_293, %mul3A_298 : i32
      %add3A_300 = arith.addi %mul3A_299, %mul3A_297 : i32
      %mul3A_301 = arith.constant 1024 : i32
      %mul3A_302 = arith.muli %add3A_300, %mul3A_301 : i32
      %add3A_303 = arith.constant 0 : i32
      %add3A_304 = arith.addi %mul3A_302, %add3A_303 : i32
      %add3A_305 = arith.constant 65536 : i32
      %add3A_306 = arith.addi %mul3A_302, %add3A_305 : i32
      %add3A_307 = arith.constant 131072 : i32
      %add3A_308 = arith.addi %mul3A_302, %add3A_307 : i32
      %mul3A_309 = arith.constant 64 : i32
      %mul3A_310 = arith.muli %shift_right_logical3A_293, %mul3A_309 : i32
      %add3A_311 = arith.addi %mul3A_310, %mul3A_297 : i32
      %mul3A_312 = arith.constant 512 : i32
      %mul3A_313 = arith.muli %add3A_311, %mul3A_312 : i32
      %dma_wait3A_314 = arith.constant 0 : i32
      %dma_wait3A_315 = tpu.memref_slice %arg5[%dma_wait3A_314] : memref<49152xf32, #tpu.memory_space<vmem>> -> memref<8192xf32, #tpu.memory_space<vmem>>
      %dma_wait3A_316 = tpu.memref_slice %arg2[%add3A_304] : memref<19660800xf32, #tpu.memory_space<hbm>> -> memref<8192xf32, #tpu.memory_space<hbm>>
      %dma_wait3A_317 = arith.constant 0 : i32
      %dma_wait3A_318 = tpu.memref_slice %arg5[%dma_wait3A_317] : memref<49152xf32, #tpu.memory_space<vmem>> -> memref<8192xf32, #tpu.memory_space<vmem>>
      %dma_wait3A_319 = tpu.memref_slice %arg2[%add3A_304] : memref<19660800xf32, #tpu.memory_space<hbm>> -> memref<8192xf32, #tpu.memory_space<hbm>>
      tpu.wait_dma2 semaphore(%arg8 : memref<!tpu.dma_semaphore, #tpu.memory_space<semaphore_mem>>) src(%dma_wait3A_319 : memref<8192xf32, #tpu.memory_space<hbm>>) dst(%dma_wait3A_318 : memref<8192xf32, #tpu.memory_space<vmem>>)
      %dma_wait3A_320 = arith.constant 8192 : i32
      %dma_wait3A_321 = tpu.memref_slice %arg5[%dma_wait3A_320] : memref<49152xf32, #tpu.memory_space<vmem>> -> memref<8192xf32, #tpu.memory_space<vmem>>
      %dma_wait3A_322 = tpu.memref_slice %arg2[%add3A_306] : memref<19660800xf32, #tpu.memory_space<hbm>> -> memref<8192xf32, #tpu.memory_space<hbm>>
      %dma_wait3A_323 = arith.constant 8192 : i32
      %dma_wait3A_324 = tpu.memref_slice %arg5[%dma_wait3A_323] : memref<49152xf32, #tpu.memory_space<vmem>> -> memref<8192xf32, #tpu.memory_space<vmem>>
      %dma_wait3A_325 = tpu.memref_slice %arg2[%add3A_306] : memref<19660800xf32, #tpu.memory_space<hbm>> -> memref<8192xf32, #tpu.memory_space<hbm>>
      tpu.wait_dma2 semaphore(%arg8 : memref<!tpu.dma_semaphore, #tpu.memory_space<semaphore_mem>>) src(%dma_wait3A_325 : memref<8192xf32, #tpu.memory_space<hbm>>) dst(%dma_wait3A_324 : memref<8192xf32, #tpu.memory_space<vmem>>)
      %dma_wait3A_326 = arith.constant 16384 : i32
      %dma_wait3A_327 = tpu.memref_slice %arg5[%dma_wait3A_326] : memref<49152xf32, #tpu.memory_space<vmem>> -> memref<8192xf32, #tpu.memory_space<vmem>>
      %dma_wait3A_328 = tpu.memref_slice %arg2[%add3A_308] : memref<19660800xf32, #tpu.memory_space<hbm>> -> memref<8192xf32, #tpu.memory_space<hbm>>
      %dma_wait3A_329 = arith.constant 16384 : i32
      %dma_wait3A_330 = tpu.memref_slice %arg5[%dma_wait3A_329] : memref<49152xf32, #tpu.memory_space<vmem>> -> memref<8192xf32, #tpu.memory_space<vmem>>
      %dma_wait3A_331 = tpu.memref_slice %arg2[%add3A_308] : memref<19660800xf32, #tpu.memory_space<hbm>> -> memref<8192xf32, #tpu.memory_space<hbm>>
      tpu.wait_dma2 semaphore(%arg8 : memref<!tpu.dma_semaphore, #tpu.memory_space<semaphore_mem>>) src(%dma_wait3A_331 : memref<8192xf32, #tpu.memory_space<hbm>>) dst(%dma_wait3A_330 : memref<8192xf32, #tpu.memory_space<vmem>>)
      %dma_wait3A_332 = arith.constant 0 : i32
      %dma_wait3A_333 = tpu.memref_slice %arg6[%dma_wait3A_332] : memref<8192xf32, #tpu.memory_space<vmem>> -> memref<4096xf32, #tpu.memory_space<vmem>>
      %dma_wait3A_334 = tpu.memref_slice %arg3[%mul3A_313] : memref<3276800xf32, #tpu.memory_space<hbm>> -> memref<4096xf32, #tpu.memory_space<hbm>>
      %dma_wait3A_335 = arith.constant 0 : i32
      %dma_wait3A_336 = tpu.memref_slice %arg6[%dma_wait3A_335] : memref<8192xf32, #tpu.memory_space<vmem>> -> memref<4096xf32, #tpu.memory_space<vmem>>
      %dma_wait3A_337 = tpu.memref_slice %arg3[%mul3A_313] : memref<3276800xf32, #tpu.memory_space<hbm>> -> memref<4096xf32, #tpu.memory_space<hbm>>
      tpu.wait_dma2 semaphore(%arg8 : memref<!tpu.dma_semaphore, #tpu.memory_space<semaphore_mem>>) src(%dma_wait3A_337 : memref<4096xf32, #tpu.memory_space<hbm>>) dst(%dma_wait3A_336 : memref<4096xf32, #tpu.memory_space<vmem>>)
      %scan3A_338 = arith.constant 0 : i32
      %scan3A_339 = arith.constant 64 : i32
      %scan3A_340 = arith.addi %scan3A_338, %scan3A_339 : i32
      %scan3A_341 = arith.constant 1 : i32
      %scan3A_342:5 = scf.for %scan3A_452 = %scan3A_338 to %scan3A_340 step %scan3A_341 iter_args(%scan3A_453 = %scan3A_231, %scan3A_454 = %scan3A_232, %scan3A_455 = %scan3A_233, %scan3A_456 = %scan3A_234, %scan3A_457 = %scan3A_235) -> (vector<16xf32>, vector<16xf32>, vector<16xf32>, vector<16xf32>, vector<16xf32>)  : i32 {
        %shift_right_logical3A_458 = arith.constant 3 : i32
        %shift_right_logical3A_459 = arith.shrui %scan3A_452, %shift_right_logical3A_458 : i32
        %and3A_460 = arith.constant 7 : i32
        %and3A_461 = arith.andi %scan3A_452, %and3A_460 : i32
        %mul3A_462 = arith.constant 1024 : i32
        %mul3A_463 = arith.muli %shift_right_logical3A_459, %mul3A_462 : i32
        %mul3A_464 = arith.constant 16 : i32
        %mul3A_465 = arith.muli %and3A_461, %mul3A_464 : i32
        %add3A_466 = arith.addi %mul3A_463, %mul3A_465 : i32
        %add3A_467 = arith.constant 0 : i32
        %add3A_468 = arith.addi %add3A_466, %add3A_467 : i32
        %mul3A_469 = arith.constant 512 : i32
        %mul3A_470 = arith.muli %shift_right_logical3A_459, %mul3A_469 : i32
        %mul3A_471 = arith.constant 16 : i32
        %mul3A_472 = arith.muli %and3A_461, %mul3A_471 : i32
        %add3A_473 = arith.addi %mul3A_470, %mul3A_472 : i32
        %add3A_474 = arith.constant 0 : i32
        %add3A_475 = arith.addi %add3A_473, %add3A_474 : i32
        %get3A = arith.index_cast %add3A_475 : i32 to index
        %get3A_476 = tpu.vector_load %arg6[%get3A] {strides = array<i32>} : memref<8192xf32, #tpu.memory_space<vmem>>, vector<16xf32>,
        %add3A_477 = arith.constant 128 : i32
        %add3A_478 = arith.addi %add3A_475, %add3A_477 : i32
        %get3A_479 = arith.index_cast %add3A_478 : i32 to index
        %get3A_480 = tpu.vector_load %arg6[%get3A_479] {strides = array<i32>} : memref<8192xf32, #tpu.memory_space<vmem>>, vector<16xf32>,
        %add3A_481 = arith.constant 256 : i32
        %add3A_482 = arith.addi %add3A_475, %add3A_481 : i32
        %get3A_483 = arith.index_cast %add3A_482 : i32 to index
        %get3A_484 = tpu.vector_load %arg6[%get3A_483] {strides = array<i32>} : memref<8192xf32, #tpu.memory_space<vmem>>, vector<16xf32>,
        %add3A_485 = arith.constant 384 : i32
        %add3A_486 = arith.addi %add3A_475, %add3A_485 : i32
        %get3A_487 = arith.index_cast %add3A_486 : i32 to index
        %get3A_488 = tpu.vector_load %arg6[%get3A_487] {strides = array<i32>} : memref<8192xf32, #tpu.memory_space<vmem>>, vector<16xf32>,
        %get3A_489 = arith.index_cast %add3A_468 : i32 to index
        %get3A_490 = tpu.vector_load %arg5[%get3A_489] {strides = array<i32>} : memref<49152xf32, #tpu.memory_space<vmem>>, vector<16xf32>,
        %add3A_491 = arith.constant 128 : i32
        %add3A_492 = arith.addi %add3A_468, %add3A_491 : i32
        %get3A_493 = arith.index_cast %add3A_492 : i32 to index
        %get3A_494 = tpu.vector_load %arg5[%get3A_493] {strides = array<i32>} : memref<49152xf32, #tpu.memory_space<vmem>>, vector<16xf32>,
        %add3A_495 = arith.constant 256 : i32
        %add3A_496 = arith.addi %add3A_468, %add3A_495 : i32
        %get3A_497 = arith.index_cast %add3A_496 : i32 to index
        %get3A_498 = tpu.vector_load %arg5[%get3A_497] {strides = array<i32>} : memref<49152xf32, #tpu.memory_space<vmem>>, vector<16xf32>,
        %gt3A = arith.constant 0.000000e+00 : f32
        %gt3A_499 = vector.broadcast %gt3A : f32 to vector<16xf32>
        %gt3A_500 = arith.cmpf ogt, %get3A_484, %gt3A_499 : vector<16xf32>
        %neg3A = arith.constant 0.000000e+00 : f32
        %neg3A_501 = vector.broadcast %neg3A : f32 to vector<16xf32>
        %neg3A_502 = arith.subf %neg3A_501, %get3A_498 : vector<16xf32>
        %exp3A = math.exp %neg3A_502 : vector<16xf32>
        %add3A_503 = arith.constant 1.000000e+00 : f32
        %add3A_504 = vector.broadcast %add3A_503 : f32 to vector<16xf32>
        %add3A_505 = arith.addf %add3A_504, %exp3A : vector<16xf32>
        %div3A = arith.constant 1.000000e+00 : f32
        %div3A_506 = vector.broadcast %div3A : f32 to vector<16xf32>
        %div3A_507 = arith.divf %div3A_506, %add3A_505 : vector<16xf32>
        %sub3A = arith.subf %div3A_507, %get3A_484 : vector<16xf32>
        %mul3A_508 = arith.mulf %sub3A, %sub3A : vector<16xf32>
        %select_n3A = arith.select %gt3A_500, %mul3A_508, %broadcast_in_dim3A_1 : vector<16xi1>, vector<16xf32>
        %add3A_509 = arith.addf %scan3A_455, %select_n3A : vector<16xf32>
        %sub3A_510 = arith.subf %mul3A_508, %select_n3A : vector<16xf32>
        %add3A_511 = arith.addf %scan3A_456, %sub3A_510 : vector<16xf32>
        %neg3A_512 = arith.constant 0.000000e+00 : f32
        %neg3A_513 = vector.broadcast %neg3A_512 : f32 to vector<16xf32>
        %neg3A_514 = arith.subf %neg3A_513, %get3A_490 : vector<16xf32>
        %exp3A_515 = math.exp %neg3A_514 : vector<16xf32>
        %add3A_516 = arith.constant 1.000000e+00 : f32
        %add3A_517 = vector.broadcast %add3A_516 : f32 to vector<16xf32>
        %add3A_518 = arith.addf %add3A_517, %exp3A_515 : vector<16xf32>
        %div3A_519 = arith.constant 1.000000e+00 : f32
        %div3A_520 = vector.broadcast %div3A_519 : f32 to vector<16xf32>
        %div3A_521 = arith.divf %div3A_520, %add3A_518 : vector<16xf32>
        %sub3A_522 = arith.subf %div3A_521, %get3A_476 : vector<16xf32>
        %mul3A_523 = arith.mulf %sub3A_522, %sub3A_522 : vector<16xf32>
        %select_n3A_524 = arith.select %gt3A_500, %mul3A_523, %broadcast_in_dim3A_1 : vector<16xi1>, vector<16xf32>
        %add3A_525 = arith.addf %scan3A_453, %select_n3A_524 : vector<16xf32>
        %mul3A_526 = arith.constant 6.14146852 : f32
        %mul3A_527 = vector.broadcast %mul3A_526 : f32 to vector<16xf32>
        %mul3A_528 = arith.mulf %get3A_480, %mul3A_527 : vector<16xf32>
        %bitcast_convert_type3A = tpu.bitcast %mul3A_528 : vector<16xf32> -> vector<16xi32>
        %shift_right_logical3A_529 = arith.constant 23 : i32
        %shift_right_logical3A_530 = vector.broadcast %shift_right_logical3A_529 : i32 to vector<16xi32>
        %shift_right_logical3A_531 = arith.shrui %bitcast_convert_type3A, %shift_right_logical3A_530 : vector<16xi32>
        %sub3A_532 = arith.constant 127 : i32
        %sub3A_533 = vector.broadcast %sub3A_532 : i32 to vector<16xi32>
        %sub3A_534 = arith.subi %shift_right_logical3A_531, %sub3A_533 : vector<16xi32>
        %and3A_535 = arith.constant 8388607 : i32
        %and3A_536 = vector.broadcast %and3A_535 : i32 to vector<16xi32>
        %and3A_537 = arith.andi %bitcast_convert_type3A, %and3A_536 : vector<16xi32>
        %or3A = arith.constant 1065353216 : i32
        %or3A_538 = vector.broadcast %or3A : i32 to vector<16xi32>
        %or3A_539 = arith.ori %and3A_537, %or3A_538 : vector<16xi32>
        %bitcast_convert_type3A_540 = tpu.bitcast %or3A_539 : vector<16xi32> -> vector<16xf32>
        %sub3A_541 = arith.constant 1.000000e+00 : f32
        %sub3A_542 = vector.broadcast %sub3A_541 : f32 to vector<16xf32>
        %sub3A_543 = arith.subf %bitcast_convert_type3A_540, %sub3A_542 : vector<16xf32>
        %add3A_544 = arith.constant 1.000000e+00 : f32
        %add3A_545 = vector.broadcast %add3A_544 : f32 to vector<16xf32>
        %add3A_546 = arith.addf %bitcast_convert_type3A_540, %add3A_545 : vector<16xf32>
        %div3A_547 = arith.divf %sub3A_543, %add3A_546 : vector<16xf32>
        %mul3A_548 = arith.mulf %div3A_547, %div3A_547 : vector<16xf32>
        %mul3A_549 = arith.constant 0.111111112 : f32
        %mul3A_550 = vector.broadcast %mul3A_549 : f32 to vector<16xf32>
        %mul3A_551 = arith.mulf %mul3A_548, %mul3A_550 : vector<16xf32>
        %add3A_552 = arith.constant 0.142857149 : f32
        %add3A_553 = vector.broadcast %add3A_552 : f32 to vector<16xf32>
        %add3A_554 = arith.addf %add3A_553, %mul3A_551 : vector<16xf32>
        %mul3A_555 = arith.mulf %mul3A_548, %add3A_554 : vector<16xf32>
        %add3A_556 = arith.constant 2.000000e-01 : f32
        %add3A_557 = vector.broadcast %add3A_556 : f32 to vector<16xf32>
        %add3A_558 = arith.addf %add3A_557, %mul3A_555 : vector<16xf32>
        %mul3A_559 = arith.mulf %mul3A_548, %add3A_558 : vector<16xf32>
        %add3A_560 = arith.constant 0.333333343 : f32
        %add3A_561 = vector.broadcast %add3A_560 : f32 to vector<16xf32>
        %add3A_562 = arith.addf %add3A_561, %mul3A_559 : vector<16xf32>
        %mul3A_563 = arith.mulf %mul3A_548, %add3A_562 : vector<16xf32>
        %add3A_564 = arith.constant 1.000000e+00 : f32
        %add3A_565 = vector.broadcast %add3A_564 : f32 to vector<16xf32>
        %add3A_566 = arith.addf %add3A_565, %mul3A_563 : vector<16xf32>
        %convert_element_type3A = arith.sitofp %sub3A_534 : vector<16xi32> to vector<16xf32>
        %mul3A_567 = arith.constant 0.693147182 : f32
        %mul3A_568 = vector.broadcast %mul3A_567 : f32 to vector<16xf32>
        %mul3A_569 = arith.mulf %convert_element_type3A, %mul3A_568 : vector<16xf32>
        %mul3A_570 = arith.constant 2.000000e+00 : f32
        %mul3A_571 = vector.broadcast %mul3A_570 : f32 to vector<16xf32>
        %mul3A_572 = arith.mulf %mul3A_571, %div3A_547 : vector<16xf32>
        %mul3A_573 = arith.mulf %mul3A_572, %add3A_566 : vector<16xf32>
        %add3A_574 = arith.addf %mul3A_569, %mul3A_573 : vector<16xf32>
        %gt3A_575 = arith.constant 0.000000e+00 : f32
        %gt3A_576 = vector.broadcast %gt3A_575 : f32 to vector<16xf32>
        %gt3A_577 = arith.cmpf ogt, %mul3A_528, %gt3A_576 : vector<16xf32>
        %select_n3A_578 = arith.select %gt3A_577, %add3A_574, %broadcast_in_dim3A_5 : vector<16xi1>, vector<16xf32>
        %sub3A_579 = arith.subf %get3A_494, %select_n3A_578 : vector<16xf32>
        %mul3A_580 = arith.mulf %sub3A_579, %sub3A_579 : vector<16xf32>
        %select_n3A_581 = arith.select %gt3A_500, %mul3A_580, %broadcast_in_dim3A_1 : vector<16xi1>, vector<16xf32>
        %add3A_582 = arith.addf %scan3A_454, %select_n3A_581 : vector<16xf32>
        %add3A_583 = arith.constant 384 : i32
        %add3A_584 = arith.addi %add3A_468, %add3A_583 : i32
        %get3A_585 = arith.index_cast %add3A_584 : i32 to index
        %get3A_586 = tpu.vector_load %arg5[%get3A_585] {strides = array<i32>} : memref<49152xf32, #tpu.memory_space<vmem>>, vector<16xf32>,
        %exp3A_587 = math.exp %get3A_586 : vector<16xf32>
        %add3A_588 = arith.addf %broadcast_in_dim3A_1, %exp3A_587 : vector<16xf32>
        %mul3A_589 = arith.constant 1.000000e+00 : f32
        %mul3A_590 = vector.broadcast %mul3A_589 : f32 to vector<16xf32>
        %mul3A_591 = arith.mulf %exp3A_587, %mul3A_590 : vector<16xf32>
        %add3A_592 = arith.addf %broadcast_in_dim3A_1, %mul3A_591 : vector<16xf32>
        %add3A_593 = arith.constant 512 : i32
        %add3A_594 = arith.addi %add3A_468, %add3A_593 : i32
        %get3A_595 = arith.index_cast %add3A_594 : i32 to index
        %get3A_596 = tpu.vector_load %arg5[%get3A_595] {strides = array<i32>} : memref<49152xf32, #tpu.memory_space<vmem>>, vector<16xf32>,
        %exp3A_597 = math.exp %get3A_596 : vector<16xf32>
        %add3A_598 = arith.addf %add3A_588, %exp3A_597 : vector<16xf32>
        %mul3A_599 = arith.constant 1.500000e+00 : f32
        %mul3A_600 = vector.broadcast %mul3A_599 : f32 to vector<16xf32>
        %mul3A_601 = arith.mulf %exp3A_597, %mul3A_600 : vector<16xf32>
        %add3A_602 = arith.addf %add3A_592, %mul3A_601 : vector<16xf32>
        %add3A_603 = arith.constant 640 : i32
        %add3A_604 = arith.addi %add3A_468, %add3A_603 : i32
        %get3A_605 = arith.index_cast %add3A_604 : i32 to index
        %get3A_606 = tpu.vector_load %arg5[%get3A_605] {strides = array<i32>} : memref<49152xf32, #tpu.memory_space<vmem>>, vector<16xf32>,
        %exp3A_607 = math.exp %get3A_606 : vector<16xf32>
        %add3A_608 = arith.addf %add3A_598, %exp3A_607 : vector<16xf32>
        %mul3A_609 = arith.constant 2.000000e+00 : f32
        %mul3A_610 = vector.broadcast %mul3A_609 : f32 to vector<16xf32>
        %mul3A_611 = arith.mulf %exp3A_607, %mul3A_610 : vector<16xf32>
        %add3A_612 = arith.addf %add3A_602, %mul3A_611 : vector<16xf32>
        %add3A_613 = arith.constant 768 : i32
        %add3A_614 = arith.addi %add3A_468, %add3A_613 : i32
        %get3A_615 = arith.index_cast %add3A_614 : i32 to index
        %get3A_616 = tpu.vector_load %arg5[%get3A_615] {strides = array<i32>} : memref<49152xf32, #tpu.memory_space<vmem>>, vector<16xf32>,
        %exp3A_617 = math.exp %get3A_616 : vector<16xf32>
        %add3A_618 = arith.addf %add3A_608, %exp3A_617 : vector<16xf32>
        %mul3A_619 = arith.constant 2.500000e+00 : f32
        %mul3A_620 = vector.broadcast %mul3A_619 : f32 to vector<16xf32>
        %mul3A_621 = arith.mulf %exp3A_617, %mul3A_620 : vector<16xf32>
        %add3A_622 = arith.addf %add3A_612, %mul3A_621 : vector<16xf32>
        %add3A_623 = arith.constant 896 : i32
        %add3A_624 = arith.addi %add3A_468, %add3A_623 : i32
        %get3A_625 = arith.index_cast %add3A_624 : i32 to index
        %get3A_626 = tpu.vector_load %arg5[%get3A_625] {strides = array<i32>} : memref<49152xf32, #tpu.memory_space<vmem>>, vector<16xf32>,
        %exp3A_627 = math.exp %get3A_626 : vector<16xf32>
        %add3A_628 = arith.addf %add3A_618, %exp3A_627 : vector<16xf32>
        %mul3A_629 = arith.constant 3.000000e+00 : f32
        %mul3A_630 = vector.broadcast %mul3A_629 : f32 to vector<16xf32>
        %mul3A_631 = arith.mulf %exp3A_627, %mul3A_630 : vector<16xf32>
        %add3A_632 = arith.addf %add3A_622, %mul3A_631 : vector<16xf32>
        %add3A_633 = arith.constant 8192 : i32
        %add3A_634 = arith.addi %add3A_468, %add3A_633 : i32
        %get3A_635 = arith.index_cast %add3A_634 : i32 to index
        %get3A_636 = tpu.vector_load %arg5[%get3A_635] {strides = array<i32>} : memref<49152xf32, #tpu.memory_space<vmem>>, vector<16xf32>,
        %exp3A_637 = math.exp %get3A_636 : vector<16xf32>
        %add3A_638 = arith.addf %add3A_628, %exp3A_637 : vector<16xf32>
        %mul3A_639 = arith.constant 3.500000e+00 : f32
        %mul3A_640 = vector.broadcast %mul3A_639 : f32 to vector<16xf32>
        %mul3A_641 = arith.mulf %exp3A_637, %mul3A_640 : vector<16xf32>
        %add3A_642 = arith.addf %add3A_632, %mul3A_641 : vector<16xf32>
        %add3A_643 = arith.constant 8320 : i32
        %add3A_644 = arith.addi %add3A_468, %add3A_643 : i32
        %get3A_645 = arith.index_cast %add3A_644 : i32 to index
        %get3A_646 = tpu.vector_load %arg5[%get3A_645] {strides = array<i32>} : memref<49152xf32, #tpu.memory_space<vmem>>, vector<16xf32>,
        %exp3A_647 = math.exp %get3A_646 : vector<16xf32>
        %add3A_648 = arith.addf %add3A_638, %exp3A_647 : vector<16xf32>
        %mul3A_649 = arith.constant 4.000000e+00 : f32
        %mul3A_650 = vector.broadcast %mul3A_649 : f32 to vector<16xf32>
        %mul3A_651 = arith.mulf %exp3A_647, %mul3A_650 : vector<16xf32>
        %add3A_652 = arith.addf %add3A_642, %mul3A_651 : vector<16xf32>
        %add3A_653 = arith.constant 8448 : i32
        %add3A_654 = arith.addi %add3A_468, %add3A_653 : i32
        %get3A_655 = arith.index_cast %add3A_654 : i32 to index
        %get3A_656 = tpu.vector_load %arg5[%get3A_655] {strides = array<i32>} : memref<49152xf32, #tpu.memory_space<vmem>>, vector<16xf32>,
        %exp3A_657 = math.exp %get3A_656 : vector<16xf32>
        %add3A_658 = arith.addf %add3A_648, %exp3A_657 : vector<16xf32>
        %mul3A_659 = arith.constant 4.500000e+00 : f32
        %mul3A_660 = vector.broadcast %mul3A_659 : f32 to vector<16xf32>
        %mul3A_661 = arith.mulf %exp3A_657, %mul3A_660 : vector<16xf32>
        %add3A_662 = arith.addf %add3A_652, %mul3A_661 : vector<16xf32>
        %add3A_663 = arith.constant 8576 : i32
        %add3A_664 = arith.addi %add3A_468, %add3A_663 : i32
        %get3A_665 = arith.index_cast %add3A_664 : i32 to index
        %get3A_666 = tpu.vector_load %arg5[%get3A_665] {strides = array<i32>} : memref<49152xf32, #tpu.memory_space<vmem>>, vector<16xf32>,
        %exp3A_667 = math.exp %get3A_666 : vector<16xf32>
        %add3A_668 = arith.addf %add3A_658, %exp3A_667 : vector<16xf32>
        %mul3A_669 = arith.constant 5.000000e+00 : f32
        %mul3A_670 = vector.broadcast %mul3A_669 : f32 to vector<16xf32>
        %mul3A_671 = arith.mulf %exp3A_667, %mul3A_670 : vector<16xf32>
        %add3A_672 = arith.addf %add3A_662, %mul3A_671 : vector<16xf32>
        %add3A_673 = arith.constant 8704 : i32
        %add3A_674 = arith.addi %add3A_468, %add3A_673 : i32
        %get3A_675 = arith.index_cast %add3A_674 : i32 to index
        %get3A_676 = tpu.vector_load %arg5[%get3A_675] {strides = array<i32>} : memref<49152xf32, #tpu.memory_space<vmem>>, vector<16xf32>,
        %exp3A_677 = math.exp %get3A_676 : vector<16xf32>
        %add3A_678 = arith.addf %add3A_668, %exp3A_677 : vector<16xf32>
        %mul3A_679 = arith.constant 5.500000e+00 : f32
        %mul3A_680 = vector.broadcast %mul3A_679 : f32 to vector<16xf32>
        %mul3A_681 = arith.mulf %exp3A_677, %mul3A_680 : vector<16xf32>
        %add3A_682 = arith.addf %add3A_672, %mul3A_681 : vector<16xf32>
        %add3A_683 = arith.constant 8832 : i32
        %add3A_684 = arith.addi %add3A_468, %add3A_683 : i32
        %get3A_685 = arith.index_cast %add3A_684 : i32 to index
        %get3A_686 = tpu.vector_load %arg5[%get3A_685] {strides = array<i32>} : memref<49152xf32, #tpu.memory_space<vmem>>, vector<16xf32>,
        %exp3A_687 = math.exp %get3A_686 : vector<16xf32>
        %add3A_688 = arith.addf %add3A_678, %exp3A_687 : vector<16xf32>
        %mul3A_689 = arith.constant 6.000000e+00 : f32
        %mul3A_690 = vector.broadcast %mul3A_689 : f32 to vector<16xf32>
        %mul3A_691 = arith.mulf %exp3A_687, %mul3A_690 : vector<16xf32>
        %add3A_692 = arith.addf %add3A_682, %mul3A_691 : vector<16xf32>
        %add3A_693 = arith.constant 8960 : i32
        %add3A_694 = arith.addi %add3A_468, %add3A_693 : i32
        %get3A_695 = arith.index_cast %add3A_694 : i32 to index
        %get3A_696 = tpu.vector_load %arg5[%get3A_695] {strides = array<i32>} : memref<49152xf32, #tpu.memory_space<vmem>>, vector<16xf32>,
        %exp3A_697 = math.exp %get3A_696 : vector<16xf32>
        %add3A_698 = arith.addf %add3A_688, %exp3A_697 : vector<16xf32>
        %mul3A_699 = arith.constant 6.500000e+00 : f32
        %mul3A_700 = vector.broadcast %mul3A_699 : f32 to vector<16xf32>
        %mul3A_701 = arith.mulf %exp3A_697, %mul3A_700 : vector<16xf32>
        %add3A_702 = arith.addf %add3A_692, %mul3A_701 : vector<16xf32>
        %add3A_703 = arith.constant 9088 : i32
        %add3A_704 = arith.addi %add3A_468, %add3A_703 : i32
        %get3A_705 = arith.index_cast %add3A_704 : i32 to index
        %get3A_706 = tpu.vector_load %arg5[%get3A_705] {strides = array<i32>} : memref<49152xf32, #tpu.memory_space<vmem>>, vector<16xf32>,
        %exp3A_707 = math.exp %get3A_706 : vector<16xf32>
        %add3A_708 = arith.addf %add3A_698, %exp3A_707 : vector<16xf32>
        %mul3A_709 = arith.constant 7.000000e+00 : f32
        %mul3A_710 = vector.broadcast %mul3A_709 : f32 to vector<16xf32>
        %mul3A_711 = arith.mulf %exp3A_707, %mul3A_710 : vector<16xf32>
        %add3A_712 = arith.addf %add3A_702, %mul3A_711 : vector<16xf32>
        %add3A_713 = arith.constant 16384 : i32
        %add3A_714 = arith.addi %add3A_468, %add3A_713 : i32
        %get3A_715 = arith.index_cast %add3A_714 : i32 to index
        %get3A_716 = tpu.vector_load %arg5[%get3A_715] {strides = array<i32>} : memref<49152xf32, #tpu.memory_space<vmem>>, vector<16xf32>,
        %exp3A_717 = math.exp %get3A_716 : vector<16xf32>
        %add3A_718 = arith.addf %add3A_708, %exp3A_717 : vector<16xf32>
        %mul3A_719 = arith.constant 7.500000e+00 : f32
        %mul3A_720 = vector.broadcast %mul3A_719 : f32 to vector<16xf32>
        %mul3A_721 = arith.mulf %exp3A_717, %mul3A_720 : vector<16xf32>
        %add3A_722 = arith.addf %add3A_712, %mul3A_721 : vector<16xf32>
        %add3A_723 = arith.constant 16512 : i32
        %add3A_724 = arith.addi %add3A_468, %add3A_723 : i32
        %get3A_725 = arith.index_cast %add3A_724 : i32 to index
        %get3A_726 = tpu.vector_load %arg5[%get3A_725] {strides = array<i32>} : memref<49152xf32, #tpu.memory_space<vmem>>, vector<16xf32>,
        %exp3A_727 = math.exp %get3A_726 : vector<16xf32>
        %add3A_728 = arith.addf %add3A_718, %exp3A_727 : vector<16xf32>
        %mul3A_729 = arith.constant 8.000000e+00 : f32
        %mul3A_730 = vector.broadcast %mul3A_729 : f32 to vector<16xf32>
        %mul3A_731 = arith.mulf %exp3A_727, %mul3A_730 : vector<16xf32>
        %add3A_732 = arith.addf %add3A_722, %mul3A_731 : vector<16xf32>
        %add3A_733 = arith.constant 16640 : i32
        %add3A_734 = arith.addi %add3A_468, %add3A_733 : i32
        %get3A_735 = arith.index_cast %add3A_734 : i32 to index
        %get3A_736 = tpu.vector_load %arg5[%get3A_735] {strides = array<i32>} : memref<49152xf32, #tpu.memory_space<vmem>>, vector<16xf32>,
        %exp3A_737 = math.exp %get3A_736 : vector<16xf32>
        %add3A_738 = arith.addf %add3A_728, %exp3A_737 : vector<16xf32>
        %mul3A_739 = arith.constant 8.500000e+00 : f32
        %mul3A_740 = vector.broadcast %mul3A_739 : f32 to vector<16xf32>
        %mul3A_741 = arith.mulf %exp3A_737, %mul3A_740 : vector<16xf32>
        %add3A_742 = arith.addf %add3A_732, %mul3A_741 : vector<16xf32>
        %add3A_743 = arith.constant 16768 : i32
        %add3A_744 = arith.addi %add3A_468, %add3A_743 : i32
        %get3A_745 = arith.index_cast %add3A_744 : i32 to index
        %get3A_746 = tpu.vector_load %arg5[%get3A_745] {strides = array<i32>} : memref<49152xf32, #tpu.memory_space<vmem>>, vector<16xf32>,
        %exp3A_747 = math.exp %get3A_746 : vector<16xf32>
        %add3A_748 = arith.addf %add3A_738, %exp3A_747 : vector<16xf32>
        %mul3A_749 = arith.constant 9.000000e+00 : f32
        %mul3A_750 = vector.broadcast %mul3A_749 : f32 to vector<16xf32>
        %mul3A_751 = arith.mulf %exp3A_747, %mul3A_750 : vector<16xf32>
        %add3A_752 = arith.addf %add3A_742, %mul3A_751 : vector<16xf32>
        %add3A_753 = arith.constant 16896 : i32
        %add3A_754 = arith.addi %add3A_468, %add3A_753 : i32
        %get3A_755 = arith.index_cast %add3A_754 : i32 to index
        %get3A_756 = tpu.vector_load %arg5[%get3A_755] {strides = array<i32>} : memref<49152xf32, #tpu.memory_space<vmem>>, vector<16xf32>,
        %exp3A_757 = math.exp %get3A_756 : vector<16xf32>
        %add3A_758 = arith.addf %add3A_748, %exp3A_757 : vector<16xf32>
        %mul3A_759 = arith.constant 9.500000e+00 : f32
        %mul3A_760 = vector.broadcast %mul3A_759 : f32 to vector<16xf32>
        %mul3A_761 = arith.mulf %exp3A_757, %mul3A_760 : vector<16xf32>
        %add3A_762 = arith.addf %add3A_752, %mul3A_761 : vector<16xf32>
        %add3A_763 = arith.constant 17024 : i32
        %add3A_764 = arith.addi %add3A_468, %add3A_763 : i32
        %get3A_765 = arith.index_cast %add3A_764 : i32 to index
        %get3A_766 = tpu.vector_load %arg5[%get3A_765] {strides = array<i32>} : memref<49152xf32, #tpu.memory_space<vmem>>, vector<16xf32>,
        %exp3A_767 = math.exp %get3A_766 : vector<16xf32>
        %add3A_768 = arith.addf %add3A_758, %exp3A_767 : vector<16xf32>
        %mul3A_769 = arith.constant 1.000000e+01 : f32
        %mul3A_770 = vector.broadcast %mul3A_769 : f32 to vector<16xf32>
        %mul3A_771 = arith.mulf %exp3A_767, %mul3A_770 : vector<16xf32>
        %add3A_772 = arith.addf %add3A_762, %mul3A_771 : vector<16xf32>
        %add3A_773 = arith.constant 17152 : i32
        %add3A_774 = arith.addi %add3A_468, %add3A_773 : i32
        %get3A_775 = arith.index_cast %add3A_774 : i32 to index
        %get3A_776 = tpu.vector_load %arg5[%get3A_775] {strides = array<i32>} : memref<49152xf32, #tpu.memory_space<vmem>>, vector<16xf32>,
        %exp3A_777 = math.exp %get3A_776 : vector<16xf32>
        %add3A_778 = arith.addf %add3A_768, %exp3A_777 : vector<16xf32>
        %mul3A_779 = arith.constant 1.050000e+01 : f32
        %mul3A_780 = vector.broadcast %mul3A_779 : f32 to vector<16xf32>
        %mul3A_781 = arith.mulf %exp3A_777, %mul3A_780 : vector<16xf32>
        %add3A_782 = arith.addf %add3A_772, %mul3A_781 : vector<16xf32>
        %add3A_783 = arith.constant 17280 : i32
        %add3A_784 = arith.addi %add3A_468, %add3A_783 : i32
        %get3A_785 = arith.index_cast %add3A_784 : i32 to index
        %get3A_786 = tpu.vector_load %arg5[%get3A_785] {strides = array<i32>} : memref<49152xf32, #tpu.memory_space<vmem>>, vector<16xf32>,
        %exp3A_787 = math.exp %get3A_786 : vector<16xf32>
        %add3A_788 = arith.addf %add3A_778, %exp3A_787 : vector<16xf32>
        %mul3A_789 = arith.constant 1.100000e+01 : f32
        %mul3A_790 = vector.broadcast %mul3A_789 : f32 to vector<16xf32>
        %mul3A_791 = arith.mulf %exp3A_787, %mul3A_790 : vector<16xf32>
        %add3A_792 = arith.addf %add3A_782, %mul3A_791 : vector<16xf32>
        %add3A_793 = arith.addf %add3A_792, %add3A_788 : vector<16xf32>
        %mul3A_794 = arith.constant 1.000000e+01 : f32
        %mul3A_795 = vector.broadcast %mul3A_794 : f32 to vector<16xf32>
        %mul3A_796 = arith.mulf %mul3A_795, %add3A_793 : vector<16xf32>
        %add3A_797 = arith.constant 1.000000e+00 : f32
        %add3A_798 = vector.broadcast %add3A_797 : f32 to vector<16xf32>
        %add3A_799 = arith.addf %get3A_488, %add3A_798 : vector<16xf32>
        %mul3A_800 = arith.mulf %add3A_788, %add3A_799 : vector<16xf32>
        %div3A_801 = arith.divf %mul3A_796, %mul3A_800 : vector<16xf32>
        %sub3A_802 = arith.constant 1.000000e+01 : f32
        %sub3A_803 = vector.broadcast %sub3A_802 : f32 to vector<16xf32>
        %sub3A_804 = arith.subf %div3A_801, %sub3A_803 : vector<16xf32>
        %abs3A = math.absf %sub3A_804 : vector<16xf32>
        %lt3A = arith.constant 1.000000e+00 : f32
        %lt3A_805 = vector.broadcast %lt3A : f32 to vector<16xf32>
        %lt3A_806 = arith.cmpf olt, %abs3A, %lt3A_805 : vector<16xf32>
        %mul3A_807 = arith.constant 5.000000e-01 : f32
        %mul3A_808 = vector.broadcast %mul3A_807 : f32 to vector<16xf32>
        %mul3A_809 = arith.mulf %mul3A_808, %sub3A_804 : vector<16xf32>
        %mul3A_810 = arith.mulf %mul3A_809, %sub3A_804 : vector<16xf32>
        %sub3A_811 = arith.constant 5.000000e-01 : f32
        %sub3A_812 = vector.broadcast %sub3A_811 : f32 to vector<16xf32>
        %sub3A_813 = arith.subf %abs3A, %sub3A_812 : vector<16xf32>
        %select_n3A_814 = arith.select %lt3A_806, %mul3A_810, %sub3A_813 : vector<16xi1>, vector<16xf32>
        %gt3A_815 = arith.constant 0.000000e+00 : f32
        %gt3A_816 = vector.broadcast %gt3A_815 : f32 to vector<16xf32>
        %gt3A_817 = arith.cmpf ogt, %get3A_488, %gt3A_816 : vector<16xf32>
        %and3A_818 = arith.andi %gt3A_500, %gt3A_817 : vector<16xi1>
        %select_n3A_819 = arith.select %and3A_818, %select_n3A_814, %broadcast_in_dim3A_1 : vector<16xi1>, vector<16xf32>
        %add3A_820 = arith.addf %scan3A_457, %select_n3A_819 : vector<16xf32>
        scf.yield %add3A_525, %add3A_582, %add3A_509, %add3A_511, %add3A_820 : vector<16xf32>, vector<16xf32>, vector<16xf32>, vector<16xf32>, vector<16xf32>
      }
      %scan3A_343 = arith.constant 64 : i32
      %add3A_344 = arith.constant 2 : i32
      %add3A_345 = arith.addi %mul3A_237, %add3A_344 : i32
      %mul3A_346 = arith.constant 16 : i32
      %mul3A_347 = arith.muli %add3A, %mul3A_346 : i32
      %add3A_348 = arith.addi %mul3A_347, %add3A_345 : i32
      %shift_right_logical3A_349 = arith.constant 3 : i32
      %shift_right_logical3A_350 = arith.shrui %add3A_348, %shift_right_logical3A_349 : i32
      %and3A_351 = arith.constant 7 : i32
      %and3A_352 = arith.andi %add3A_348, %and3A_351 : i32
      %mul3A_353 = arith.constant 8 : i32
      %mul3A_354 = arith.muli %and3A_352, %mul3A_353 : i32
      %mul3A_355 = arith.constant 192 : i32
      %mul3A_356 = arith.muli %shift_right_logical3A_350, %mul3A_355 : i32
      %add3A_357 = arith.addi %mul3A_356, %mul3A_354 : i32
      %mul3A_358 = arith.constant 1024 : i32
      %mul3A_359 = arith.muli %add3A_357, %mul3A_358 : i32
      %add3A_360 = arith.constant 0 : i32
      %add3A_361 = arith.addi %mul3A_359, %add3A_360 : i32
      %add3A_362 = arith.constant 65536 : i32
      %add3A_363 = arith.addi %mul3A_359, %add3A_362 : i32
      %add3A_364 = arith.constant 131072 : i32
      %add3A_365 = arith.addi %mul3A_359, %add3A_364 : i32
      %mul3A_366 = arith.constant 64 : i32
      %mul3A_367 = arith.muli %shift_right_logical3A_350, %mul3A_366 : i32
      %add3A_368 = arith.addi %mul3A_367, %mul3A_354 : i32
      %mul3A_369 = arith.constant 512 : i32
      %mul3A_370 = arith.muli %add3A_368, %mul3A_369 : i32
      %dma_start3A_371 = arith.constant 0 : i32
      %dma_start3A_372 = tpu.memref_slice %arg5[%dma_start3A_371] : memref<49152xf32, #tpu.memory_space<vmem>> -> memref<8192xf32, #tpu.memory_space<vmem>>
      %dma_start3A_373 = tpu.memref_slice %arg2[%add3A_361] : memref<19660800xf32, #tpu.memory_space<hbm>> -> memref<8192xf32, #tpu.memory_space<hbm>>
      %dma_start3A_374 = arith.constant 0 : i32
      %dma_start3A_375 = tpu.memref_slice %arg5[%dma_start3A_374] : memref<49152xf32, #tpu.memory_space<vmem>> -> memref<8192xf32, #tpu.memory_space<vmem>>
      %dma_start3A_376 = tpu.memref_slice %arg2[%add3A_361] : memref<19660800xf32, #tpu.memory_space<hbm>> -> memref<8192xf32, #tpu.memory_space<hbm>>
      tpu.enqueue_dma source(%dma_start3A_376 : memref<8192xf32, #tpu.memory_space<hbm>>) target(%dma_start3A_375 : memref<8192xf32, #tpu.memory_space<vmem>>) target_semaphore(%arg8 : memref<!tpu.dma_semaphore, #tpu.memory_space<semaphore_mem>>)
      %dma_start3A_377 = arith.constant 8192 : i32
      %dma_start3A_378 = tpu.memref_slice %arg5[%dma_start3A_377] : memref<49152xf32, #tpu.memory_space<vmem>> -> memref<8192xf32, #tpu.memory_space<vmem>>
      %dma_start3A_379 = tpu.memref_slice %arg2[%add3A_363] : memref<19660800xf32, #tpu.memory_space<hbm>> -> memref<8192xf32, #tpu.memory_space<hbm>>
      %dma_start3A_380 = arith.constant 8192 : i32
      %dma_start3A_381 = tpu.memref_slice %arg5[%dma_start3A_380] : memref<49152xf32, #tpu.memory_space<vmem>> -> memref<8192xf32, #tpu.memory_space<vmem>>
      %dma_start3A_382 = tpu.memref_slice %arg2[%add3A_363] : memref<19660800xf32, #tpu.memory_space<hbm>> -> memref<8192xf32, #tpu.memory_space<hbm>>
      tpu.enqueue_dma source(%dma_start3A_382 : memref<8192xf32, #tpu.memory_space<hbm>>) target(%dma_start3A_381 : memref<8192xf32, #tpu.memory_space<vmem>>) target_semaphore(%arg8 : memref<!tpu.dma_semaphore, #tpu.memory_space<semaphore_mem>>)
      %dma_start3A_383 = arith.constant 16384 : i32
      %dma_start3A_384 = tpu.memref_slice %arg5[%dma_start3A_383] : memref<49152xf32, #tpu.memory_space<vmem>> -> memref<8192xf32, #tpu.memory_space<vmem>>
      %dma_start3A_385 = tpu.memref_slice %arg2[%add3A_365] : memref<19660800xf32, #tpu.memory_space<hbm>> -> memref<8192xf32, #tpu.memory_space<hbm>>
      %dma_start3A_386 = arith.constant 16384 : i32
      %dma_start3A_387 = tpu.memref_slice %arg5[%dma_start3A_386] : memref<49152xf32, #tpu.memory_space<vmem>> -> memref<8192xf32, #tpu.memory_space<vmem>>
      %dma_start3A_388 = tpu.memref_slice %arg2[%add3A_365] : memref<19660800xf32, #tpu.memory_space<hbm>> -> memref<8192xf32, #tpu.memory_space<hbm>>
      tpu.enqueue_dma source(%dma_start3A_388 : memref<8192xf32, #tpu.memory_space<hbm>>) target(%dma_start3A_387 : memref<8192xf32, #tpu.memory_space<vmem>>) target_semaphore(%arg8 : memref<!tpu.dma_semaphore, #tpu.memory_space<semaphore_mem>>)
      %dma_start3A_389 = arith.constant 0 : i32
      %dma_start3A_390 = tpu.memref_slice %arg6[%dma_start3A_389] : memref<8192xf32, #tpu.memory_space<vmem>> -> memref<4096xf32, #tpu.memory_space<vmem>>
      %dma_start3A_391 = tpu.memref_slice %arg3[%mul3A_370] : memref<3276800xf32, #tpu.memory_space<hbm>> -> memref<4096xf32, #tpu.memory_space<hbm>>
      %dma_start3A_392 = arith.constant 0 : i32
      %dma_start3A_393 = tpu.memref_slice %arg6[%dma_start3A_392] : memref<8192xf32, #tpu.memory_space<vmem>> -> memref<4096xf32, #tpu.memory_space<vmem>>
      %dma_start3A_394 = tpu.memref_slice %arg3[%mul3A_370] : memref<3276800xf32, #tpu.memory_space<hbm>> -> memref<4096xf32, #tpu.memory_space<hbm>>
      tpu.enqueue_dma source(%dma_start3A_394 : memref<4096xf32, #tpu.memory_space<hbm>>) target(%dma_start3A_393 : memref<4096xf32, #tpu.memory_space<vmem>>) target_semaphore(%arg8 : memref<!tpu.dma_semaphore, #tpu.memory_space<semaphore_mem>>)
      %add3A_395 = arith.constant 1 : i32
      %add3A_396 = arith.addi %mul3A_237, %add3A_395 : i32
      %mul3A_397 = arith.constant 16 : i32
      %mul3A_398 = arith.muli %add3A, %mul3A_397 : i32
      %add3A_399 = arith.addi %mul3A_398, %add3A_396 : i32
      %shift_right_logical3A_400 = arith.constant 3 : i32
      %shift_right_logical3A_401 = arith.shrui %add3A_399, %shift_right_logical3A_400 : i32
      %and3A_402 = arith.constant 7 : i32
      %and3A_403 = arith.andi %add3A_399, %and3A_402 : i32
      %mul3A_404 = arith.constant 8 : i32
      %mul3A_405 = arith.muli %and3A_403, %mul3A_404 : i32
      %mul3A_406 = arith.constant 192 : i32
      %mul3A_407 = arith.muli %shift_right_logical3A_401, %mul3A_406 : i32
      %add3A_408 = arith.addi %mul3A_407, %mul3A_405 : i32
      %mul3A_409 = arith.constant 1024 : i32
      %mul3A_410 = arith.muli %add3A_408, %mul3A_409 : i32
      %add3A_411 = arith.constant 0 : i32
      %add3A_412 = arith.addi %mul3A_410, %add3A_411 : i32
      %add3A_413 = arith.constant 65536 : i32
      %add3A_414 = arith.addi %mul3A_410, %add3A_413 : i32
      %add3A_415 = arith.constant 131072 : i32
      %add3A_416 = arith.addi %mul3A_410, %add3A_415 : i32
      %mul3A_417 = arith.constant 64 : i32
      %mul3A_418 = arith.muli %shift_right_logical3A_401, %mul3A_417 : i32
      %add3A_419 = arith.addi %mul3A_418, %mul3A_405 : i32
      %mul3A_420 = arith.constant 512 : i32
      %mul3A_421 = arith.muli %add3A_419, %mul3A_420 : i32
      %dma_wait3A_422 = arith.constant 24576 : i32
      %dma_wait3A_423 = tpu.memref_slice %arg5[%dma_wait3A_422] : memref<49152xf32, #tpu.memory_space<vmem>> -> memref<8192xf32, #tpu.memory_space<vmem>>
      %dma_wait3A_424 = tpu.memref_slice %arg2[%add3A_412] : memref<19660800xf32, #tpu.memory_space<hbm>> -> memref<8192xf32, #tpu.memory_space<hbm>>
      %dma_wait3A_425 = arith.constant 24576 : i32
      %dma_wait3A_426 = tpu.memref_slice %arg5[%dma_wait3A_425] : memref<49152xf32, #tpu.memory_space<vmem>> -> memref<8192xf32, #tpu.memory_space<vmem>>
      %dma_wait3A_427 = tpu.memref_slice %arg2[%add3A_412] : memref<19660800xf32, #tpu.memory_space<hbm>> -> memref<8192xf32, #tpu.memory_space<hbm>>
      tpu.wait_dma2 semaphore(%arg9 : memref<!tpu.dma_semaphore, #tpu.memory_space<semaphore_mem>>) src(%dma_wait3A_427 : memref<8192xf32, #tpu.memory_space<hbm>>) dst(%dma_wait3A_426 : memref<8192xf32, #tpu.memory_space<vmem>>)
      %dma_wait3A_428 = arith.constant 32768 : i32
      %dma_wait3A_429 = tpu.memref_slice %arg5[%dma_wait3A_428] : memref<49152xf32, #tpu.memory_space<vmem>> -> memref<8192xf32, #tpu.memory_space<vmem>>
      %dma_wait3A_430 = tpu.memref_slice %arg2[%add3A_414] : memref<19660800xf32, #tpu.memory_space<hbm>> -> memref<8192xf32, #tpu.memory_space<hbm>>
      %dma_wait3A_431 = arith.constant 32768 : i32
      %dma_wait3A_432 = tpu.memref_slice %arg5[%dma_wait3A_431] : memref<49152xf32, #tpu.memory_space<vmem>> -> memref<8192xf32, #tpu.memory_space<vmem>>
      %dma_wait3A_433 = tpu.memref_slice %arg2[%add3A_414] : memref<19660800xf32, #tpu.memory_space<hbm>> -> memref<8192xf32, #tpu.memory_space<hbm>>
      tpu.wait_dma2 semaphore(%arg9 : memref<!tpu.dma_semaphore, #tpu.memory_space<semaphore_mem>>) src(%dma_wait3A_433 : memref<8192xf32, #tpu.memory_space<hbm>>) dst(%dma_wait3A_432 : memref<8192xf32, #tpu.memory_space<vmem>>)
      %dma_wait3A_434 = arith.constant 40960 : i32
      %dma_wait3A_435 = tpu.memref_slice %arg5[%dma_wait3A_434] : memref<49152xf32, #tpu.memory_space<vmem>> -> memref<8192xf32, #tpu.memory_space<vmem>>
      %dma_wait3A_436 = tpu.memref_slice %arg2[%add3A_416] : memref<19660800xf32, #tpu.memory_space<hbm>> -> memref<8192xf32, #tpu.memory_space<hbm>>
      %dma_wait3A_437 = arith.constant 40960 : i32
      %dma_wait3A_438 = tpu.memref_slice %arg5[%dma_wait3A_437] : memref<49152xf32, #tpu.memory_space<vmem>> -> memref<8192xf32, #tpu.memory_space<vmem>>
      %dma_wait3A_439 = tpu.memref_slice %arg2[%add3A_416] : memref<19660800xf32, #tpu.memory_space<hbm>> -> memref<8192xf32, #tpu.memory_space<hbm>>
      tpu.wait_dma2 semaphore(%arg9 : memref<!tpu.dma_semaphore, #tpu.memory_space<semaphore_mem>>) src(%dma_wait3A_439 : memref<8192xf32, #tpu.memory_space<hbm>>) dst(%dma_wait3A_438 : memref<8192xf32, #tpu.memory_space<vmem>>)
      %dma_wait3A_440 = arith.constant 4096 : i32
      %dma_wait3A_441 = tpu.memref_slice %arg6[%dma_wait3A_440] : memref<8192xf32, #tpu.memory_space<vmem>> -> memref<4096xf32, #tpu.memory_space<vmem>>
      %dma_wait3A_442 = tpu.memref_slice %arg3[%mul3A_421] : memref<3276800xf32, #tpu.memory_space<hbm>> -> memref<4096xf32, #tpu.memory_space<hbm>>
      %dma_wait3A_443 = arith.constant 4096 : i32
      %dma_wait3A_444 = tpu.memref_slice %arg6[%dma_wait3A_443] : memref<8192xf32, #tpu.memory_space<vmem>> -> memref<4096xf32, #tpu.memory_space<vmem>>
      %dma_wait3A_445 = tpu.memref_slice %arg3[%mul3A_421] : memref<3276800xf32, #tpu.memory_space<hbm>> -> memref<4096xf32, #tpu.memory_space<hbm>>
      tpu.wait_dma2 semaphore(%arg9 : memref<!tpu.dma_semaphore, #tpu.memory_space<semaphore_mem>>) src(%dma_wait3A_445 : memref<4096xf32, #tpu.memory_space<hbm>>) dst(%dma_wait3A_444 : memref<4096xf32, #tpu.memory_space<vmem>>)
      %scan3A_446 = arith.constant 0 : i32
      %scan3A_447 = arith.constant 64 : i32
      %scan3A_448 = arith.addi %scan3A_446, %scan3A_447 : i32
      %scan3A_449 = arith.constant 1 : i32
      %scan3A_450:5 = scf.for %scan3A_452 = %scan3A_446 to %scan3A_448 step %scan3A_449 iter_args(%scan3A_453 = %scan3A_342#0, %scan3A_454 = %scan3A_342#1, %scan3A_455 = %scan3A_342#2, %scan3A_456 = %scan3A_342#3, %scan3A_457 = %scan3A_342#4) -> (vector<16xf32>, vector<16xf32>, vector<16xf32>, vector<16xf32>, vector<16xf32>)  : i32 {
        %shift_right_logical3A_458 = arith.constant 3 : i32
        %shift_right_logical3A_459 = arith.shrui %scan3A_452, %shift_right_logical3A_458 : i32
        %and3A_460 = arith.constant 7 : i32
        %and3A_461 = arith.andi %scan3A_452, %and3A_460 : i32
        %mul3A_462 = arith.constant 1024 : i32
        %mul3A_463 = arith.muli %shift_right_logical3A_459, %mul3A_462 : i32
        %mul3A_464 = arith.constant 16 : i32
        %mul3A_465 = arith.muli %and3A_461, %mul3A_464 : i32
        %add3A_466 = arith.addi %mul3A_463, %mul3A_465 : i32
        %add3A_467 = arith.constant 24576 : i32
        %add3A_468 = arith.addi %add3A_466, %add3A_467 : i32
        %mul3A_469 = arith.constant 512 : i32
        %mul3A_470 = arith.muli %shift_right_logical3A_459, %mul3A_469 : i32
        %mul3A_471 = arith.constant 16 : i32
        %mul3A_472 = arith.muli %and3A_461, %mul3A_471 : i32
        %add3A_473 = arith.addi %mul3A_470, %mul3A_472 : i32
        %add3A_474 = arith.constant 4096 : i32
        %add3A_475 = arith.addi %add3A_473, %add3A_474 : i32
        %get3A = arith.index_cast %add3A_475 : i32 to index
        %get3A_476 = tpu.vector_load %arg6[%get3A] {strides = array<i32>} : memref<8192xf32, #tpu.memory_space<vmem>>, vector<16xf32>,
        %add3A_477 = arith.constant 128 : i32
        %add3A_478 = arith.addi %add3A_475, %add3A_477 : i32
        %get3A_479 = arith.index_cast %add3A_478 : i32 to index
        %get3A_480 = tpu.vector_load %arg6[%get3A_479] {strides = array<i32>} : memref<8192xf32, #tpu.memory_space<vmem>>, vector<16xf32>,
        %add3A_481 = arith.constant 256 : i32
        %add3A_482 = arith.addi %add3A_475, %add3A_481 : i32
        %get3A_483 = arith.index_cast %add3A_482 : i32 to index
        %get3A_484 = tpu.vector_load %arg6[%get3A_483] {strides = array<i32>} : memref<8192xf32, #tpu.memory_space<vmem>>, vector<16xf32>,
        %add3A_485 = arith.constant 384 : i32
        %add3A_486 = arith.addi %add3A_475, %add3A_485 : i32
        %get3A_487 = arith.index_cast %add3A_486 : i32 to index
        %get3A_488 = tpu.vector_load %arg6[%get3A_487] {strides = array<i32>} : memref<8192xf32, #tpu.memory_space<vmem>>, vector<16xf32>,
        %get3A_489 = arith.index_cast %add3A_468 : i32 to index
        %get3A_490 = tpu.vector_load %arg5[%get3A_489] {strides = array<i32>} : memref<49152xf32, #tpu.memory_space<vmem>>, vector<16xf32>,
        %add3A_491 = arith.constant 128 : i32
        %add3A_492 = arith.addi %add3A_468, %add3A_491 : i32
        %get3A_493 = arith.index_cast %add3A_492 : i32 to index
        %get3A_494 = tpu.vector_load %arg5[%get3A_493] {strides = array<i32>} : memref<49152xf32, #tpu.memory_space<vmem>>, vector<16xf32>,
        %add3A_495 = arith.constant 256 : i32
        %add3A_496 = arith.addi %add3A_468, %add3A_495 : i32
        %get3A_497 = arith.index_cast %add3A_496 : i32 to index
        %get3A_498 = tpu.vector_load %arg5[%get3A_497] {strides = array<i32>} : memref<49152xf32, #tpu.memory_space<vmem>>, vector<16xf32>,
        %gt3A = arith.constant 0.000000e+00 : f32
        %gt3A_499 = vector.broadcast %gt3A : f32 to vector<16xf32>
        %gt3A_500 = arith.cmpf ogt, %get3A_484, %gt3A_499 : vector<16xf32>
        %neg3A = arith.constant 0.000000e+00 : f32
        %neg3A_501 = vector.broadcast %neg3A : f32 to vector<16xf32>
        %neg3A_502 = arith.subf %neg3A_501, %get3A_498 : vector<16xf32>
        %exp3A = math.exp %neg3A_502 : vector<16xf32>
        %add3A_503 = arith.constant 1.000000e+00 : f32
        %add3A_504 = vector.broadcast %add3A_503 : f32 to vector<16xf32>
        %add3A_505 = arith.addf %add3A_504, %exp3A : vector<16xf32>
        %div3A = arith.constant 1.000000e+00 : f32
        %div3A_506 = vector.broadcast %div3A : f32 to vector<16xf32>
        %div3A_507 = arith.divf %div3A_506, %add3A_505 : vector<16xf32>
        %sub3A = arith.subf %div3A_507, %get3A_484 : vector<16xf32>
        %mul3A_508 = arith.mulf %sub3A, %sub3A : vector<16xf32>
        %select_n3A = arith.select %gt3A_500, %mul3A_508, %broadcast_in_dim3A_1 : vector<16xi1>, vector<16xf32>
        %add3A_509 = arith.addf %scan3A_455, %select_n3A : vector<16xf32>
        %sub3A_510 = arith.subf %mul3A_508, %select_n3A : vector<16xf32>
        %add3A_511 = arith.addf %scan3A_456, %sub3A_510 : vector<16xf32>
        %neg3A_512 = arith.constant 0.000000e+00 : f32
        %neg3A_513 = vector.broadcast %neg3A_512 : f32 to vector<16xf32>
        %neg3A_514 = arith.subf %neg3A_513, %get3A_490 : vector<16xf32>
        %exp3A_515 = math.exp %neg3A_514 : vector<16xf32>
        %add3A_516 = arith.constant 1.000000e+00 : f32
        %add3A_517 = vector.broadcast %add3A_516 : f32 to vector<16xf32>
        %add3A_518 = arith.addf %add3A_517, %exp3A_515 : vector<16xf32>
        %div3A_519 = arith.constant 1.000000e+00 : f32
        %div3A_520 = vector.broadcast %div3A_519 : f32 to vector<16xf32>
        %div3A_521 = arith.divf %div3A_520, %add3A_518 : vector<16xf32>
        %sub3A_522 = arith.subf %div3A_521, %get3A_476 : vector<16xf32>
        %mul3A_523 = arith.mulf %sub3A_522, %sub3A_522 : vector<16xf32>
        %select_n3A_524 = arith.select %gt3A_500, %mul3A_523, %broadcast_in_dim3A_1 : vector<16xi1>, vector<16xf32>
        %add3A_525 = arith.addf %scan3A_453, %select_n3A_524 : vector<16xf32>
        %mul3A_526 = arith.constant 6.14146852 : f32
        %mul3A_527 = vector.broadcast %mul3A_526 : f32 to vector<16xf32>
        %mul3A_528 = arith.mulf %get3A_480, %mul3A_527 : vector<16xf32>
        %bitcast_convert_type3A = tpu.bitcast %mul3A_528 : vector<16xf32> -> vector<16xi32>
        %shift_right_logical3A_529 = arith.constant 23 : i32
        %shift_right_logical3A_530 = vector.broadcast %shift_right_logical3A_529 : i32 to vector<16xi32>
        %shift_right_logical3A_531 = arith.shrui %bitcast_convert_type3A, %shift_right_logical3A_530 : vector<16xi32>
        %sub3A_532 = arith.constant 127 : i32
        %sub3A_533 = vector.broadcast %sub3A_532 : i32 to vector<16xi32>
        %sub3A_534 = arith.subi %shift_right_logical3A_531, %sub3A_533 : vector<16xi32>
        %and3A_535 = arith.constant 8388607 : i32
        %and3A_536 = vector.broadcast %and3A_535 : i32 to vector<16xi32>
        %and3A_537 = arith.andi %bitcast_convert_type3A, %and3A_536 : vector<16xi32>
        %or3A = arith.constant 1065353216 : i32
        %or3A_538 = vector.broadcast %or3A : i32 to vector<16xi32>
        %or3A_539 = arith.ori %and3A_537, %or3A_538 : vector<16xi32>
        %bitcast_convert_type3A_540 = tpu.bitcast %or3A_539 : vector<16xi32> -> vector<16xf32>
        %sub3A_541 = arith.constant 1.000000e+00 : f32
        %sub3A_542 = vector.broadcast %sub3A_541 : f32 to vector<16xf32>
        %sub3A_543 = arith.subf %bitcast_convert_type3A_540, %sub3A_542 : vector<16xf32>
        %add3A_544 = arith.constant 1.000000e+00 : f32
        %add3A_545 = vector.broadcast %add3A_544 : f32 to vector<16xf32>
        %add3A_546 = arith.addf %bitcast_convert_type3A_540, %add3A_545 : vector<16xf32>
        %div3A_547 = arith.divf %sub3A_543, %add3A_546 : vector<16xf32>
        %mul3A_548 = arith.mulf %div3A_547, %div3A_547 : vector<16xf32>
        %mul3A_549 = arith.constant 0.111111112 : f32
        %mul3A_550 = vector.broadcast %mul3A_549 : f32 to vector<16xf32>
        %mul3A_551 = arith.mulf %mul3A_548, %mul3A_550 : vector<16xf32>
        %add3A_552 = arith.constant 0.142857149 : f32
        %add3A_553 = vector.broadcast %add3A_552 : f32 to vector<16xf32>
        %add3A_554 = arith.addf %add3A_553, %mul3A_551 : vector<16xf32>
        %mul3A_555 = arith.mulf %mul3A_548, %add3A_554 : vector<16xf32>
        %add3A_556 = arith.constant 2.000000e-01 : f32
        %add3A_557 = vector.broadcast %add3A_556 : f32 to vector<16xf32>
        %add3A_558 = arith.addf %add3A_557, %mul3A_555 : vector<16xf32>
        %mul3A_559 = arith.mulf %mul3A_548, %add3A_558 : vector<16xf32>
        %add3A_560 = arith.constant 0.333333343 : f32
        %add3A_561 = vector.broadcast %add3A_560 : f32 to vector<16xf32>
        %add3A_562 = arith.addf %add3A_561, %mul3A_559 : vector<16xf32>
        %mul3A_563 = arith.mulf %mul3A_548, %add3A_562 : vector<16xf32>
        %add3A_564 = arith.constant 1.000000e+00 : f32
        %add3A_565 = vector.broadcast %add3A_564 : f32 to vector<16xf32>
        %add3A_566 = arith.addf %add3A_565, %mul3A_563 : vector<16xf32>
        %convert_element_type3A = arith.sitofp %sub3A_534 : vector<16xi32> to vector<16xf32>
        %mul3A_567 = arith.constant 0.693147182 : f32
        %mul3A_568 = vector.broadcast %mul3A_567 : f32 to vector<16xf32>
        %mul3A_569 = arith.mulf %convert_element_type3A, %mul3A_568 : vector<16xf32>
        %mul3A_570 = arith.constant 2.000000e+00 : f32
        %mul3A_571 = vector.broadcast %mul3A_570 : f32 to vector<16xf32>
        %mul3A_572 = arith.mulf %mul3A_571, %div3A_547 : vector<16xf32>
        %mul3A_573 = arith.mulf %mul3A_572, %add3A_566 : vector<16xf32>
        %add3A_574 = arith.addf %mul3A_569, %mul3A_573 : vector<16xf32>
        %gt3A_575 = arith.constant 0.000000e+00 : f32
        %gt3A_576 = vector.broadcast %gt3A_575 : f32 to vector<16xf32>
        %gt3A_577 = arith.cmpf ogt, %mul3A_528, %gt3A_576 : vector<16xf32>
        %select_n3A_578 = arith.select %gt3A_577, %add3A_574, %broadcast_in_dim3A_5 : vector<16xi1>, vector<16xf32>
        %sub3A_579 = arith.subf %get3A_494, %select_n3A_578 : vector<16xf32>
        %mul3A_580 = arith.mulf %sub3A_579, %sub3A_579 : vector<16xf32>
        %select_n3A_581 = arith.select %gt3A_500, %mul3A_580, %broadcast_in_dim3A_1 : vector<16xi1>, vector<16xf32>
        %add3A_582 = arith.addf %scan3A_454, %select_n3A_581 : vector<16xf32>
        %add3A_583 = arith.constant 384 : i32
        %add3A_584 = arith.addi %add3A_468, %add3A_583 : i32
        %get3A_585 = arith.index_cast %add3A_584 : i32 to index
        %get3A_586 = tpu.vector_load %arg5[%get3A_585] {strides = array<i32>} : memref<49152xf32, #tpu.memory_space<vmem>>, vector<16xf32>,
        %exp3A_587 = math.exp %get3A_586 : vector<16xf32>
        %add3A_588 = arith.addf %broadcast_in_dim3A_1, %exp3A_587 : vector<16xf32>
        %mul3A_589 = arith.constant 1.000000e+00 : f32
        %mul3A_590 = vector.broadcast %mul3A_589 : f32 to vector<16xf32>
        %mul3A_591 = arith.mulf %exp3A_587, %mul3A_590 : vector<16xf32>
        %add3A_592 = arith.addf %broadcast_in_dim3A_1, %mul3A_591 : vector<16xf32>
        %add3A_593 = arith.constant 512 : i32
        %add3A_594 = arith.addi %add3A_468, %add3A_593 : i32
        %get3A_595 = arith.index_cast %add3A_594 : i32 to index
        %get3A_596 = tpu.vector_load %arg5[%get3A_595] {strides = array<i32>} : memref<49152xf32, #tpu.memory_space<vmem>>, vector<16xf32>,
        %exp3A_597 = math.exp %get3A_596 : vector<16xf32>
        %add3A_598 = arith.addf %add3A_588, %exp3A_597 : vector<16xf32>
        %mul3A_599 = arith.constant 1.500000e+00 : f32
        %mul3A_600 = vector.broadcast %mul3A_599 : f32 to vector<16xf32>
        %mul3A_601 = arith.mulf %exp3A_597, %mul3A_600 : vector<16xf32>
        %add3A_602 = arith.addf %add3A_592, %mul3A_601 : vector<16xf32>
        %add3A_603 = arith.constant 640 : i32
        %add3A_604 = arith.addi %add3A_468, %add3A_603 : i32
        %get3A_605 = arith.index_cast %add3A_604 : i32 to index
        %get3A_606 = tpu.vector_load %arg5[%get3A_605] {strides = array<i32>} : memref<49152xf32, #tpu.memory_space<vmem>>, vector<16xf32>,
        %exp3A_607 = math.exp %get3A_606 : vector<16xf32>
        %add3A_608 = arith.addf %add3A_598, %exp3A_607 : vector<16xf32>
        %mul3A_609 = arith.constant 2.000000e+00 : f32
        %mul3A_610 = vector.broadcast %mul3A_609 : f32 to vector<16xf32>
        %mul3A_611 = arith.mulf %exp3A_607, %mul3A_610 : vector<16xf32>
        %add3A_612 = arith.addf %add3A_602, %mul3A_611 : vector<16xf32>
        %add3A_613 = arith.constant 768 : i32
        %add3A_614 = arith.addi %add3A_468, %add3A_613 : i32
        %get3A_615 = arith.index_cast %add3A_614 : i32 to index
        %get3A_616 = tpu.vector_load %arg5[%get3A_615] {strides = array<i32>} : memref<49152xf32, #tpu.memory_space<vmem>>, vector<16xf32>,
        %exp3A_617 = math.exp %get3A_616 : vector<16xf32>
        %add3A_618 = arith.addf %add3A_608, %exp3A_617 : vector<16xf32>
        %mul3A_619 = arith.constant 2.500000e+00 : f32
        %mul3A_620 = vector.broadcast %mul3A_619 : f32 to vector<16xf32>
        %mul3A_621 = arith.mulf %exp3A_617, %mul3A_620 : vector<16xf32>
        %add3A_622 = arith.addf %add3A_612, %mul3A_621 : vector<16xf32>
        %add3A_623 = arith.constant 896 : i32
        %add3A_624 = arith.addi %add3A_468, %add3A_623 : i32
        %get3A_625 = arith.index_cast %add3A_624 : i32 to index
        %get3A_626 = tpu.vector_load %arg5[%get3A_625] {strides = array<i32>} : memref<49152xf32, #tpu.memory_space<vmem>>, vector<16xf32>,
        %exp3A_627 = math.exp %get3A_626 : vector<16xf32>
        %add3A_628 = arith.addf %add3A_618, %exp3A_627 : vector<16xf32>
        %mul3A_629 = arith.constant 3.000000e+00 : f32
        %mul3A_630 = vector.broadcast %mul3A_629 : f32 to vector<16xf32>
        %mul3A_631 = arith.mulf %exp3A_627, %mul3A_630 : vector<16xf32>
        %add3A_632 = arith.addf %add3A_622, %mul3A_631 : vector<16xf32>
        %add3A_633 = arith.constant 8192 : i32
        %add3A_634 = arith.addi %add3A_468, %add3A_633 : i32
        %get3A_635 = arith.index_cast %add3A_634 : i32 to index
        %get3A_636 = tpu.vector_load %arg5[%get3A_635] {strides = array<i32>} : memref<49152xf32, #tpu.memory_space<vmem>>, vector<16xf32>,
        %exp3A_637 = math.exp %get3A_636 : vector<16xf32>
        %add3A_638 = arith.addf %add3A_628, %exp3A_637 : vector<16xf32>
        %mul3A_639 = arith.constant 3.500000e+00 : f32
        %mul3A_640 = vector.broadcast %mul3A_639 : f32 to vector<16xf32>
        %mul3A_641 = arith.mulf %exp3A_637, %mul3A_640 : vector<16xf32>
        %add3A_642 = arith.addf %add3A_632, %mul3A_641 : vector<16xf32>
        %add3A_643 = arith.constant 8320 : i32
        %add3A_644 = arith.addi %add3A_468, %add3A_643 : i32
        %get3A_645 = arith.index_cast %add3A_644 : i32 to index
        %get3A_646 = tpu.vector_load %arg5[%get3A_645] {strides = array<i32>} : memref<49152xf32, #tpu.memory_space<vmem>>, vector<16xf32>,
        %exp3A_647 = math.exp %get3A_646 : vector<16xf32>
        %add3A_648 = arith.addf %add3A_638, %exp3A_647 : vector<16xf32>
        %mul3A_649 = arith.constant 4.000000e+00 : f32
        %mul3A_650 = vector.broadcast %mul3A_649 : f32 to vector<16xf32>
        %mul3A_651 = arith.mulf %exp3A_647, %mul3A_650 : vector<16xf32>
        %add3A_652 = arith.addf %add3A_642, %mul3A_651 : vector<16xf32>
        %add3A_653 = arith.constant 8448 : i32
        %add3A_654 = arith.addi %add3A_468, %add3A_653 : i32
        %get3A_655 = arith.index_cast %add3A_654 : i32 to index
        %get3A_656 = tpu.vector_load %arg5[%get3A_655] {strides = array<i32>} : memref<49152xf32, #tpu.memory_space<vmem>>, vector<16xf32>,
        %exp3A_657 = math.exp %get3A_656 : vector<16xf32>
        %add3A_658 = arith.addf %add3A_648, %exp3A_657 : vector<16xf32>
        %mul3A_659 = arith.constant 4.500000e+00 : f32
        %mul3A_660 = vector.broadcast %mul3A_659 : f32 to vector<16xf32>
        %mul3A_661 = arith.mulf %exp3A_657, %mul3A_660 : vector<16xf32>
        %add3A_662 = arith.addf %add3A_652, %mul3A_661 : vector<16xf32>
        %add3A_663 = arith.constant 8576 : i32
        %add3A_664 = arith.addi %add3A_468, %add3A_663 : i32
        %get3A_665 = arith.index_cast %add3A_664 : i32 to index
        %get3A_666 = tpu.vector_load %arg5[%get3A_665] {strides = array<i32>} : memref<49152xf32, #tpu.memory_space<vmem>>, vector<16xf32>,
        %exp3A_667 = math.exp %get3A_666 : vector<16xf32>
        %add3A_668 = arith.addf %add3A_658, %exp3A_667 : vector<16xf32>
        %mul3A_669 = arith.constant 5.000000e+00 : f32
        %mul3A_670 = vector.broadcast %mul3A_669 : f32 to vector<16xf32>
        %mul3A_671 = arith.mulf %exp3A_667, %mul3A_670 : vector<16xf32>
        %add3A_672 = arith.addf %add3A_662, %mul3A_671 : vector<16xf32>
        %add3A_673 = arith.constant 8704 : i32
        %add3A_674 = arith.addi %add3A_468, %add3A_673 : i32
        %get3A_675 = arith.index_cast %add3A_674 : i32 to index
        %get3A_676 = tpu.vector_load %arg5[%get3A_675] {strides = array<i32>} : memref<49152xf32, #tpu.memory_space<vmem>>, vector<16xf32>,
        %exp3A_677 = math.exp %get3A_676 : vector<16xf32>
        %add3A_678 = arith.addf %add3A_668, %exp3A_677 : vector<16xf32>
        %mul3A_679 = arith.constant 5.500000e+00 : f32
        %mul3A_680 = vector.broadcast %mul3A_679 : f32 to vector<16xf32>
        %mul3A_681 = arith.mulf %exp3A_677, %mul3A_680 : vector<16xf32>
        %add3A_682 = arith.addf %add3A_672, %mul3A_681 : vector<16xf32>
        %add3A_683 = arith.constant 8832 : i32
        %add3A_684 = arith.addi %add3A_468, %add3A_683 : i32
        %get3A_685 = arith.index_cast %add3A_684 : i32 to index
        %get3A_686 = tpu.vector_load %arg5[%get3A_685] {strides = array<i32>} : memref<49152xf32, #tpu.memory_space<vmem>>, vector<16xf32>,
        %exp3A_687 = math.exp %get3A_686 : vector<16xf32>
        %add3A_688 = arith.addf %add3A_678, %exp3A_687 : vector<16xf32>
        %mul3A_689 = arith.constant 6.000000e+00 : f32
        %mul3A_690 = vector.broadcast %mul3A_689 : f32 to vector<16xf32>
        %mul3A_691 = arith.mulf %exp3A_687, %mul3A_690 : vector<16xf32>
        %add3A_692 = arith.addf %add3A_682, %mul3A_691 : vector<16xf32>
        %add3A_693 = arith.constant 8960 : i32
        %add3A_694 = arith.addi %add3A_468, %add3A_693 : i32
        %get3A_695 = arith.index_cast %add3A_694 : i32 to index
        %get3A_696 = tpu.vector_load %arg5[%get3A_695] {strides = array<i32>} : memref<49152xf32, #tpu.memory_space<vmem>>, vector<16xf32>,
        %exp3A_697 = math.exp %get3A_696 : vector<16xf32>
        %add3A_698 = arith.addf %add3A_688, %exp3A_697 : vector<16xf32>
        %mul3A_699 = arith.constant 6.500000e+00 : f32
        %mul3A_700 = vector.broadcast %mul3A_699 : f32 to vector<16xf32>
        %mul3A_701 = arith.mulf %exp3A_697, %mul3A_700 : vector<16xf32>
        %add3A_702 = arith.addf %add3A_692, %mul3A_701 : vector<16xf32>
        %add3A_703 = arith.constant 9088 : i32
        %add3A_704 = arith.addi %add3A_468, %add3A_703 : i32
        %get3A_705 = arith.index_cast %add3A_704 : i32 to index
        %get3A_706 = tpu.vector_load %arg5[%get3A_705] {strides = array<i32>} : memref<49152xf32, #tpu.memory_space<vmem>>, vector<16xf32>,
        %exp3A_707 = math.exp %get3A_706 : vector<16xf32>
        %add3A_708 = arith.addf %add3A_698, %exp3A_707 : vector<16xf32>
        %mul3A_709 = arith.constant 7.000000e+00 : f32
        %mul3A_710 = vector.broadcast %mul3A_709 : f32 to vector<16xf32>
        %mul3A_711 = arith.mulf %exp3A_707, %mul3A_710 : vector<16xf32>
        %add3A_712 = arith.addf %add3A_702, %mul3A_711 : vector<16xf32>
        %add3A_713 = arith.constant 16384 : i32
        %add3A_714 = arith.addi %add3A_468, %add3A_713 : i32
        %get3A_715 = arith.index_cast %add3A_714 : i32 to index
        %get3A_716 = tpu.vector_load %arg5[%get3A_715] {strides = array<i32>} : memref<49152xf32, #tpu.memory_space<vmem>>, vector<16xf32>,
        %exp3A_717 = math.exp %get3A_716 : vector<16xf32>
        %add3A_718 = arith.addf %add3A_708, %exp3A_717 : vector<16xf32>
        %mul3A_719 = arith.constant 7.500000e+00 : f32
        %mul3A_720 = vector.broadcast %mul3A_719 : f32 to vector<16xf32>
        %mul3A_721 = arith.mulf %exp3A_717, %mul3A_720 : vector<16xf32>
        %add3A_722 = arith.addf %add3A_712, %mul3A_721 : vector<16xf32>
        %add3A_723 = arith.constant 16512 : i32
        %add3A_724 = arith.addi %add3A_468, %add3A_723 : i32
        %get3A_725 = arith.index_cast %add3A_724 : i32 to index
        %get3A_726 = tpu.vector_load %arg5[%get3A_725] {strides = array<i32>} : memref<49152xf32, #tpu.memory_space<vmem>>, vector<16xf32>,
        %exp3A_727 = math.exp %get3A_726 : vector<16xf32>
        %add3A_728 = arith.addf %add3A_718, %exp3A_727 : vector<16xf32>
        %mul3A_729 = arith.constant 8.000000e+00 : f32
        %mul3A_730 = vector.broadcast %mul3A_729 : f32 to vector<16xf32>
        %mul3A_731 = arith.mulf %exp3A_727, %mul3A_730 : vector<16xf32>
        %add3A_732 = arith.addf %add3A_722, %mul3A_731 : vector<16xf32>
        %add3A_733 = arith.constant 16640 : i32
        %add3A_734 = arith.addi %add3A_468, %add3A_733 : i32
        %get3A_735 = arith.index_cast %add3A_734 : i32 to index
        %get3A_736 = tpu.vector_load %arg5[%get3A_735] {strides = array<i32>} : memref<49152xf32, #tpu.memory_space<vmem>>, vector<16xf32>,
        %exp3A_737 = math.exp %get3A_736 : vector<16xf32>
        %add3A_738 = arith.addf %add3A_728, %exp3A_737 : vector<16xf32>
        %mul3A_739 = arith.constant 8.500000e+00 : f32
        %mul3A_740 = vector.broadcast %mul3A_739 : f32 to vector<16xf32>
        %mul3A_741 = arith.mulf %exp3A_737, %mul3A_740 : vector<16xf32>
        %add3A_742 = arith.addf %add3A_732, %mul3A_741 : vector<16xf32>
        %add3A_743 = arith.constant 16768 : i32
        %add3A_744 = arith.addi %add3A_468, %add3A_743 : i32
        %get3A_745 = arith.index_cast %add3A_744 : i32 to index
        %get3A_746 = tpu.vector_load %arg5[%get3A_745] {strides = array<i32>} : memref<49152xf32, #tpu.memory_space<vmem>>, vector<16xf32>,
        %exp3A_747 = math.exp %get3A_746 : vector<16xf32>
        %add3A_748 = arith.addf %add3A_738, %exp3A_747 : vector<16xf32>
        %mul3A_749 = arith.constant 9.000000e+00 : f32
        %mul3A_750 = vector.broadcast %mul3A_749 : f32 to vector<16xf32>
        %mul3A_751 = arith.mulf %exp3A_747, %mul3A_750 : vector<16xf32>
        %add3A_752 = arith.addf %add3A_742, %mul3A_751 : vector<16xf32>
        %add3A_753 = arith.constant 16896 : i32
        %add3A_754 = arith.addi %add3A_468, %add3A_753 : i32
        %get3A_755 = arith.index_cast %add3A_754 : i32 to index
        %get3A_756 = tpu.vector_load %arg5[%get3A_755] {strides = array<i32>} : memref<49152xf32, #tpu.memory_space<vmem>>, vector<16xf32>,
        %exp3A_757 = math.exp %get3A_756 : vector<16xf32>
        %add3A_758 = arith.addf %add3A_748, %exp3A_757 : vector<16xf32>
        %mul3A_759 = arith.constant 9.500000e+00 : f32
        %mul3A_760 = vector.broadcast %mul3A_759 : f32 to vector<16xf32>
        %mul3A_761 = arith.mulf %exp3A_757, %mul3A_760 : vector<16xf32>
        %add3A_762 = arith.addf %add3A_752, %mul3A_761 : vector<16xf32>
        %add3A_763 = arith.constant 17024 : i32
        %add3A_764 = arith.addi %add3A_468, %add3A_763 : i32
        %get3A_765 = arith.index_cast %add3A_764 : i32 to index
        %get3A_766 = tpu.vector_load %arg5[%get3A_765] {strides = array<i32>} : memref<49152xf32, #tpu.memory_space<vmem>>, vector<16xf32>,
        %exp3A_767 = math.exp %get3A_766 : vector<16xf32>
        %add3A_768 = arith.addf %add3A_758, %exp3A_767 : vector<16xf32>
        %mul3A_769 = arith.constant 1.000000e+01 : f32
        %mul3A_770 = vector.broadcast %mul3A_769 : f32 to vector<16xf32>
        %mul3A_771 = arith.mulf %exp3A_767, %mul3A_770 : vector<16xf32>
        %add3A_772 = arith.addf %add3A_762, %mul3A_771 : vector<16xf32>
        %add3A_773 = arith.constant 17152 : i32
        %add3A_774 = arith.addi %add3A_468, %add3A_773 : i32
        %get3A_775 = arith.index_cast %add3A_774 : i32 to index
        %get3A_776 = tpu.vector_load %arg5[%get3A_775] {strides = array<i32>} : memref<49152xf32, #tpu.memory_space<vmem>>, vector<16xf32>,
        %exp3A_777 = math.exp %get3A_776 : vector<16xf32>
        %add3A_778 = arith.addf %add3A_768, %exp3A_777 : vector<16xf32>
        %mul3A_779 = arith.constant 1.050000e+01 : f32
        %mul3A_780 = vector.broadcast %mul3A_779 : f32 to vector<16xf32>
        %mul3A_781 = arith.mulf %exp3A_777, %mul3A_780 : vector<16xf32>
        %add3A_782 = arith.addf %add3A_772, %mul3A_781 : vector<16xf32>
        %add3A_783 = arith.constant 17280 : i32
        %add3A_784 = arith.addi %add3A_468, %add3A_783 : i32
        %get3A_785 = arith.index_cast %add3A_784 : i32 to index
        %get3A_786 = tpu.vector_load %arg5[%get3A_785] {strides = array<i32>} : memref<49152xf32, #tpu.memory_space<vmem>>, vector<16xf32>,
        %exp3A_787 = math.exp %get3A_786 : vector<16xf32>
        %add3A_788 = arith.addf %add3A_778, %exp3A_787 : vector<16xf32>
        %mul3A_789 = arith.constant 1.100000e+01 : f32
        %mul3A_790 = vector.broadcast %mul3A_789 : f32 to vector<16xf32>
        %mul3A_791 = arith.mulf %exp3A_787, %mul3A_790 : vector<16xf32>
        %add3A_792 = arith.addf %add3A_782, %mul3A_791 : vector<16xf32>
        %add3A_793 = arith.addf %add3A_792, %add3A_788 : vector<16xf32>
        %mul3A_794 = arith.constant 1.000000e+01 : f32
        %mul3A_795 = vector.broadcast %mul3A_794 : f32 to vector<16xf32>
        %mul3A_796 = arith.mulf %mul3A_795, %add3A_793 : vector<16xf32>
        %add3A_797 = arith.constant 1.000000e+00 : f32
        %add3A_798 = vector.broadcast %add3A_797 : f32 to vector<16xf32>
        %add3A_799 = arith.addf %get3A_488, %add3A_798 : vector<16xf32>
        %mul3A_800 = arith.mulf %add3A_788, %add3A_799 : vector<16xf32>
        %div3A_801 = arith.divf %mul3A_796, %mul3A_800 : vector<16xf32>
        %sub3A_802 = arith.constant 1.000000e+01 : f32
        %sub3A_803 = vector.broadcast %sub3A_802 : f32 to vector<16xf32>
        %sub3A_804 = arith.subf %div3A_801, %sub3A_803 : vector<16xf32>
        %abs3A = math.absf %sub3A_804 : vector<16xf32>
        %lt3A = arith.constant 1.000000e+00 : f32
        %lt3A_805 = vector.broadcast %lt3A : f32 to vector<16xf32>
        %lt3A_806 = arith.cmpf olt, %abs3A, %lt3A_805 : vector<16xf32>
        %mul3A_807 = arith.constant 5.000000e-01 : f32
        %mul3A_808 = vector.broadcast %mul3A_807 : f32 to vector<16xf32>
        %mul3A_809 = arith.mulf %mul3A_808, %sub3A_804 : vector<16xf32>
        %mul3A_810 = arith.mulf %mul3A_809, %sub3A_804 : vector<16xf32>
        %sub3A_811 = arith.constant 5.000000e-01 : f32
        %sub3A_812 = vector.broadcast %sub3A_811 : f32 to vector<16xf32>
        %sub3A_813 = arith.subf %abs3A, %sub3A_812 : vector<16xf32>
        %select_n3A_814 = arith.select %lt3A_806, %mul3A_810, %sub3A_813 : vector<16xi1>, vector<16xf32>
        %gt3A_815 = arith.constant 0.000000e+00 : f32
        %gt3A_816 = vector.broadcast %gt3A_815 : f32 to vector<16xf32>
        %gt3A_817 = arith.cmpf ogt, %get3A_488, %gt3A_816 : vector<16xf32>
        %and3A_818 = arith.andi %gt3A_500, %gt3A_817 : vector<16xi1>
        %select_n3A_819 = arith.select %and3A_818, %select_n3A_814, %broadcast_in_dim3A_1 : vector<16xi1>, vector<16xf32>
        %add3A_820 = arith.addf %scan3A_457, %select_n3A_819 : vector<16xf32>
        scf.yield %add3A_525, %add3A_582, %add3A_509, %add3A_511, %add3A_820 : vector<16xf32>, vector<16xf32>, vector<16xf32>, vector<16xf32>, vector<16xf32>
      }
      %scan3A_451 = arith.constant 64 : i32
      scf.yield %scan3A_450#0, %scan3A_450#1, %scan3A_450#2, %scan3A_450#3, %scan3A_450#4 : vector<16xf32>, vector<16xf32>, vector<16xf32>, vector<16xf32>, vector<16xf32>
    }
    %scan3A_57 = arith.constant 7 : i32
    %mul3A_58 = arith.constant 16 : i32
    %mul3A_59 = arith.muli %add3A, %mul3A_58 : i32
    %add3A_60 = arith.constant 15 : i32
    %add3A_61 = arith.addi %mul3A_59, %add3A_60 : i32
    %shift_right_logical3A_62 = arith.constant 3 : i32
    %shift_right_logical3A_63 = arith.shrui %add3A_61, %shift_right_logical3A_62 : i32
    %and3A_64 = arith.constant 7 : i32
    %and3A_65 = arith.andi %add3A_61, %and3A_64 : i32
    %mul3A_66 = arith.constant 8 : i32
    %mul3A_67 = arith.muli %and3A_65, %mul3A_66 : i32
    %mul3A_68 = arith.constant 192 : i32
    %mul3A_69 = arith.muli %shift_right_logical3A_63, %mul3A_68 : i32
    %add3A_70 = arith.addi %mul3A_69, %mul3A_67 : i32
    %mul3A_71 = arith.constant 1024 : i32
    %mul3A_72 = arith.muli %add3A_70, %mul3A_71 : i32
    %add3A_73 = arith.constant 0 : i32
    %add3A_74 = arith.addi %mul3A_72, %add3A_73 : i32
    %add3A_75 = arith.constant 65536 : i32
    %add3A_76 = arith.addi %mul3A_72, %add3A_75 : i32
    %add3A_77 = arith.constant 131072 : i32
    %add3A_78 = arith.addi %mul3A_72, %add3A_77 : i32
    %mul3A_79 = arith.constant 64 : i32
    %mul3A_80 = arith.muli %shift_right_logical3A_63, %mul3A_79 : i32
    %add3A_81 = arith.addi %mul3A_80, %mul3A_67 : i32
    %mul3A_82 = arith.constant 512 : i32
    %mul3A_83 = arith.muli %add3A_81, %mul3A_82 : i32
    %dma_start3A_84 = arith.constant 24576 : i32
    %dma_start3A_85 = tpu.memref_slice %arg5[%dma_start3A_84] : memref<49152xf32, #tpu.memory_space<vmem>> -> memref<8192xf32, #tpu.memory_space<vmem>>
    %dma_start3A_86 = tpu.memref_slice %arg2[%add3A_74] : memref<19660800xf32, #tpu.memory_space<hbm>> -> memref<8192xf32, #tpu.memory_space<hbm>>
    %dma_start3A_87 = arith.constant 24576 : i32
    %dma_start3A_88 = tpu.memref_slice %arg5[%dma_start3A_87] : memref<49152xf32, #tpu.memory_space<vmem>> -> memref<8192xf32, #tpu.memory_space<vmem>>
    %dma_start3A_89 = tpu.memref_slice %arg2[%add3A_74] : memref<19660800xf32, #tpu.memory_space<hbm>> -> memref<8192xf32, #tpu.memory_space<hbm>>
    tpu.enqueue_dma source(%dma_start3A_89 : memref<8192xf32, #tpu.memory_space<hbm>>) target(%dma_start3A_88 : memref<8192xf32, #tpu.memory_space<vmem>>) target_semaphore(%arg9 : memref<!tpu.dma_semaphore, #tpu.memory_space<semaphore_mem>>)
    %dma_start3A_90 = arith.constant 32768 : i32
    %dma_start3A_91 = tpu.memref_slice %arg5[%dma_start3A_90] : memref<49152xf32, #tpu.memory_space<vmem>> -> memref<8192xf32, #tpu.memory_space<vmem>>
    %dma_start3A_92 = tpu.memref_slice %arg2[%add3A_76] : memref<19660800xf32, #tpu.memory_space<hbm>> -> memref<8192xf32, #tpu.memory_space<hbm>>
    %dma_start3A_93 = arith.constant 32768 : i32
    %dma_start3A_94 = tpu.memref_slice %arg5[%dma_start3A_93] : memref<49152xf32, #tpu.memory_space<vmem>> -> memref<8192xf32, #tpu.memory_space<vmem>>
    %dma_start3A_95 = tpu.memref_slice %arg2[%add3A_76] : memref<19660800xf32, #tpu.memory_space<hbm>> -> memref<8192xf32, #tpu.memory_space<hbm>>
    tpu.enqueue_dma source(%dma_start3A_95 : memref<8192xf32, #tpu.memory_space<hbm>>) target(%dma_start3A_94 : memref<8192xf32, #tpu.memory_space<vmem>>) target_semaphore(%arg9 : memref<!tpu.dma_semaphore, #tpu.memory_space<semaphore_mem>>)
    %dma_start3A_96 = arith.constant 40960 : i32
    %dma_start3A_97 = tpu.memref_slice %arg5[%dma_start3A_96] : memref<49152xf32, #tpu.memory_space<vmem>> -> memref<8192xf32, #tpu.memory_space<vmem>>
    %dma_start3A_98 = tpu.memref_slice %arg2[%add3A_78] : memref<19660800xf32, #tpu.memory_space<hbm>> -> memref<8192xf32, #tpu.memory_space<hbm>>
    %dma_start3A_99 = arith.constant 40960 : i32
    %dma_start3A_100 = tpu.memref_slice %arg5[%dma_start3A_99] : memref<49152xf32, #tpu.memory_space<vmem>> -> memref<8192xf32, #tpu.memory_space<vmem>>
    %dma_start3A_101 = tpu.memref_slice %arg2[%add3A_78] : memref<19660800xf32, #tpu.memory_space<hbm>> -> memref<8192xf32, #tpu.memory_space<hbm>>
    tpu.enqueue_dma source(%dma_start3A_101 : memref<8192xf32, #tpu.memory_space<hbm>>) target(%dma_start3A_100 : memref<8192xf32, #tpu.memory_space<vmem>>) target_semaphore(%arg9 : memref<!tpu.dma_semaphore, #tpu.memory_space<semaphore_mem>>)
    %dma_start3A_102 = arith.constant 4096 : i32
    %dma_start3A_103 = tpu.memref_slice %arg6[%dma_start3A_102] : memref<8192xf32, #tpu.memory_space<vmem>> -> memref<4096xf32, #tpu.memory_space<vmem>>
    %dma_start3A_104 = tpu.memref_slice %arg3[%mul3A_83] : memref<3276800xf32, #tpu.memory_space<hbm>> -> memref<4096xf32, #tpu.memory_space<hbm>>
    %dma_start3A_105 = arith.constant 4096 : i32
    %dma_start3A_106 = tpu.memref_slice %arg6[%dma_start3A_105] : memref<8192xf32, #tpu.memory_space<vmem>> -> memref<4096xf32, #tpu.memory_space<vmem>>
    %dma_start3A_107 = tpu.memref_slice %arg3[%mul3A_83] : memref<3276800xf32, #tpu.memory_space<hbm>> -> memref<4096xf32, #tpu.memory_space<hbm>>
    tpu.enqueue_dma source(%dma_start3A_107 : memref<4096xf32, #tpu.memory_space<hbm>>) target(%dma_start3A_106 : memref<4096xf32, #tpu.memory_space<vmem>>) target_semaphore(%arg9 : memref<!tpu.dma_semaphore, #tpu.memory_space<semaphore_mem>>)
    %mul3A_108 = arith.constant 16 : i32
    %mul3A_109 = arith.muli %add3A, %mul3A_108 : i32
    %add3A_110 = arith.constant 14 : i32
    %add3A_111 = arith.addi %mul3A_109, %add3A_110 : i32
    %shift_right_logical3A_112 = arith.constant 3 : i32
    %shift_right_logical3A_113 = arith.shrui %add3A_111, %shift_right_logical3A_112 : i32
    %and3A_114 = arith.constant 7 : i32
    %and3A_115 = arith.andi %add3A_111, %and3A_114 : i32
    %mul3A_116 = arith.constant 8 : i32
    %mul3A_117 = arith.muli %and3A_115, %mul3A_116 : i32
    %mul3A_118 = arith.constant 192 : i32
    %mul3A_119 = arith.muli %shift_right_logical3A_113, %mul3A_118 : i32
    %add3A_120 = arith.addi %mul3A_119, %mul3A_117 : i32
    %mul3A_121 = arith.constant 1024 : i32
    %mul3A_122 = arith.muli %add3A_120, %mul3A_121 : i32
    %add3A_123 = arith.constant 0 : i32
    %add3A_124 = arith.addi %mul3A_122, %add3A_123 : i32
    %add3A_125 = arith.constant 65536 : i32
    %add3A_126 = arith.addi %mul3A_122, %add3A_125 : i32
    %add3A_127 = arith.constant 131072 : i32
    %add3A_128 = arith.addi %mul3A_122, %add3A_127 : i32
    %mul3A_129 = arith.constant 64 : i32
    %mul3A_130 = arith.muli %shift_right_logical3A_113, %mul3A_129 : i32
    %add3A_131 = arith.addi %mul3A_130, %mul3A_117 : i32
    %mul3A_132 = arith.constant 512 : i32
    %mul3A_133 = arith.muli %add3A_131, %mul3A_132 : i32
    %dma_wait3A = arith.constant 0 : i32
    %dma_wait3A_134 = tpu.memref_slice %arg5[%dma_wait3A] : memref<49152xf32, #tpu.memory_space<vmem>> -> memref<8192xf32, #tpu.memory_space<vmem>>
    %dma_wait3A_135 = tpu.memref_slice %arg2[%add3A_124] : memref<19660800xf32, #tpu.memory_space<hbm>> -> memref<8192xf32, #tpu.memory_space<hbm>>
    %dma_wait3A_136 = arith.constant 0 : i32
    %dma_wait3A_137 = tpu.memref_slice %arg5[%dma_wait3A_136] : memref<49152xf32, #tpu.memory_space<vmem>> -> memref<8192xf32, #tpu.memory_space<vmem>>
    %dma_wait3A_138 = tpu.memref_slice %arg2[%add3A_124] : memref<19660800xf32, #tpu.memory_space<hbm>> -> memref<8192xf32, #tpu.memory_space<hbm>>
    tpu.wait_dma2 semaphore(%arg8 : memref<!tpu.dma_semaphore, #tpu.memory_space<semaphore_mem>>) src(%dma_wait3A_138 : memref<8192xf32, #tpu.memory_space<hbm>>) dst(%dma_wait3A_137 : memref<8192xf32, #tpu.memory_space<vmem>>)
    %dma_wait3A_139 = arith.constant 8192 : i32
    %dma_wait3A_140 = tpu.memref_slice %arg5[%dma_wait3A_139] : memref<49152xf32, #tpu.memory_space<vmem>> -> memref<8192xf32, #tpu.memory_space<vmem>>
    %dma_wait3A_141 = tpu.memref_slice %arg2[%add3A_126] : memref<19660800xf32, #tpu.memory_space<hbm>> -> memref<8192xf32, #tpu.memory_space<hbm>>
    %dma_wait3A_142 = arith.constant 8192 : i32
    %dma_wait3A_143 = tpu.memref_slice %arg5[%dma_wait3A_142] : memref<49152xf32, #tpu.memory_space<vmem>> -> memref<8192xf32, #tpu.memory_space<vmem>>
    %dma_wait3A_144 = tpu.memref_slice %arg2[%add3A_126] : memref<19660800xf32, #tpu.memory_space<hbm>> -> memref<8192xf32, #tpu.memory_space<hbm>>
    tpu.wait_dma2 semaphore(%arg8 : memref<!tpu.dma_semaphore, #tpu.memory_space<semaphore_mem>>) src(%dma_wait3A_144 : memref<8192xf32, #tpu.memory_space<hbm>>) dst(%dma_wait3A_143 : memref<8192xf32, #tpu.memory_space<vmem>>)
    %dma_wait3A_145 = arith.constant 16384 : i32
    %dma_wait3A_146 = tpu.memref_slice %arg5[%dma_wait3A_145] : memref<49152xf32, #tpu.memory_space<vmem>> -> memref<8192xf32, #tpu.memory_space<vmem>>
    %dma_wait3A_147 = tpu.memref_slice %arg2[%add3A_128] : memref<19660800xf32, #tpu.memory_space<hbm>> -> memref<8192xf32, #tpu.memory_space<hbm>>
    %dma_wait3A_148 = arith.constant 16384 : i32
    %dma_wait3A_149 = tpu.memref_slice %arg5[%dma_wait3A_148] : memref<49152xf32, #tpu.memory_space<vmem>> -> memref<8192xf32, #tpu.memory_space<vmem>>
    %dma_wait3A_150 = tpu.memref_slice %arg2[%add3A_128] : memref<19660800xf32, #tpu.memory_space<hbm>> -> memref<8192xf32, #tpu.memory_space<hbm>>
    tpu.wait_dma2 semaphore(%arg8 : memref<!tpu.dma_semaphore, #tpu.memory_space<semaphore_mem>>) src(%dma_wait3A_150 : memref<8192xf32, #tpu.memory_space<hbm>>) dst(%dma_wait3A_149 : memref<8192xf32, #tpu.memory_space<vmem>>)
    %dma_wait3A_151 = arith.constant 0 : i32
    %dma_wait3A_152 = tpu.memref_slice %arg6[%dma_wait3A_151] : memref<8192xf32, #tpu.memory_space<vmem>> -> memref<4096xf32, #tpu.memory_space<vmem>>
    %dma_wait3A_153 = tpu.memref_slice %arg3[%mul3A_133] : memref<3276800xf32, #tpu.memory_space<hbm>> -> memref<4096xf32, #tpu.memory_space<hbm>>
    %dma_wait3A_154 = arith.constant 0 : i32
    %dma_wait3A_155 = tpu.memref_slice %arg6[%dma_wait3A_154] : memref<8192xf32, #tpu.memory_space<vmem>> -> memref<4096xf32, #tpu.memory_space<vmem>>
    %dma_wait3A_156 = tpu.memref_slice %arg3[%mul3A_133] : memref<3276800xf32, #tpu.memory_space<hbm>> -> memref<4096xf32, #tpu.memory_space<hbm>>
    tpu.wait_dma2 semaphore(%arg8 : memref<!tpu.dma_semaphore, #tpu.memory_space<semaphore_mem>>) src(%dma_wait3A_156 : memref<4096xf32, #tpu.memory_space<hbm>>) dst(%dma_wait3A_155 : memref<4096xf32, #tpu.memory_space<vmem>>)
    %scan3A_157 = arith.constant 0 : i32
    %scan3A_158 = arith.constant 64 : i32
    %scan3A_159 = arith.addi %scan3A_157, %scan3A_158 : i32
    %scan3A_160 = arith.constant 1 : i32
    %scan3A_161:5 = scf.for %scan3A_230 = %scan3A_157 to %scan3A_159 step %scan3A_160 iter_args(%scan3A_231 = %scan3A_56#0, %scan3A_232 = %scan3A_56#1, %scan3A_233 = %scan3A_56#2, %scan3A_234 = %scan3A_56#3, %scan3A_235 = %scan3A_56#4) -> (vector<16xf32>, vector<16xf32>, vector<16xf32>, vector<16xf32>, vector<16xf32>)  : i32 {
      %shift_right_logical3A_236 = arith.constant 3 : i32
      %shift_right_logical3A_237 = arith.shrui %scan3A_230, %shift_right_logical3A_236 : i32
      %and3A_238 = arith.constant 7 : i32
      %and3A_239 = arith.andi %scan3A_230, %and3A_238 : i32
      %mul3A_240 = arith.constant 1024 : i32
      %mul3A_241 = arith.muli %shift_right_logical3A_237, %mul3A_240 : i32
      %mul3A_242 = arith.constant 16 : i32
      %mul3A_243 = arith.muli %and3A_239, %mul3A_242 : i32
      %add3A_244 = arith.addi %mul3A_241, %mul3A_243 : i32
      %add3A_245 = arith.constant 0 : i32
      %add3A_246 = arith.addi %add3A_244, %add3A_245 : i32
      %mul3A_247 = arith.constant 512 : i32
      %mul3A_248 = arith.muli %shift_right_logical3A_237, %mul3A_247 : i32
      %mul3A_249 = arith.constant 16 : i32
      %mul3A_250 = arith.muli %and3A_239, %mul3A_249 : i32
      %add3A_251 = arith.addi %mul3A_248, %mul3A_250 : i32
      %add3A_252 = arith.constant 0 : i32
      %add3A_253 = arith.addi %add3A_251, %add3A_252 : i32
      %get3A = arith.index_cast %add3A_253 : i32 to index
      %get3A_254 = tpu.vector_load %arg6[%get3A] {strides = array<i32>} : memref<8192xf32, #tpu.memory_space<vmem>>, vector<16xf32>,
      %add3A_255 = arith.constant 128 : i32
      %add3A_256 = arith.addi %add3A_253, %add3A_255 : i32
      %get3A_257 = arith.index_cast %add3A_256 : i32 to index
      %get3A_258 = tpu.vector_load %arg6[%get3A_257] {strides = array<i32>} : memref<8192xf32, #tpu.memory_space<vmem>>, vector<16xf32>,
      %add3A_259 = arith.constant 256 : i32
      %add3A_260 = arith.addi %add3A_253, %add3A_259 : i32
      %get3A_261 = arith.index_cast %add3A_260 : i32 to index
      %get3A_262 = tpu.vector_load %arg6[%get3A_261] {strides = array<i32>} : memref<8192xf32, #tpu.memory_space<vmem>>, vector<16xf32>,
      %add3A_263 = arith.constant 384 : i32
      %add3A_264 = arith.addi %add3A_253, %add3A_263 : i32
      %get3A_265 = arith.index_cast %add3A_264 : i32 to index
      %get3A_266 = tpu.vector_load %arg6[%get3A_265] {strides = array<i32>} : memref<8192xf32, #tpu.memory_space<vmem>>, vector<16xf32>,
      %get3A_267 = arith.index_cast %add3A_246 : i32 to index
      %get3A_268 = tpu.vector_load %arg5[%get3A_267] {strides = array<i32>} : memref<49152xf32, #tpu.memory_space<vmem>>, vector<16xf32>,
      %add3A_269 = arith.constant 128 : i32
      %add3A_270 = arith.addi %add3A_246, %add3A_269 : i32
      %get3A_271 = arith.index_cast %add3A_270 : i32 to index
      %get3A_272 = tpu.vector_load %arg5[%get3A_271] {strides = array<i32>} : memref<49152xf32, #tpu.memory_space<vmem>>, vector<16xf32>,
      %add3A_273 = arith.constant 256 : i32
      %add3A_274 = arith.addi %add3A_246, %add3A_273 : i32
      %get3A_275 = arith.index_cast %add3A_274 : i32 to index
      %get3A_276 = tpu.vector_load %arg5[%get3A_275] {strides = array<i32>} : memref<49152xf32, #tpu.memory_space<vmem>>, vector<16xf32>,
      %gt3A = arith.constant 0.000000e+00 : f32
      %gt3A_277 = vector.broadcast %gt3A : f32 to vector<16xf32>
      %gt3A_278 = arith.cmpf ogt, %get3A_262, %gt3A_277 : vector<16xf32>
      %neg3A = arith.constant 0.000000e+00 : f32
      %neg3A_279 = vector.broadcast %neg3A : f32 to vector<16xf32>
      %neg3A_280 = arith.subf %neg3A_279, %get3A_276 : vector<16xf32>
      %exp3A = math.exp %neg3A_280 : vector<16xf32>
      %add3A_281 = arith.constant 1.000000e+00 : f32
      %add3A_282 = vector.broadcast %add3A_281 : f32 to vector<16xf32>
      %add3A_283 = arith.addf %add3A_282, %exp3A : vector<16xf32>
      %div3A = arith.constant 1.000000e+00 : f32
      %div3A_284 = vector.broadcast %div3A : f32 to vector<16xf32>
      %div3A_285 = arith.divf %div3A_284, %add3A_283 : vector<16xf32>
      %sub3A = arith.subf %div3A_285, %get3A_262 : vector<16xf32>
      %mul3A_286 = arith.mulf %sub3A, %sub3A : vector<16xf32>
      %select_n3A = arith.select %gt3A_278, %mul3A_286, %broadcast_in_dim3A_1 : vector<16xi1>, vector<16xf32>
      %add3A_287 = arith.addf %scan3A_233, %select_n3A : vector<16xf32>
      %sub3A_288 = arith.subf %mul3A_286, %select_n3A : vector<16xf32>
      %add3A_289 = arith.addf %scan3A_234, %sub3A_288 : vector<16xf32>
      %neg3A_290 = arith.constant 0.000000e+00 : f32
      %neg3A_291 = vector.broadcast %neg3A_290 : f32 to vector<16xf32>
      %neg3A_292 = arith.subf %neg3A_291, %get3A_268 : vector<16xf32>
      %exp3A_293 = math.exp %neg3A_292 : vector<16xf32>
      %add3A_294 = arith.constant 1.000000e+00 : f32
      %add3A_295 = vector.broadcast %add3A_294 : f32 to vector<16xf32>
      %add3A_296 = arith.addf %add3A_295, %exp3A_293 : vector<16xf32>
      %div3A_297 = arith.constant 1.000000e+00 : f32
      %div3A_298 = vector.broadcast %div3A_297 : f32 to vector<16xf32>
      %div3A_299 = arith.divf %div3A_298, %add3A_296 : vector<16xf32>
      %sub3A_300 = arith.subf %div3A_299, %get3A_254 : vector<16xf32>
      %mul3A_301 = arith.mulf %sub3A_300, %sub3A_300 : vector<16xf32>
      %select_n3A_302 = arith.select %gt3A_278, %mul3A_301, %broadcast_in_dim3A_1 : vector<16xi1>, vector<16xf32>
      %add3A_303 = arith.addf %scan3A_231, %select_n3A_302 : vector<16xf32>
      %mul3A_304 = arith.constant 6.14146852 : f32
      %mul3A_305 = vector.broadcast %mul3A_304 : f32 to vector<16xf32>
      %mul3A_306 = arith.mulf %get3A_258, %mul3A_305 : vector<16xf32>
      %bitcast_convert_type3A = tpu.bitcast %mul3A_306 : vector<16xf32> -> vector<16xi32>
      %shift_right_logical3A_307 = arith.constant 23 : i32
      %shift_right_logical3A_308 = vector.broadcast %shift_right_logical3A_307 : i32 to vector<16xi32>
      %shift_right_logical3A_309 = arith.shrui %bitcast_convert_type3A, %shift_right_logical3A_308 : vector<16xi32>
      %sub3A_310 = arith.constant 127 : i32
      %sub3A_311 = vector.broadcast %sub3A_310 : i32 to vector<16xi32>
      %sub3A_312 = arith.subi %shift_right_logical3A_309, %sub3A_311 : vector<16xi32>
      %and3A_313 = arith.constant 8388607 : i32
      %and3A_314 = vector.broadcast %and3A_313 : i32 to vector<16xi32>
      %and3A_315 = arith.andi %bitcast_convert_type3A, %and3A_314 : vector<16xi32>
      %or3A = arith.constant 1065353216 : i32
      %or3A_316 = vector.broadcast %or3A : i32 to vector<16xi32>
      %or3A_317 = arith.ori %and3A_315, %or3A_316 : vector<16xi32>
      %bitcast_convert_type3A_318 = tpu.bitcast %or3A_317 : vector<16xi32> -> vector<16xf32>
      %sub3A_319 = arith.constant 1.000000e+00 : f32
      %sub3A_320 = vector.broadcast %sub3A_319 : f32 to vector<16xf32>
      %sub3A_321 = arith.subf %bitcast_convert_type3A_318, %sub3A_320 : vector<16xf32>
      %add3A_322 = arith.constant 1.000000e+00 : f32
      %add3A_323 = vector.broadcast %add3A_322 : f32 to vector<16xf32>
      %add3A_324 = arith.addf %bitcast_convert_type3A_318, %add3A_323 : vector<16xf32>
      %div3A_325 = arith.divf %sub3A_321, %add3A_324 : vector<16xf32>
      %mul3A_326 = arith.mulf %div3A_325, %div3A_325 : vector<16xf32>
      %mul3A_327 = arith.constant 0.111111112 : f32
      %mul3A_328 = vector.broadcast %mul3A_327 : f32 to vector<16xf32>
      %mul3A_329 = arith.mulf %mul3A_326, %mul3A_328 : vector<16xf32>
      %add3A_330 = arith.constant 0.142857149 : f32
      %add3A_331 = vector.broadcast %add3A_330 : f32 to vector<16xf32>
      %add3A_332 = arith.addf %add3A_331, %mul3A_329 : vector<16xf32>
      %mul3A_333 = arith.mulf %mul3A_326, %add3A_332 : vector<16xf32>
      %add3A_334 = arith.constant 2.000000e-01 : f32
      %add3A_335 = vector.broadcast %add3A_334 : f32 to vector<16xf32>
      %add3A_336 = arith.addf %add3A_335, %mul3A_333 : vector<16xf32>
      %mul3A_337 = arith.mulf %mul3A_326, %add3A_336 : vector<16xf32>
      %add3A_338 = arith.constant 0.333333343 : f32
      %add3A_339 = vector.broadcast %add3A_338 : f32 to vector<16xf32>
      %add3A_340 = arith.addf %add3A_339, %mul3A_337 : vector<16xf32>
      %mul3A_341 = arith.mulf %mul3A_326, %add3A_340 : vector<16xf32>
      %add3A_342 = arith.constant 1.000000e+00 : f32
      %add3A_343 = vector.broadcast %add3A_342 : f32 to vector<16xf32>
      %add3A_344 = arith.addf %add3A_343, %mul3A_341 : vector<16xf32>
      %convert_element_type3A = arith.sitofp %sub3A_312 : vector<16xi32> to vector<16xf32>
      %mul3A_345 = arith.constant 0.693147182 : f32
      %mul3A_346 = vector.broadcast %mul3A_345 : f32 to vector<16xf32>
      %mul3A_347 = arith.mulf %convert_element_type3A, %mul3A_346 : vector<16xf32>
      %mul3A_348 = arith.constant 2.000000e+00 : f32
      %mul3A_349 = vector.broadcast %mul3A_348 : f32 to vector<16xf32>
      %mul3A_350 = arith.mulf %mul3A_349, %div3A_325 : vector<16xf32>
      %mul3A_351 = arith.mulf %mul3A_350, %add3A_344 : vector<16xf32>
      %add3A_352 = arith.addf %mul3A_347, %mul3A_351 : vector<16xf32>
      %gt3A_353 = arith.constant 0.000000e+00 : f32
      %gt3A_354 = vector.broadcast %gt3A_353 : f32 to vector<16xf32>
      %gt3A_355 = arith.cmpf ogt, %mul3A_306, %gt3A_354 : vector<16xf32>
      %select_n3A_356 = arith.select %gt3A_355, %add3A_352, %broadcast_in_dim3A_5 : vector<16xi1>, vector<16xf32>
      %sub3A_357 = arith.subf %get3A_272, %select_n3A_356 : vector<16xf32>
      %mul3A_358 = arith.mulf %sub3A_357, %sub3A_357 : vector<16xf32>
      %select_n3A_359 = arith.select %gt3A_278, %mul3A_358, %broadcast_in_dim3A_1 : vector<16xi1>, vector<16xf32>
      %add3A_360 = arith.addf %scan3A_232, %select_n3A_359 : vector<16xf32>
      %add3A_361 = arith.constant 384 : i32
      %add3A_362 = arith.addi %add3A_246, %add3A_361 : i32
      %get3A_363 = arith.index_cast %add3A_362 : i32 to index
      %get3A_364 = tpu.vector_load %arg5[%get3A_363] {strides = array<i32>} : memref<49152xf32, #tpu.memory_space<vmem>>, vector<16xf32>,
      %exp3A_365 = math.exp %get3A_364 : vector<16xf32>
      %add3A_366 = arith.addf %broadcast_in_dim3A_1, %exp3A_365 : vector<16xf32>
      %mul3A_367 = arith.constant 1.000000e+00 : f32
      %mul3A_368 = vector.broadcast %mul3A_367 : f32 to vector<16xf32>
      %mul3A_369 = arith.mulf %exp3A_365, %mul3A_368 : vector<16xf32>
      %add3A_370 = arith.addf %broadcast_in_dim3A_1, %mul3A_369 : vector<16xf32>
      %add3A_371 = arith.constant 512 : i32
      %add3A_372 = arith.addi %add3A_246, %add3A_371 : i32
      %get3A_373 = arith.index_cast %add3A_372 : i32 to index
      %get3A_374 = tpu.vector_load %arg5[%get3A_373] {strides = array<i32>} : memref<49152xf32, #tpu.memory_space<vmem>>, vector<16xf32>,
      %exp3A_375 = math.exp %get3A_374 : vector<16xf32>
      %add3A_376 = arith.addf %add3A_366, %exp3A_375 : vector<16xf32>
      %mul3A_377 = arith.constant 1.500000e+00 : f32
      %mul3A_378 = vector.broadcast %mul3A_377 : f32 to vector<16xf32>
      %mul3A_379 = arith.mulf %exp3A_375, %mul3A_378 : vector<16xf32>
      %add3A_380 = arith.addf %add3A_370, %mul3A_379 : vector<16xf32>
      %add3A_381 = arith.constant 640 : i32
      %add3A_382 = arith.addi %add3A_246, %add3A_381 : i32
      %get3A_383 = arith.index_cast %add3A_382 : i32 to index
      %get3A_384 = tpu.vector_load %arg5[%get3A_383] {strides = array<i32>} : memref<49152xf32, #tpu.memory_space<vmem>>, vector<16xf32>,
      %exp3A_385 = math.exp %get3A_384 : vector<16xf32>
      %add3A_386 = arith.addf %add3A_376, %exp3A_385 : vector<16xf32>
      %mul3A_387 = arith.constant 2.000000e+00 : f32
      %mul3A_388 = vector.broadcast %mul3A_387 : f32 to vector<16xf32>
      %mul3A_389 = arith.mulf %exp3A_385, %mul3A_388 : vector<16xf32>
      %add3A_390 = arith.addf %add3A_380, %mul3A_389 : vector<16xf32>
      %add3A_391 = arith.constant 768 : i32
      %add3A_392 = arith.addi %add3A_246, %add3A_391 : i32
      %get3A_393 = arith.index_cast %add3A_392 : i32 to index
      %get3A_394 = tpu.vector_load %arg5[%get3A_393] {strides = array<i32>} : memref<49152xf32, #tpu.memory_space<vmem>>, vector<16xf32>,
      %exp3A_395 = math.exp %get3A_394 : vector<16xf32>
      %add3A_396 = arith.addf %add3A_386, %exp3A_395 : vector<16xf32>
      %mul3A_397 = arith.constant 2.500000e+00 : f32
      %mul3A_398 = vector.broadcast %mul3A_397 : f32 to vector<16xf32>
      %mul3A_399 = arith.mulf %exp3A_395, %mul3A_398 : vector<16xf32>
      %add3A_400 = arith.addf %add3A_390, %mul3A_399 : vector<16xf32>
      %add3A_401 = arith.constant 896 : i32
      %add3A_402 = arith.addi %add3A_246, %add3A_401 : i32
      %get3A_403 = arith.index_cast %add3A_402 : i32 to index
      %get3A_404 = tpu.vector_load %arg5[%get3A_403] {strides = array<i32>} : memref<49152xf32, #tpu.memory_space<vmem>>, vector<16xf32>,
      %exp3A_405 = math.exp %get3A_404 : vector<16xf32>
      %add3A_406 = arith.addf %add3A_396, %exp3A_405 : vector<16xf32>
      %mul3A_407 = arith.constant 3.000000e+00 : f32
      %mul3A_408 = vector.broadcast %mul3A_407 : f32 to vector<16xf32>
      %mul3A_409 = arith.mulf %exp3A_405, %mul3A_408 : vector<16xf32>
      %add3A_410 = arith.addf %add3A_400, %mul3A_409 : vector<16xf32>
      %add3A_411 = arith.constant 8192 : i32
      %add3A_412 = arith.addi %add3A_246, %add3A_411 : i32
      %get3A_413 = arith.index_cast %add3A_412 : i32 to index
      %get3A_414 = tpu.vector_load %arg5[%get3A_413] {strides = array<i32>} : memref<49152xf32, #tpu.memory_space<vmem>>, vector<16xf32>,
      %exp3A_415 = math.exp %get3A_414 : vector<16xf32>
      %add3A_416 = arith.addf %add3A_406, %exp3A_415 : vector<16xf32>
      %mul3A_417 = arith.constant 3.500000e+00 : f32
      %mul3A_418 = vector.broadcast %mul3A_417 : f32 to vector<16xf32>
      %mul3A_419 = arith.mulf %exp3A_415, %mul3A_418 : vector<16xf32>
      %add3A_420 = arith.addf %add3A_410, %mul3A_419 : vector<16xf32>
      %add3A_421 = arith.constant 8320 : i32
      %add3A_422 = arith.addi %add3A_246, %add3A_421 : i32
      %get3A_423 = arith.index_cast %add3A_422 : i32 to index
      %get3A_424 = tpu.vector_load %arg5[%get3A_423] {strides = array<i32>} : memref<49152xf32, #tpu.memory_space<vmem>>, vector<16xf32>,
      %exp3A_425 = math.exp %get3A_424 : vector<16xf32>
      %add3A_426 = arith.addf %add3A_416, %exp3A_425 : vector<16xf32>
      %mul3A_427 = arith.constant 4.000000e+00 : f32
      %mul3A_428 = vector.broadcast %mul3A_427 : f32 to vector<16xf32>
      %mul3A_429 = arith.mulf %exp3A_425, %mul3A_428 : vector<16xf32>
      %add3A_430 = arith.addf %add3A_420, %mul3A_429 : vector<16xf32>
      %add3A_431 = arith.constant 8448 : i32
      %add3A_432 = arith.addi %add3A_246, %add3A_431 : i32
      %get3A_433 = arith.index_cast %add3A_432 : i32 to index
      %get3A_434 = tpu.vector_load %arg5[%get3A_433] {strides = array<i32>} : memref<49152xf32, #tpu.memory_space<vmem>>, vector<16xf32>,
      %exp3A_435 = math.exp %get3A_434 : vector<16xf32>
      %add3A_436 = arith.addf %add3A_426, %exp3A_435 : vector<16xf32>
      %mul3A_437 = arith.constant 4.500000e+00 : f32
      %mul3A_438 = vector.broadcast %mul3A_437 : f32 to vector<16xf32>
      %mul3A_439 = arith.mulf %exp3A_435, %mul3A_438 : vector<16xf32>
      %add3A_440 = arith.addf %add3A_430, %mul3A_439 : vector<16xf32>
      %add3A_441 = arith.constant 8576 : i32
      %add3A_442 = arith.addi %add3A_246, %add3A_441 : i32
      %get3A_443 = arith.index_cast %add3A_442 : i32 to index
      %get3A_444 = tpu.vector_load %arg5[%get3A_443] {strides = array<i32>} : memref<49152xf32, #tpu.memory_space<vmem>>, vector<16xf32>,
      %exp3A_445 = math.exp %get3A_444 : vector<16xf32>
      %add3A_446 = arith.addf %add3A_436, %exp3A_445 : vector<16xf32>
      %mul3A_447 = arith.constant 5.000000e+00 : f32
      %mul3A_448 = vector.broadcast %mul3A_447 : f32 to vector<16xf32>
      %mul3A_449 = arith.mulf %exp3A_445, %mul3A_448 : vector<16xf32>
      %add3A_450 = arith.addf %add3A_440, %mul3A_449 : vector<16xf32>
      %add3A_451 = arith.constant 8704 : i32
      %add3A_452 = arith.addi %add3A_246, %add3A_451 : i32
      %get3A_453 = arith.index_cast %add3A_452 : i32 to index
      %get3A_454 = tpu.vector_load %arg5[%get3A_453] {strides = array<i32>} : memref<49152xf32, #tpu.memory_space<vmem>>, vector<16xf32>,
      %exp3A_455 = math.exp %get3A_454 : vector<16xf32>
      %add3A_456 = arith.addf %add3A_446, %exp3A_455 : vector<16xf32>
      %mul3A_457 = arith.constant 5.500000e+00 : f32
      %mul3A_458 = vector.broadcast %mul3A_457 : f32 to vector<16xf32>
      %mul3A_459 = arith.mulf %exp3A_455, %mul3A_458 : vector<16xf32>
      %add3A_460 = arith.addf %add3A_450, %mul3A_459 : vector<16xf32>
      %add3A_461 = arith.constant 8832 : i32
      %add3A_462 = arith.addi %add3A_246, %add3A_461 : i32
      %get3A_463 = arith.index_cast %add3A_462 : i32 to index
      %get3A_464 = tpu.vector_load %arg5[%get3A_463] {strides = array<i32>} : memref<49152xf32, #tpu.memory_space<vmem>>, vector<16xf32>,
      %exp3A_465 = math.exp %get3A_464 : vector<16xf32>
      %add3A_466 = arith.addf %add3A_456, %exp3A_465 : vector<16xf32>
      %mul3A_467 = arith.constant 6.000000e+00 : f32
      %mul3A_468 = vector.broadcast %mul3A_467 : f32 to vector<16xf32>
      %mul3A_469 = arith.mulf %exp3A_465, %mul3A_468 : vector<16xf32>
      %add3A_470 = arith.addf %add3A_460, %mul3A_469 : vector<16xf32>
      %add3A_471 = arith.constant 8960 : i32
      %add3A_472 = arith.addi %add3A_246, %add3A_471 : i32
      %get3A_473 = arith.index_cast %add3A_472 : i32 to index
      %get3A_474 = tpu.vector_load %arg5[%get3A_473] {strides = array<i32>} : memref<49152xf32, #tpu.memory_space<vmem>>, vector<16xf32>,
      %exp3A_475 = math.exp %get3A_474 : vector<16xf32>
      %add3A_476 = arith.addf %add3A_466, %exp3A_475 : vector<16xf32>
      %mul3A_477 = arith.constant 6.500000e+00 : f32
      %mul3A_478 = vector.broadcast %mul3A_477 : f32 to vector<16xf32>
      %mul3A_479 = arith.mulf %exp3A_475, %mul3A_478 : vector<16xf32>
      %add3A_480 = arith.addf %add3A_470, %mul3A_479 : vector<16xf32>
      %add3A_481 = arith.constant 9088 : i32
      %add3A_482 = arith.addi %add3A_246, %add3A_481 : i32
      %get3A_483 = arith.index_cast %add3A_482 : i32 to index
      %get3A_484 = tpu.vector_load %arg5[%get3A_483] {strides = array<i32>} : memref<49152xf32, #tpu.memory_space<vmem>>, vector<16xf32>,
      %exp3A_485 = math.exp %get3A_484 : vector<16xf32>
      %add3A_486 = arith.addf %add3A_476, %exp3A_485 : vector<16xf32>
      %mul3A_487 = arith.constant 7.000000e+00 : f32
      %mul3A_488 = vector.broadcast %mul3A_487 : f32 to vector<16xf32>
      %mul3A_489 = arith.mulf %exp3A_485, %mul3A_488 : vector<16xf32>
      %add3A_490 = arith.addf %add3A_480, %mul3A_489 : vector<16xf32>
      %add3A_491 = arith.constant 16384 : i32
      %add3A_492 = arith.addi %add3A_246, %add3A_491 : i32
      %get3A_493 = arith.index_cast %add3A_492 : i32 to index
      %get3A_494 = tpu.vector_load %arg5[%get3A_493] {strides = array<i32>} : memref<49152xf32, #tpu.memory_space<vmem>>, vector<16xf32>,
      %exp3A_495 = math.exp %get3A_494 : vector<16xf32>
      %add3A_496 = arith.addf %add3A_486, %exp3A_495 : vector<16xf32>
      %mul3A_497 = arith.constant 7.500000e+00 : f32
      %mul3A_498 = vector.broadcast %mul3A_497 : f32 to vector<16xf32>
      %mul3A_499 = arith.mulf %exp3A_495, %mul3A_498 : vector<16xf32>
      %add3A_500 = arith.addf %add3A_490, %mul3A_499 : vector<16xf32>
      %add3A_501 = arith.constant 16512 : i32
      %add3A_502 = arith.addi %add3A_246, %add3A_501 : i32
      %get3A_503 = arith.index_cast %add3A_502 : i32 to index
      %get3A_504 = tpu.vector_load %arg5[%get3A_503] {strides = array<i32>} : memref<49152xf32, #tpu.memory_space<vmem>>, vector<16xf32>,
      %exp3A_505 = math.exp %get3A_504 : vector<16xf32>
      %add3A_506 = arith.addf %add3A_496, %exp3A_505 : vector<16xf32>
      %mul3A_507 = arith.constant 8.000000e+00 : f32
      %mul3A_508 = vector.broadcast %mul3A_507 : f32 to vector<16xf32>
      %mul3A_509 = arith.mulf %exp3A_505, %mul3A_508 : vector<16xf32>
      %add3A_510 = arith.addf %add3A_500, %mul3A_509 : vector<16xf32>
      %add3A_511 = arith.constant 16640 : i32
      %add3A_512 = arith.addi %add3A_246, %add3A_511 : i32
      %get3A_513 = arith.index_cast %add3A_512 : i32 to index
      %get3A_514 = tpu.vector_load %arg5[%get3A_513] {strides = array<i32>} : memref<49152xf32, #tpu.memory_space<vmem>>, vector<16xf32>,
      %exp3A_515 = math.exp %get3A_514 : vector<16xf32>
      %add3A_516 = arith.addf %add3A_506, %exp3A_515 : vector<16xf32>
      %mul3A_517 = arith.constant 8.500000e+00 : f32
      %mul3A_518 = vector.broadcast %mul3A_517 : f32 to vector<16xf32>
      %mul3A_519 = arith.mulf %exp3A_515, %mul3A_518 : vector<16xf32>
      %add3A_520 = arith.addf %add3A_510, %mul3A_519 : vector<16xf32>
      %add3A_521 = arith.constant 16768 : i32
      %add3A_522 = arith.addi %add3A_246, %add3A_521 : i32
      %get3A_523 = arith.index_cast %add3A_522 : i32 to index
      %get3A_524 = tpu.vector_load %arg5[%get3A_523] {strides = array<i32>} : memref<49152xf32, #tpu.memory_space<vmem>>, vector<16xf32>,
      %exp3A_525 = math.exp %get3A_524 : vector<16xf32>
      %add3A_526 = arith.addf %add3A_516, %exp3A_525 : vector<16xf32>
      %mul3A_527 = arith.constant 9.000000e+00 : f32
      %mul3A_528 = vector.broadcast %mul3A_527 : f32 to vector<16xf32>
      %mul3A_529 = arith.mulf %exp3A_525, %mul3A_528 : vector<16xf32>
      %add3A_530 = arith.addf %add3A_520, %mul3A_529 : vector<16xf32>
      %add3A_531 = arith.constant 16896 : i32
      %add3A_532 = arith.addi %add3A_246, %add3A_531 : i32
      %get3A_533 = arith.index_cast %add3A_532 : i32 to index
      %get3A_534 = tpu.vector_load %arg5[%get3A_533] {strides = array<i32>} : memref<49152xf32, #tpu.memory_space<vmem>>, vector<16xf32>,
      %exp3A_535 = math.exp %get3A_534 : vector<16xf32>
      %add3A_536 = arith.addf %add3A_526, %exp3A_535 : vector<16xf32>
      %mul3A_537 = arith.constant 9.500000e+00 : f32
      %mul3A_538 = vector.broadcast %mul3A_537 : f32 to vector<16xf32>
      %mul3A_539 = arith.mulf %exp3A_535, %mul3A_538 : vector<16xf32>
      %add3A_540 = arith.addf %add3A_530, %mul3A_539 : vector<16xf32>
      %add3A_541 = arith.constant 17024 : i32
      %add3A_542 = arith.addi %add3A_246, %add3A_541 : i32
      %get3A_543 = arith.index_cast %add3A_542 : i32 to index
      %get3A_544 = tpu.vector_load %arg5[%get3A_543] {strides = array<i32>} : memref<49152xf32, #tpu.memory_space<vmem>>, vector<16xf32>,
      %exp3A_545 = math.exp %get3A_544 : vector<16xf32>
      %add3A_546 = arith.addf %add3A_536, %exp3A_545 : vector<16xf32>
      %mul3A_547 = arith.constant 1.000000e+01 : f32
      %mul3A_548 = vector.broadcast %mul3A_547 : f32 to vector<16xf32>
      %mul3A_549 = arith.mulf %exp3A_545, %mul3A_548 : vector<16xf32>
      %add3A_550 = arith.addf %add3A_540, %mul3A_549 : vector<16xf32>
      %add3A_551 = arith.constant 17152 : i32
      %add3A_552 = arith.addi %add3A_246, %add3A_551 : i32
      %get3A_553 = arith.index_cast %add3A_552 : i32 to index
      %get3A_554 = tpu.vector_load %arg5[%get3A_553] {strides = array<i32>} : memref<49152xf32, #tpu.memory_space<vmem>>, vector<16xf32>,
      %exp3A_555 = math.exp %get3A_554 : vector<16xf32>
      %add3A_556 = arith.addf %add3A_546, %exp3A_555 : vector<16xf32>
      %mul3A_557 = arith.constant 1.050000e+01 : f32
      %mul3A_558 = vector.broadcast %mul3A_557 : f32 to vector<16xf32>
      %mul3A_559 = arith.mulf %exp3A_555, %mul3A_558 : vector<16xf32>
      %add3A_560 = arith.addf %add3A_550, %mul3A_559 : vector<16xf32>
      %add3A_561 = arith.constant 17280 : i32
      %add3A_562 = arith.addi %add3A_246, %add3A_561 : i32
      %get3A_563 = arith.index_cast %add3A_562 : i32 to index
      %get3A_564 = tpu.vector_load %arg5[%get3A_563] {strides = array<i32>} : memref<49152xf32, #tpu.memory_space<vmem>>, vector<16xf32>,
      %exp3A_565 = math.exp %get3A_564 : vector<16xf32>
      %add3A_566 = arith.addf %add3A_556, %exp3A_565 : vector<16xf32>
      %mul3A_567 = arith.constant 1.100000e+01 : f32
      %mul3A_568 = vector.broadcast %mul3A_567 : f32 to vector<16xf32>
      %mul3A_569 = arith.mulf %exp3A_565, %mul3A_568 : vector<16xf32>
      %add3A_570 = arith.addf %add3A_560, %mul3A_569 : vector<16xf32>
      %add3A_571 = arith.addf %add3A_570, %add3A_566 : vector<16xf32>
      %mul3A_572 = arith.constant 1.000000e+01 : f32
      %mul3A_573 = vector.broadcast %mul3A_572 : f32 to vector<16xf32>
      %mul3A_574 = arith.mulf %mul3A_573, %add3A_571 : vector<16xf32>
      %add3A_575 = arith.constant 1.000000e+00 : f32
      %add3A_576 = vector.broadcast %add3A_575 : f32 to vector<16xf32>
      %add3A_577 = arith.addf %get3A_266, %add3A_576 : vector<16xf32>
      %mul3A_578 = arith.mulf %add3A_566, %add3A_577 : vector<16xf32>
      %div3A_579 = arith.divf %mul3A_574, %mul3A_578 : vector<16xf32>
      %sub3A_580 = arith.constant 1.000000e+01 : f32
      %sub3A_581 = vector.broadcast %sub3A_580 : f32 to vector<16xf32>
      %sub3A_582 = arith.subf %div3A_579, %sub3A_581 : vector<16xf32>
      %abs3A = math.absf %sub3A_582 : vector<16xf32>
      %lt3A = arith.constant 1.000000e+00 : f32
      %lt3A_583 = vector.broadcast %lt3A : f32 to vector<16xf32>
      %lt3A_584 = arith.cmpf olt, %abs3A, %lt3A_583 : vector<16xf32>
      %mul3A_585 = arith.constant 5.000000e-01 : f32
      %mul3A_586 = vector.broadcast %mul3A_585 : f32 to vector<16xf32>
      %mul3A_587 = arith.mulf %mul3A_586, %sub3A_582 : vector<16xf32>
      %mul3A_588 = arith.mulf %mul3A_587, %sub3A_582 : vector<16xf32>
      %sub3A_589 = arith.constant 5.000000e-01 : f32
      %sub3A_590 = vector.broadcast %sub3A_589 : f32 to vector<16xf32>
      %sub3A_591 = arith.subf %abs3A, %sub3A_590 : vector<16xf32>
      %select_n3A_592 = arith.select %lt3A_584, %mul3A_588, %sub3A_591 : vector<16xi1>, vector<16xf32>
      %gt3A_593 = arith.constant 0.000000e+00 : f32
      %gt3A_594 = vector.broadcast %gt3A_593 : f32 to vector<16xf32>
      %gt3A_595 = arith.cmpf ogt, %get3A_266, %gt3A_594 : vector<16xf32>
      %and3A_596 = arith.andi %gt3A_278, %gt3A_595 : vector<16xi1>
      %select_n3A_597 = arith.select %and3A_596, %select_n3A_592, %broadcast_in_dim3A_1 : vector<16xi1>, vector<16xf32>
      %add3A_598 = arith.addf %scan3A_235, %select_n3A_597 : vector<16xf32>
      scf.yield %add3A_303, %add3A_360, %add3A_287, %add3A_289, %add3A_598 : vector<16xf32>, vector<16xf32>, vector<16xf32>, vector<16xf32>, vector<16xf32>
    }
    %scan3A_162 = arith.constant 64 : i32
    %mul3A_163 = arith.constant 16 : i32
    %mul3A_164 = arith.muli %add3A, %mul3A_163 : i32
    %add3A_165 = arith.constant 15 : i32
    %add3A_166 = arith.addi %mul3A_164, %add3A_165 : i32
    %shift_right_logical3A_167 = arith.constant 3 : i32
    %shift_right_logical3A_168 = arith.shrui %add3A_166, %shift_right_logical3A_167 : i32
    %and3A_169 = arith.constant 7 : i32
    %and3A_170 = arith.andi %add3A_166, %and3A_169 : i32
    %mul3A_171 = arith.constant 8 : i32
    %mul3A_172 = arith.muli %and3A_170, %mul3A_171 : i32
    %mul3A_173 = arith.constant 192 : i32
    %mul3A_174 = arith.muli %shift_right_logical3A_168, %mul3A_173 : i32
    %add3A_175 = arith.addi %mul3A_174, %mul3A_172 : i32
    %mul3A_176 = arith.constant 1024 : i32
    %mul3A_177 = arith.muli %add3A_175, %mul3A_176 : i32
    %add3A_178 = arith.constant 0 : i32
    %add3A_179 = arith.addi %mul3A_177, %add3A_178 : i32
    %add3A_180 = arith.constant 65536 : i32
    %add3A_181 = arith.addi %mul3A_177, %add3A_180 : i32
    %add3A_182 = arith.constant 131072 : i32
    %add3A_183 = arith.addi %mul3A_177, %add3A_182 : i32
    %mul3A_184 = arith.constant 64 : i32
    %mul3A_185 = arith.muli %shift_right_logical3A_168, %mul3A_184 : i32
    %add3A_186 = arith.addi %mul3A_185, %mul3A_172 : i32
    %mul3A_187 = arith.constant 512 : i32
    %mul3A_188 = arith.muli %add3A_186, %mul3A_187 : i32
    %dma_wait3A_189 = arith.constant 24576 : i32
    %dma_wait3A_190 = tpu.memref_slice %arg5[%dma_wait3A_189] : memref<49152xf32, #tpu.memory_space<vmem>> -> memref<8192xf32, #tpu.memory_space<vmem>>
    %dma_wait3A_191 = tpu.memref_slice %arg2[%add3A_179] : memref<19660800xf32, #tpu.memory_space<hbm>> -> memref<8192xf32, #tpu.memory_space<hbm>>
    %dma_wait3A_192 = arith.constant 24576 : i32
    %dma_wait3A_193 = tpu.memref_slice %arg5[%dma_wait3A_192] : memref<49152xf32, #tpu.memory_space<vmem>> -> memref<8192xf32, #tpu.memory_space<vmem>>
    %dma_wait3A_194 = tpu.memref_slice %arg2[%add3A_179] : memref<19660800xf32, #tpu.memory_space<hbm>> -> memref<8192xf32, #tpu.memory_space<hbm>>
    tpu.wait_dma2 semaphore(%arg9 : memref<!tpu.dma_semaphore, #tpu.memory_space<semaphore_mem>>) src(%dma_wait3A_194 : memref<8192xf32, #tpu.memory_space<hbm>>) dst(%dma_wait3A_193 : memref<8192xf32, #tpu.memory_space<vmem>>)
    %dma_wait3A_195 = arith.constant 32768 : i32
    %dma_wait3A_196 = tpu.memref_slice %arg5[%dma_wait3A_195] : memref<49152xf32, #tpu.memory_space<vmem>> -> memref<8192xf32, #tpu.memory_space<vmem>>
    %dma_wait3A_197 = tpu.memref_slice %arg2[%add3A_181] : memref<19660800xf32, #tpu.memory_space<hbm>> -> memref<8192xf32, #tpu.memory_space<hbm>>
    %dma_wait3A_198 = arith.constant 32768 : i32
    %dma_wait3A_199 = tpu.memref_slice %arg5[%dma_wait3A_198] : memref<49152xf32, #tpu.memory_space<vmem>> -> memref<8192xf32, #tpu.memory_space<vmem>>
    %dma_wait3A_200 = tpu.memref_slice %arg2[%add3A_181] : memref<19660800xf32, #tpu.memory_space<hbm>> -> memref<8192xf32, #tpu.memory_space<hbm>>
    tpu.wait_dma2 semaphore(%arg9 : memref<!tpu.dma_semaphore, #tpu.memory_space<semaphore_mem>>) src(%dma_wait3A_200 : memref<8192xf32, #tpu.memory_space<hbm>>) dst(%dma_wait3A_199 : memref<8192xf32, #tpu.memory_space<vmem>>)
    %dma_wait3A_201 = arith.constant 40960 : i32
    %dma_wait3A_202 = tpu.memref_slice %arg5[%dma_wait3A_201] : memref<49152xf32, #tpu.memory_space<vmem>> -> memref<8192xf32, #tpu.memory_space<vmem>>
    %dma_wait3A_203 = tpu.memref_slice %arg2[%add3A_183] : memref<19660800xf32, #tpu.memory_space<hbm>> -> memref<8192xf32, #tpu.memory_space<hbm>>
    %dma_wait3A_204 = arith.constant 40960 : i32
    %dma_wait3A_205 = tpu.memref_slice %arg5[%dma_wait3A_204] : memref<49152xf32, #tpu.memory_space<vmem>> -> memref<8192xf32, #tpu.memory_space<vmem>>
    %dma_wait3A_206 = tpu.memref_slice %arg2[%add3A_183] : memref<19660800xf32, #tpu.memory_space<hbm>> -> memref<8192xf32, #tpu.memory_space<hbm>>
    tpu.wait_dma2 semaphore(%arg9 : memref<!tpu.dma_semaphore, #tpu.memory_space<semaphore_mem>>) src(%dma_wait3A_206 : memref<8192xf32, #tpu.memory_space<hbm>>) dst(%dma_wait3A_205 : memref<8192xf32, #tpu.memory_space<vmem>>)
    %dma_wait3A_207 = arith.constant 4096 : i32
    %dma_wait3A_208 = tpu.memref_slice %arg6[%dma_wait3A_207] : memref<8192xf32, #tpu.memory_space<vmem>> -> memref<4096xf32, #tpu.memory_space<vmem>>
    %dma_wait3A_209 = tpu.memref_slice %arg3[%mul3A_188] : memref<3276800xf32, #tpu.memory_space<hbm>> -> memref<4096xf32, #tpu.memory_space<hbm>>
    %dma_wait3A_210 = arith.constant 4096 : i32
    %dma_wait3A_211 = tpu.memref_slice %arg6[%dma_wait3A_210] : memref<8192xf32, #tpu.memory_space<vmem>> -> memref<4096xf32, #tpu.memory_space<vmem>>
    %dma_wait3A_212 = tpu.memref_slice %arg3[%mul3A_188] : memref<3276800xf32, #tpu.memory_space<hbm>> -> memref<4096xf32, #tpu.memory_space<hbm>>
    tpu.wait_dma2 semaphore(%arg9 : memref<!tpu.dma_semaphore, #tpu.memory_space<semaphore_mem>>) src(%dma_wait3A_212 : memref<4096xf32, #tpu.memory_space<hbm>>) dst(%dma_wait3A_211 : memref<4096xf32, #tpu.memory_space<vmem>>)
    %scan3A_213 = arith.constant 0 : i32
    %scan3A_214 = arith.constant 64 : i32
    %scan3A_215 = arith.addi %scan3A_213, %scan3A_214 : i32
    %scan3A_216 = arith.constant 1 : i32
    %scan3A_217:5 = scf.for %scan3A_230 = %scan3A_213 to %scan3A_215 step %scan3A_216 iter_args(%scan3A_231 = %scan3A_161#0, %scan3A_232 = %scan3A_161#1, %scan3A_233 = %scan3A_161#2, %scan3A_234 = %scan3A_161#3, %scan3A_235 = %scan3A_161#4) -> (vector<16xf32>, vector<16xf32>, vector<16xf32>, vector<16xf32>, vector<16xf32>)  : i32 {
      %shift_right_logical3A_236 = arith.constant 3 : i32
      %shift_right_logical3A_237 = arith.shrui %scan3A_230, %shift_right_logical3A_236 : i32
      %and3A_238 = arith.constant 7 : i32
      %and3A_239 = arith.andi %scan3A_230, %and3A_238 : i32
      %mul3A_240 = arith.constant 1024 : i32
      %mul3A_241 = arith.muli %shift_right_logical3A_237, %mul3A_240 : i32
      %mul3A_242 = arith.constant 16 : i32
      %mul3A_243 = arith.muli %and3A_239, %mul3A_242 : i32
      %add3A_244 = arith.addi %mul3A_241, %mul3A_243 : i32
      %add3A_245 = arith.constant 24576 : i32
      %add3A_246 = arith.addi %add3A_244, %add3A_245 : i32
      %mul3A_247 = arith.constant 512 : i32
      %mul3A_248 = arith.muli %shift_right_logical3A_237, %mul3A_247 : i32
      %mul3A_249 = arith.constant 16 : i32
      %mul3A_250 = arith.muli %and3A_239, %mul3A_249 : i32
      %add3A_251 = arith.addi %mul3A_248, %mul3A_250 : i32
      %add3A_252 = arith.constant 4096 : i32
      %add3A_253 = arith.addi %add3A_251, %add3A_252 : i32
      %get3A = arith.index_cast %add3A_253 : i32 to index
      %get3A_254 = tpu.vector_load %arg6[%get3A] {strides = array<i32>} : memref<8192xf32, #tpu.memory_space<vmem>>, vector<16xf32>,
      %add3A_255 = arith.constant 128 : i32
      %add3A_256 = arith.addi %add3A_253, %add3A_255 : i32
      %get3A_257 = arith.index_cast %add3A_256 : i32 to index
      %get3A_258 = tpu.vector_load %arg6[%get3A_257] {strides = array<i32>} : memref<8192xf32, #tpu.memory_space<vmem>>, vector<16xf32>,
      %add3A_259 = arith.constant 256 : i32
      %add3A_260 = arith.addi %add3A_253, %add3A_259 : i32
      %get3A_261 = arith.index_cast %add3A_260 : i32 to index
      %get3A_262 = tpu.vector_load %arg6[%get3A_261] {strides = array<i32>} : memref<8192xf32, #tpu.memory_space<vmem>>, vector<16xf32>,
      %add3A_263 = arith.constant 384 : i32
      %add3A_264 = arith.addi %add3A_253, %add3A_263 : i32
      %get3A_265 = arith.index_cast %add3A_264 : i32 to index
      %get3A_266 = tpu.vector_load %arg6[%get3A_265] {strides = array<i32>} : memref<8192xf32, #tpu.memory_space<vmem>>, vector<16xf32>,
      %get3A_267 = arith.index_cast %add3A_246 : i32 to index
      %get3A_268 = tpu.vector_load %arg5[%get3A_267] {strides = array<i32>} : memref<49152xf32, #tpu.memory_space<vmem>>, vector<16xf32>,
      %add3A_269 = arith.constant 128 : i32
      %add3A_270 = arith.addi %add3A_246, %add3A_269 : i32
      %get3A_271 = arith.index_cast %add3A_270 : i32 to index
      %get3A_272 = tpu.vector_load %arg5[%get3A_271] {strides = array<i32>} : memref<49152xf32, #tpu.memory_space<vmem>>, vector<16xf32>,
      %add3A_273 = arith.constant 256 : i32
      %add3A_274 = arith.addi %add3A_246, %add3A_273 : i32
      %get3A_275 = arith.index_cast %add3A_274 : i32 to index
      %get3A_276 = tpu.vector_load %arg5[%get3A_275] {strides = array<i32>} : memref<49152xf32, #tpu.memory_space<vmem>>, vector<16xf32>,
      %gt3A = arith.constant 0.000000e+00 : f32
      %gt3A_277 = vector.broadcast %gt3A : f32 to vector<16xf32>
      %gt3A_278 = arith.cmpf ogt, %get3A_262, %gt3A_277 : vector<16xf32>
      %neg3A = arith.constant 0.000000e+00 : f32
      %neg3A_279 = vector.broadcast %neg3A : f32 to vector<16xf32>
      %neg3A_280 = arith.subf %neg3A_279, %get3A_276 : vector<16xf32>
      %exp3A = math.exp %neg3A_280 : vector<16xf32>
      %add3A_281 = arith.constant 1.000000e+00 : f32
      %add3A_282 = vector.broadcast %add3A_281 : f32 to vector<16xf32>
      %add3A_283 = arith.addf %add3A_282, %exp3A : vector<16xf32>
      %div3A = arith.constant 1.000000e+00 : f32
      %div3A_284 = vector.broadcast %div3A : f32 to vector<16xf32>
      %div3A_285 = arith.divf %div3A_284, %add3A_283 : vector<16xf32>
      %sub3A = arith.subf %div3A_285, %get3A_262 : vector<16xf32>
      %mul3A_286 = arith.mulf %sub3A, %sub3A : vector<16xf32>
      %select_n3A = arith.select %gt3A_278, %mul3A_286, %broadcast_in_dim3A_1 : vector<16xi1>, vector<16xf32>
      %add3A_287 = arith.addf %scan3A_233, %select_n3A : vector<16xf32>
      %sub3A_288 = arith.subf %mul3A_286, %select_n3A : vector<16xf32>
      %add3A_289 = arith.addf %scan3A_234, %sub3A_288 : vector<16xf32>
      %neg3A_290 = arith.constant 0.000000e+00 : f32
      %neg3A_291 = vector.broadcast %neg3A_290 : f32 to vector<16xf32>
      %neg3A_292 = arith.subf %neg3A_291, %get3A_268 : vector<16xf32>
      %exp3A_293 = math.exp %neg3A_292 : vector<16xf32>
      %add3A_294 = arith.constant 1.000000e+00 : f32
      %add3A_295 = vector.broadcast %add3A_294 : f32 to vector<16xf32>
      %add3A_296 = arith.addf %add3A_295, %exp3A_293 : vector<16xf32>
      %div3A_297 = arith.constant 1.000000e+00 : f32
      %div3A_298 = vector.broadcast %div3A_297 : f32 to vector<16xf32>
      %div3A_299 = arith.divf %div3A_298, %add3A_296 : vector<16xf32>
      %sub3A_300 = arith.subf %div3A_299, %get3A_254 : vector<16xf32>
      %mul3A_301 = arith.mulf %sub3A_300, %sub3A_300 : vector<16xf32>
      %select_n3A_302 = arith.select %gt3A_278, %mul3A_301, %broadcast_in_dim3A_1 : vector<16xi1>, vector<16xf32>
      %add3A_303 = arith.addf %scan3A_231, %select_n3A_302 : vector<16xf32>
      %mul3A_304 = arith.constant 6.14146852 : f32
      %mul3A_305 = vector.broadcast %mul3A_304 : f32 to vector<16xf32>
      %mul3A_306 = arith.mulf %get3A_258, %mul3A_305 : vector<16xf32>
      %bitcast_convert_type3A = tpu.bitcast %mul3A_306 : vector<16xf32> -> vector<16xi32>
      %shift_right_logical3A_307 = arith.constant 23 : i32
      %shift_right_logical3A_308 = vector.broadcast %shift_right_logical3A_307 : i32 to vector<16xi32>
      %shift_right_logical3A_309 = arith.shrui %bitcast_convert_type3A, %shift_right_logical3A_308 : vector<16xi32>
      %sub3A_310 = arith.constant 127 : i32
      %sub3A_311 = vector.broadcast %sub3A_310 : i32 to vector<16xi32>
      %sub3A_312 = arith.subi %shift_right_logical3A_309, %sub3A_311 : vector<16xi32>
      %and3A_313 = arith.constant 8388607 : i32
      %and3A_314 = vector.broadcast %and3A_313 : i32 to vector<16xi32>
      %and3A_315 = arith.andi %bitcast_convert_type3A, %and3A_314 : vector<16xi32>
      %or3A = arith.constant 1065353216 : i32
      %or3A_316 = vector.broadcast %or3A : i32 to vector<16xi32>
      %or3A_317 = arith.ori %and3A_315, %or3A_316 : vector<16xi32>
      %bitcast_convert_type3A_318 = tpu.bitcast %or3A_317 : vector<16xi32> -> vector<16xf32>
      %sub3A_319 = arith.constant 1.000000e+00 : f32
      %sub3A_320 = vector.broadcast %sub3A_319 : f32 to vector<16xf32>
      %sub3A_321 = arith.subf %bitcast_convert_type3A_318, %sub3A_320 : vector<16xf32>
      %add3A_322 = arith.constant 1.000000e+00 : f32
      %add3A_323 = vector.broadcast %add3A_322 : f32 to vector<16xf32>
      %add3A_324 = arith.addf %bitcast_convert_type3A_318, %add3A_323 : vector<16xf32>
      %div3A_325 = arith.divf %sub3A_321, %add3A_324 : vector<16xf32>
      %mul3A_326 = arith.mulf %div3A_325, %div3A_325 : vector<16xf32>
      %mul3A_327 = arith.constant 0.111111112 : f32
      %mul3A_328 = vector.broadcast %mul3A_327 : f32 to vector<16xf32>
      %mul3A_329 = arith.mulf %mul3A_326, %mul3A_328 : vector<16xf32>
      %add3A_330 = arith.constant 0.142857149 : f32
      %add3A_331 = vector.broadcast %add3A_330 : f32 to vector<16xf32>
      %add3A_332 = arith.addf %add3A_331, %mul3A_329 : vector<16xf32>
      %mul3A_333 = arith.mulf %mul3A_326, %add3A_332 : vector<16xf32>
      %add3A_334 = arith.constant 2.000000e-01 : f32
      %add3A_335 = vector.broadcast %add3A_334 : f32 to vector<16xf32>
      %add3A_336 = arith.addf %add3A_335, %mul3A_333 : vector<16xf32>
      %mul3A_337 = arith.mulf %mul3A_326, %add3A_336 : vector<16xf32>
      %add3A_338 = arith.constant 0.333333343 : f32
      %add3A_339 = vector.broadcast %add3A_338 : f32 to vector<16xf32>
      %add3A_340 = arith.addf %add3A_339, %mul3A_337 : vector<16xf32>
      %mul3A_341 = arith.mulf %mul3A_326, %add3A_340 : vector<16xf32>
      %add3A_342 = arith.constant 1.000000e+00 : f32
      %add3A_343 = vector.broadcast %add3A_342 : f32 to vector<16xf32>
      %add3A_344 = arith.addf %add3A_343, %mul3A_341 : vector<16xf32>
      %convert_element_type3A = arith.sitofp %sub3A_312 : vector<16xi32> to vector<16xf32>
      %mul3A_345 = arith.constant 0.693147182 : f32
      %mul3A_346 = vector.broadcast %mul3A_345 : f32 to vector<16xf32>
      %mul3A_347 = arith.mulf %convert_element_type3A, %mul3A_346 : vector<16xf32>
      %mul3A_348 = arith.constant 2.000000e+00 : f32
      %mul3A_349 = vector.broadcast %mul3A_348 : f32 to vector<16xf32>
      %mul3A_350 = arith.mulf %mul3A_349, %div3A_325 : vector<16xf32>
      %mul3A_351 = arith.mulf %mul3A_350, %add3A_344 : vector<16xf32>
      %add3A_352 = arith.addf %mul3A_347, %mul3A_351 : vector<16xf32>
      %gt3A_353 = arith.constant 0.000000e+00 : f32
      %gt3A_354 = vector.broadcast %gt3A_353 : f32 to vector<16xf32>
      %gt3A_355 = arith.cmpf ogt, %mul3A_306, %gt3A_354 : vector<16xf32>
      %select_n3A_356 = arith.select %gt3A_355, %add3A_352, %broadcast_in_dim3A_5 : vector<16xi1>, vector<16xf32>
      %sub3A_357 = arith.subf %get3A_272, %select_n3A_356 : vector<16xf32>
      %mul3A_358 = arith.mulf %sub3A_357, %sub3A_357 : vector<16xf32>
      %select_n3A_359 = arith.select %gt3A_278, %mul3A_358, %broadcast_in_dim3A_1 : vector<16xi1>, vector<16xf32>
      %add3A_360 = arith.addf %scan3A_232, %select_n3A_359 : vector<16xf32>
      %add3A_361 = arith.constant 384 : i32
      %add3A_362 = arith.addi %add3A_246, %add3A_361 : i32
      %get3A_363 = arith.index_cast %add3A_362 : i32 to index
      %get3A_364 = tpu.vector_load %arg5[%get3A_363] {strides = array<i32>} : memref<49152xf32, #tpu.memory_space<vmem>>, vector<16xf32>,
      %exp3A_365 = math.exp %get3A_364 : vector<16xf32>
      %add3A_366 = arith.addf %broadcast_in_dim3A_1, %exp3A_365 : vector<16xf32>
      %mul3A_367 = arith.constant 1.000000e+00 : f32
      %mul3A_368 = vector.broadcast %mul3A_367 : f32 to vector<16xf32>
      %mul3A_369 = arith.mulf %exp3A_365, %mul3A_368 : vector<16xf32>
      %add3A_370 = arith.addf %broadcast_in_dim3A_1, %mul3A_369 : vector<16xf32>
      %add3A_371 = arith.constant 512 : i32
      %add3A_372 = arith.addi %add3A_246, %add3A_371 : i32
      %get3A_373 = arith.index_cast %add3A_372 : i32 to index
      %get3A_374 = tpu.vector_load %arg5[%get3A_373] {strides = array<i32>} : memref<49152xf32, #tpu.memory_space<vmem>>, vector<16xf32>,
      %exp3A_375 = math.exp %get3A_374 : vector<16xf32>
      %add3A_376 = arith.addf %add3A_366, %exp3A_375 : vector<16xf32>
      %mul3A_377 = arith.constant 1.500000e+00 : f32
      %mul3A_378 = vector.broadcast %mul3A_377 : f32 to vector<16xf32>
      %mul3A_379 = arith.mulf %exp3A_375, %mul3A_378 : vector<16xf32>
      %add3A_380 = arith.addf %add3A_370, %mul3A_379 : vector<16xf32>
      %add3A_381 = arith.constant 640 : i32
      %add3A_382 = arith.addi %add3A_246, %add3A_381 : i32
      %get3A_383 = arith.index_cast %add3A_382 : i32 to index
      %get3A_384 = tpu.vector_load %arg5[%get3A_383] {strides = array<i32>} : memref<49152xf32, #tpu.memory_space<vmem>>, vector<16xf32>,
      %exp3A_385 = math.exp %get3A_384 : vector<16xf32>
      %add3A_386 = arith.addf %add3A_376, %exp3A_385 : vector<16xf32>
      %mul3A_387 = arith.constant 2.000000e+00 : f32
      %mul3A_388 = vector.broadcast %mul3A_387 : f32 to vector<16xf32>
      %mul3A_389 = arith.mulf %exp3A_385, %mul3A_388 : vector<16xf32>
      %add3A_390 = arith.addf %add3A_380, %mul3A_389 : vector<16xf32>
      %add3A_391 = arith.constant 768 : i32
      %add3A_392 = arith.addi %add3A_246, %add3A_391 : i32
      %get3A_393 = arith.index_cast %add3A_392 : i32 to index
      %get3A_394 = tpu.vector_load %arg5[%get3A_393] {strides = array<i32>} : memref<49152xf32, #tpu.memory_space<vmem>>, vector<16xf32>,
      %exp3A_395 = math.exp %get3A_394 : vector<16xf32>
      %add3A_396 = arith.addf %add3A_386, %exp3A_395 : vector<16xf32>
      %mul3A_397 = arith.constant 2.500000e+00 : f32
      %mul3A_398 = vector.broadcast %mul3A_397 : f32 to vector<16xf32>
      %mul3A_399 = arith.mulf %exp3A_395, %mul3A_398 : vector<16xf32>
      %add3A_400 = arith.addf %add3A_390, %mul3A_399 : vector<16xf32>
      %add3A_401 = arith.constant 896 : i32
      %add3A_402 = arith.addi %add3A_246, %add3A_401 : i32
      %get3A_403 = arith.index_cast %add3A_402 : i32 to index
      %get3A_404 = tpu.vector_load %arg5[%get3A_403] {strides = array<i32>} : memref<49152xf32, #tpu.memory_space<vmem>>, vector<16xf32>,
      %exp3A_405 = math.exp %get3A_404 : vector<16xf32>
      %add3A_406 = arith.addf %add3A_396, %exp3A_405 : vector<16xf32>
      %mul3A_407 = arith.constant 3.000000e+00 : f32
      %mul3A_408 = vector.broadcast %mul3A_407 : f32 to vector<16xf32>
      %mul3A_409 = arith.mulf %exp3A_405, %mul3A_408 : vector<16xf32>
      %add3A_410 = arith.addf %add3A_400, %mul3A_409 : vector<16xf32>
      %add3A_411 = arith.constant 8192 : i32
      %add3A_412 = arith.addi %add3A_246, %add3A_411 : i32
      %get3A_413 = arith.index_cast %add3A_412 : i32 to index
      %get3A_414 = tpu.vector_load %arg5[%get3A_413] {strides = array<i32>} : memref<49152xf32, #tpu.memory_space<vmem>>, vector<16xf32>,
      %exp3A_415 = math.exp %get3A_414 : vector<16xf32>
      %add3A_416 = arith.addf %add3A_406, %exp3A_415 : vector<16xf32>
      %mul3A_417 = arith.constant 3.500000e+00 : f32
      %mul3A_418 = vector.broadcast %mul3A_417 : f32 to vector<16xf32>
      %mul3A_419 = arith.mulf %exp3A_415, %mul3A_418 : vector<16xf32>
      %add3A_420 = arith.addf %add3A_410, %mul3A_419 : vector<16xf32>
      %add3A_421 = arith.constant 8320 : i32
      %add3A_422 = arith.addi %add3A_246, %add3A_421 : i32
      %get3A_423 = arith.index_cast %add3A_422 : i32 to index
      %get3A_424 = tpu.vector_load %arg5[%get3A_423] {strides = array<i32>} : memref<49152xf32, #tpu.memory_space<vmem>>, vector<16xf32>,
      %exp3A_425 = math.exp %get3A_424 : vector<16xf32>
      %add3A_426 = arith.addf %add3A_416, %exp3A_425 : vector<16xf32>
      %mul3A_427 = arith.constant 4.000000e+00 : f32
      %mul3A_428 = vector.broadcast %mul3A_427 : f32 to vector<16xf32>
      %mul3A_429 = arith.mulf %exp3A_425, %mul3A_428 : vector<16xf32>
      %add3A_430 = arith.addf %add3A_420, %mul3A_429 : vector<16xf32>
      %add3A_431 = arith.constant 8448 : i32
      %add3A_432 = arith.addi %add3A_246, %add3A_431 : i32
      %get3A_433 = arith.index_cast %add3A_432 : i32 to index
      %get3A_434 = tpu.vector_load %arg5[%get3A_433] {strides = array<i32>} : memref<49152xf32, #tpu.memory_space<vmem>>, vector<16xf32>,
      %exp3A_435 = math.exp %get3A_434 : vector<16xf32>
      %add3A_436 = arith.addf %add3A_426, %exp3A_435 : vector<16xf32>
      %mul3A_437 = arith.constant 4.500000e+00 : f32
      %mul3A_438 = vector.broadcast %mul3A_437 : f32 to vector<16xf32>
      %mul3A_439 = arith.mulf %exp3A_435, %mul3A_438 : vector<16xf32>
      %add3A_440 = arith.addf %add3A_430, %mul3A_439 : vector<16xf32>
      %add3A_441 = arith.constant 8576 : i32
      %add3A_442 = arith.addi %add3A_246, %add3A_441 : i32
      %get3A_443 = arith.index_cast %add3A_442 : i32 to index
      %get3A_444 = tpu.vector_load %arg5[%get3A_443] {strides = array<i32>} : memref<49152xf32, #tpu.memory_space<vmem>>, vector<16xf32>,
      %exp3A_445 = math.exp %get3A_444 : vector<16xf32>
      %add3A_446 = arith.addf %add3A_436, %exp3A_445 : vector<16xf32>
      %mul3A_447 = arith.constant 5.000000e+00 : f32
      %mul3A_448 = vector.broadcast %mul3A_447 : f32 to vector<16xf32>
      %mul3A_449 = arith.mulf %exp3A_445, %mul3A_448 : vector<16xf32>
      %add3A_450 = arith.addf %add3A_440, %mul3A_449 : vector<16xf32>
      %add3A_451 = arith.constant 8704 : i32
      %add3A_452 = arith.addi %add3A_246, %add3A_451 : i32
      %get3A_453 = arith.index_cast %add3A_452 : i32 to index
      %get3A_454 = tpu.vector_load %arg5[%get3A_453] {strides = array<i32>} : memref<49152xf32, #tpu.memory_space<vmem>>, vector<16xf32>,
      %exp3A_455 = math.exp %get3A_454 : vector<16xf32>
      %add3A_456 = arith.addf %add3A_446, %exp3A_455 : vector<16xf32>
      %mul3A_457 = arith.constant 5.500000e+00 : f32
      %mul3A_458 = vector.broadcast %mul3A_457 : f32 to vector<16xf32>
      %mul3A_459 = arith.mulf %exp3A_455, %mul3A_458 : vector<16xf32>
      %add3A_460 = arith.addf %add3A_450, %mul3A_459 : vector<16xf32>
      %add3A_461 = arith.constant 8832 : i32
      %add3A_462 = arith.addi %add3A_246, %add3A_461 : i32
      %get3A_463 = arith.index_cast %add3A_462 : i32 to index
      %get3A_464 = tpu.vector_load %arg5[%get3A_463] {strides = array<i32>} : memref<49152xf32, #tpu.memory_space<vmem>>, vector<16xf32>,
      %exp3A_465 = math.exp %get3A_464 : vector<16xf32>
      %add3A_466 = arith.addf %add3A_456, %exp3A_465 : vector<16xf32>
      %mul3A_467 = arith.constant 6.000000e+00 : f32
      %mul3A_468 = vector.broadcast %mul3A_467 : f32 to vector<16xf32>
      %mul3A_469 = arith.mulf %exp3A_465, %mul3A_468 : vector<16xf32>
      %add3A_470 = arith.addf %add3A_460, %mul3A_469 : vector<16xf32>
      %add3A_471 = arith.constant 8960 : i32
      %add3A_472 = arith.addi %add3A_246, %add3A_471 : i32
      %get3A_473 = arith.index_cast %add3A_472 : i32 to index
      %get3A_474 = tpu.vector_load %arg5[%get3A_473] {strides = array<i32>} : memref<49152xf32, #tpu.memory_space<vmem>>, vector<16xf32>,
      %exp3A_475 = math.exp %get3A_474 : vector<16xf32>
      %add3A_476 = arith.addf %add3A_466, %exp3A_475 : vector<16xf32>
      %mul3A_477 = arith.constant 6.500000e+00 : f32
      %mul3A_478 = vector.broadcast %mul3A_477 : f32 to vector<16xf32>
      %mul3A_479 = arith.mulf %exp3A_475, %mul3A_478 : vector<16xf32>
      %add3A_480 = arith.addf %add3A_470, %mul3A_479 : vector<16xf32>
      %add3A_481 = arith.constant 9088 : i32
      %add3A_482 = arith.addi %add3A_246, %add3A_481 : i32
      %get3A_483 = arith.index_cast %add3A_482 : i32 to index
      %get3A_484 = tpu.vector_load %arg5[%get3A_483] {strides = array<i32>} : memref<49152xf32, #tpu.memory_space<vmem>>, vector<16xf32>,
      %exp3A_485 = math.exp %get3A_484 : vector<16xf32>
      %add3A_486 = arith.addf %add3A_476, %exp3A_485 : vector<16xf32>
      %mul3A_487 = arith.constant 7.000000e+00 : f32
      %mul3A_488 = vector.broadcast %mul3A_487 : f32 to vector<16xf32>
      %mul3A_489 = arith.mulf %exp3A_485, %mul3A_488 : vector<16xf32>
      %add3A_490 = arith.addf %add3A_480, %mul3A_489 : vector<16xf32>
      %add3A_491 = arith.constant 16384 : i32
      %add3A_492 = arith.addi %add3A_246, %add3A_491 : i32
      %get3A_493 = arith.index_cast %add3A_492 : i32 to index
      %get3A_494 = tpu.vector_load %arg5[%get3A_493] {strides = array<i32>} : memref<49152xf32, #tpu.memory_space<vmem>>, vector<16xf32>,
      %exp3A_495 = math.exp %get3A_494 : vector<16xf32>
      %add3A_496 = arith.addf %add3A_486, %exp3A_495 : vector<16xf32>
      %mul3A_497 = arith.constant 7.500000e+00 : f32
      %mul3A_498 = vector.broadcast %mul3A_497 : f32 to vector<16xf32>
      %mul3A_499 = arith.mulf %exp3A_495, %mul3A_498 : vector<16xf32>
      %add3A_500 = arith.addf %add3A_490, %mul3A_499 : vector<16xf32>
      %add3A_501 = arith.constant 16512 : i32
      %add3A_502 = arith.addi %add3A_246, %add3A_501 : i32
      %get3A_503 = arith.index_cast %add3A_502 : i32 to index
      %get3A_504 = tpu.vector_load %arg5[%get3A_503] {strides = array<i32>} : memref<49152xf32, #tpu.memory_space<vmem>>, vector<16xf32>,
      %exp3A_505 = math.exp %get3A_504 : vector<16xf32>
      %add3A_506 = arith.addf %add3A_496, %exp3A_505 : vector<16xf32>
      %mul3A_507 = arith.constant 8.000000e+00 : f32
      %mul3A_508 = vector.broadcast %mul3A_507 : f32 to vector<16xf32>
      %mul3A_509 = arith.mulf %exp3A_505, %mul3A_508 : vector<16xf32>
      %add3A_510 = arith.addf %add3A_500, %mul3A_509 : vector<16xf32>
      %add3A_511 = arith.constant 16640 : i32
      %add3A_512 = arith.addi %add3A_246, %add3A_511 : i32
      %get3A_513 = arith.index_cast %add3A_512 : i32 to index
      %get3A_514 = tpu.vector_load %arg5[%get3A_513] {strides = array<i32>} : memref<49152xf32, #tpu.memory_space<vmem>>, vector<16xf32>,
      %exp3A_515 = math.exp %get3A_514 : vector<16xf32>
      %add3A_516 = arith.addf %add3A_506, %exp3A_515 : vector<16xf32>
      %mul3A_517 = arith.constant 8.500000e+00 : f32
      %mul3A_518 = vector.broadcast %mul3A_517 : f32 to vector<16xf32>
      %mul3A_519 = arith.mulf %exp3A_515, %mul3A_518 : vector<16xf32>
      %add3A_520 = arith.addf %add3A_510, %mul3A_519 : vector<16xf32>
      %add3A_521 = arith.constant 16768 : i32
      %add3A_522 = arith.addi %add3A_246, %add3A_521 : i32
      %get3A_523 = arith.index_cast %add3A_522 : i32 to index
      %get3A_524 = tpu.vector_load %arg5[%get3A_523] {strides = array<i32>} : memref<49152xf32, #tpu.memory_space<vmem>>, vector<16xf32>,
      %exp3A_525 = math.exp %get3A_524 : vector<16xf32>
      %add3A_526 = arith.addf %add3A_516, %exp3A_525 : vector<16xf32>
      %mul3A_527 = arith.constant 9.000000e+00 : f32
      %mul3A_528 = vector.broadcast %mul3A_527 : f32 to vector<16xf32>
      %mul3A_529 = arith.mulf %exp3A_525, %mul3A_528 : vector<16xf32>
      %add3A_530 = arith.addf %add3A_520, %mul3A_529 : vector<16xf32>
      %add3A_531 = arith.constant 16896 : i32
      %add3A_532 = arith.addi %add3A_246, %add3A_531 : i32
      %get3A_533 = arith.index_cast %add3A_532 : i32 to index
      %get3A_534 = tpu.vector_load %arg5[%get3A_533] {strides = array<i32>} : memref<49152xf32, #tpu.memory_space<vmem>>, vector<16xf32>,
      %exp3A_535 = math.exp %get3A_534 : vector<16xf32>
      %add3A_536 = arith.addf %add3A_526, %exp3A_535 : vector<16xf32>
      %mul3A_537 = arith.constant 9.500000e+00 : f32
      %mul3A_538 = vector.broadcast %mul3A_537 : f32 to vector<16xf32>
      %mul3A_539 = arith.mulf %exp3A_535, %mul3A_538 : vector<16xf32>
      %add3A_540 = arith.addf %add3A_530, %mul3A_539 : vector<16xf32>
      %add3A_541 = arith.constant 17024 : i32
      %add3A_542 = arith.addi %add3A_246, %add3A_541 : i32
      %get3A_543 = arith.index_cast %add3A_542 : i32 to index
      %get3A_544 = tpu.vector_load %arg5[%get3A_543] {strides = array<i32>} : memref<49152xf32, #tpu.memory_space<vmem>>, vector<16xf32>,
      %exp3A_545 = math.exp %get3A_544 : vector<16xf32>
      %add3A_546 = arith.addf %add3A_536, %exp3A_545 : vector<16xf32>
      %mul3A_547 = arith.constant 1.000000e+01 : f32
      %mul3A_548 = vector.broadcast %mul3A_547 : f32 to vector<16xf32>
      %mul3A_549 = arith.mulf %exp3A_545, %mul3A_548 : vector<16xf32>
      %add3A_550 = arith.addf %add3A_540, %mul3A_549 : vector<16xf32>
      %add3A_551 = arith.constant 17152 : i32
      %add3A_552 = arith.addi %add3A_246, %add3A_551 : i32
      %get3A_553 = arith.index_cast %add3A_552 : i32 to index
      %get3A_554 = tpu.vector_load %arg5[%get3A_553] {strides = array<i32>} : memref<49152xf32, #tpu.memory_space<vmem>>, vector<16xf32>,
      %exp3A_555 = math.exp %get3A_554 : vector<16xf32>
      %add3A_556 = arith.addf %add3A_546, %exp3A_555 : vector<16xf32>
      %mul3A_557 = arith.constant 1.050000e+01 : f32
      %mul3A_558 = vector.broadcast %mul3A_557 : f32 to vector<16xf32>
      %mul3A_559 = arith.mulf %exp3A_555, %mul3A_558 : vector<16xf32>
      %add3A_560 = arith.addf %add3A_550, %mul3A_559 : vector<16xf32>
      %add3A_561 = arith.constant 17280 : i32
      %add3A_562 = arith.addi %add3A_246, %add3A_561 : i32
      %get3A_563 = arith.index_cast %add3A_562 : i32 to index
      %get3A_564 = tpu.vector_load %arg5[%get3A_563] {strides = array<i32>} : memref<49152xf32, #tpu.memory_space<vmem>>, vector<16xf32>,
      %exp3A_565 = math.exp %get3A_564 : vector<16xf32>
      %add3A_566 = arith.addf %add3A_556, %exp3A_565 : vector<16xf32>
      %mul3A_567 = arith.constant 1.100000e+01 : f32
      %mul3A_568 = vector.broadcast %mul3A_567 : f32 to vector<16xf32>
      %mul3A_569 = arith.mulf %exp3A_565, %mul3A_568 : vector<16xf32>
      %add3A_570 = arith.addf %add3A_560, %mul3A_569 : vector<16xf32>
      %add3A_571 = arith.addf %add3A_570, %add3A_566 : vector<16xf32>
      %mul3A_572 = arith.constant 1.000000e+01 : f32
      %mul3A_573 = vector.broadcast %mul3A_572 : f32 to vector<16xf32>
      %mul3A_574 = arith.mulf %mul3A_573, %add3A_571 : vector<16xf32>
      %add3A_575 = arith.constant 1.000000e+00 : f32
      %add3A_576 = vector.broadcast %add3A_575 : f32 to vector<16xf32>
      %add3A_577 = arith.addf %get3A_266, %add3A_576 : vector<16xf32>
      %mul3A_578 = arith.mulf %add3A_566, %add3A_577 : vector<16xf32>
      %div3A_579 = arith.divf %mul3A_574, %mul3A_578 : vector<16xf32>
      %sub3A_580 = arith.constant 1.000000e+01 : f32
      %sub3A_581 = vector.broadcast %sub3A_580 : f32 to vector<16xf32>
      %sub3A_582 = arith.subf %div3A_579, %sub3A_581 : vector<16xf32>
      %abs3A = math.absf %sub3A_582 : vector<16xf32>
      %lt3A = arith.constant 1.000000e+00 : f32
      %lt3A_583 = vector.broadcast %lt3A : f32 to vector<16xf32>
      %lt3A_584 = arith.cmpf olt, %abs3A, %lt3A_583 : vector<16xf32>
      %mul3A_585 = arith.constant 5.000000e-01 : f32
      %mul3A_586 = vector.broadcast %mul3A_585 : f32 to vector<16xf32>
      %mul3A_587 = arith.mulf %mul3A_586, %sub3A_582 : vector<16xf32>
      %mul3A_588 = arith.mulf %mul3A_587, %sub3A_582 : vector<16xf32>
      %sub3A_589 = arith.constant 5.000000e-01 : f32
      %sub3A_590 = vector.broadcast %sub3A_589 : f32 to vector<16xf32>
      %sub3A_591 = arith.subf %abs3A, %sub3A_590 : vector<16xf32>
      %select_n3A_592 = arith.select %lt3A_584, %mul3A_588, %sub3A_591 : vector<16xi1>, vector<16xf32>
      %gt3A_593 = arith.constant 0.000000e+00 : f32
      %gt3A_594 = vector.broadcast %gt3A_593 : f32 to vector<16xf32>
      %gt3A_595 = arith.cmpf ogt, %get3A_266, %gt3A_594 : vector<16xf32>
      %and3A_596 = arith.andi %gt3A_278, %gt3A_595 : vector<16xi1>
      %select_n3A_597 = arith.select %and3A_596, %select_n3A_592, %broadcast_in_dim3A_1 : vector<16xi1>, vector<16xf32>
      %add3A_598 = arith.addf %scan3A_235, %select_n3A_597 : vector<16xf32>
      scf.yield %add3A_303, %add3A_360, %add3A_287, %add3A_289, %add3A_598 : vector<16xf32>, vector<16xf32>, vector<16xf32>, vector<16xf32>, vector<16xf32>
    }
    %scan3A_218 = arith.constant 64 : i32
    %swap3A = arith.constant 0 : index
    %swap3A_219 = tpu.vector_load %arg7[%swap3A] {strides = array<i32>} : memref<80xf32, #tpu.memory_space<vmem>>, vector<16xf32>,
    tpu.vector_store %arg7[%swap3A], %scan3A_217#0 {strides = array<i32>} : memref<80xf32, #tpu.memory_space<vmem>>, vector<16xf32>,
    %swap3A_220 = arith.constant 16 : index
    %swap3A_221 = tpu.vector_load %arg7[%swap3A_220] {strides = array<i32>} : memref<80xf32, #tpu.memory_space<vmem>>, vector<16xf32>,
    tpu.vector_store %arg7[%swap3A_220], %scan3A_217#1 {strides = array<i32>} : memref<80xf32, #tpu.memory_space<vmem>>, vector<16xf32>,
    %swap3A_222 = arith.constant 32 : index
    %swap3A_223 = tpu.vector_load %arg7[%swap3A_222] {strides = array<i32>} : memref<80xf32, #tpu.memory_space<vmem>>, vector<16xf32>,
    tpu.vector_store %arg7[%swap3A_222], %scan3A_217#2 {strides = array<i32>} : memref<80xf32, #tpu.memory_space<vmem>>, vector<16xf32>,
    %swap3A_224 = arith.constant 48 : index
    %swap3A_225 = tpu.vector_load %arg7[%swap3A_224] {strides = array<i32>} : memref<80xf32, #tpu.memory_space<vmem>>, vector<16xf32>,
    tpu.vector_store %arg7[%swap3A_224], %scan3A_217#3 {strides = array<i32>} : memref<80xf32, #tpu.memory_space<vmem>>, vector<16xf32>,
    %swap3A_226 = arith.constant 64 : index
    %swap3A_227 = tpu.vector_load %arg7[%swap3A_226] {strides = array<i32>} : memref<80xf32, #tpu.memory_space<vmem>>, vector<16xf32>,
    tpu.vector_store %arg7[%swap3A_226], %scan3A_217#4 {strides = array<i32>} : memref<80xf32, #tpu.memory_space<vmem>>, vector<16xf32>,
    %mul3A_228 = arith.constant 80 : i32
    %mul3A_229 = arith.muli %add3A, %mul3A_228 : i32
    "tpu.region"() ({
      %run_scoped3A = tpu.sem_alloc : memref<!tpu.dma_semaphore, #tpu.memory_space<semaphore_mem>>
      %dma_start3A_230 = tpu.memref_slice %arg4[%mul3A_229] : memref<2560xf32, #tpu.memory_space<hbm>> -> memref<80xf32, #tpu.memory_space<hbm>>
      %dma_start3A_231 = tpu.memref_slice %arg4[%mul3A_229] : memref<2560xf32, #tpu.memory_space<hbm>> -> memref<80xf32, #tpu.memory_space<hbm>>
      tpu.enqueue_dma source(%arg7 : memref<80xf32, #tpu.memory_space<vmem>>) target(%dma_start3A_231 : memref<80xf32, #tpu.memory_space<hbm>>) target_semaphore(%run_scoped3A : memref<!tpu.dma_semaphore, #tpu.memory_space<semaphore_mem>>)
      %dma_wait3A_232 = tpu.memref_slice %arg4[%mul3A_229] : memref<2560xf32, #tpu.memory_space<hbm>> -> memref<80xf32, #tpu.memory_space<hbm>>
      %dma_wait3A_233 = tpu.memref_slice %arg4[%mul3A_229] : memref<2560xf32, #tpu.memory_space<hbm>> -> memref<80xf32, #tpu.memory_space<hbm>>
      tpu.wait_dma2 semaphore(%run_scoped3A : memref<!tpu.dma_semaphore, #tpu.memory_space<semaphore_mem>>) src(%arg7 : memref<80xf32, #tpu.memory_space<vmem>>) dst(%dma_wait3A_233 : memref<80xf32, #tpu.memory_space<hbm>>)
      tpu.yield
    }) : () -> ()
    return
  }
}

module attributes {stable_mosaic.version = 14 : i64} {
  func.func @body(%arg0: i32, %arg1: memref<1x3x64x8x128xf32, #tpu.memory_space<vmem>>, %arg2: memref<1x64x4x128xf32, #tpu.memory_space<vmem>>, %arg3: memref<40x128xf32, #tpu.memory_space<vmem>>) attributes {dimension_semantics = [#tpu.dimension_semantics<arbitrary>], iteration_bounds = array<i64: 36>, scalar_prefetch = 0 : i64, scratch_operands = 0 : i64, tpu.core_type = #tpu.core_type<tc>, window_params = [{transform_indices = @transform_0, window_bounds = array<i64: 1, 3, 64, 8, 128>}, {transform_indices = @transform_1, window_bounds = array<i64: 1, 64, 4, 128>}, {pipeline_mode = #tpu.pipeline_mode<synchronous>, transform_indices = @transform_2, window_bounds = array<i64: 40, 128>}]} {
    %iota3A = tpu.iota {dimensions = array<i32: 1>} : vector<1x8x1xi32>
    %convert_element_type3A = arith.sitofp %iota3A : vector<1x8x1xi32> to vector<1x8x1xf32>
    %add3A = arith.constant 0.000000e+00 : f32
    %add3A_0 = vector.broadcast %add3A : f32 to vector<1x8x1xf32>
    %add3A_1 = arith.addf %convert_element_type3A, %add3A_0 : vector<1x8x1xf32>
    %ge3A = arith.constant 3.000000e+00 : f32
    %ge3A_2 = vector.broadcast %ge3A : f32 to vector<1x8x1xf32>
    %ge3A_3 = arith.cmpf oge, %add3A_1, %ge3A_2 : vector<1x8x1xf32>
    %convert_element_type3A_4 = arith.extui %ge3A_3 : vector<1x8x1xi1> to vector<1x8x1xi32>
    %convert_element_type3A_5 = arith.sitofp %convert_element_type3A_4 : vector<1x8x1xi32> to vector<1x8x1xf32>
    %mul3A = arith.constant 5.000000e-01 : f32
    %mul3A_6 = vector.broadcast %mul3A : f32 to vector<1x8x1xf32>
    %mul3A_7 = arith.mulf %mul3A_6, %add3A_1 : vector<1x8x1xf32>
    %sub3A = arith.constant 5.000000e-01 : f32
    %sub3A_8 = vector.broadcast %sub3A : f32 to vector<1x8x1xf32>
    %sub3A_9 = arith.subf %mul3A_7, %sub3A_8 : vector<1x8x1xf32>
    %mul3A_10 = arith.mulf %convert_element_type3A_5, %sub3A_9 : vector<1x8x1xf32>
    %add3A_11 = arith.constant 8.000000e+00 : f32
    %add3A_12 = vector.broadcast %add3A_11 : f32 to vector<1x8x1xf32>
    %add3A_13 = arith.addf %convert_element_type3A, %add3A_12 : vector<1x8x1xf32>
    %ge3A_14 = arith.constant 3.000000e+00 : f32
    %ge3A_15 = vector.broadcast %ge3A_14 : f32 to vector<1x8x1xf32>
    %ge3A_16 = arith.cmpf oge, %add3A_13, %ge3A_15 : vector<1x8x1xf32>
    %convert_element_type3A_17 = arith.extui %ge3A_16 : vector<1x8x1xi1> to vector<1x8x1xi32>
    %convert_element_type3A_18 = arith.sitofp %convert_element_type3A_17 : vector<1x8x1xi32> to vector<1x8x1xf32>
    %mul3A_19 = arith.constant 5.000000e-01 : f32
    %mul3A_20 = vector.broadcast %mul3A_19 : f32 to vector<1x8x1xf32>
    %mul3A_21 = arith.mulf %mul3A_20, %add3A_13 : vector<1x8x1xf32>
    %sub3A_22 = arith.constant 5.000000e-01 : f32
    %sub3A_23 = vector.broadcast %sub3A_22 : f32 to vector<1x8x1xf32>
    %sub3A_24 = arith.subf %mul3A_21, %sub3A_23 : vector<1x8x1xf32>
    %mul3A_25 = arith.mulf %convert_element_type3A_18, %sub3A_24 : vector<1x8x1xf32>
    %add3A_26 = arith.constant 1.600000e+01 : f32
    %add3A_27 = vector.broadcast %add3A_26 : f32 to vector<1x8x1xf32>
    %add3A_28 = arith.addf %convert_element_type3A, %add3A_27 : vector<1x8x1xf32>
    %ge3A_29 = arith.constant 3.000000e+00 : f32
    %ge3A_30 = vector.broadcast %ge3A_29 : f32 to vector<1x8x1xf32>
    %ge3A_31 = arith.cmpf oge, %add3A_28, %ge3A_30 : vector<1x8x1xf32>
    %convert_element_type3A_32 = arith.extui %ge3A_31 : vector<1x8x1xi1> to vector<1x8x1xi32>
    %convert_element_type3A_33 = arith.sitofp %convert_element_type3A_32 : vector<1x8x1xi32> to vector<1x8x1xf32>
    %mul3A_34 = arith.constant 5.000000e-01 : f32
    %mul3A_35 = vector.broadcast %mul3A_34 : f32 to vector<1x8x1xf32>
    %mul3A_36 = arith.mulf %mul3A_35, %add3A_28 : vector<1x8x1xf32>
    %sub3A_37 = arith.constant 5.000000e-01 : f32
    %sub3A_38 = vector.broadcast %sub3A_37 : f32 to vector<1x8x1xf32>
    %sub3A_39 = arith.subf %mul3A_36, %sub3A_38 : vector<1x8x1xf32>
    %mul3A_40 = arith.mulf %convert_element_type3A_33, %sub3A_39 : vector<1x8x1xf32>
    %broadcast_in_dim3A = arith.constant 0.000000e+00 : f32
    %broadcast_in_dim3A_41 = vector.broadcast %broadcast_in_dim3A : f32 to vector<8x128xf32>
    %get3A = arith.constant 0 : index
    %get3A_42 = arith.constant 0 : index
    %get3A_43 = arith.constant 0 : index
    %get3A_44 = arith.constant 0 : index
    %get3A_45 = vector.load %arg2[%get3A, %get3A_42, %get3A_43, %get3A_44] : memref<1x64x4x128xf32, #tpu.memory_space<vmem>>, vector<1x8x4x128xf32>
    %get3A_46 = vector.shape_cast %get3A_45 : vector<1x8x4x128xf32> to vector<8x4x128xf32>
    %slice3A = vector.extract_strided_slice %get3A_46 {offsets = [0, 0, 0], sizes = [8, 1, 128], strides = [1, 1, 1]} : vector<8x4x128xf32> to vector<8x1x128xf32>
    %squeeze3A = vector.shape_cast %slice3A : vector<8x1x128xf32> to vector<8x128xf32>
    %slice3A_47 = vector.extract_strided_slice %get3A_46 {offsets = [0, 1, 0], sizes = [8, 1, 128], strides = [1, 1, 1]} : vector<8x4x128xf32> to vector<8x1x128xf32>
    %squeeze3A_48 = vector.shape_cast %slice3A_47 : vector<8x1x128xf32> to vector<8x128xf32>
    %slice3A_49 = vector.extract_strided_slice %get3A_46 {offsets = [0, 2, 0], sizes = [8, 1, 128], strides = [1, 1, 1]} : vector<8x4x128xf32> to vector<8x1x128xf32>
    %squeeze3A_50 = vector.shape_cast %slice3A_49 : vector<8x1x128xf32> to vector<8x128xf32>
    %slice3A_51 = vector.extract_strided_slice %get3A_46 {offsets = [0, 3, 0], sizes = [8, 1, 128], strides = [1, 1, 1]} : vector<8x4x128xf32> to vector<8x1x128xf32>
    %squeeze3A_52 = vector.shape_cast %slice3A_51 : vector<8x1x128xf32> to vector<8x128xf32>
    %get3A_53 = arith.constant 0 : index
    %get3A_54 = arith.constant 0 : index
    %get3A_55 = arith.constant 0 : index
    %get3A_56 = arith.constant 0 : index
    %get3A_57 = arith.constant 0 : index
    %get3A_58 = vector.load %arg1[%get3A_53, %get3A_54, %get3A_55, %get3A_56, %get3A_57] : memref<1x3x64x8x128xf32, #tpu.memory_space<vmem>>, vector<1x1x8x8x128xf32>
    %get3A_59 = vector.shape_cast %get3A_58 : vector<1x1x8x8x128xf32> to vector<8x8x128xf32>
    %get3A_60 = arith.constant 0 : index
    %get3A_61 = arith.constant 1 : index
    %get3A_62 = arith.constant 0 : index
    %get3A_63 = arith.constant 0 : index
    %get3A_64 = arith.constant 0 : index
    %get3A_65 = vector.load %arg1[%get3A_60, %get3A_61, %get3A_62, %get3A_63, %get3A_64] : memref<1x3x64x8x128xf32, #tpu.memory_space<vmem>>, vector<1x1x8x8x128xf32>
    %get3A_66 = vector.shape_cast %get3A_65 : vector<1x1x8x8x128xf32> to vector<8x8x128xf32>
    %get3A_67 = arith.constant 0 : index
    %get3A_68 = arith.constant 2 : index
    %get3A_69 = arith.constant 0 : index
    %get3A_70 = arith.constant 0 : index
    %get3A_71 = arith.constant 0 : index
    %get3A_72 = vector.load %arg1[%get3A_67, %get3A_68, %get3A_69, %get3A_70, %get3A_71] : memref<1x3x64x8x128xf32, #tpu.memory_space<vmem>>, vector<1x1x8x8x128xf32>
    %get3A_73 = vector.shape_cast %get3A_72 : vector<1x1x8x8x128xf32> to vector<8x8x128xf32>
    %slice3A_74 = vector.extract_strided_slice %get3A_59 {offsets = [0, 0, 0], sizes = [8, 1, 128], strides = [1, 1, 1]} : vector<8x8x128xf32> to vector<8x1x128xf32>
    %squeeze3A_75 = vector.shape_cast %slice3A_74 : vector<8x1x128xf32> to vector<8x128xf32>
    %slice3A_76 = vector.extract_strided_slice %get3A_59 {offsets = [0, 1, 0], sizes = [8, 1, 128], strides = [1, 1, 1]} : vector<8x8x128xf32> to vector<8x1x128xf32>
    %squeeze3A_77 = vector.shape_cast %slice3A_76 : vector<8x1x128xf32> to vector<8x128xf32>
    %slice3A_78 = vector.extract_strided_slice %get3A_59 {offsets = [0, 2, 0], sizes = [8, 1, 128], strides = [1, 1, 1]} : vector<8x8x128xf32> to vector<8x1x128xf32>
    %squeeze3A_79 = vector.shape_cast %slice3A_78 : vector<8x1x128xf32> to vector<8x128xf32>
    %gt3A = arith.constant 0.000000e+00 : f32
    %gt3A_80 = vector.broadcast %gt3A : f32 to vector<8x128xf32>
    %gt3A_81 = arith.cmpf ogt, %squeeze3A_50, %gt3A_80 : vector<8x128xf32>
    %neg3A = arith.constant 0.000000e+00 : f32
    %neg3A_82 = vector.broadcast %neg3A : f32 to vector<8x128xf32>
    %neg3A_83 = arith.subf %neg3A_82, %squeeze3A_79 : vector<8x128xf32>
    %exp3A = math.exp %neg3A_83 : vector<8x128xf32>
    %add3A_84 = arith.constant 1.000000e+00 : f32
    %add3A_85 = vector.broadcast %add3A_84 : f32 to vector<8x128xf32>
    %add3A_86 = arith.addf %add3A_85, %exp3A : vector<8x128xf32>
    %div3A = arith.constant 1.000000e+00 : f32
    %div3A_87 = vector.broadcast %div3A : f32 to vector<8x128xf32>
    %div3A_88 = arith.divf %div3A_87, %add3A_86 : vector<8x128xf32>
    %sub3A_89 = arith.subf %div3A_88, %squeeze3A_50 : vector<8x128xf32>
    %mul3A_90 = arith.mulf %sub3A_89, %sub3A_89 : vector<8x128xf32>
    %select_n3A = arith.select %gt3A_81, %mul3A_90, %broadcast_in_dim3A_41 : vector<8x128xi1>, vector<8x128xf32>
    %sub3A_91 = arith.subf %mul3A_90, %select_n3A : vector<8x128xf32>
    %neg3A_92 = arith.constant 0.000000e+00 : f32
    %neg3A_93 = vector.broadcast %neg3A_92 : f32 to vector<8x128xf32>
    %neg3A_94 = arith.subf %neg3A_93, %squeeze3A_75 : vector<8x128xf32>
    %exp3A_95 = math.exp %neg3A_94 : vector<8x128xf32>
    %add3A_96 = arith.constant 1.000000e+00 : f32
    %add3A_97 = vector.broadcast %add3A_96 : f32 to vector<8x128xf32>
    %add3A_98 = arith.addf %add3A_97, %exp3A_95 : vector<8x128xf32>
    %div3A_99 = arith.constant 1.000000e+00 : f32
    %div3A_100 = vector.broadcast %div3A_99 : f32 to vector<8x128xf32>
    %div3A_101 = arith.divf %div3A_100, %add3A_98 : vector<8x128xf32>
    %sub3A_102 = arith.subf %div3A_101, %squeeze3A : vector<8x128xf32>
    %mul3A_103 = arith.mulf %sub3A_102, %sub3A_102 : vector<8x128xf32>
    %select_n3A_104 = arith.select %gt3A_81, %mul3A_103, %broadcast_in_dim3A_41 : vector<8x128xi1>, vector<8x128xf32>
    %mul3A_105 = arith.constant 6.14146852 : f32
    %mul3A_106 = vector.broadcast %mul3A_105 : f32 to vector<8x128xf32>
    %mul3A_107 = arith.mulf %squeeze3A_48, %mul3A_106 : vector<8x128xf32>
    %log3A = math.log %mul3A_107 : vector<8x128xf32>
    %sub3A_108 = arith.subf %squeeze3A_77, %log3A : vector<8x128xf32>
    %mul3A_109 = arith.mulf %sub3A_108, %sub3A_108 : vector<8x128xf32>
    %select_n3A_110 = arith.select %gt3A_81, %mul3A_109, %broadcast_in_dim3A_41 : vector<8x128xi1>, vector<8x128xf32>
    %exp3A_111 = math.exp %get3A_59 : vector<8x8x128xf32>
    %mul3A_112 = vector.broadcast %convert_element_type3A_5 : vector<1x8x1xf32> to vector<8x8x128xf32>
    %mul3A_113 = arith.mulf %exp3A_111, %mul3A_112 : vector<8x8x128xf32>
    %mul3A_114 = vector.broadcast %mul3A_10 : vector<1x8x1xf32> to vector<8x8x128xf32>
    %mul3A_115 = arith.mulf %exp3A_111, %mul3A_114 : vector<8x8x128xf32>
    %exp3A_116 = math.exp %get3A_66 : vector<8x8x128xf32>
    %add3A_117 = arith.addf %mul3A_113, %exp3A_116 : vector<8x8x128xf32>
    %mul3A_118 = vector.broadcast %mul3A_25 : vector<1x8x1xf32> to vector<8x8x128xf32>
    %mul3A_119 = arith.mulf %exp3A_116, %mul3A_118 : vector<8x8x128xf32>
    %add3A_120 = arith.addf %mul3A_115, %mul3A_119 : vector<8x8x128xf32>
    %exp3A_121 = math.exp %get3A_73 : vector<8x8x128xf32>
    %add3A_122 = arith.addf %add3A_117, %exp3A_121 : vector<8x8x128xf32>
    %mul3A_123 = vector.broadcast %mul3A_40 : vector<1x8x1xf32> to vector<8x8x128xf32>
    %mul3A_124 = arith.mulf %exp3A_121, %mul3A_123 : vector<8x8x128xf32>
    %add3A_125 = arith.addf %add3A_120, %mul3A_124 : vector<8x8x128xf32>
    %reduce_sum3A = arith.constant dense<0.000000e+00> : vector<8x128xf32>
    %reduce_sum3A_126 = vector.multi_reduction <add>, %add3A_122, %reduce_sum3A [1] : vector<8x8x128xf32> to vector<8x128xf32>
    %reduce_sum3A_127 = arith.constant dense<0.000000e+00> : vector<8x128xf32>
    %reduce_sum3A_128 = vector.multi_reduction <add>, %add3A_125, %reduce_sum3A_127 [1] : vector<8x8x128xf32> to vector<8x128xf32>
    %add3A_129 = arith.addf %reduce_sum3A_128, %reduce_sum3A_126 : vector<8x128xf32>
    %mul3A_130 = arith.constant 1.000000e+01 : f32
    %mul3A_131 = vector.broadcast %mul3A_130 : f32 to vector<8x128xf32>
    %mul3A_132 = arith.mulf %mul3A_131, %add3A_129 : vector<8x128xf32>
    %add3A_133 = arith.constant 1.000000e+00 : f32
    %add3A_134 = vector.broadcast %add3A_133 : f32 to vector<8x128xf32>
    %add3A_135 = arith.addf %squeeze3A_52, %add3A_134 : vector<8x128xf32>
    %mul3A_136 = arith.mulf %reduce_sum3A_126, %add3A_135 : vector<8x128xf32>
    %div3A_137 = arith.divf %mul3A_132, %mul3A_136 : vector<8x128xf32>
    %sub3A_138 = arith.constant 1.000000e+01 : f32
    %sub3A_139 = vector.broadcast %sub3A_138 : f32 to vector<8x128xf32>
    %sub3A_140 = arith.subf %div3A_137, %sub3A_139 : vector<8x128xf32>
    %abs3A = math.absf %sub3A_140 : vector<8x128xf32>
    %lt3A = arith.constant 1.000000e+00 : f32
    %lt3A_141 = vector.broadcast %lt3A : f32 to vector<8x128xf32>
    %lt3A_142 = arith.cmpf olt, %abs3A, %lt3A_141 : vector<8x128xf32>
    %mul3A_143 = arith.constant 5.000000e-01 : f32
    %mul3A_144 = vector.broadcast %mul3A_143 : f32 to vector<8x128xf32>
    %mul3A_145 = arith.mulf %mul3A_144, %sub3A_140 : vector<8x128xf32>
    %mul3A_146 = arith.mulf %mul3A_145, %sub3A_140 : vector<8x128xf32>
    %sub3A_147 = arith.constant 5.000000e-01 : f32
    %sub3A_148 = vector.broadcast %sub3A_147 : f32 to vector<8x128xf32>
    %sub3A_149 = arith.subf %abs3A, %sub3A_148 : vector<8x128xf32>
    %select_n3A_150 = arith.select %lt3A_142, %mul3A_146, %sub3A_149 : vector<8x128xi1>, vector<8x128xf32>
    %gt3A_151 = arith.constant 0.000000e+00 : f32
    %gt3A_152 = vector.broadcast %gt3A_151 : f32 to vector<8x128xf32>
    %gt3A_153 = arith.cmpf ogt, %squeeze3A_52, %gt3A_152 : vector<8x128xf32>
    %and3A = arith.andi %gt3A_81, %gt3A_153 : vector<8x128xi1>
    %select_n3A_154 = arith.select %and3A, %select_n3A_150, %broadcast_in_dim3A_41 : vector<8x128xi1>, vector<8x128xf32>
    %add3A_155 = arith.addf %broadcast_in_dim3A_41, %select_n3A_104 : vector<8x128xf32>
    %add3A_156 = arith.addf %broadcast_in_dim3A_41, %select_n3A_110 : vector<8x128xf32>
    %add3A_157 = arith.addf %broadcast_in_dim3A_41, %select_n3A : vector<8x128xf32>
    %add3A_158 = arith.addf %broadcast_in_dim3A_41, %sub3A_91 : vector<8x128xf32>
    %add3A_159 = arith.addf %broadcast_in_dim3A_41, %select_n3A_154 : vector<8x128xf32>
    %get3A_160 = arith.constant 0 : index
    %get3A_161 = arith.constant 8 : index
    %get3A_162 = arith.constant 0 : index
    %get3A_163 = arith.constant 0 : index
    %get3A_164 = vector.load %arg2[%get3A_160, %get3A_161, %get3A_162, %get3A_163] : memref<1x64x4x128xf32, #tpu.memory_space<vmem>>, vector<1x8x4x128xf32>
    %get3A_165 = vector.shape_cast %get3A_164 : vector<1x8x4x128xf32> to vector<8x4x128xf32>
    %slice3A_166 = vector.extract_strided_slice %get3A_165 {offsets = [0, 0, 0], sizes = [8, 1, 128], strides = [1, 1, 1]} : vector<8x4x128xf32> to vector<8x1x128xf32>
    %squeeze3A_167 = vector.shape_cast %slice3A_166 : vector<8x1x128xf32> to vector<8x128xf32>
    %slice3A_168 = vector.extract_strided_slice %get3A_165 {offsets = [0, 1, 0], sizes = [8, 1, 128], strides = [1, 1, 1]} : vector<8x4x128xf32> to vector<8x1x128xf32>
    %squeeze3A_169 = vector.shape_cast %slice3A_168 : vector<8x1x128xf32> to vector<8x128xf32>
    %slice3A_170 = vector.extract_strided_slice %get3A_165 {offsets = [0, 2, 0], sizes = [8, 1, 128], strides = [1, 1, 1]} : vector<8x4x128xf32> to vector<8x1x128xf32>
    %squeeze3A_171 = vector.shape_cast %slice3A_170 : vector<8x1x128xf32> to vector<8x128xf32>
    %slice3A_172 = vector.extract_strided_slice %get3A_165 {offsets = [0, 3, 0], sizes = [8, 1, 128], strides = [1, 1, 1]} : vector<8x4x128xf32> to vector<8x1x128xf32>
    %squeeze3A_173 = vector.shape_cast %slice3A_172 : vector<8x1x128xf32> to vector<8x128xf32>
    %get3A_174 = arith.constant 0 : index
    %get3A_175 = arith.constant 0 : index
    %get3A_176 = arith.constant 8 : index
    %get3A_177 = arith.constant 0 : index
    %get3A_178 = arith.constant 0 : index
    %get3A_179 = vector.load %arg1[%get3A_174, %get3A_175, %get3A_176, %get3A_177, %get3A_178] : memref<1x3x64x8x128xf32, #tpu.memory_space<vmem>>, vector<1x1x8x8x128xf32>
    %get3A_180 = vector.shape_cast %get3A_179 : vector<1x1x8x8x128xf32> to vector<8x8x128xf32>
    %get3A_181 = arith.constant 0 : index
    %get3A_182 = arith.constant 1 : index
    %get3A_183 = arith.constant 8 : index
    %get3A_184 = arith.constant 0 : index
    %get3A_185 = arith.constant 0 : index
    %get3A_186 = vector.load %arg1[%get3A_181, %get3A_182, %get3A_183, %get3A_184, %get3A_185] : memref<1x3x64x8x128xf32, #tpu.memory_space<vmem>>, vector<1x1x8x8x128xf32>
    %get3A_187 = vector.shape_cast %get3A_186 : vector<1x1x8x8x128xf32> to vector<8x8x128xf32>
    %get3A_188 = arith.constant 0 : index
    %get3A_189 = arith.constant 2 : index
    %get3A_190 = arith.constant 8 : index
    %get3A_191 = arith.constant 0 : index
    %get3A_192 = arith.constant 0 : index
    %get3A_193 = vector.load %arg1[%get3A_188, %get3A_189, %get3A_190, %get3A_191, %get3A_192] : memref<1x3x64x8x128xf32, #tpu.memory_space<vmem>>, vector<1x1x8x8x128xf32>
    %get3A_194 = vector.shape_cast %get3A_193 : vector<1x1x8x8x128xf32> to vector<8x8x128xf32>
    %slice3A_195 = vector.extract_strided_slice %get3A_180 {offsets = [0, 0, 0], sizes = [8, 1, 128], strides = [1, 1, 1]} : vector<8x8x128xf32> to vector<8x1x128xf32>
    %squeeze3A_196 = vector.shape_cast %slice3A_195 : vector<8x1x128xf32> to vector<8x128xf32>
    %slice3A_197 = vector.extract_strided_slice %get3A_180 {offsets = [0, 1, 0], sizes = [8, 1, 128], strides = [1, 1, 1]} : vector<8x8x128xf32> to vector<8x1x128xf32>
    %squeeze3A_198 = vector.shape_cast %slice3A_197 : vector<8x1x128xf32> to vector<8x128xf32>
    %slice3A_199 = vector.extract_strided_slice %get3A_180 {offsets = [0, 2, 0], sizes = [8, 1, 128], strides = [1, 1, 1]} : vector<8x8x128xf32> to vector<8x1x128xf32>
    %squeeze3A_200 = vector.shape_cast %slice3A_199 : vector<8x1x128xf32> to vector<8x128xf32>
    %gt3A_201 = arith.constant 0.000000e+00 : f32
    %gt3A_202 = vector.broadcast %gt3A_201 : f32 to vector<8x128xf32>
    %gt3A_203 = arith.cmpf ogt, %squeeze3A_171, %gt3A_202 : vector<8x128xf32>
    %neg3A_204 = arith.constant 0.000000e+00 : f32
    %neg3A_205 = vector.broadcast %neg3A_204 : f32 to vector<8x128xf32>
    %neg3A_206 = arith.subf %neg3A_205, %squeeze3A_200 : vector<8x128xf32>
    %exp3A_207 = math.exp %neg3A_206 : vector<8x128xf32>
    %add3A_208 = arith.constant 1.000000e+00 : f32
    %add3A_209 = vector.broadcast %add3A_208 : f32 to vector<8x128xf32>
    %add3A_210 = arith.addf %add3A_209, %exp3A_207 : vector<8x128xf32>
    %div3A_211 = arith.constant 1.000000e+00 : f32
    %div3A_212 = vector.broadcast %div3A_211 : f32 to vector<8x128xf32>
    %div3A_213 = arith.divf %div3A_212, %add3A_210 : vector<8x128xf32>
    %sub3A_214 = arith.subf %div3A_213, %squeeze3A_171 : vector<8x128xf32>
    %mul3A_215 = arith.mulf %sub3A_214, %sub3A_214 : vector<8x128xf32>
    %select_n3A_216 = arith.select %gt3A_203, %mul3A_215, %broadcast_in_dim3A_41 : vector<8x128xi1>, vector<8x128xf32>
    %sub3A_217 = arith.subf %mul3A_215, %select_n3A_216 : vector<8x128xf32>
    %neg3A_218 = arith.constant 0.000000e+00 : f32
    %neg3A_219 = vector.broadcast %neg3A_218 : f32 to vector<8x128xf32>
    %neg3A_220 = arith.subf %neg3A_219, %squeeze3A_196 : vector<8x128xf32>
    %exp3A_221 = math.exp %neg3A_220 : vector<8x128xf32>
    %add3A_222 = arith.constant 1.000000e+00 : f32
    %add3A_223 = vector.broadcast %add3A_222 : f32 to vector<8x128xf32>
    %add3A_224 = arith.addf %add3A_223, %exp3A_221 : vector<8x128xf32>
    %div3A_225 = arith.constant 1.000000e+00 : f32
    %div3A_226 = vector.broadcast %div3A_225 : f32 to vector<8x128xf32>
    %div3A_227 = arith.divf %div3A_226, %add3A_224 : vector<8x128xf32>
    %sub3A_228 = arith.subf %div3A_227, %squeeze3A_167 : vector<8x128xf32>
    %mul3A_229 = arith.mulf %sub3A_228, %sub3A_228 : vector<8x128xf32>
    %select_n3A_230 = arith.select %gt3A_203, %mul3A_229, %broadcast_in_dim3A_41 : vector<8x128xi1>, vector<8x128xf32>
    %mul3A_231 = arith.constant 6.14146852 : f32
    %mul3A_232 = vector.broadcast %mul3A_231 : f32 to vector<8x128xf32>
    %mul3A_233 = arith.mulf %squeeze3A_169, %mul3A_232 : vector<8x128xf32>
    %log3A_234 = math.log %mul3A_233 : vector<8x128xf32>
    %sub3A_235 = arith.subf %squeeze3A_198, %log3A_234 : vector<8x128xf32>
    %mul3A_236 = arith.mulf %sub3A_235, %sub3A_235 : vector<8x128xf32>
    %select_n3A_237 = arith.select %gt3A_203, %mul3A_236, %broadcast_in_dim3A_41 : vector<8x128xi1>, vector<8x128xf32>
    %exp3A_238 = math.exp %get3A_180 : vector<8x8x128xf32>
    %mul3A_239 = vector.broadcast %convert_element_type3A_5 : vector<1x8x1xf32> to vector<8x8x128xf32>
    %mul3A_240 = arith.mulf %exp3A_238, %mul3A_239 : vector<8x8x128xf32>
    %mul3A_241 = vector.broadcast %mul3A_10 : vector<1x8x1xf32> to vector<8x8x128xf32>
    %mul3A_242 = arith.mulf %exp3A_238, %mul3A_241 : vector<8x8x128xf32>
    %exp3A_243 = math.exp %get3A_187 : vector<8x8x128xf32>
    %add3A_244 = arith.addf %mul3A_240, %exp3A_243 : vector<8x8x128xf32>
    %mul3A_245 = vector.broadcast %mul3A_25 : vector<1x8x1xf32> to vector<8x8x128xf32>
    %mul3A_246 = arith.mulf %exp3A_243, %mul3A_245 : vector<8x8x128xf32>
    %add3A_247 = arith.addf %mul3A_242, %mul3A_246 : vector<8x8x128xf32>
    %exp3A_248 = math.exp %get3A_194 : vector<8x8x128xf32>
    %add3A_249 = arith.addf %add3A_244, %exp3A_248 : vector<8x8x128xf32>
    %mul3A_250 = vector.broadcast %mul3A_40 : vector<1x8x1xf32> to vector<8x8x128xf32>
    %mul3A_251 = arith.mulf %exp3A_248, %mul3A_250 : vector<8x8x128xf32>
    %add3A_252 = arith.addf %add3A_247, %mul3A_251 : vector<8x8x128xf32>
    %reduce_sum3A_253 = arith.constant dense<0.000000e+00> : vector<8x128xf32>
    %reduce_sum3A_254 = vector.multi_reduction <add>, %add3A_249, %reduce_sum3A_253 [1] : vector<8x8x128xf32> to vector<8x128xf32>
    %reduce_sum3A_255 = arith.constant dense<0.000000e+00> : vector<8x128xf32>
    %reduce_sum3A_256 = vector.multi_reduction <add>, %add3A_252, %reduce_sum3A_255 [1] : vector<8x8x128xf32> to vector<8x128xf32>
    %add3A_257 = arith.addf %reduce_sum3A_256, %reduce_sum3A_254 : vector<8x128xf32>
    %mul3A_258 = arith.constant 1.000000e+01 : f32
    %mul3A_259 = vector.broadcast %mul3A_258 : f32 to vector<8x128xf32>
    %mul3A_260 = arith.mulf %mul3A_259, %add3A_257 : vector<8x128xf32>
    %add3A_261 = arith.constant 1.000000e+00 : f32
    %add3A_262 = vector.broadcast %add3A_261 : f32 to vector<8x128xf32>
    %add3A_263 = arith.addf %squeeze3A_173, %add3A_262 : vector<8x128xf32>
    %mul3A_264 = arith.mulf %reduce_sum3A_254, %add3A_263 : vector<8x128xf32>
    %div3A_265 = arith.divf %mul3A_260, %mul3A_264 : vector<8x128xf32>
    %sub3A_266 = arith.constant 1.000000e+01 : f32
    %sub3A_267 = vector.broadcast %sub3A_266 : f32 to vector<8x128xf32>
    %sub3A_268 = arith.subf %div3A_265, %sub3A_267 : vector<8x128xf32>
    %abs3A_269 = math.absf %sub3A_268 : vector<8x128xf32>
    %lt3A_270 = arith.constant 1.000000e+00 : f32
    %lt3A_271 = vector.broadcast %lt3A_270 : f32 to vector<8x128xf32>
    %lt3A_272 = arith.cmpf olt, %abs3A_269, %lt3A_271 : vector<8x128xf32>
    %mul3A_273 = arith.constant 5.000000e-01 : f32
    %mul3A_274 = vector.broadcast %mul3A_273 : f32 to vector<8x128xf32>
    %mul3A_275 = arith.mulf %mul3A_274, %sub3A_268 : vector<8x128xf32>
    %mul3A_276 = arith.mulf %mul3A_275, %sub3A_268 : vector<8x128xf32>
    %sub3A_277 = arith.constant 5.000000e-01 : f32
    %sub3A_278 = vector.broadcast %sub3A_277 : f32 to vector<8x128xf32>
    %sub3A_279 = arith.subf %abs3A_269, %sub3A_278 : vector<8x128xf32>
    %select_n3A_280 = arith.select %lt3A_272, %mul3A_276, %sub3A_279 : vector<8x128xi1>, vector<8x128xf32>
    %gt3A_281 = arith.constant 0.000000e+00 : f32
    %gt3A_282 = vector.broadcast %gt3A_281 : f32 to vector<8x128xf32>
    %gt3A_283 = arith.cmpf ogt, %squeeze3A_173, %gt3A_282 : vector<8x128xf32>
    %and3A_284 = arith.andi %gt3A_203, %gt3A_283 : vector<8x128xi1>
    %select_n3A_285 = arith.select %and3A_284, %select_n3A_280, %broadcast_in_dim3A_41 : vector<8x128xi1>, vector<8x128xf32>
    %add3A_286 = arith.addf %add3A_155, %select_n3A_230 : vector<8x128xf32>
    %add3A_287 = arith.addf %add3A_156, %select_n3A_237 : vector<8x128xf32>
    %add3A_288 = arith.addf %add3A_157, %select_n3A_216 : vector<8x128xf32>
    %add3A_289 = arith.addf %add3A_158, %sub3A_217 : vector<8x128xf32>
    %add3A_290 = arith.addf %add3A_159, %select_n3A_285 : vector<8x128xf32>
    %get3A_291 = arith.constant 0 : index
    %get3A_292 = arith.constant 16 : index
    %get3A_293 = arith.constant 0 : index
    %get3A_294 = arith.constant 0 : index
    %get3A_295 = vector.load %arg2[%get3A_291, %get3A_292, %get3A_293, %get3A_294] : memref<1x64x4x128xf32, #tpu.memory_space<vmem>>, vector<1x8x4x128xf32>
    %get3A_296 = vector.shape_cast %get3A_295 : vector<1x8x4x128xf32> to vector<8x4x128xf32>
    %slice3A_297 = vector.extract_strided_slice %get3A_296 {offsets = [0, 0, 0], sizes = [8, 1, 128], strides = [1, 1, 1]} : vector<8x4x128xf32> to vector<8x1x128xf32>
    %squeeze3A_298 = vector.shape_cast %slice3A_297 : vector<8x1x128xf32> to vector<8x128xf32>
    %slice3A_299 = vector.extract_strided_slice %get3A_296 {offsets = [0, 1, 0], sizes = [8, 1, 128], strides = [1, 1, 1]} : vector<8x4x128xf32> to vector<8x1x128xf32>
    %squeeze3A_300 = vector.shape_cast %slice3A_299 : vector<8x1x128xf32> to vector<8x128xf32>
    %slice3A_301 = vector.extract_strided_slice %get3A_296 {offsets = [0, 2, 0], sizes = [8, 1, 128], strides = [1, 1, 1]} : vector<8x4x128xf32> to vector<8x1x128xf32>
    %squeeze3A_302 = vector.shape_cast %slice3A_301 : vector<8x1x128xf32> to vector<8x128xf32>
    %slice3A_303 = vector.extract_strided_slice %get3A_296 {offsets = [0, 3, 0], sizes = [8, 1, 128], strides = [1, 1, 1]} : vector<8x4x128xf32> to vector<8x1x128xf32>
    %squeeze3A_304 = vector.shape_cast %slice3A_303 : vector<8x1x128xf32> to vector<8x128xf32>
    %get3A_305 = arith.constant 0 : index
    %get3A_306 = arith.constant 0 : index
    %get3A_307 = arith.constant 16 : index
    %get3A_308 = arith.constant 0 : index
    %get3A_309 = arith.constant 0 : index
    %get3A_310 = vector.load %arg1[%get3A_305, %get3A_306, %get3A_307, %get3A_308, %get3A_309] : memref<1x3x64x8x128xf32, #tpu.memory_space<vmem>>, vector<1x1x8x8x128xf32>
    %get3A_311 = vector.shape_cast %get3A_310 : vector<1x1x8x8x128xf32> to vector<8x8x128xf32>
    %get3A_312 = arith.constant 0 : index
    %get3A_313 = arith.constant 1 : index
    %get3A_314 = arith.constant 16 : index
    %get3A_315 = arith.constant 0 : index
    %get3A_316 = arith.constant 0 : index
    %get3A_317 = vector.load %arg1[%get3A_312, %get3A_313, %get3A_314, %get3A_315, %get3A_316] : memref<1x3x64x8x128xf32, #tpu.memory_space<vmem>>, vector<1x1x8x8x128xf32>
    %get3A_318 = vector.shape_cast %get3A_317 : vector<1x1x8x8x128xf32> to vector<8x8x128xf32>
    %get3A_319 = arith.constant 0 : index
    %get3A_320 = arith.constant 2 : index
    %get3A_321 = arith.constant 16 : index
    %get3A_322 = arith.constant 0 : index
    %get3A_323 = arith.constant 0 : index
    %get3A_324 = vector.load %arg1[%get3A_319, %get3A_320, %get3A_321, %get3A_322, %get3A_323] : memref<1x3x64x8x128xf32, #tpu.memory_space<vmem>>, vector<1x1x8x8x128xf32>
    %get3A_325 = vector.shape_cast %get3A_324 : vector<1x1x8x8x128xf32> to vector<8x8x128xf32>
    %slice3A_326 = vector.extract_strided_slice %get3A_311 {offsets = [0, 0, 0], sizes = [8, 1, 128], strides = [1, 1, 1]} : vector<8x8x128xf32> to vector<8x1x128xf32>
    %squeeze3A_327 = vector.shape_cast %slice3A_326 : vector<8x1x128xf32> to vector<8x128xf32>
    %slice3A_328 = vector.extract_strided_slice %get3A_311 {offsets = [0, 1, 0], sizes = [8, 1, 128], strides = [1, 1, 1]} : vector<8x8x128xf32> to vector<8x1x128xf32>
    %squeeze3A_329 = vector.shape_cast %slice3A_328 : vector<8x1x128xf32> to vector<8x128xf32>
    %slice3A_330 = vector.extract_strided_slice %get3A_311 {offsets = [0, 2, 0], sizes = [8, 1, 128], strides = [1, 1, 1]} : vector<8x8x128xf32> to vector<8x1x128xf32>
    %squeeze3A_331 = vector.shape_cast %slice3A_330 : vector<8x1x128xf32> to vector<8x128xf32>
    %gt3A_332 = arith.constant 0.000000e+00 : f32
    %gt3A_333 = vector.broadcast %gt3A_332 : f32 to vector<8x128xf32>
    %gt3A_334 = arith.cmpf ogt, %squeeze3A_302, %gt3A_333 : vector<8x128xf32>
    %neg3A_335 = arith.constant 0.000000e+00 : f32
    %neg3A_336 = vector.broadcast %neg3A_335 : f32 to vector<8x128xf32>
    %neg3A_337 = arith.subf %neg3A_336, %squeeze3A_331 : vector<8x128xf32>
    %exp3A_338 = math.exp %neg3A_337 : vector<8x128xf32>
    %add3A_339 = arith.constant 1.000000e+00 : f32
    %add3A_340 = vector.broadcast %add3A_339 : f32 to vector<8x128xf32>
    %add3A_341 = arith.addf %add3A_340, %exp3A_338 : vector<8x128xf32>
    %div3A_342 = arith.constant 1.000000e+00 : f32
    %div3A_343 = vector.broadcast %div3A_342 : f32 to vector<8x128xf32>
    %div3A_344 = arith.divf %div3A_343, %add3A_341 : vector<8x128xf32>
    %sub3A_345 = arith.subf %div3A_344, %squeeze3A_302 : vector<8x128xf32>
    %mul3A_346 = arith.mulf %sub3A_345, %sub3A_345 : vector<8x128xf32>
    %select_n3A_347 = arith.select %gt3A_334, %mul3A_346, %broadcast_in_dim3A_41 : vector<8x128xi1>, vector<8x128xf32>
    %sub3A_348 = arith.subf %mul3A_346, %select_n3A_347 : vector<8x128xf32>
    %neg3A_349 = arith.constant 0.000000e+00 : f32
    %neg3A_350 = vector.broadcast %neg3A_349 : f32 to vector<8x128xf32>
    %neg3A_351 = arith.subf %neg3A_350, %squeeze3A_327 : vector<8x128xf32>
    %exp3A_352 = math.exp %neg3A_351 : vector<8x128xf32>
    %add3A_353 = arith.constant 1.000000e+00 : f32
    %add3A_354 = vector.broadcast %add3A_353 : f32 to vector<8x128xf32>
    %add3A_355 = arith.addf %add3A_354, %exp3A_352 : vector<8x128xf32>
    %div3A_356 = arith.constant 1.000000e+00 : f32
    %div3A_357 = vector.broadcast %div3A_356 : f32 to vector<8x128xf32>
    %div3A_358 = arith.divf %div3A_357, %add3A_355 : vector<8x128xf32>
    %sub3A_359 = arith.subf %div3A_358, %squeeze3A_298 : vector<8x128xf32>
    %mul3A_360 = arith.mulf %sub3A_359, %sub3A_359 : vector<8x128xf32>
    %select_n3A_361 = arith.select %gt3A_334, %mul3A_360, %broadcast_in_dim3A_41 : vector<8x128xi1>, vector<8x128xf32>
    %mul3A_362 = arith.constant 6.14146852 : f32
    %mul3A_363 = vector.broadcast %mul3A_362 : f32 to vector<8x128xf32>
    %mul3A_364 = arith.mulf %squeeze3A_300, %mul3A_363 : vector<8x128xf32>
    %log3A_365 = math.log %mul3A_364 : vector<8x128xf32>
    %sub3A_366 = arith.subf %squeeze3A_329, %log3A_365 : vector<8x128xf32>
    %mul3A_367 = arith.mulf %sub3A_366, %sub3A_366 : vector<8x128xf32>
    %select_n3A_368 = arith.select %gt3A_334, %mul3A_367, %broadcast_in_dim3A_41 : vector<8x128xi1>, vector<8x128xf32>
    %exp3A_369 = math.exp %get3A_311 : vector<8x8x128xf32>
    %mul3A_370 = vector.broadcast %convert_element_type3A_5 : vector<1x8x1xf32> to vector<8x8x128xf32>
    %mul3A_371 = arith.mulf %exp3A_369, %mul3A_370 : vector<8x8x128xf32>
    %mul3A_372 = vector.broadcast %mul3A_10 : vector<1x8x1xf32> to vector<8x8x128xf32>
    %mul3A_373 = arith.mulf %exp3A_369, %mul3A_372 : vector<8x8x128xf32>
    %exp3A_374 = math.exp %get3A_318 : vector<8x8x128xf32>
    %add3A_375 = arith.addf %mul3A_371, %exp3A_374 : vector<8x8x128xf32>
    %mul3A_376 = vector.broadcast %mul3A_25 : vector<1x8x1xf32> to vector<8x8x128xf32>
    %mul3A_377 = arith.mulf %exp3A_374, %mul3A_376 : vector<8x8x128xf32>
    %add3A_378 = arith.addf %mul3A_373, %mul3A_377 : vector<8x8x128xf32>
    %exp3A_379 = math.exp %get3A_325 : vector<8x8x128xf32>
    %add3A_380 = arith.addf %add3A_375, %exp3A_379 : vector<8x8x128xf32>
    %mul3A_381 = vector.broadcast %mul3A_40 : vector<1x8x1xf32> to vector<8x8x128xf32>
    %mul3A_382 = arith.mulf %exp3A_379, %mul3A_381 : vector<8x8x128xf32>
    %add3A_383 = arith.addf %add3A_378, %mul3A_382 : vector<8x8x128xf32>
    %reduce_sum3A_384 = arith.constant dense<0.000000e+00> : vector<8x128xf32>
    %reduce_sum3A_385 = vector.multi_reduction <add>, %add3A_380, %reduce_sum3A_384 [1] : vector<8x8x128xf32> to vector<8x128xf32>
    %reduce_sum3A_386 = arith.constant dense<0.000000e+00> : vector<8x128xf32>
    %reduce_sum3A_387 = vector.multi_reduction <add>, %add3A_383, %reduce_sum3A_386 [1] : vector<8x8x128xf32> to vector<8x128xf32>
    %add3A_388 = arith.addf %reduce_sum3A_387, %reduce_sum3A_385 : vector<8x128xf32>
    %mul3A_389 = arith.constant 1.000000e+01 : f32
    %mul3A_390 = vector.broadcast %mul3A_389 : f32 to vector<8x128xf32>
    %mul3A_391 = arith.mulf %mul3A_390, %add3A_388 : vector<8x128xf32>
    %add3A_392 = arith.constant 1.000000e+00 : f32
    %add3A_393 = vector.broadcast %add3A_392 : f32 to vector<8x128xf32>
    %add3A_394 = arith.addf %squeeze3A_304, %add3A_393 : vector<8x128xf32>
    %mul3A_395 = arith.mulf %reduce_sum3A_385, %add3A_394 : vector<8x128xf32>
    %div3A_396 = arith.divf %mul3A_391, %mul3A_395 : vector<8x128xf32>
    %sub3A_397 = arith.constant 1.000000e+01 : f32
    %sub3A_398 = vector.broadcast %sub3A_397 : f32 to vector<8x128xf32>
    %sub3A_399 = arith.subf %div3A_396, %sub3A_398 : vector<8x128xf32>
    %abs3A_400 = math.absf %sub3A_399 : vector<8x128xf32>
    %lt3A_401 = arith.constant 1.000000e+00 : f32
    %lt3A_402 = vector.broadcast %lt3A_401 : f32 to vector<8x128xf32>
    %lt3A_403 = arith.cmpf olt, %abs3A_400, %lt3A_402 : vector<8x128xf32>
    %mul3A_404 = arith.constant 5.000000e-01 : f32
    %mul3A_405 = vector.broadcast %mul3A_404 : f32 to vector<8x128xf32>
    %mul3A_406 = arith.mulf %mul3A_405, %sub3A_399 : vector<8x128xf32>
    %mul3A_407 = arith.mulf %mul3A_406, %sub3A_399 : vector<8x128xf32>
    %sub3A_408 = arith.constant 5.000000e-01 : f32
    %sub3A_409 = vector.broadcast %sub3A_408 : f32 to vector<8x128xf32>
    %sub3A_410 = arith.subf %abs3A_400, %sub3A_409 : vector<8x128xf32>
    %select_n3A_411 = arith.select %lt3A_403, %mul3A_407, %sub3A_410 : vector<8x128xi1>, vector<8x128xf32>
    %gt3A_412 = arith.constant 0.000000e+00 : f32
    %gt3A_413 = vector.broadcast %gt3A_412 : f32 to vector<8x128xf32>
    %gt3A_414 = arith.cmpf ogt, %squeeze3A_304, %gt3A_413 : vector<8x128xf32>
    %and3A_415 = arith.andi %gt3A_334, %gt3A_414 : vector<8x128xi1>
    %select_n3A_416 = arith.select %and3A_415, %select_n3A_411, %broadcast_in_dim3A_41 : vector<8x128xi1>, vector<8x128xf32>
    %add3A_417 = arith.addf %add3A_286, %select_n3A_361 : vector<8x128xf32>
    %add3A_418 = arith.addf %add3A_287, %select_n3A_368 : vector<8x128xf32>
    %add3A_419 = arith.addf %add3A_288, %select_n3A_347 : vector<8x128xf32>
    %add3A_420 = arith.addf %add3A_289, %sub3A_348 : vector<8x128xf32>
    %add3A_421 = arith.addf %add3A_290, %select_n3A_416 : vector<8x128xf32>
    %get3A_422 = arith.constant 0 : index
    %get3A_423 = arith.constant 24 : index
    %get3A_424 = arith.constant 0 : index
    %get3A_425 = arith.constant 0 : index
    %get3A_426 = vector.load %arg2[%get3A_422, %get3A_423, %get3A_424, %get3A_425] : memref<1x64x4x128xf32, #tpu.memory_space<vmem>>, vector<1x8x4x128xf32>
    %get3A_427 = vector.shape_cast %get3A_426 : vector<1x8x4x128xf32> to vector<8x4x128xf32>
    %slice3A_428 = vector.extract_strided_slice %get3A_427 {offsets = [0, 0, 0], sizes = [8, 1, 128], strides = [1, 1, 1]} : vector<8x4x128xf32> to vector<8x1x128xf32>
    %squeeze3A_429 = vector.shape_cast %slice3A_428 : vector<8x1x128xf32> to vector<8x128xf32>
    %slice3A_430 = vector.extract_strided_slice %get3A_427 {offsets = [0, 1, 0], sizes = [8, 1, 128], strides = [1, 1, 1]} : vector<8x4x128xf32> to vector<8x1x128xf32>
    %squeeze3A_431 = vector.shape_cast %slice3A_430 : vector<8x1x128xf32> to vector<8x128xf32>
    %slice3A_432 = vector.extract_strided_slice %get3A_427 {offsets = [0, 2, 0], sizes = [8, 1, 128], strides = [1, 1, 1]} : vector<8x4x128xf32> to vector<8x1x128xf32>
    %squeeze3A_433 = vector.shape_cast %slice3A_432 : vector<8x1x128xf32> to vector<8x128xf32>
    %slice3A_434 = vector.extract_strided_slice %get3A_427 {offsets = [0, 3, 0], sizes = [8, 1, 128], strides = [1, 1, 1]} : vector<8x4x128xf32> to vector<8x1x128xf32>
    %squeeze3A_435 = vector.shape_cast %slice3A_434 : vector<8x1x128xf32> to vector<8x128xf32>
    %get3A_436 = arith.constant 0 : index
    %get3A_437 = arith.constant 0 : index
    %get3A_438 = arith.constant 24 : index
    %get3A_439 = arith.constant 0 : index
    %get3A_440 = arith.constant 0 : index
    %get3A_441 = vector.load %arg1[%get3A_436, %get3A_437, %get3A_438, %get3A_439, %get3A_440] : memref<1x3x64x8x128xf32, #tpu.memory_space<vmem>>, vector<1x1x8x8x128xf32>
    %get3A_442 = vector.shape_cast %get3A_441 : vector<1x1x8x8x128xf32> to vector<8x8x128xf32>
    %get3A_443 = arith.constant 0 : index
    %get3A_444 = arith.constant 1 : index
    %get3A_445 = arith.constant 24 : index
    %get3A_446 = arith.constant 0 : index
    %get3A_447 = arith.constant 0 : index
    %get3A_448 = vector.load %arg1[%get3A_443, %get3A_444, %get3A_445, %get3A_446, %get3A_447] : memref<1x3x64x8x128xf32, #tpu.memory_space<vmem>>, vector<1x1x8x8x128xf32>
    %get3A_449 = vector.shape_cast %get3A_448 : vector<1x1x8x8x128xf32> to vector<8x8x128xf32>
    %get3A_450 = arith.constant 0 : index
    %get3A_451 = arith.constant 2 : index
    %get3A_452 = arith.constant 24 : index
    %get3A_453 = arith.constant 0 : index
    %get3A_454 = arith.constant 0 : index
    %get3A_455 = vector.load %arg1[%get3A_450, %get3A_451, %get3A_452, %get3A_453, %get3A_454] : memref<1x3x64x8x128xf32, #tpu.memory_space<vmem>>, vector<1x1x8x8x128xf32>
    %get3A_456 = vector.shape_cast %get3A_455 : vector<1x1x8x8x128xf32> to vector<8x8x128xf32>
    %slice3A_457 = vector.extract_strided_slice %get3A_442 {offsets = [0, 0, 0], sizes = [8, 1, 128], strides = [1, 1, 1]} : vector<8x8x128xf32> to vector<8x1x128xf32>
    %squeeze3A_458 = vector.shape_cast %slice3A_457 : vector<8x1x128xf32> to vector<8x128xf32>
    %slice3A_459 = vector.extract_strided_slice %get3A_442 {offsets = [0, 1, 0], sizes = [8, 1, 128], strides = [1, 1, 1]} : vector<8x8x128xf32> to vector<8x1x128xf32>
    %squeeze3A_460 = vector.shape_cast %slice3A_459 : vector<8x1x128xf32> to vector<8x128xf32>
    %slice3A_461 = vector.extract_strided_slice %get3A_442 {offsets = [0, 2, 0], sizes = [8, 1, 128], strides = [1, 1, 1]} : vector<8x8x128xf32> to vector<8x1x128xf32>
    %squeeze3A_462 = vector.shape_cast %slice3A_461 : vector<8x1x128xf32> to vector<8x128xf32>
    %gt3A_463 = arith.constant 0.000000e+00 : f32
    %gt3A_464 = vector.broadcast %gt3A_463 : f32 to vector<8x128xf32>
    %gt3A_465 = arith.cmpf ogt, %squeeze3A_433, %gt3A_464 : vector<8x128xf32>
    %neg3A_466 = arith.constant 0.000000e+00 : f32
    %neg3A_467 = vector.broadcast %neg3A_466 : f32 to vector<8x128xf32>
    %neg3A_468 = arith.subf %neg3A_467, %squeeze3A_462 : vector<8x128xf32>
    %exp3A_469 = math.exp %neg3A_468 : vector<8x128xf32>
    %add3A_470 = arith.constant 1.000000e+00 : f32
    %add3A_471 = vector.broadcast %add3A_470 : f32 to vector<8x128xf32>
    %add3A_472 = arith.addf %add3A_471, %exp3A_469 : vector<8x128xf32>
    %div3A_473 = arith.constant 1.000000e+00 : f32
    %div3A_474 = vector.broadcast %div3A_473 : f32 to vector<8x128xf32>
    %div3A_475 = arith.divf %div3A_474, %add3A_472 : vector<8x128xf32>
    %sub3A_476 = arith.subf %div3A_475, %squeeze3A_433 : vector<8x128xf32>
    %mul3A_477 = arith.mulf %sub3A_476, %sub3A_476 : vector<8x128xf32>
    %select_n3A_478 = arith.select %gt3A_465, %mul3A_477, %broadcast_in_dim3A_41 : vector<8x128xi1>, vector<8x128xf32>
    %sub3A_479 = arith.subf %mul3A_477, %select_n3A_478 : vector<8x128xf32>
    %neg3A_480 = arith.constant 0.000000e+00 : f32
    %neg3A_481 = vector.broadcast %neg3A_480 : f32 to vector<8x128xf32>
    %neg3A_482 = arith.subf %neg3A_481, %squeeze3A_458 : vector<8x128xf32>
    %exp3A_483 = math.exp %neg3A_482 : vector<8x128xf32>
    %add3A_484 = arith.constant 1.000000e+00 : f32
    %add3A_485 = vector.broadcast %add3A_484 : f32 to vector<8x128xf32>
    %add3A_486 = arith.addf %add3A_485, %exp3A_483 : vector<8x128xf32>
    %div3A_487 = arith.constant 1.000000e+00 : f32
    %div3A_488 = vector.broadcast %div3A_487 : f32 to vector<8x128xf32>
    %div3A_489 = arith.divf %div3A_488, %add3A_486 : vector<8x128xf32>
    %sub3A_490 = arith.subf %div3A_489, %squeeze3A_429 : vector<8x128xf32>
    %mul3A_491 = arith.mulf %sub3A_490, %sub3A_490 : vector<8x128xf32>
    %select_n3A_492 = arith.select %gt3A_465, %mul3A_491, %broadcast_in_dim3A_41 : vector<8x128xi1>, vector<8x128xf32>
    %mul3A_493 = arith.constant 6.14146852 : f32
    %mul3A_494 = vector.broadcast %mul3A_493 : f32 to vector<8x128xf32>
    %mul3A_495 = arith.mulf %squeeze3A_431, %mul3A_494 : vector<8x128xf32>
    %log3A_496 = math.log %mul3A_495 : vector<8x128xf32>
    %sub3A_497 = arith.subf %squeeze3A_460, %log3A_496 : vector<8x128xf32>
    %mul3A_498 = arith.mulf %sub3A_497, %sub3A_497 : vector<8x128xf32>
    %select_n3A_499 = arith.select %gt3A_465, %mul3A_498, %broadcast_in_dim3A_41 : vector<8x128xi1>, vector<8x128xf32>
    %exp3A_500 = math.exp %get3A_442 : vector<8x8x128xf32>
    %mul3A_501 = vector.broadcast %convert_element_type3A_5 : vector<1x8x1xf32> to vector<8x8x128xf32>
    %mul3A_502 = arith.mulf %exp3A_500, %mul3A_501 : vector<8x8x128xf32>
    %mul3A_503 = vector.broadcast %mul3A_10 : vector<1x8x1xf32> to vector<8x8x128xf32>
    %mul3A_504 = arith.mulf %exp3A_500, %mul3A_503 : vector<8x8x128xf32>
    %exp3A_505 = math.exp %get3A_449 : vector<8x8x128xf32>
    %add3A_506 = arith.addf %mul3A_502, %exp3A_505 : vector<8x8x128xf32>
    %mul3A_507 = vector.broadcast %mul3A_25 : vector<1x8x1xf32> to vector<8x8x128xf32>
    %mul3A_508 = arith.mulf %exp3A_505, %mul3A_507 : vector<8x8x128xf32>
    %add3A_509 = arith.addf %mul3A_504, %mul3A_508 : vector<8x8x128xf32>
    %exp3A_510 = math.exp %get3A_456 : vector<8x8x128xf32>
    %add3A_511 = arith.addf %add3A_506, %exp3A_510 : vector<8x8x128xf32>
    %mul3A_512 = vector.broadcast %mul3A_40 : vector<1x8x1xf32> to vector<8x8x128xf32>
    %mul3A_513 = arith.mulf %exp3A_510, %mul3A_512 : vector<8x8x128xf32>
    %add3A_514 = arith.addf %add3A_509, %mul3A_513 : vector<8x8x128xf32>
    %reduce_sum3A_515 = arith.constant dense<0.000000e+00> : vector<8x128xf32>
    %reduce_sum3A_516 = vector.multi_reduction <add>, %add3A_511, %reduce_sum3A_515 [1] : vector<8x8x128xf32> to vector<8x128xf32>
    %reduce_sum3A_517 = arith.constant dense<0.000000e+00> : vector<8x128xf32>
    %reduce_sum3A_518 = vector.multi_reduction <add>, %add3A_514, %reduce_sum3A_517 [1] : vector<8x8x128xf32> to vector<8x128xf32>
    %add3A_519 = arith.addf %reduce_sum3A_518, %reduce_sum3A_516 : vector<8x128xf32>
    %mul3A_520 = arith.constant 1.000000e+01 : f32
    %mul3A_521 = vector.broadcast %mul3A_520 : f32 to vector<8x128xf32>
    %mul3A_522 = arith.mulf %mul3A_521, %add3A_519 : vector<8x128xf32>
    %add3A_523 = arith.constant 1.000000e+00 : f32
    %add3A_524 = vector.broadcast %add3A_523 : f32 to vector<8x128xf32>
    %add3A_525 = arith.addf %squeeze3A_435, %add3A_524 : vector<8x128xf32>
    %mul3A_526 = arith.mulf %reduce_sum3A_516, %add3A_525 : vector<8x128xf32>
    %div3A_527 = arith.divf %mul3A_522, %mul3A_526 : vector<8x128xf32>
    %sub3A_528 = arith.constant 1.000000e+01 : f32
    %sub3A_529 = vector.broadcast %sub3A_528 : f32 to vector<8x128xf32>
    %sub3A_530 = arith.subf %div3A_527, %sub3A_529 : vector<8x128xf32>
    %abs3A_531 = math.absf %sub3A_530 : vector<8x128xf32>
    %lt3A_532 = arith.constant 1.000000e+00 : f32
    %lt3A_533 = vector.broadcast %lt3A_532 : f32 to vector<8x128xf32>
    %lt3A_534 = arith.cmpf olt, %abs3A_531, %lt3A_533 : vector<8x128xf32>
    %mul3A_535 = arith.constant 5.000000e-01 : f32
    %mul3A_536 = vector.broadcast %mul3A_535 : f32 to vector<8x128xf32>
    %mul3A_537 = arith.mulf %mul3A_536, %sub3A_530 : vector<8x128xf32>
    %mul3A_538 = arith.mulf %mul3A_537, %sub3A_530 : vector<8x128xf32>
    %sub3A_539 = arith.constant 5.000000e-01 : f32
    %sub3A_540 = vector.broadcast %sub3A_539 : f32 to vector<8x128xf32>
    %sub3A_541 = arith.subf %abs3A_531, %sub3A_540 : vector<8x128xf32>
    %select_n3A_542 = arith.select %lt3A_534, %mul3A_538, %sub3A_541 : vector<8x128xi1>, vector<8x128xf32>
    %gt3A_543 = arith.constant 0.000000e+00 : f32
    %gt3A_544 = vector.broadcast %gt3A_543 : f32 to vector<8x128xf32>
    %gt3A_545 = arith.cmpf ogt, %squeeze3A_435, %gt3A_544 : vector<8x128xf32>
    %and3A_546 = arith.andi %gt3A_465, %gt3A_545 : vector<8x128xi1>
    %select_n3A_547 = arith.select %and3A_546, %select_n3A_542, %broadcast_in_dim3A_41 : vector<8x128xi1>, vector<8x128xf32>
    %add3A_548 = arith.addf %add3A_417, %select_n3A_492 : vector<8x128xf32>
    %add3A_549 = arith.addf %add3A_418, %select_n3A_499 : vector<8x128xf32>
    %add3A_550 = arith.addf %add3A_419, %select_n3A_478 : vector<8x128xf32>
    %add3A_551 = arith.addf %add3A_420, %sub3A_479 : vector<8x128xf32>
    %add3A_552 = arith.addf %add3A_421, %select_n3A_547 : vector<8x128xf32>
    %get3A_553 = arith.constant 0 : index
    %get3A_554 = arith.constant 32 : index
    %get3A_555 = arith.constant 0 : index
    %get3A_556 = arith.constant 0 : index
    %get3A_557 = vector.load %arg2[%get3A_553, %get3A_554, %get3A_555, %get3A_556] : memref<1x64x4x128xf32, #tpu.memory_space<vmem>>, vector<1x8x4x128xf32>
    %get3A_558 = vector.shape_cast %get3A_557 : vector<1x8x4x128xf32> to vector<8x4x128xf32>
    %slice3A_559 = vector.extract_strided_slice %get3A_558 {offsets = [0, 0, 0], sizes = [8, 1, 128], strides = [1, 1, 1]} : vector<8x4x128xf32> to vector<8x1x128xf32>
    %squeeze3A_560 = vector.shape_cast %slice3A_559 : vector<8x1x128xf32> to vector<8x128xf32>
    %slice3A_561 = vector.extract_strided_slice %get3A_558 {offsets = [0, 1, 0], sizes = [8, 1, 128], strides = [1, 1, 1]} : vector<8x4x128xf32> to vector<8x1x128xf32>
    %squeeze3A_562 = vector.shape_cast %slice3A_561 : vector<8x1x128xf32> to vector<8x128xf32>
    %slice3A_563 = vector.extract_strided_slice %get3A_558 {offsets = [0, 2, 0], sizes = [8, 1, 128], strides = [1, 1, 1]} : vector<8x4x128xf32> to vector<8x1x128xf32>
    %squeeze3A_564 = vector.shape_cast %slice3A_563 : vector<8x1x128xf32> to vector<8x128xf32>
    %slice3A_565 = vector.extract_strided_slice %get3A_558 {offsets = [0, 3, 0], sizes = [8, 1, 128], strides = [1, 1, 1]} : vector<8x4x128xf32> to vector<8x1x128xf32>
    %squeeze3A_566 = vector.shape_cast %slice3A_565 : vector<8x1x128xf32> to vector<8x128xf32>
    %get3A_567 = arith.constant 0 : index
    %get3A_568 = arith.constant 0 : index
    %get3A_569 = arith.constant 32 : index
    %get3A_570 = arith.constant 0 : index
    %get3A_571 = arith.constant 0 : index
    %get3A_572 = vector.load %arg1[%get3A_567, %get3A_568, %get3A_569, %get3A_570, %get3A_571] : memref<1x3x64x8x128xf32, #tpu.memory_space<vmem>>, vector<1x1x8x8x128xf32>
    %get3A_573 = vector.shape_cast %get3A_572 : vector<1x1x8x8x128xf32> to vector<8x8x128xf32>
    %get3A_574 = arith.constant 0 : index
    %get3A_575 = arith.constant 1 : index
    %get3A_576 = arith.constant 32 : index
    %get3A_577 = arith.constant 0 : index
    %get3A_578 = arith.constant 0 : index
    %get3A_579 = vector.load %arg1[%get3A_574, %get3A_575, %get3A_576, %get3A_577, %get3A_578] : memref<1x3x64x8x128xf32, #tpu.memory_space<vmem>>, vector<1x1x8x8x128xf32>
    %get3A_580 = vector.shape_cast %get3A_579 : vector<1x1x8x8x128xf32> to vector<8x8x128xf32>
    %get3A_581 = arith.constant 0 : index
    %get3A_582 = arith.constant 2 : index
    %get3A_583 = arith.constant 32 : index
    %get3A_584 = arith.constant 0 : index
    %get3A_585 = arith.constant 0 : index
    %get3A_586 = vector.load %arg1[%get3A_581, %get3A_582, %get3A_583, %get3A_584, %get3A_585] : memref<1x3x64x8x128xf32, #tpu.memory_space<vmem>>, vector<1x1x8x8x128xf32>
    %get3A_587 = vector.shape_cast %get3A_586 : vector<1x1x8x8x128xf32> to vector<8x8x128xf32>
    %slice3A_588 = vector.extract_strided_slice %get3A_573 {offsets = [0, 0, 0], sizes = [8, 1, 128], strides = [1, 1, 1]} : vector<8x8x128xf32> to vector<8x1x128xf32>
    %squeeze3A_589 = vector.shape_cast %slice3A_588 : vector<8x1x128xf32> to vector<8x128xf32>
    %slice3A_590 = vector.extract_strided_slice %get3A_573 {offsets = [0, 1, 0], sizes = [8, 1, 128], strides = [1, 1, 1]} : vector<8x8x128xf32> to vector<8x1x128xf32>
    %squeeze3A_591 = vector.shape_cast %slice3A_590 : vector<8x1x128xf32> to vector<8x128xf32>
    %slice3A_592 = vector.extract_strided_slice %get3A_573 {offsets = [0, 2, 0], sizes = [8, 1, 128], strides = [1, 1, 1]} : vector<8x8x128xf32> to vector<8x1x128xf32>
    %squeeze3A_593 = vector.shape_cast %slice3A_592 : vector<8x1x128xf32> to vector<8x128xf32>
    %gt3A_594 = arith.constant 0.000000e+00 : f32
    %gt3A_595 = vector.broadcast %gt3A_594 : f32 to vector<8x128xf32>
    %gt3A_596 = arith.cmpf ogt, %squeeze3A_564, %gt3A_595 : vector<8x128xf32>
    %neg3A_597 = arith.constant 0.000000e+00 : f32
    %neg3A_598 = vector.broadcast %neg3A_597 : f32 to vector<8x128xf32>
    %neg3A_599 = arith.subf %neg3A_598, %squeeze3A_593 : vector<8x128xf32>
    %exp3A_600 = math.exp %neg3A_599 : vector<8x128xf32>
    %add3A_601 = arith.constant 1.000000e+00 : f32
    %add3A_602 = vector.broadcast %add3A_601 : f32 to vector<8x128xf32>
    %add3A_603 = arith.addf %add3A_602, %exp3A_600 : vector<8x128xf32>
    %div3A_604 = arith.constant 1.000000e+00 : f32
    %div3A_605 = vector.broadcast %div3A_604 : f32 to vector<8x128xf32>
    %div3A_606 = arith.divf %div3A_605, %add3A_603 : vector<8x128xf32>
    %sub3A_607 = arith.subf %div3A_606, %squeeze3A_564 : vector<8x128xf32>
    %mul3A_608 = arith.mulf %sub3A_607, %sub3A_607 : vector<8x128xf32>
    %select_n3A_609 = arith.select %gt3A_596, %mul3A_608, %broadcast_in_dim3A_41 : vector<8x128xi1>, vector<8x128xf32>
    %sub3A_610 = arith.subf %mul3A_608, %select_n3A_609 : vector<8x128xf32>
    %neg3A_611 = arith.constant 0.000000e+00 : f32
    %neg3A_612 = vector.broadcast %neg3A_611 : f32 to vector<8x128xf32>
    %neg3A_613 = arith.subf %neg3A_612, %squeeze3A_589 : vector<8x128xf32>
    %exp3A_614 = math.exp %neg3A_613 : vector<8x128xf32>
    %add3A_615 = arith.constant 1.000000e+00 : f32
    %add3A_616 = vector.broadcast %add3A_615 : f32 to vector<8x128xf32>
    %add3A_617 = arith.addf %add3A_616, %exp3A_614 : vector<8x128xf32>
    %div3A_618 = arith.constant 1.000000e+00 : f32
    %div3A_619 = vector.broadcast %div3A_618 : f32 to vector<8x128xf32>
    %div3A_620 = arith.divf %div3A_619, %add3A_617 : vector<8x128xf32>
    %sub3A_621 = arith.subf %div3A_620, %squeeze3A_560 : vector<8x128xf32>
    %mul3A_622 = arith.mulf %sub3A_621, %sub3A_621 : vector<8x128xf32>
    %select_n3A_623 = arith.select %gt3A_596, %mul3A_622, %broadcast_in_dim3A_41 : vector<8x128xi1>, vector<8x128xf32>
    %mul3A_624 = arith.constant 6.14146852 : f32
    %mul3A_625 = vector.broadcast %mul3A_624 : f32 to vector<8x128xf32>
    %mul3A_626 = arith.mulf %squeeze3A_562, %mul3A_625 : vector<8x128xf32>
    %log3A_627 = math.log %mul3A_626 : vector<8x128xf32>
    %sub3A_628 = arith.subf %squeeze3A_591, %log3A_627 : vector<8x128xf32>
    %mul3A_629 = arith.mulf %sub3A_628, %sub3A_628 : vector<8x128xf32>
    %select_n3A_630 = arith.select %gt3A_596, %mul3A_629, %broadcast_in_dim3A_41 : vector<8x128xi1>, vector<8x128xf32>
    %exp3A_631 = math.exp %get3A_573 : vector<8x8x128xf32>
    %mul3A_632 = vector.broadcast %convert_element_type3A_5 : vector<1x8x1xf32> to vector<8x8x128xf32>
    %mul3A_633 = arith.mulf %exp3A_631, %mul3A_632 : vector<8x8x128xf32>
    %mul3A_634 = vector.broadcast %mul3A_10 : vector<1x8x1xf32> to vector<8x8x128xf32>
    %mul3A_635 = arith.mulf %exp3A_631, %mul3A_634 : vector<8x8x128xf32>
    %exp3A_636 = math.exp %get3A_580 : vector<8x8x128xf32>
    %add3A_637 = arith.addf %mul3A_633, %exp3A_636 : vector<8x8x128xf32>
    %mul3A_638 = vector.broadcast %mul3A_25 : vector<1x8x1xf32> to vector<8x8x128xf32>
    %mul3A_639 = arith.mulf %exp3A_636, %mul3A_638 : vector<8x8x128xf32>
    %add3A_640 = arith.addf %mul3A_635, %mul3A_639 : vector<8x8x128xf32>
    %exp3A_641 = math.exp %get3A_587 : vector<8x8x128xf32>
    %add3A_642 = arith.addf %add3A_637, %exp3A_641 : vector<8x8x128xf32>
    %mul3A_643 = vector.broadcast %mul3A_40 : vector<1x8x1xf32> to vector<8x8x128xf32>
    %mul3A_644 = arith.mulf %exp3A_641, %mul3A_643 : vector<8x8x128xf32>
    %add3A_645 = arith.addf %add3A_640, %mul3A_644 : vector<8x8x128xf32>
    %reduce_sum3A_646 = arith.constant dense<0.000000e+00> : vector<8x128xf32>
    %reduce_sum3A_647 = vector.multi_reduction <add>, %add3A_642, %reduce_sum3A_646 [1] : vector<8x8x128xf32> to vector<8x128xf32>
    %reduce_sum3A_648 = arith.constant dense<0.000000e+00> : vector<8x128xf32>
    %reduce_sum3A_649 = vector.multi_reduction <add>, %add3A_645, %reduce_sum3A_648 [1] : vector<8x8x128xf32> to vector<8x128xf32>
    %add3A_650 = arith.addf %reduce_sum3A_649, %reduce_sum3A_647 : vector<8x128xf32>
    %mul3A_651 = arith.constant 1.000000e+01 : f32
    %mul3A_652 = vector.broadcast %mul3A_651 : f32 to vector<8x128xf32>
    %mul3A_653 = arith.mulf %mul3A_652, %add3A_650 : vector<8x128xf32>
    %add3A_654 = arith.constant 1.000000e+00 : f32
    %add3A_655 = vector.broadcast %add3A_654 : f32 to vector<8x128xf32>
    %add3A_656 = arith.addf %squeeze3A_566, %add3A_655 : vector<8x128xf32>
    %mul3A_657 = arith.mulf %reduce_sum3A_647, %add3A_656 : vector<8x128xf32>
    %div3A_658 = arith.divf %mul3A_653, %mul3A_657 : vector<8x128xf32>
    %sub3A_659 = arith.constant 1.000000e+01 : f32
    %sub3A_660 = vector.broadcast %sub3A_659 : f32 to vector<8x128xf32>
    %sub3A_661 = arith.subf %div3A_658, %sub3A_660 : vector<8x128xf32>
    %abs3A_662 = math.absf %sub3A_661 : vector<8x128xf32>
    %lt3A_663 = arith.constant 1.000000e+00 : f32
    %lt3A_664 = vector.broadcast %lt3A_663 : f32 to vector<8x128xf32>
    %lt3A_665 = arith.cmpf olt, %abs3A_662, %lt3A_664 : vector<8x128xf32>
    %mul3A_666 = arith.constant 5.000000e-01 : f32
    %mul3A_667 = vector.broadcast %mul3A_666 : f32 to vector<8x128xf32>
    %mul3A_668 = arith.mulf %mul3A_667, %sub3A_661 : vector<8x128xf32>
    %mul3A_669 = arith.mulf %mul3A_668, %sub3A_661 : vector<8x128xf32>
    %sub3A_670 = arith.constant 5.000000e-01 : f32
    %sub3A_671 = vector.broadcast %sub3A_670 : f32 to vector<8x128xf32>
    %sub3A_672 = arith.subf %abs3A_662, %sub3A_671 : vector<8x128xf32>
    %select_n3A_673 = arith.select %lt3A_665, %mul3A_669, %sub3A_672 : vector<8x128xi1>, vector<8x128xf32>
    %gt3A_674 = arith.constant 0.000000e+00 : f32
    %gt3A_675 = vector.broadcast %gt3A_674 : f32 to vector<8x128xf32>
    %gt3A_676 = arith.cmpf ogt, %squeeze3A_566, %gt3A_675 : vector<8x128xf32>
    %and3A_677 = arith.andi %gt3A_596, %gt3A_676 : vector<8x128xi1>
    %select_n3A_678 = arith.select %and3A_677, %select_n3A_673, %broadcast_in_dim3A_41 : vector<8x128xi1>, vector<8x128xf32>
    %add3A_679 = arith.addf %add3A_548, %select_n3A_623 : vector<8x128xf32>
    %add3A_680 = arith.addf %add3A_549, %select_n3A_630 : vector<8x128xf32>
    %add3A_681 = arith.addf %add3A_550, %select_n3A_609 : vector<8x128xf32>
    %add3A_682 = arith.addf %add3A_551, %sub3A_610 : vector<8x128xf32>
    %add3A_683 = arith.addf %add3A_552, %select_n3A_678 : vector<8x128xf32>
    %get3A_684 = arith.constant 0 : index
    %get3A_685 = arith.constant 40 : index
    %get3A_686 = arith.constant 0 : index
    %get3A_687 = arith.constant 0 : index
    %get3A_688 = vector.load %arg2[%get3A_684, %get3A_685, %get3A_686, %get3A_687] : memref<1x64x4x128xf32, #tpu.memory_space<vmem>>, vector<1x8x4x128xf32>
    %get3A_689 = vector.shape_cast %get3A_688 : vector<1x8x4x128xf32> to vector<8x4x128xf32>
    %slice3A_690 = vector.extract_strided_slice %get3A_689 {offsets = [0, 0, 0], sizes = [8, 1, 128], strides = [1, 1, 1]} : vector<8x4x128xf32> to vector<8x1x128xf32>
    %squeeze3A_691 = vector.shape_cast %slice3A_690 : vector<8x1x128xf32> to vector<8x128xf32>
    %slice3A_692 = vector.extract_strided_slice %get3A_689 {offsets = [0, 1, 0], sizes = [8, 1, 128], strides = [1, 1, 1]} : vector<8x4x128xf32> to vector<8x1x128xf32>
    %squeeze3A_693 = vector.shape_cast %slice3A_692 : vector<8x1x128xf32> to vector<8x128xf32>
    %slice3A_694 = vector.extract_strided_slice %get3A_689 {offsets = [0, 2, 0], sizes = [8, 1, 128], strides = [1, 1, 1]} : vector<8x4x128xf32> to vector<8x1x128xf32>
    %squeeze3A_695 = vector.shape_cast %slice3A_694 : vector<8x1x128xf32> to vector<8x128xf32>
    %slice3A_696 = vector.extract_strided_slice %get3A_689 {offsets = [0, 3, 0], sizes = [8, 1, 128], strides = [1, 1, 1]} : vector<8x4x128xf32> to vector<8x1x128xf32>
    %squeeze3A_697 = vector.shape_cast %slice3A_696 : vector<8x1x128xf32> to vector<8x128xf32>
    %get3A_698 = arith.constant 0 : index
    %get3A_699 = arith.constant 0 : index
    %get3A_700 = arith.constant 40 : index
    %get3A_701 = arith.constant 0 : index
    %get3A_702 = arith.constant 0 : index
    %get3A_703 = vector.load %arg1[%get3A_698, %get3A_699, %get3A_700, %get3A_701, %get3A_702] : memref<1x3x64x8x128xf32, #tpu.memory_space<vmem>>, vector<1x1x8x8x128xf32>
    %get3A_704 = vector.shape_cast %get3A_703 : vector<1x1x8x8x128xf32> to vector<8x8x128xf32>
    %get3A_705 = arith.constant 0 : index
    %get3A_706 = arith.constant 1 : index
    %get3A_707 = arith.constant 40 : index
    %get3A_708 = arith.constant 0 : index
    %get3A_709 = arith.constant 0 : index
    %get3A_710 = vector.load %arg1[%get3A_705, %get3A_706, %get3A_707, %get3A_708, %get3A_709] : memref<1x3x64x8x128xf32, #tpu.memory_space<vmem>>, vector<1x1x8x8x128xf32>
    %get3A_711 = vector.shape_cast %get3A_710 : vector<1x1x8x8x128xf32> to vector<8x8x128xf32>
    %get3A_712 = arith.constant 0 : index
    %get3A_713 = arith.constant 2 : index
    %get3A_714 = arith.constant 40 : index
    %get3A_715 = arith.constant 0 : index
    %get3A_716 = arith.constant 0 : index
    %get3A_717 = vector.load %arg1[%get3A_712, %get3A_713, %get3A_714, %get3A_715, %get3A_716] : memref<1x3x64x8x128xf32, #tpu.memory_space<vmem>>, vector<1x1x8x8x128xf32>
    %get3A_718 = vector.shape_cast %get3A_717 : vector<1x1x8x8x128xf32> to vector<8x8x128xf32>
    %slice3A_719 = vector.extract_strided_slice %get3A_704 {offsets = [0, 0, 0], sizes = [8, 1, 128], strides = [1, 1, 1]} : vector<8x8x128xf32> to vector<8x1x128xf32>
    %squeeze3A_720 = vector.shape_cast %slice3A_719 : vector<8x1x128xf32> to vector<8x128xf32>
    %slice3A_721 = vector.extract_strided_slice %get3A_704 {offsets = [0, 1, 0], sizes = [8, 1, 128], strides = [1, 1, 1]} : vector<8x8x128xf32> to vector<8x1x128xf32>
    %squeeze3A_722 = vector.shape_cast %slice3A_721 : vector<8x1x128xf32> to vector<8x128xf32>
    %slice3A_723 = vector.extract_strided_slice %get3A_704 {offsets = [0, 2, 0], sizes = [8, 1, 128], strides = [1, 1, 1]} : vector<8x8x128xf32> to vector<8x1x128xf32>
    %squeeze3A_724 = vector.shape_cast %slice3A_723 : vector<8x1x128xf32> to vector<8x128xf32>
    %gt3A_725 = arith.constant 0.000000e+00 : f32
    %gt3A_726 = vector.broadcast %gt3A_725 : f32 to vector<8x128xf32>
    %gt3A_727 = arith.cmpf ogt, %squeeze3A_695, %gt3A_726 : vector<8x128xf32>
    %neg3A_728 = arith.constant 0.000000e+00 : f32
    %neg3A_729 = vector.broadcast %neg3A_728 : f32 to vector<8x128xf32>
    %neg3A_730 = arith.subf %neg3A_729, %squeeze3A_724 : vector<8x128xf32>
    %exp3A_731 = math.exp %neg3A_730 : vector<8x128xf32>
    %add3A_732 = arith.constant 1.000000e+00 : f32
    %add3A_733 = vector.broadcast %add3A_732 : f32 to vector<8x128xf32>
    %add3A_734 = arith.addf %add3A_733, %exp3A_731 : vector<8x128xf32>
    %div3A_735 = arith.constant 1.000000e+00 : f32
    %div3A_736 = vector.broadcast %div3A_735 : f32 to vector<8x128xf32>
    %div3A_737 = arith.divf %div3A_736, %add3A_734 : vector<8x128xf32>
    %sub3A_738 = arith.subf %div3A_737, %squeeze3A_695 : vector<8x128xf32>
    %mul3A_739 = arith.mulf %sub3A_738, %sub3A_738 : vector<8x128xf32>
    %select_n3A_740 = arith.select %gt3A_727, %mul3A_739, %broadcast_in_dim3A_41 : vector<8x128xi1>, vector<8x128xf32>
    %sub3A_741 = arith.subf %mul3A_739, %select_n3A_740 : vector<8x128xf32>
    %neg3A_742 = arith.constant 0.000000e+00 : f32
    %neg3A_743 = vector.broadcast %neg3A_742 : f32 to vector<8x128xf32>
    %neg3A_744 = arith.subf %neg3A_743, %squeeze3A_720 : vector<8x128xf32>
    %exp3A_745 = math.exp %neg3A_744 : vector<8x128xf32>
    %add3A_746 = arith.constant 1.000000e+00 : f32
    %add3A_747 = vector.broadcast %add3A_746 : f32 to vector<8x128xf32>
    %add3A_748 = arith.addf %add3A_747, %exp3A_745 : vector<8x128xf32>
    %div3A_749 = arith.constant 1.000000e+00 : f32
    %div3A_750 = vector.broadcast %div3A_749 : f32 to vector<8x128xf32>
    %div3A_751 = arith.divf %div3A_750, %add3A_748 : vector<8x128xf32>
    %sub3A_752 = arith.subf %div3A_751, %squeeze3A_691 : vector<8x128xf32>
    %mul3A_753 = arith.mulf %sub3A_752, %sub3A_752 : vector<8x128xf32>
    %select_n3A_754 = arith.select %gt3A_727, %mul3A_753, %broadcast_in_dim3A_41 : vector<8x128xi1>, vector<8x128xf32>
    %mul3A_755 = arith.constant 6.14146852 : f32
    %mul3A_756 = vector.broadcast %mul3A_755 : f32 to vector<8x128xf32>
    %mul3A_757 = arith.mulf %squeeze3A_693, %mul3A_756 : vector<8x128xf32>
    %log3A_758 = math.log %mul3A_757 : vector<8x128xf32>
    %sub3A_759 = arith.subf %squeeze3A_722, %log3A_758 : vector<8x128xf32>
    %mul3A_760 = arith.mulf %sub3A_759, %sub3A_759 : vector<8x128xf32>
    %select_n3A_761 = arith.select %gt3A_727, %mul3A_760, %broadcast_in_dim3A_41 : vector<8x128xi1>, vector<8x128xf32>
    %exp3A_762 = math.exp %get3A_704 : vector<8x8x128xf32>
    %mul3A_763 = vector.broadcast %convert_element_type3A_5 : vector<1x8x1xf32> to vector<8x8x128xf32>
    %mul3A_764 = arith.mulf %exp3A_762, %mul3A_763 : vector<8x8x128xf32>
    %mul3A_765 = vector.broadcast %mul3A_10 : vector<1x8x1xf32> to vector<8x8x128xf32>
    %mul3A_766 = arith.mulf %exp3A_762, %mul3A_765 : vector<8x8x128xf32>
    %exp3A_767 = math.exp %get3A_711 : vector<8x8x128xf32>
    %add3A_768 = arith.addf %mul3A_764, %exp3A_767 : vector<8x8x128xf32>
    %mul3A_769 = vector.broadcast %mul3A_25 : vector<1x8x1xf32> to vector<8x8x128xf32>
    %mul3A_770 = arith.mulf %exp3A_767, %mul3A_769 : vector<8x8x128xf32>
    %add3A_771 = arith.addf %mul3A_766, %mul3A_770 : vector<8x8x128xf32>
    %exp3A_772 = math.exp %get3A_718 : vector<8x8x128xf32>
    %add3A_773 = arith.addf %add3A_768, %exp3A_772 : vector<8x8x128xf32>
    %mul3A_774 = vector.broadcast %mul3A_40 : vector<1x8x1xf32> to vector<8x8x128xf32>
    %mul3A_775 = arith.mulf %exp3A_772, %mul3A_774 : vector<8x8x128xf32>
    %add3A_776 = arith.addf %add3A_771, %mul3A_775 : vector<8x8x128xf32>
    %reduce_sum3A_777 = arith.constant dense<0.000000e+00> : vector<8x128xf32>
    %reduce_sum3A_778 = vector.multi_reduction <add>, %add3A_773, %reduce_sum3A_777 [1] : vector<8x8x128xf32> to vector<8x128xf32>
    %reduce_sum3A_779 = arith.constant dense<0.000000e+00> : vector<8x128xf32>
    %reduce_sum3A_780 = vector.multi_reduction <add>, %add3A_776, %reduce_sum3A_779 [1] : vector<8x8x128xf32> to vector<8x128xf32>
    %add3A_781 = arith.addf %reduce_sum3A_780, %reduce_sum3A_778 : vector<8x128xf32>
    %mul3A_782 = arith.constant 1.000000e+01 : f32
    %mul3A_783 = vector.broadcast %mul3A_782 : f32 to vector<8x128xf32>
    %mul3A_784 = arith.mulf %mul3A_783, %add3A_781 : vector<8x128xf32>
    %add3A_785 = arith.constant 1.000000e+00 : f32
    %add3A_786 = vector.broadcast %add3A_785 : f32 to vector<8x128xf32>
    %add3A_787 = arith.addf %squeeze3A_697, %add3A_786 : vector<8x128xf32>
    %mul3A_788 = arith.mulf %reduce_sum3A_778, %add3A_787 : vector<8x128xf32>
    %div3A_789 = arith.divf %mul3A_784, %mul3A_788 : vector<8x128xf32>
    %sub3A_790 = arith.constant 1.000000e+01 : f32
    %sub3A_791 = vector.broadcast %sub3A_790 : f32 to vector<8x128xf32>
    %sub3A_792 = arith.subf %div3A_789, %sub3A_791 : vector<8x128xf32>
    %abs3A_793 = math.absf %sub3A_792 : vector<8x128xf32>
    %lt3A_794 = arith.constant 1.000000e+00 : f32
    %lt3A_795 = vector.broadcast %lt3A_794 : f32 to vector<8x128xf32>
    %lt3A_796 = arith.cmpf olt, %abs3A_793, %lt3A_795 : vector<8x128xf32>
    %mul3A_797 = arith.constant 5.000000e-01 : f32
    %mul3A_798 = vector.broadcast %mul3A_797 : f32 to vector<8x128xf32>
    %mul3A_799 = arith.mulf %mul3A_798, %sub3A_792 : vector<8x128xf32>
    %mul3A_800 = arith.mulf %mul3A_799, %sub3A_792 : vector<8x128xf32>
    %sub3A_801 = arith.constant 5.000000e-01 : f32
    %sub3A_802 = vector.broadcast %sub3A_801 : f32 to vector<8x128xf32>
    %sub3A_803 = arith.subf %abs3A_793, %sub3A_802 : vector<8x128xf32>
    %select_n3A_804 = arith.select %lt3A_796, %mul3A_800, %sub3A_803 : vector<8x128xi1>, vector<8x128xf32>
    %gt3A_805 = arith.constant 0.000000e+00 : f32
    %gt3A_806 = vector.broadcast %gt3A_805 : f32 to vector<8x128xf32>
    %gt3A_807 = arith.cmpf ogt, %squeeze3A_697, %gt3A_806 : vector<8x128xf32>
    %and3A_808 = arith.andi %gt3A_727, %gt3A_807 : vector<8x128xi1>
    %select_n3A_809 = arith.select %and3A_808, %select_n3A_804, %broadcast_in_dim3A_41 : vector<8x128xi1>, vector<8x128xf32>
    %add3A_810 = arith.addf %add3A_679, %select_n3A_754 : vector<8x128xf32>
    %add3A_811 = arith.addf %add3A_680, %select_n3A_761 : vector<8x128xf32>
    %add3A_812 = arith.addf %add3A_681, %select_n3A_740 : vector<8x128xf32>
    %add3A_813 = arith.addf %add3A_682, %sub3A_741 : vector<8x128xf32>
    %add3A_814 = arith.addf %add3A_683, %select_n3A_809 : vector<8x128xf32>
    %get3A_815 = arith.constant 0 : index
    %get3A_816 = arith.constant 48 : index
    %get3A_817 = arith.constant 0 : index
    %get3A_818 = arith.constant 0 : index
    %get3A_819 = vector.load %arg2[%get3A_815, %get3A_816, %get3A_817, %get3A_818] : memref<1x64x4x128xf32, #tpu.memory_space<vmem>>, vector<1x8x4x128xf32>
    %get3A_820 = vector.shape_cast %get3A_819 : vector<1x8x4x128xf32> to vector<8x4x128xf32>
    %slice3A_821 = vector.extract_strided_slice %get3A_820 {offsets = [0, 0, 0], sizes = [8, 1, 128], strides = [1, 1, 1]} : vector<8x4x128xf32> to vector<8x1x128xf32>
    %squeeze3A_822 = vector.shape_cast %slice3A_821 : vector<8x1x128xf32> to vector<8x128xf32>
    %slice3A_823 = vector.extract_strided_slice %get3A_820 {offsets = [0, 1, 0], sizes = [8, 1, 128], strides = [1, 1, 1]} : vector<8x4x128xf32> to vector<8x1x128xf32>
    %squeeze3A_824 = vector.shape_cast %slice3A_823 : vector<8x1x128xf32> to vector<8x128xf32>
    %slice3A_825 = vector.extract_strided_slice %get3A_820 {offsets = [0, 2, 0], sizes = [8, 1, 128], strides = [1, 1, 1]} : vector<8x4x128xf32> to vector<8x1x128xf32>
    %squeeze3A_826 = vector.shape_cast %slice3A_825 : vector<8x1x128xf32> to vector<8x128xf32>
    %slice3A_827 = vector.extract_strided_slice %get3A_820 {offsets = [0, 3, 0], sizes = [8, 1, 128], strides = [1, 1, 1]} : vector<8x4x128xf32> to vector<8x1x128xf32>
    %squeeze3A_828 = vector.shape_cast %slice3A_827 : vector<8x1x128xf32> to vector<8x128xf32>
    %get3A_829 = arith.constant 0 : index
    %get3A_830 = arith.constant 0 : index
    %get3A_831 = arith.constant 48 : index
    %get3A_832 = arith.constant 0 : index
    %get3A_833 = arith.constant 0 : index
    %get3A_834 = vector.load %arg1[%get3A_829, %get3A_830, %get3A_831, %get3A_832, %get3A_833] : memref<1x3x64x8x128xf32, #tpu.memory_space<vmem>>, vector<1x1x8x8x128xf32>
    %get3A_835 = vector.shape_cast %get3A_834 : vector<1x1x8x8x128xf32> to vector<8x8x128xf32>
    %get3A_836 = arith.constant 0 : index
    %get3A_837 = arith.constant 1 : index
    %get3A_838 = arith.constant 48 : index
    %get3A_839 = arith.constant 0 : index
    %get3A_840 = arith.constant 0 : index
    %get3A_841 = vector.load %arg1[%get3A_836, %get3A_837, %get3A_838, %get3A_839, %get3A_840] : memref<1x3x64x8x128xf32, #tpu.memory_space<vmem>>, vector<1x1x8x8x128xf32>
    %get3A_842 = vector.shape_cast %get3A_841 : vector<1x1x8x8x128xf32> to vector<8x8x128xf32>
    %get3A_843 = arith.constant 0 : index
    %get3A_844 = arith.constant 2 : index
    %get3A_845 = arith.constant 48 : index
    %get3A_846 = arith.constant 0 : index
    %get3A_847 = arith.constant 0 : index
    %get3A_848 = vector.load %arg1[%get3A_843, %get3A_844, %get3A_845, %get3A_846, %get3A_847] : memref<1x3x64x8x128xf32, #tpu.memory_space<vmem>>, vector<1x1x8x8x128xf32>
    %get3A_849 = vector.shape_cast %get3A_848 : vector<1x1x8x8x128xf32> to vector<8x8x128xf32>
    %slice3A_850 = vector.extract_strided_slice %get3A_835 {offsets = [0, 0, 0], sizes = [8, 1, 128], strides = [1, 1, 1]} : vector<8x8x128xf32> to vector<8x1x128xf32>
    %squeeze3A_851 = vector.shape_cast %slice3A_850 : vector<8x1x128xf32> to vector<8x128xf32>
    %slice3A_852 = vector.extract_strided_slice %get3A_835 {offsets = [0, 1, 0], sizes = [8, 1, 128], strides = [1, 1, 1]} : vector<8x8x128xf32> to vector<8x1x128xf32>
    %squeeze3A_853 = vector.shape_cast %slice3A_852 : vector<8x1x128xf32> to vector<8x128xf32>
    %slice3A_854 = vector.extract_strided_slice %get3A_835 {offsets = [0, 2, 0], sizes = [8, 1, 128], strides = [1, 1, 1]} : vector<8x8x128xf32> to vector<8x1x128xf32>
    %squeeze3A_855 = vector.shape_cast %slice3A_854 : vector<8x1x128xf32> to vector<8x128xf32>
    %gt3A_856 = arith.constant 0.000000e+00 : f32
    %gt3A_857 = vector.broadcast %gt3A_856 : f32 to vector<8x128xf32>
    %gt3A_858 = arith.cmpf ogt, %squeeze3A_826, %gt3A_857 : vector<8x128xf32>
    %neg3A_859 = arith.constant 0.000000e+00 : f32
    %neg3A_860 = vector.broadcast %neg3A_859 : f32 to vector<8x128xf32>
    %neg3A_861 = arith.subf %neg3A_860, %squeeze3A_855 : vector<8x128xf32>
    %exp3A_862 = math.exp %neg3A_861 : vector<8x128xf32>
    %add3A_863 = arith.constant 1.000000e+00 : f32
    %add3A_864 = vector.broadcast %add3A_863 : f32 to vector<8x128xf32>
    %add3A_865 = arith.addf %add3A_864, %exp3A_862 : vector<8x128xf32>
    %div3A_866 = arith.constant 1.000000e+00 : f32
    %div3A_867 = vector.broadcast %div3A_866 : f32 to vector<8x128xf32>
    %div3A_868 = arith.divf %div3A_867, %add3A_865 : vector<8x128xf32>
    %sub3A_869 = arith.subf %div3A_868, %squeeze3A_826 : vector<8x128xf32>
    %mul3A_870 = arith.mulf %sub3A_869, %sub3A_869 : vector<8x128xf32>
    %select_n3A_871 = arith.select %gt3A_858, %mul3A_870, %broadcast_in_dim3A_41 : vector<8x128xi1>, vector<8x128xf32>
    %sub3A_872 = arith.subf %mul3A_870, %select_n3A_871 : vector<8x128xf32>
    %neg3A_873 = arith.constant 0.000000e+00 : f32
    %neg3A_874 = vector.broadcast %neg3A_873 : f32 to vector<8x128xf32>
    %neg3A_875 = arith.subf %neg3A_874, %squeeze3A_851 : vector<8x128xf32>
    %exp3A_876 = math.exp %neg3A_875 : vector<8x128xf32>
    %add3A_877 = arith.constant 1.000000e+00 : f32
    %add3A_878 = vector.broadcast %add3A_877 : f32 to vector<8x128xf32>
    %add3A_879 = arith.addf %add3A_878, %exp3A_876 : vector<8x128xf32>
    %div3A_880 = arith.constant 1.000000e+00 : f32
    %div3A_881 = vector.broadcast %div3A_880 : f32 to vector<8x128xf32>
    %div3A_882 = arith.divf %div3A_881, %add3A_879 : vector<8x128xf32>
    %sub3A_883 = arith.subf %div3A_882, %squeeze3A_822 : vector<8x128xf32>
    %mul3A_884 = arith.mulf %sub3A_883, %sub3A_883 : vector<8x128xf32>
    %select_n3A_885 = arith.select %gt3A_858, %mul3A_884, %broadcast_in_dim3A_41 : vector<8x128xi1>, vector<8x128xf32>
    %mul3A_886 = arith.constant 6.14146852 : f32
    %mul3A_887 = vector.broadcast %mul3A_886 : f32 to vector<8x128xf32>
    %mul3A_888 = arith.mulf %squeeze3A_824, %mul3A_887 : vector<8x128xf32>
    %log3A_889 = math.log %mul3A_888 : vector<8x128xf32>
    %sub3A_890 = arith.subf %squeeze3A_853, %log3A_889 : vector<8x128xf32>
    %mul3A_891 = arith.mulf %sub3A_890, %sub3A_890 : vector<8x128xf32>
    %select_n3A_892 = arith.select %gt3A_858, %mul3A_891, %broadcast_in_dim3A_41 : vector<8x128xi1>, vector<8x128xf32>
    %exp3A_893 = math.exp %get3A_835 : vector<8x8x128xf32>
    %mul3A_894 = vector.broadcast %convert_element_type3A_5 : vector<1x8x1xf32> to vector<8x8x128xf32>
    %mul3A_895 = arith.mulf %exp3A_893, %mul3A_894 : vector<8x8x128xf32>
    %mul3A_896 = vector.broadcast %mul3A_10 : vector<1x8x1xf32> to vector<8x8x128xf32>
    %mul3A_897 = arith.mulf %exp3A_893, %mul3A_896 : vector<8x8x128xf32>
    %exp3A_898 = math.exp %get3A_842 : vector<8x8x128xf32>
    %add3A_899 = arith.addf %mul3A_895, %exp3A_898 : vector<8x8x128xf32>
    %mul3A_900 = vector.broadcast %mul3A_25 : vector<1x8x1xf32> to vector<8x8x128xf32>
    %mul3A_901 = arith.mulf %exp3A_898, %mul3A_900 : vector<8x8x128xf32>
    %add3A_902 = arith.addf %mul3A_897, %mul3A_901 : vector<8x8x128xf32>
    %exp3A_903 = math.exp %get3A_849 : vector<8x8x128xf32>
    %add3A_904 = arith.addf %add3A_899, %exp3A_903 : vector<8x8x128xf32>
    %mul3A_905 = vector.broadcast %mul3A_40 : vector<1x8x1xf32> to vector<8x8x128xf32>
    %mul3A_906 = arith.mulf %exp3A_903, %mul3A_905 : vector<8x8x128xf32>
    %add3A_907 = arith.addf %add3A_902, %mul3A_906 : vector<8x8x128xf32>
    %reduce_sum3A_908 = arith.constant dense<0.000000e+00> : vector<8x128xf32>
    %reduce_sum3A_909 = vector.multi_reduction <add>, %add3A_904, %reduce_sum3A_908 [1] : vector<8x8x128xf32> to vector<8x128xf32>
    %reduce_sum3A_910 = arith.constant dense<0.000000e+00> : vector<8x128xf32>
    %reduce_sum3A_911 = vector.multi_reduction <add>, %add3A_907, %reduce_sum3A_910 [1] : vector<8x8x128xf32> to vector<8x128xf32>
    %add3A_912 = arith.addf %reduce_sum3A_911, %reduce_sum3A_909 : vector<8x128xf32>
    %mul3A_913 = arith.constant 1.000000e+01 : f32
    %mul3A_914 = vector.broadcast %mul3A_913 : f32 to vector<8x128xf32>
    %mul3A_915 = arith.mulf %mul3A_914, %add3A_912 : vector<8x128xf32>
    %add3A_916 = arith.constant 1.000000e+00 : f32
    %add3A_917 = vector.broadcast %add3A_916 : f32 to vector<8x128xf32>
    %add3A_918 = arith.addf %squeeze3A_828, %add3A_917 : vector<8x128xf32>
    %mul3A_919 = arith.mulf %reduce_sum3A_909, %add3A_918 : vector<8x128xf32>
    %div3A_920 = arith.divf %mul3A_915, %mul3A_919 : vector<8x128xf32>
    %sub3A_921 = arith.constant 1.000000e+01 : f32
    %sub3A_922 = vector.broadcast %sub3A_921 : f32 to vector<8x128xf32>
    %sub3A_923 = arith.subf %div3A_920, %sub3A_922 : vector<8x128xf32>
    %abs3A_924 = math.absf %sub3A_923 : vector<8x128xf32>
    %lt3A_925 = arith.constant 1.000000e+00 : f32
    %lt3A_926 = vector.broadcast %lt3A_925 : f32 to vector<8x128xf32>
    %lt3A_927 = arith.cmpf olt, %abs3A_924, %lt3A_926 : vector<8x128xf32>
    %mul3A_928 = arith.constant 5.000000e-01 : f32
    %mul3A_929 = vector.broadcast %mul3A_928 : f32 to vector<8x128xf32>
    %mul3A_930 = arith.mulf %mul3A_929, %sub3A_923 : vector<8x128xf32>
    %mul3A_931 = arith.mulf %mul3A_930, %sub3A_923 : vector<8x128xf32>
    %sub3A_932 = arith.constant 5.000000e-01 : f32
    %sub3A_933 = vector.broadcast %sub3A_932 : f32 to vector<8x128xf32>
    %sub3A_934 = arith.subf %abs3A_924, %sub3A_933 : vector<8x128xf32>
    %select_n3A_935 = arith.select %lt3A_927, %mul3A_931, %sub3A_934 : vector<8x128xi1>, vector<8x128xf32>
    %gt3A_936 = arith.constant 0.000000e+00 : f32
    %gt3A_937 = vector.broadcast %gt3A_936 : f32 to vector<8x128xf32>
    %gt3A_938 = arith.cmpf ogt, %squeeze3A_828, %gt3A_937 : vector<8x128xf32>
    %and3A_939 = arith.andi %gt3A_858, %gt3A_938 : vector<8x128xi1>
    %select_n3A_940 = arith.select %and3A_939, %select_n3A_935, %broadcast_in_dim3A_41 : vector<8x128xi1>, vector<8x128xf32>
    %add3A_941 = arith.addf %add3A_810, %select_n3A_885 : vector<8x128xf32>
    %add3A_942 = arith.addf %add3A_811, %select_n3A_892 : vector<8x128xf32>
    %add3A_943 = arith.addf %add3A_812, %select_n3A_871 : vector<8x128xf32>
    %add3A_944 = arith.addf %add3A_813, %sub3A_872 : vector<8x128xf32>
    %add3A_945 = arith.addf %add3A_814, %select_n3A_940 : vector<8x128xf32>
    %get3A_946 = arith.constant 0 : index
    %get3A_947 = arith.constant 56 : index
    %get3A_948 = arith.constant 0 : index
    %get3A_949 = arith.constant 0 : index
    %get3A_950 = vector.load %arg2[%get3A_946, %get3A_947, %get3A_948, %get3A_949] : memref<1x64x4x128xf32, #tpu.memory_space<vmem>>, vector<1x8x4x128xf32>
    %get3A_951 = vector.shape_cast %get3A_950 : vector<1x8x4x128xf32> to vector<8x4x128xf32>
    %slice3A_952 = vector.extract_strided_slice %get3A_951 {offsets = [0, 0, 0], sizes = [8, 1, 128], strides = [1, 1, 1]} : vector<8x4x128xf32> to vector<8x1x128xf32>
    %squeeze3A_953 = vector.shape_cast %slice3A_952 : vector<8x1x128xf32> to vector<8x128xf32>
    %slice3A_954 = vector.extract_strided_slice %get3A_951 {offsets = [0, 1, 0], sizes = [8, 1, 128], strides = [1, 1, 1]} : vector<8x4x128xf32> to vector<8x1x128xf32>
    %squeeze3A_955 = vector.shape_cast %slice3A_954 : vector<8x1x128xf32> to vector<8x128xf32>
    %slice3A_956 = vector.extract_strided_slice %get3A_951 {offsets = [0, 2, 0], sizes = [8, 1, 128], strides = [1, 1, 1]} : vector<8x4x128xf32> to vector<8x1x128xf32>
    %squeeze3A_957 = vector.shape_cast %slice3A_956 : vector<8x1x128xf32> to vector<8x128xf32>
    %slice3A_958 = vector.extract_strided_slice %get3A_951 {offsets = [0, 3, 0], sizes = [8, 1, 128], strides = [1, 1, 1]} : vector<8x4x128xf32> to vector<8x1x128xf32>
    %squeeze3A_959 = vector.shape_cast %slice3A_958 : vector<8x1x128xf32> to vector<8x128xf32>
    %get3A_960 = arith.constant 0 : index
    %get3A_961 = arith.constant 0 : index
    %get3A_962 = arith.constant 56 : index
    %get3A_963 = arith.constant 0 : index
    %get3A_964 = arith.constant 0 : index
    %get3A_965 = vector.load %arg1[%get3A_960, %get3A_961, %get3A_962, %get3A_963, %get3A_964] : memref<1x3x64x8x128xf32, #tpu.memory_space<vmem>>, vector<1x1x8x8x128xf32>
    %get3A_966 = vector.shape_cast %get3A_965 : vector<1x1x8x8x128xf32> to vector<8x8x128xf32>
    %get3A_967 = arith.constant 0 : index
    %get3A_968 = arith.constant 1 : index
    %get3A_969 = arith.constant 56 : index
    %get3A_970 = arith.constant 0 : index
    %get3A_971 = arith.constant 0 : index
    %get3A_972 = vector.load %arg1[%get3A_967, %get3A_968, %get3A_969, %get3A_970, %get3A_971] : memref<1x3x64x8x128xf32, #tpu.memory_space<vmem>>, vector<1x1x8x8x128xf32>
    %get3A_973 = vector.shape_cast %get3A_972 : vector<1x1x8x8x128xf32> to vector<8x8x128xf32>
    %get3A_974 = arith.constant 0 : index
    %get3A_975 = arith.constant 2 : index
    %get3A_976 = arith.constant 56 : index
    %get3A_977 = arith.constant 0 : index
    %get3A_978 = arith.constant 0 : index
    %get3A_979 = vector.load %arg1[%get3A_974, %get3A_975, %get3A_976, %get3A_977, %get3A_978] : memref<1x3x64x8x128xf32, #tpu.memory_space<vmem>>, vector<1x1x8x8x128xf32>
    %get3A_980 = vector.shape_cast %get3A_979 : vector<1x1x8x8x128xf32> to vector<8x8x128xf32>
    %slice3A_981 = vector.extract_strided_slice %get3A_966 {offsets = [0, 0, 0], sizes = [8, 1, 128], strides = [1, 1, 1]} : vector<8x8x128xf32> to vector<8x1x128xf32>
    %squeeze3A_982 = vector.shape_cast %slice3A_981 : vector<8x1x128xf32> to vector<8x128xf32>
    %slice3A_983 = vector.extract_strided_slice %get3A_966 {offsets = [0, 1, 0], sizes = [8, 1, 128], strides = [1, 1, 1]} : vector<8x8x128xf32> to vector<8x1x128xf32>
    %squeeze3A_984 = vector.shape_cast %slice3A_983 : vector<8x1x128xf32> to vector<8x128xf32>
    %slice3A_985 = vector.extract_strided_slice %get3A_966 {offsets = [0, 2, 0], sizes = [8, 1, 128], strides = [1, 1, 1]} : vector<8x8x128xf32> to vector<8x1x128xf32>
    %squeeze3A_986 = vector.shape_cast %slice3A_985 : vector<8x1x128xf32> to vector<8x128xf32>
    %gt3A_987 = arith.constant 0.000000e+00 : f32
    %gt3A_988 = vector.broadcast %gt3A_987 : f32 to vector<8x128xf32>
    %gt3A_989 = arith.cmpf ogt, %squeeze3A_957, %gt3A_988 : vector<8x128xf32>
    %neg3A_990 = arith.constant 0.000000e+00 : f32
    %neg3A_991 = vector.broadcast %neg3A_990 : f32 to vector<8x128xf32>
    %neg3A_992 = arith.subf %neg3A_991, %squeeze3A_986 : vector<8x128xf32>
    %exp3A_993 = math.exp %neg3A_992 : vector<8x128xf32>
    %add3A_994 = arith.constant 1.000000e+00 : f32
    %add3A_995 = vector.broadcast %add3A_994 : f32 to vector<8x128xf32>
    %add3A_996 = arith.addf %add3A_995, %exp3A_993 : vector<8x128xf32>
    %div3A_997 = arith.constant 1.000000e+00 : f32
    %div3A_998 = vector.broadcast %div3A_997 : f32 to vector<8x128xf32>
    %div3A_999 = arith.divf %div3A_998, %add3A_996 : vector<8x128xf32>
    %sub3A_1000 = arith.subf %div3A_999, %squeeze3A_957 : vector<8x128xf32>
    %mul3A_1001 = arith.mulf %sub3A_1000, %sub3A_1000 : vector<8x128xf32>
    %select_n3A_1002 = arith.select %gt3A_989, %mul3A_1001, %broadcast_in_dim3A_41 : vector<8x128xi1>, vector<8x128xf32>
    %sub3A_1003 = arith.subf %mul3A_1001, %select_n3A_1002 : vector<8x128xf32>
    %neg3A_1004 = arith.constant 0.000000e+00 : f32
    %neg3A_1005 = vector.broadcast %neg3A_1004 : f32 to vector<8x128xf32>
    %neg3A_1006 = arith.subf %neg3A_1005, %squeeze3A_982 : vector<8x128xf32>
    %exp3A_1007 = math.exp %neg3A_1006 : vector<8x128xf32>
    %add3A_1008 = arith.constant 1.000000e+00 : f32
    %add3A_1009 = vector.broadcast %add3A_1008 : f32 to vector<8x128xf32>
    %add3A_1010 = arith.addf %add3A_1009, %exp3A_1007 : vector<8x128xf32>
    %div3A_1011 = arith.constant 1.000000e+00 : f32
    %div3A_1012 = vector.broadcast %div3A_1011 : f32 to vector<8x128xf32>
    %div3A_1013 = arith.divf %div3A_1012, %add3A_1010 : vector<8x128xf32>
    %sub3A_1014 = arith.subf %div3A_1013, %squeeze3A_953 : vector<8x128xf32>
    %mul3A_1015 = arith.mulf %sub3A_1014, %sub3A_1014 : vector<8x128xf32>
    %select_n3A_1016 = arith.select %gt3A_989, %mul3A_1015, %broadcast_in_dim3A_41 : vector<8x128xi1>, vector<8x128xf32>
    %mul3A_1017 = arith.constant 6.14146852 : f32
    %mul3A_1018 = vector.broadcast %mul3A_1017 : f32 to vector<8x128xf32>
    %mul3A_1019 = arith.mulf %squeeze3A_955, %mul3A_1018 : vector<8x128xf32>
    %log3A_1020 = math.log %mul3A_1019 : vector<8x128xf32>
    %sub3A_1021 = arith.subf %squeeze3A_984, %log3A_1020 : vector<8x128xf32>
    %mul3A_1022 = arith.mulf %sub3A_1021, %sub3A_1021 : vector<8x128xf32>
    %select_n3A_1023 = arith.select %gt3A_989, %mul3A_1022, %broadcast_in_dim3A_41 : vector<8x128xi1>, vector<8x128xf32>
    %exp3A_1024 = math.exp %get3A_966 : vector<8x8x128xf32>
    %mul3A_1025 = vector.broadcast %convert_element_type3A_5 : vector<1x8x1xf32> to vector<8x8x128xf32>
    %mul3A_1026 = arith.mulf %exp3A_1024, %mul3A_1025 : vector<8x8x128xf32>
    %mul3A_1027 = vector.broadcast %mul3A_10 : vector<1x8x1xf32> to vector<8x8x128xf32>
    %mul3A_1028 = arith.mulf %exp3A_1024, %mul3A_1027 : vector<8x8x128xf32>
    %exp3A_1029 = math.exp %get3A_973 : vector<8x8x128xf32>
    %add3A_1030 = arith.addf %mul3A_1026, %exp3A_1029 : vector<8x8x128xf32>
    %mul3A_1031 = vector.broadcast %mul3A_25 : vector<1x8x1xf32> to vector<8x8x128xf32>
    %mul3A_1032 = arith.mulf %exp3A_1029, %mul3A_1031 : vector<8x8x128xf32>
    %add3A_1033 = arith.addf %mul3A_1028, %mul3A_1032 : vector<8x8x128xf32>
    %exp3A_1034 = math.exp %get3A_980 : vector<8x8x128xf32>
    %add3A_1035 = arith.addf %add3A_1030, %exp3A_1034 : vector<8x8x128xf32>
    %mul3A_1036 = vector.broadcast %mul3A_40 : vector<1x8x1xf32> to vector<8x8x128xf32>
    %mul3A_1037 = arith.mulf %exp3A_1034, %mul3A_1036 : vector<8x8x128xf32>
    %add3A_1038 = arith.addf %add3A_1033, %mul3A_1037 : vector<8x8x128xf32>
    %reduce_sum3A_1039 = arith.constant dense<0.000000e+00> : vector<8x128xf32>
    %reduce_sum3A_1040 = vector.multi_reduction <add>, %add3A_1035, %reduce_sum3A_1039 [1] : vector<8x8x128xf32> to vector<8x128xf32>
    %reduce_sum3A_1041 = arith.constant dense<0.000000e+00> : vector<8x128xf32>
    %reduce_sum3A_1042 = vector.multi_reduction <add>, %add3A_1038, %reduce_sum3A_1041 [1] : vector<8x8x128xf32> to vector<8x128xf32>
    %add3A_1043 = arith.addf %reduce_sum3A_1042, %reduce_sum3A_1040 : vector<8x128xf32>
    %mul3A_1044 = arith.constant 1.000000e+01 : f32
    %mul3A_1045 = vector.broadcast %mul3A_1044 : f32 to vector<8x128xf32>
    %mul3A_1046 = arith.mulf %mul3A_1045, %add3A_1043 : vector<8x128xf32>
    %add3A_1047 = arith.constant 1.000000e+00 : f32
    %add3A_1048 = vector.broadcast %add3A_1047 : f32 to vector<8x128xf32>
    %add3A_1049 = arith.addf %squeeze3A_959, %add3A_1048 : vector<8x128xf32>
    %mul3A_1050 = arith.mulf %reduce_sum3A_1040, %add3A_1049 : vector<8x128xf32>
    %div3A_1051 = arith.divf %mul3A_1046, %mul3A_1050 : vector<8x128xf32>
    %sub3A_1052 = arith.constant 1.000000e+01 : f32
    %sub3A_1053 = vector.broadcast %sub3A_1052 : f32 to vector<8x128xf32>
    %sub3A_1054 = arith.subf %div3A_1051, %sub3A_1053 : vector<8x128xf32>
    %abs3A_1055 = math.absf %sub3A_1054 : vector<8x128xf32>
    %lt3A_1056 = arith.constant 1.000000e+00 : f32
    %lt3A_1057 = vector.broadcast %lt3A_1056 : f32 to vector<8x128xf32>
    %lt3A_1058 = arith.cmpf olt, %abs3A_1055, %lt3A_1057 : vector<8x128xf32>
    %mul3A_1059 = arith.constant 5.000000e-01 : f32
    %mul3A_1060 = vector.broadcast %mul3A_1059 : f32 to vector<8x128xf32>
    %mul3A_1061 = arith.mulf %mul3A_1060, %sub3A_1054 : vector<8x128xf32>
    %mul3A_1062 = arith.mulf %mul3A_1061, %sub3A_1054 : vector<8x128xf32>
    %sub3A_1063 = arith.constant 5.000000e-01 : f32
    %sub3A_1064 = vector.broadcast %sub3A_1063 : f32 to vector<8x128xf32>
    %sub3A_1065 = arith.subf %abs3A_1055, %sub3A_1064 : vector<8x128xf32>
    %select_n3A_1066 = arith.select %lt3A_1058, %mul3A_1062, %sub3A_1065 : vector<8x128xi1>, vector<8x128xf32>
    %gt3A_1067 = arith.constant 0.000000e+00 : f32
    %gt3A_1068 = vector.broadcast %gt3A_1067 : f32 to vector<8x128xf32>
    %gt3A_1069 = arith.cmpf ogt, %squeeze3A_959, %gt3A_1068 : vector<8x128xf32>
    %and3A_1070 = arith.andi %gt3A_989, %gt3A_1069 : vector<8x128xi1>
    %select_n3A_1071 = arith.select %and3A_1070, %select_n3A_1066, %broadcast_in_dim3A_41 : vector<8x128xi1>, vector<8x128xf32>
    %add3A_1072 = arith.addf %add3A_941, %select_n3A_1016 : vector<8x128xf32>
    %add3A_1073 = arith.addf %add3A_942, %select_n3A_1023 : vector<8x128xf32>
    %add3A_1074 = arith.addf %add3A_943, %select_n3A_1002 : vector<8x128xf32>
    %add3A_1075 = arith.addf %add3A_944, %sub3A_1003 : vector<8x128xf32>
    %add3A_1076 = arith.addf %add3A_945, %select_n3A_1071 : vector<8x128xf32>
    %concatenate3A = tpu.concatenate %add3A_1072, %add3A_1073, %add3A_1074, %add3A_1075, %add3A_1076 in 0 : vector<8x128xf32>, vector<8x128xf32>, vector<8x128xf32>, vector<8x128xf32>, vector<8x128xf32> -> vector<40x128xf32>
    %eq3A = arith.constant 0 : i32
    %eq3A_1077 = arith.cmpi eq, %arg0, %eq3A : i32
    %convert_element_type3A_1078 = arith.extui %eq3A_1077 : i1 to i32
    %cond3A = arith.constant 0 : i32
    %cond3A_1079 = arith.cmpi ne, %convert_element_type3A_1078, %cond3A : i32
    scf.if %cond3A_1079 {
      %swap3A = arith.constant 0 : index
      %swap3A_1085 = arith.constant 0 : index
      %swap3A_1086 = vector.load %arg3[%swap3A, %swap3A_1085] : memref<40x128xf32, #tpu.memory_space<vmem>>, vector<40x128xf32>
      tpu.vector_store %arg3[%swap3A, %swap3A_1085], %concatenate3A {strides = array<i32>} : memref<40x128xf32, #tpu.memory_space<vmem>>, vector<40x128xf32>,
    } else {
    }
    %gt3A_1080 = arith.constant 0 : i32
    %gt3A_1081 = arith.cmpi sgt, %arg0, %gt3A_1080 : i32
    %convert_element_type3A_1082 = arith.extui %gt3A_1081 : i1 to i32
    %cond3A_1083 = arith.constant 0 : i32
    %cond3A_1084 = arith.cmpi ne, %convert_element_type3A_1082, %cond3A_1083 : i32
    scf.if %cond3A_1084 {
      %get3A_1085 = arith.constant 0 : index
      %get3A_1086 = arith.constant 0 : index
      %get3A_1087 = vector.load %arg3[%get3A_1085, %get3A_1086] : memref<40x128xf32, #tpu.memory_space<vmem>>, vector<40x128xf32>
      %add3A_1088 = arith.addf %get3A_1087, %concatenate3A : vector<40x128xf32>
      %swap3A = arith.constant 0 : index
      %swap3A_1089 = arith.constant 0 : index
      %swap3A_1090 = vector.load %arg3[%swap3A, %swap3A_1089] : memref<40x128xf32, #tpu.memory_space<vmem>>, vector<40x128xf32>
      tpu.vector_store %arg3[%swap3A, %swap3A_1089], %add3A_1088 {strides = array<i32>} : memref<40x128xf32, #tpu.memory_space<vmem>>, vector<40x128xf32>,
    } else {
    }
    return
  }
  func.func @transform_0(%arg0: i32) -> (i32, i32, i32, i32, i32) {
    %add3A = arith.constant 64 : i32
    %add3A_0 = arith.addi %add3A, %arg0 : i32
    %c0_i32 = arith.constant 0 : i32
    %c0_i32_1 = arith.constant 0 : i32
    %c0_i32_2 = arith.constant 0 : i32
    %c0_i32_3 = arith.constant 0 : i32
    %c0_i32_4 = arith.constant 0 : i32
    return %add3A_0, %c0_i32, %c0_i32_1, %c0_i32_2, %c0_i32_3 : i32, i32, i32, i32, i32
  }
  func.func @transform_1(%arg0: i32) -> (i32, i32, i32, i32) {
    %add3A = arith.constant 64 : i32
    %add3A_0 = arith.addi %add3A, %arg0 : i32
    %c0_i32 = arith.constant 0 : i32
    %c0_i32_1 = arith.constant 0 : i32
    %c0_i32_2 = arith.constant 0 : i32
    %c0_i32_3 = arith.constant 0 : i32
    return %add3A_0, %c0_i32, %c0_i32_1, %c0_i32_2 : i32, i32, i32, i32
  }
  func.func @transform_2(%arg0: i32) -> (i32, i32) {
    %c0_i32 = arith.constant 0 : i32
    %c0_i32_0 = arith.constant 0 : i32
    %c0_i32_1 = arith.constant 0 : i32
    return %c0_i32, %c0_i32_0 : i32, i32
  }
}

</mosaic_0001>

<sc_bundles>
// kernel: kernel.4.cloned.1.call-start
scs
__scs_entry_jumppad:
0x0: {  	(pc) =	sbr.rel $0x88, $3  }
0x1: {  	(tag) =	ssettag $0x0;
	lr =	simm.s32 $0x1  }
0x2: {  	[smem:$0x3F9F] =	sst lr;
	_ =	strace $0xD0000000  }
0x3: {  	_ = 	snop  }
0x4: {  	_ = 	snop  }
0x5: {  	_ = 	snop  }
0x6: {  	_ = 	snop  }
0x7: {  	_ = 	snop  }
__scs_overlays_trampoline_lowered:
0x8: {  	[smem:$0x3FAE] =	sst s0  }
0x9: {  	[smem:$0x3FAF] =	sst s1  }
0xa: {  	[smem:$0x3FB0] =	sst s2  }
0xb: {  	[smem:$0x3FB1] =	sst s3  }
0xc: {  	[smem:$0x3FB2] =	sst s4  }
0xd: {  	[smem:$0x3FB3] =	sst s5  }
0xe: {  	[smem:$0x3FB4] =	sst s6  }
0xf: {  	[smem:$0x3FB5] =	sst s7  }
0x10: {  	[smem:$0x3FB6] =	sst s8  }
0x11: {  	[smem:$0x3FB7] =	sst s9;
	s0 =	simm.s32 @!p0 $0x0  }
0x12: {  	s1 =	sld [smem:$0x3F9D];
	s0 =	simm.s32 @p0 $0x1  }
0x13: {  	[smem:$0x3FB8] =	sst s0;
	s0 =	simm.s32 @!p1 $0x0  }
0x14: {  	s2 =	sld [smem:$0x3F9C];
	s0 =	simm.s32 @p1 $0x1  }
0x15: {  	[smem:$0x3FB9] =	sst s0;
	s0 =	simm.s32 @!p2 $0x0  }
0x16: {  	s3 =	sld [smem:$0x3FDB];
	s0 =	simm.s32 @p2 $0x1  }
0x17: {  	s4 =	simm.s32 $0x1BF5;
	[smem:$0x3FBB] =	sst s0  }
0x18: {  	s0 =	sld [smem:$0x3F9E];
	_ =	swait.ge [sflag:s4], $0x0  }
0x19: {  	s7 =	sld [smem:$0x3F9F]  }
0x1a: {  	s8 =	sadd.s32 $0xFFFFE003, lr  }
0x1b: {  	s9 =	sadd.s32 $0xFFFFFEF7, lr;
	s5 =	simm.s32 $0xFFFFFFFF;
	p2 =	slt.u32 s8, $0xFFFFF086  }
0x1c: {  	p1 =	slt.u32 s9, $0xF7A;
	s5 =	simm.s32 @!p2 $0x0  }
0x1d: {  	s5 =	simm.s32 @p1 $0x1;
	p0 =	seq.s32 s7, s2  }
0x1e: {  	s7 =	smul.u32 @!p0 $0xF7A, s2;
	p2 =	seq.s32 @!p0 s5, $0x0  }
0x1f: {  	s9 =	smul.u32 $0xF7A, s1;
	s8 =	simm.s32 @!p0 $0x1BF5;
	p2 =	por !p2, p0  }
0x20: {  	[sflag:s8] =	ssyncset.s32 @!p0 $0xFFFFF086;
	s6 =	sadd.s32 @!p0 s3, s7;
	s7 =	simm.s32 @!p0 $0x108  }
0x21: {  	s3 =	sadd.s32 s3, s9;
	s6 =	sadd.s32 @!p0 $0x88, s6;
	s7 =	simm.s32 @p2 $0x1082  }
0x22: {  	[simem:s7], [sflag:s8] =	dma.local @!p0 [hbm:s6], $0xF7A  }
0x23: {  	s9 =	sor.u32 $0xD0000000, s2;
	s6 =	simm.s32 $0x108;
	_ =	swait.ge @!p0 [sflag:s8], $0x0  }
0x24: {  	s3 =	sadd.s32 $0x88, s3;
	s6 =	simm.s32 @!p1 $0x1082;
	[sflag:s4] =	ssyncset.s32 $0xFFFFF086  }
0x25: {  	[simem:s6], [sflag:s4] =	dma.local [hbm:s3], $0xF7A  }
0x26: {  	[smem:$0x3F9F] =	sst s1;
	(tag) =	ssettag s2;
	_ =	strace s9  }
0x27: {  	s1 =	sld [smem:$0x3FAF]  }
0x28: {  	s2 =	sld [smem:$0x3FB0]  }
0x29: {  	s4 =	sld [smem:$0x3FB2]  }
0x2a: {  	p0 =	seq.s32 s5, $0x0;
	s5 =	sld [smem:$0x3FB3]  }
0x2b: {  	s6 =	sld [smem:$0x3FB4]  }
0x2c: {  	s7 =	sld [smem:$0x3FB5]  }
0x2d: {  	s3 =	simm.s32 $0x108;
	s8 =	sld [smem:$0x3FB6]  }
0x2e: {  	s3 =	simm.s32 @!p0 $0x1082;
	s9 =	sld [smem:$0x3FB7]  }
0x2f: {  	lr =	sadd.s32 s0, s3;
	s0 =	sld [smem:$0x3FAE]  }
0x30: {  	s3 =	sld [smem:$0x3FB1]  }
0x31: {  	[smem:$0x3FBA] =	sst s10  }
0x32: {  	s10 =	sld [smem:$0x3FB8];
	_ =	sdelay $0x3  }
0x33: {  	p0 =	seq.s32 s10, $0x1;
	s10 =	sld [smem:$0x3FBA];
	_ =	sdelay $0x3  }
0x34: {  	[smem:$0x3FBA] =	sst s10  }
0x35: {  	s10 =	sld [smem:$0x3FB9];
	_ =	sdelay $0x3  }
0x36: {  	p1 =	seq.s32 s10, $0x1;
	s10 =	sld [smem:$0x3FBA];
	_ =	sdelay $0x3  }
0x37: {  	[smem:$0x3FBA] =	sst s10  }
0x38: {  	s10 =	sld [smem:$0x3FBB]  }
0x39: {  	_ = 	snop;
	(pc) =	sbr.ind lr, $3  }
0x3a: {  	_ = 	snop  }
0x3b: {  	_ = 	snop  }
0x3c: {  	p2 =	seq.s32 s10, $0x1;
	s10 =	sld [smem:$0x3FBA]  }
0x3d: {  	_ =	shalt  }
0x3e: {  	_ =	shalt  }
0x3f: {  	_ =	shalt  }
0x40: {  	_ =	shalt  }
0x41: {  	_ =	shalt  }
0x42: {  	_ =	shalt  }
0x43: {  	_ =	shalt  }
0x44: {  	_ =	shalt  }
0x45: {  	_ =	shalt  }
0x46: {  	_ =	shalt  }
0x47: {  	_ =	shalt  }
0x48: {  	_ =	shalt  }
0x49: {  	_ =	shalt  }
0x4a: {  	_ =	shalt  }
0x4b: {  	_ =	shalt  }
0x4c: {  	_ =	shalt  }
0x4d: {  	_ =	shalt  }
0x4e: {  	_ =	shalt  }
0x4f: {  	_ =	shalt  }
0x50: {  	_ =	shalt  }
0x51: {  	_ =	shalt  }
0x52: {  	_ =	shalt  }
0x53: {  	_ =	shalt  }
0x54: {  	_ =	shalt  }
0x55: {  	_ =	shalt  }
0x56: {  	_ =	shalt  }
0x57: {  	_ =	shalt  }
0x58: {  	_ =	shalt  }
0x59: {  	_ =	shalt  }
0x5a: {  	_ =	shalt  }
0x5b: {  	_ =	shalt  }
0x5c: {  	_ =	shalt  }
0x5d: {  	_ =	shalt  }
0x5e: {  	_ =	shalt  }
0x5f: {  	_ =	shalt  }
0x60: {  	_ =	shalt  }
0x61: {  	_ =	shalt  }
0x62: {  	_ =	shalt  }
0x63: {  	_ =	shalt  }
0x64: {  	_ =	shalt  }
0x65: {  	_ =	shalt  }
0x66: {  	_ =	shalt  }
0x67: {  	_ =	shalt  }
0x68: {  	_ =	shalt  }
0x69: {  	_ =	shalt  }
0x6a: {  	_ =	shalt  }
0x6b: {  	_ =	shalt  }
0x6c: {  	_ =	shalt  }
0x6d: {  	_ =	shalt  }
0x6e: {  	_ =	shalt  }
0x6f: {  	_ =	shalt  }
0x70: {  	_ =	shalt  }
0x71: {  	_ =	shalt  }
0x72: {  	_ =	shalt  }
0x73: {  	_ =	shalt  }
0x74: {  	_ =	shalt  }
0x75: {  	_ =	shalt  }
0x76: {  	_ =	shalt  }
0x77: {  	_ =	shalt  }
0x78: {  	_ =	shalt  }
0x79: {  	_ =	shalt  }
0x7a: {  	_ =	shalt  }
0x7b: {  	_ =	shalt  }
0x7c: {  	_ =	shalt  }
0x7d: {  	_ =	shalt  }
0x7e: {  	_ =	shalt  }
0x7f: {  	_ =	shalt  }
0x80: {  	_ =	shalt  }
0x81: {  	_ =	shalt  }
0x82: {  	_ =	shalt  }
0x83: {  	_ =	shalt  }
0x84: {  	_ =	shalt  }
0x85: {  	_ =	shalt  }
0x86: {  	_ =	shalt  }
0x87: {  	_ =	shalt  }
.Lfunc_end0:
.L_simem_size_0:
called_computation_lowered:
.L_overlay_start_0:
0x88: {  	s2 =	sld [smem:$0x3FD9]  }
0x89: {  	s3 =	sld [smem:$0x3FFE];
	_ =	sdelay $0x1  }
0x8a: {  	s1 =	srdreg.scid  }
0x8b: {  	s0 =	sand.u32 $0x1, s1  }
0x8c: {  	s17 =	sshll.u32 s0, $0xA;
	s2 =	sadd.s32 s3, s2  }
0x8d: {  	s2 =	sadd.s32 s2, s17  }
0x8e: {  	[smem:$0x3FC6] =	sst s2  }
0x8f: {  	_ = 	snop  }
0x90: {  	s2 =	sld [smem:$0x3FC9]  }
0x91: {  	s18 =	sld [smem:$0x3FC8];
	(tm) =	ssettm $0x1  }
0x92: {  	s4 =	sld [smem:$0x3FFB];
	_ =	sdelay $0x3  }
0x93: {  	_ =	strace s4  }
0x94: {  	s4 =	sld [smem:$0x3FFC];
	_ =	sdelay $0x3  }
0x95: {  	_ =	strace s4  }
0x96: {  	s4 =	sld [smem:$0x3FFD];
	_ =	sdelay $0x3  }
0x97: {  	_ =	strace s4  }
0x98: {  	_ =	strace $0x8FFFFFFF  }
0x99: {  	s19 =	sld [smem:$0x3FDB];
	_ =	sdelay $0x1  }
0x9a: {  	s5 =	simm.s32 $_scs_section_size  }
0x9b: {  	s6 =	simm.s32 $_size__tile_overlayer_lowered;
	s7 =	simm.s32 $_tile_overlayer_lowered  }
0x9c: {  	s22 =	simm.s32 $0x1BFF;
	s21 =	sshll.u32 s7, $0x1;
	s4 =	sadd.s32 s5, s19  }
0x9d: {  	s8 =	simm.s32 $0x0;
	s20 =	sshll.u32 s6, $0x1;
	s6 =	sadd.s32 s21, s4  }
0x9e: {  	[timem:s8], [sflag:s22] =	dma.local [hbm:s6], s20  }
0x9f: {  	_ =	swait.ge [sflag:s22], s20  }
0xa0: {  	s5 =	ssub.s32 $0x0, s20;
	[sflag:s22] =	ssyncset.done $0x0  }
0xa1: {  	[sflag:s22] =	ssyncadd.s32 s5;
	_ =	sdelay $0x1  }
0xa2: {  	s23 =	simm.s32 $0x1B8B  }
0xa3: {  	_ =	swait.ge [sflag:s23], $0x1  }
0xa4: {  	[sflag:s23] =	ssyncset.done $0x0  }
0xa5: {  	s25 =	simm.s32 $0x1B8E;
	s24 =	sld [smem:$0x3FFE];
	[sflag:s23] =	ssyncadd.s32 $0xFFFFFFFF  }
0xa6: {  	s26 =	simm.s32 $execute0_lowered;
	[smem:$0x3FD2] =	sst s25  }
0xa7: {  	s6 =	sshll.u32 s26, $0x1;
	_ =	strace $0x80000046;
	[dreg:$0x1] =	wrdreg $0xFFFFFFFF  }
0xa8: {  	s28 =	simm.s32 $_size_execute0_lowered;
	s4 =	sadd.s32 s4, s6;
	[dreg:$0x0] =	wrdreg $0x0  }
0xa9: {  	s6 =	sshll.u32 s28, $0x1;
	[dreg:$0x2] =	wrdreg s4  }
0xaa: {  	[dreg:$0x3] =	wrdreg s6  }
0xab: {  	[dreg:$0x4] =	wrdreg $0xC0  }
0xac: {  	_ =	task [dreg:s8], $0x5FFFF  }
0xad: {  	[dreg:$0x1] =	wrdreg $0xFFFFFFFF  }
0xae: {  	[dreg:$0x0] =	wrdreg $0x60  }
0xaf: {  	[dreg:$0x2] =	wrdreg s2  }
0xb0: {  	[dreg:$0x3] =	wrdreg s18  }
0xb1: {  	[dreg:$0x4] =	wrdreg s24  }
0xb2: {  	[dreg:$0x5] =	wrdreg $0x9  }
0xb3: {  	_ =	task.clear_ibuf [dreg:s8], $0x6FFFF;
	_ =	strace $0x90000046  }
0xb4: {  	s29 =	simm.s32 $0x9;
	_ =	strace $0x80000048  }
0xb5: {  	_ =	swait.ge [sflag:s29], $0x1  }
0xb6: {  	[sflag:s29] =	ssyncadd.s32 $0xFFFFFFFF  }
0xb7: {  	_ =	strace $0x90000048  }
0xb8: {  	_ =	sfence  }
0xb9: {  	s30 =	sld [smem:$0x0];
	_ =	sdelay $0x2  }
0xba: {  	s31 =	sshll.u32 s1, $0xD;
	s1 =	sshrl.u32 s1, $0x2  }
0xbb: {  	s3 =	sand.u32 $0x4000, s31;
	s1 =	sadd.s32 s1, s30  }
0xbc: {  	s0 =	sor.u32 s3, s0;
	s1 =	sshll.u32 s1, $0x11  }
0xbd: {  	s0 =	sor.u32 s1, s0  }
0xbe: {  	s0 =	sadd.s32 $0x8F2B, s0  }
0xbf: {  	[sflag:s0] =	ssyncadd.remote.s32 $0x1  }
0xc0: {  	_ =	sfence.sel $0xFFFF  }
0xc1: {  	[dreg:$0x0] =	wrdreg $0xFFFFFFFF;
	(pc) =	sbr.abs _section_cstart, $3  }
0xc2: {  	[dreg:$0x1] =	wrdreg $0xFFFFFFFF  }
0xc3: {  	_ =	task.clear_ibuf [dreg:s8], $0x2FFFF;
	_ =	strace $0x9FFFFFFF  }
0xc4: {  	(tm) =	ssettm $0x7FFFFFFF  }
0xc5: {  	_ =	shalt  }
tec
execute0_lowered:
.L_overlay_start_1:
0x0: {  	(tag) =	ssettag $0x1  }
0x1: {  	s1 =	rddreg [dreg:$0x0]  }
0x2: {  	s3 =	rddreg [dreg:$0x1];
	s0 =	srdreg.scid  }
0x3: {  	s4 =	stileid.u32;
	s2 =	rddreg [dreg:$0x2]  }
0x4: {  	s16 =	simm.s32 $0x2000;
	s17 =	simm.s32 $0x4000;
	s18 =	simm.s32 $0xC000  }
0x5: {  	s19 =	simm.s32 $0x6000;
	s20 =	simm.s32 $0x8000;
	s21 =	simm.s32 $0xA000  }
0x6: {  	s22 =	simm.s32 $0xD000;
	s23 =	simm.s32 $0x1;
	s24 =	simm.s32 $0x2  }
0x7: {  	s26 =	simm.s32 $0x3;
	s0 =	sand.u32 $0x1, s0;
	s5 =	sshll.u32 s4, $0x1  }
0x8: {  	s28 =	simm.s32 $0x0;
	s4 =	simm.s32 $0x0;
	s7 =	sor.u32 s0, s5  }
0x9: {  	[smem:$0x7FF] =	sst s4;
	s0 =	ssub.s32 $0x2, s0;
	s5 =	smul.u32 $0x60000, s7  }
0xa: {  	_ =	strace $0x80000047;
	s11 =	sshllo.u32 s7, $0x1;
	s6 =	sshrl.u32 s0, $0x1  }
0xb: {  	s10 =	sshll.u32 s7, $0xD;
	s9 =	smul.u32 $0x30000, s11;
	s0 =	ssub.s32 s0, s6  }
0xc: {  	s30 =	sadd.s32 s3, s10;
	s13 =	sshll.u32 s11, $0xC;
	s8 =	sshrl.u32 s5, $0x3  }
0xd: {  	s5 =	sshll.u32 s7, $0x4;
	[dreg:$0x6] =	wrdreg s30;
	s7 =	smul.u32 $0xA, s7  }
0xe: {  	s13 =	sadd.s32 s13, s3;
	s15 =	smax.u32 s0, $0x1;
	s6 =	sadd.s32 s1, s8  }
0xf: {  	s12 =	sshrl.u32 s9, $0x3;
	s13 =	sadd.s32 $0xE00, s13;
	s8 =	sadd.s32 $0x2000, s6  }
0x10: {  	s29 =	sadd.s32 $0x4000, s6;
	s12 =	sadd.s32 s1, s12;
	[dreg:$0x4] =	wrdreg s8  }
0x11: {  	s14 =	sadd.s32 s2, s7;
	[dreg:$0x5] =	wrdreg s29;
	s31 =	sadd.s32 $0x1C00, s12  }
0x12: {  	s11 =	sadd.s32 $0x3C00, s12;
	s12 =	sadd.s32 $0x5C00, s12;
	[dreg:$0x7] =	wrdreg s31  }
.LBB2_1:
0x13: {  	[tilespmem:s4], [sflag:$0x1] =	stream.linear.gather [hbm4b:s6+s4], $0x2000, $0x38;
	[tilespmem:$0xE080] =	vst v63  }
0x14: {  	s0 =	rddreg [dreg:$0x4]  }
0x15: {  	[tilespmem:s16], [sflag:$0x1] =	stream.linear.gather [hbm4b:s0+s4], $0x2000, $0x38;
	[tilespmem:$0xE080] =	vst v63  }
0x16: {  	s30 =	rddreg [dreg:$0x5]  }
0x17: {  	[tilespmem:s17], [sflag:$0x1] =	stream.linear.gather [hbm4b:s30+s4], $0x2000, $0x38;
	[tilespmem:$0xE080] =	vst v63  }
0x18: {  	s31 =	rddreg [dreg:$0x6];
	v0 =	vimm.f32 $0.0e+00;
	v2 =	vimm.f32 $0.0e+00;
	s29 =	simm.s32 $0x0  }
0x19: {  	v3 =	vimm.f32 $0.0e+00;
	v1 =	vimm.f32 $0.0e+00;
	v4 =	vimm.f32 $0.0e+00;
	[tilespmem:s18], [sflag:$0x1] =	stream.linear.gather [hbm4b:s31+s4], $0x1000, $0x38;
	[tilespmem:$0xE080] =	vst v63  }
.LBB2_2:
0x1a: {  	s30 =	sshll.u32 s29, $0x1  }
0x1b: {  	s0 =	sor.u32 s5, s30  }
0x1c: {  	s2 =	sshll.u32 s29, $0x4;
	s0 =	sshrl.u32 s0, $0x3  }
0x1d: {  	s2 =	sand.u32 $0x30, s2;
	s7 =	smul.u32 $0xC0, s0  }
0x1e: {  	s2 =	sor.u32 $0x8, s2  }
0x1f: {  	s7 =	sor.u32 s2, s7  }
0x20: {  	s7 =	sshll.u32 s7, $0xA  }
0x21: {  	s8 =	simm.s32 $0x0;
	s25 =	sshrl.u32 s7, $0x3;
	s31 =	sadd.s32 $0x10000, s7  }
0x22: {  	s7 =	sadd.s32 $0x20000, s7;
	s25 =	sadd.s32 s1, s25;
	s10 =	sshrl.u32 s31, $0x3  }
0x23: {  	[tilespmem:s19], [sflag:$0x2] =	stream.linear.gather [hbm4b:s25+s8], $0x2000, $0x38;
	[tilespmem:$0xE080] =	vst v63  }
0x24: {  	s2 =	sshll.u32 s2, $0x6;
	s7 =	sshrl.u32 s7, $0x3;
	s25 =	sadd.s32 s1, s10  }
0x25: {  	[tilespmem:s20], [sflag:$0x2] =	stream.linear.gather [hbm4b:s25+s8], $0x2000, $0x38;
	[tilespmem:$0xE080] =	vst v63  }
0x26: {  	s0 =	sshll.u32 s0, $0xC;
	s2 =	sadd.s32 s3, s2;
	s7 =	sadd.s32 s1, s7  }
0x27: {  	[tilespmem:s21], [sflag:$0x2] =	stream.linear.gather [hbm4b:s7+s8], $0x2000, $0x38;
	[tilespmem:$0xE080] =	vst v63  }
0x28: {  	s0 =	sadd.s32 s0, s2  }
0x29: {  	[tilespmem:s22], [sflag:$0x2] =	stream.linear.gather [hbm4b:s0+s8], $0x1000, $0x38;
	[tilespmem:$0xE080] =	vst v63  }
0x2a: {  	_ =	swait.ge [sflag:s23], $0x2000  }
0x2b: {  	[sflag:s23] =	ssyncset.done $0x0  }
0x2c: {  	[sflag:s23] =	ssyncadd.s32 $0xFFFFE000  }
0x2d: {  	_ =	swait.ge [sflag:s23], $0x2000  }
0x2e: {  	[sflag:s23] =	ssyncset.done $0x0  }
0x2f: {  	[sflag:s23] =	ssyncadd.s32 $0xFFFFE000  }
0x30: {  	_ =	swait.ge [sflag:s23], $0x2000  }
0x31: {  	[sflag:s23] =	ssyncset.done $0x0  }
0x32: {  	[sflag:s23] =	ssyncadd.s32 $0xFFFFE000  }
0x33: {  	s9 =	sand.u32 $0x70, s8;
	s7 =	simm.s32 $0x0;
	_ =	swait.ge [sflag:s23], $0x1000  }
0x34: {  	s0 =	sand.u32 $0x3FFFFE00, s7;
	s8 =	simm.s32 $0x0;
	[sflag:s23] =	ssyncset.done $0x0  }
0x35: {  	s10 =	sor.u32 s9, s0;
	s0 =	sand.u32 $0x3FFFFC00, s8;
	[sflag:s23] =	ssyncadd.s32 $0xFFFFF000  }
0x36: {  	s25 =	sor.u32 s9, s0;
	v5 =	vld [tilespmem:s10+$0xC080]  }
0x37: {  	v6 =	vld [tilespmem:s25+$0x2080]  }
0x38: {  	v7 =	vld [tilespmem:s25+$0x180]  }
0x39: {  	v9 =	vld [tilespmem:s25+$0x300]  }
0x3a: {  	v10 =	vld [tilespmem:s25+$0x380]  }
0x3b: {  	v12 =	vld [tilespmem:s25+$0x200]  }
0x3c: {  	v15 =	vld [tilespmem:s25+$0x2180]  }
0x3d: {  	s9 =	simm.s32 $0x80;
	s0 =	simm.s32 $0x10;
	v17 =	vld [tilespmem:s25+$0x2100]  }
0x3e: {  	s8 =	sand.u32 $0x70, s0;
	s7 =	sand.u32 $0x3FFFFC00, s9;
	v21 =	vld [tilespmem:s25+$0x2200];
	v5 =	vmul.f32 $6.141468520e+00, v5  }
0x3f: {  	s31 =	sor.u32 s8, s7;
	v24 =	vld [tilespmem:s25+$0x4300]  }
0x40: {  	v29 =	vld [tilespmem:s31+$0x4000];
	v8 =	vand.u32 $0x7FFFFF, v5  }
0x41: {  	v31 =	vld [tilespmem:s31+$0x2300];
	v6 =	vmul.f32 $1.442695020e+00, v6;
	v8 =	vor.u32 $0x3F800000, v8  }
0x42: {  	v13 =	vld [tilespmem:s25+$0x100];
	v7 =	vmul.f32 $1.442695020e+00, v7;
	v15 =	vmul.f32 $1.442695020e+00, v15;
	v11 =	vadd.f32 $1.000000000e+00, v8  }
0x43: {  	v32 =	vld [tilespmem:s31+$0x180];
	v17 =	vmul.f32 $1.442695020e+00, v17;
	v21 =	vmul.f32 $1.442695020e+00, v21  }
0x44: {  	v36 =	vld [tilespmem:s31+$0x380];
	v24 =	vmul.f32 $1.442695020e+00, v24;
	(erf) = vrcp.f32 v11  }
0x45: {  	v29 =	vmul.f32 $1.442695020e+00, v29;
	v11 =	vld [tilespmem:s25+$0x280];
	(erf) = vpow2.f32 v6  }
0x46: {  	v37 =	vld [tilespmem:s31+$0x2200];
	v31 =	vmul.f32 $1.442695020e+00, v31;
	v6 =	vmul.f32 $1.442695020e+00, v9  }
0x47: {  	v49 =	vld [tilespmem:s31+$0x2000];
	(erf) = vpow2.f32 v7;
	v7 =	vmul.f32 $1.442695020e+00, v10  }
0x48: {  	v10 =	vmul.f32 $1.442695020e+00, v12;
	v12 =	vld [tilespmem:s25+$0x0];
	(erf) = vpow2.f32 v6  }
0x49: {  	v14 =	vld [tilespmem:s25+$0x4280];
	v32 =	vmul.f32 $1.442695020e+00, v32;
	(erf) = vpow2.f32 v7  }
0x4a: {  	v7 =	vsub.f32 $0.0e+00, v13;
	v6 =	vmul.f32 $1.442695020e+00, v11;
	(erf) = vpow2.f32 v10  }
0x4b: {  	v44 =	vmul.f32 $1.442695020e+00, v36;
	v46 =	vmul.f32 $1.442695020e+00, v37;
	v10 =	vld [tilespmem:s25+$0x2000]  }
0x4c: {  	v9 =	vld [tilespmem:s25+$0x4180];
	v7 =	vmul.f32 $1.442695020e+00, v7;
	(erf) = vpow2.f32 v6  }
0x4d: {  	v50 =	vmul.f32 $1.442695020e+00, v49;
	v8 =	vadd.f32 $-1.000000000e+00, v8;
	v11 =	vld [tilespmem:s25+$0x4100];
	v12 =	vsub.f32 $0.0e+00, v12;
	v16 =	vpop (erf)  }
0x4e: {  	v13 =	vld [tilespmem:s25+$0x2380];
	v6 =	vmul.f32 $1.442695020e+00, v14;
	v18 =	vpop (erf);
	(erf) = vpow2.f32 v7  }
0x4f: {  	v14 =	vld [tilespmem:s25+$0x4080];
	v7 =	vmul.f32 $1.442695020e+00, v12;
	v8 =	vmul.f32 v16, v8  }
0x50: {  	v12 =	vld [tilespmem:s25+$0x2280];
	v10 =	vmul.f32 $1.442695020e+00, v10;
	v19 =	vpop (erf);
	(erf) = vpow2.f32 v15  }
0x51: {  	v15 =	vld [tilespmem:s25+$0x4000];
	v16 =	vpop (erf);
	(erf) = vpow2.f32 v7;
	v22 =	vmul.f32 v8, v8  }
0x52: {  	v7 =	vmul.f32 $1.442695020e+00, v11;
	v11 =	vld [tilespmem:s25+$0x2300];
	v19 =	vadd.f32 $0.0e+00, v19;
	v20 =	vpop (erf);
	(erf) = vpow2.f32 v10  }
0x53: {  	vm1 =	vgt.f32 v5, $0.0e+00;
	v9 =	vmul.f32 $1.442695020e+00, v9;
	v23 =	vpop (erf);
	v26 =	vmul.f32 $1.111111120e-01, v22  }
0x54: {  	v13 =	vmul.f32 $1.442695020e+00, v13;
	v14 =	vmul.f32 $1.442695020e+00, v14;
	v25 =	vadd.f32 v23, v19  }
0x55: {  	v23 =	vmul.f32 $1.500000000e+00, v23;
	v27 =	vpop (erf);
	(erf) = vpow2.f32 v17;
	v17 =	vadd.f32 $1.428571490e-01, v26  }
0x56: {  	v12 =	vmul.f32 $1.442695020e+00, v12;
	v15 =	vmul.f32 $1.442695020e+00, v15;
	v25 =	vadd.f32 v27, v25  }
0x57: {  	v11 =	vmul.f32 $1.442695020e+00, v11;
	v19 =	vadd.f32 v23, v19;
	v17 =	vmul.f32 v17, v22  }
0x58: {  	(erf) = vpow2.f32 v21;
	v58 =	vadd.f32 v27, v27;
	v57 =	vpop (erf);
	v25 =	vadd.f32 v16, v25  }
0x59: {  	v16 =	vmul.f32 $2.500000000e+00, v16;
	(erf) = vpow2.f32 v12;
	v28 =	vpop (erf);
	v17 =	vadd.f32 $2.000000030e-01, v17  }
0x5a: {  	v19 =	vadd.f32 v58, v19;
	(erf) = vpow2.f32 v11;
	v21 =	vadd.f32 v20, v25;
	v23 =	vpop (erf)  }
0x5b: {  	v10 =	vshrl.u32 v5, $0x17;
	v20 =	vmul.f32 $3.000000000e+00, v20;
	v59 =	vpop (erf);
	v17 =	vmul.f32 v17, v22  }
0x5c: {  	v16 =	vadd.f32 v16, v19;
	(erf) = vpow2.f32 v13;
	v12 =	vadd.f32 v59, v21  }
0x5d: {  	v8 =	vadd.f32 v8, v8;
	v10 =	vadd.s32 $0xFFFFFF81, v10;
	(erf) = vpow2.f32 v15  }
0x5e: {  	v13 =	vmul.f32 $3.500000000e+00, v59;
	v15 =	vadd.f32 v20, v16;
	v11 =	vadd.f32 v18, v12  }
0x5f: {  	v41 =	vld [tilespmem:s31+$0x2280];
	v10 =	vcvt.s32.f32 v10;
	v26 =	vadd.f32 $1.000000000e+00, v57;
	v12 =	vadd.f32 $3.333333430e-01, v17;
	v17 =	vpop (erf)  }
0x60: {  	v21 =	vmul.f32 $4.000000000e+00, v18;
	v13 =	vadd.f32 v13, v15;
	v11 =	vadd.f32 v17, v11  }
0x61: {  	v16 =	vadd.f32 $1.000000000e+00, v23;
	(erf) = vrcp.f32 v26;
	v15 =	vld [tilespmem:s25+$0x4200];
	v12 =	vmul.f32 v12, v22  }
0x62: {  	v19 =	vld [tilespmem:s10+$0xC180];
	(erf) = vpow2.f32 v14;
	v13 =	vadd.f32 v21, v13;
	v11 =	vadd.f32 v28, v11  }
0x63: {  	v60 =	vld [tilespmem:s25+$0x4380];
	v18 =	vpop (erf);
	(erf) = vrcp.f32 v16;
	v17 =	vmul.f32 $4.500000000e+00, v17;
	v12 =	vadd.f32 $1.000000000e+00, v12  }
0x64: {  	v43 =	vld [tilespmem:s31+$0x300];
	v10 =	vmul.f32 $6.931471820e-01, v10;
	v27 =	vmul.f32 $1.442695020e+00, v41;
	v11 =	vadd.f32 v18, v11  }
0x65: {  	v20 =	vpop (erf);
	(erf) = vpow2.f32 v7;
	v8 =	vmul.f32 v12, v8;
	v12 =	vadd.f32 v17, v13  }
0x66: {  	v13 =	vpop (erf);
	(erf) = vpow2.f32 v9;
	v9 =	vmul.f32 $1.442695020e+00, v15;
	v7 =	vadd.f32 v20, v11  }
0x67: {  	vm0 =	vgt.f32 v19, $0.0e+00;
	v19 =	vadd.f32 $1.000000000e+00, v19;
	v16 =	vmul.f32 $5.000000000e+00, v28;
	v17 =	vld [tilespmem:s10+$0xC100]  }
0x68: {  	s9 =	simm.s32 $0x40;
	v14 =	vmul.f32 $1.442695020e+00, v60;
	v15 =	vpop (erf);
	v8 =	vadd.f32 v8, v10;
	v10 =	vld [tilespmem:s10+$0xC000];
	v7 =	vadd.f32 v13, v7  }
0x69: {  	v28 =	vmul.f32 $1.442695020e+00, v43;
	v11 =	vmul.f32 $5.500000000e+00, v18;
	v12 =	vadd.f32 v16, v12;
	s10 =	sand.u32 $0x3FFFFE00, s9;
	v5 =	vpop (erf)  }
0x6a: {  	v30 =	vld [tilespmem:s31+$0x2180];
	(erf) = vpow2.f32 v9;
	s2 =	sor.u32 s8, s10;
	v22 =	vmul.f32 $7.500000000e+00, v5;
	v9 =	vpop (erf);
	v7 =	vadd.f32 v15, v7  }
0x6b: {  	v11 =	vadd.f32 v11, v12;
	v12 =	vmul.f32 $6.000000000e+00, v20;
	(erf) = vpow2.f32 v6;
	v20 =	vld [tilespmem:s2+$0xC080];
	v6 =	vpop (erf)  }
0x6c: {  	v21 =	vsub.f32 v9, v17;
	(erf) = vpow2.f32 v14;
	v14 =	vld [tilespmem:s31+$0x4280];
	v9 =	vpop (erf);
	v7 =	vadd.f32 v5, v7  }
0x6d: {  	v39 =	vld [tilespmem:s25+$0x80];
	v13 =	vmul.f32 $6.500000000e+00, v13;
	v11 =	vadd.f32 v12, v11;
	v9 =	vsub.f32 v9, v10  }
0x6e: {  	v8 =	vnsel vm1, $0xFF800000, v8;
	v10 =	vmul.f32 $7.000000000e+00, v15;
	v15 =	vld [tilespmem:s31+$0x4100];
	v7 =	vadd.f32 v6, v7  }
0x6f: {  	v16 =	vld [tilespmem:s31+$0x100];
	(erf) = vpow2.f32 v24;
	v11 =	vadd.f32 v13, v11;
	v5 =	vpop (erf);
	v13 =	vmul.f32 $8.000000000e+00, v6  }
0x70: {  	v18 =	vld [tilespmem:s31+$0x2080];
	v62 =	vmul.f32 $8.500000000e+00, v5;
	v7 =	vadd.f32 v5, v7;
	v5 =	vmul.f32 $6.141468520e+00, v20  }
0x71: {  	v23 =	vld [tilespmem:s31+$0x2380];
	v61 =	vmul.f32 v9, v9;
	v6 =	vmul.f32 $1.442695020e+00, v14;
	v14 =	vadd.f32 v10, v11;
	v9 =	vpop (erf)  }
0x72: {  	v20 =	vld [tilespmem:s31+$0x4080];
	v63 =	vmul.f32 $9.000000000e+00, v9;
	v42 =	vadd.f32 v9, v7;
	v9 =	vand.u32 $0x7FFFFF, v5  }
0x73: {  	vm1 =	vgt.f32 v17, $0.0e+00;
	v10 =	vmul.f32 $1.442695020e+00, v15;
	v15 =	vor.u32 $0x3F800000, v9  }
0x74: {  	v17 =	vmul.f32 $1.442695020e+00, v30;
	v14 =	vadd.f32 v22, v14;
	v22 =	vadd.f32 $1.000000000e+00, v15  }
0x75: {  	v48 =	vsub.f32 v39, v8;
	v16 =	vsub.f32 $0.0e+00, v16;
	v18 =	vmul.f32 $1.442695020e+00, v18  }
0x76: {  	v33 =	vld [tilespmem:s31+$0x200];
	v11 =	vmul.f32 $1.442695020e+00, v23;
	v23 =	vpop (erf);
	v13 =	vadd.f32 v13, v14;
	(erf) = vrcp.f32 v22  }
0x77: {  	v45 =	vld [tilespmem:s31+$0x0];
	v34 =	vmul.f32 $9.500000000e+00, v23;
	v23 =	vadd.f32 v23, v42;
	v9 =	vmul.f32 $1.442695020e+00, v20;
	v20 =	vpop (erf)  }
0x78: {  	vm0 =	vmand vm1, vm0;
	v26 =	vmul.f32 v48, v48;
	v14 =	vld [tilespmem:s31+$0x280];
	v13 =	vadd.f32 v62, v13;
	v35 =	vpop (erf)  }
0x79: {  	v12 =	vld [tilespmem:s31+$0x4180];
	v16 =	vmul.f32 $1.442695020e+00, v16;
	v23 =	vadd.f32 v20, v23;
	(erf) = vpow2.f32 v18;
	v22 =	vpop (erf)  }
0x7a: {  	v13 =	vadd.f32 v63, v13;
	(erf) = vpow2.f32 v32;
	v38 =	vmul.f32 $1.050000000e+01, v22  }
0x7b: {  	v22 =	vadd.f32 v22, v23;
	v23 =	vmul.f32 $1.442695020e+00, v33;
	(erf) = vpow2.f32 v28  }
0x7c: {  	v18 =	vmul.f32 $1.000000000e+01, v20;
	v13 =	vadd.f32 v34, v13;
	(erf) = vpow2.f32 v44  }
0x7d: {  	v15 =	vadd.f32 $-1.000000000e+00, v15;
	v20 =	vld [tilespmem:s31+$0x4300];
	v14 =	vmul.f32 $1.442695020e+00, v14;
	(erf) = vpow2.f32 v23  }
0x7e: {  	v7 =	vmul.f32 $1.442695020e+00, v12;
	v13 =	vadd.f32 v18, v13;
	v18 =	vsub.f32 $0.0e+00, v45  }
0x7f: {  	v12 =	vshrl.u32 v5, $0x17;
	v47 =	vmul.f32 $1.100000000e+01, v35;
	(erf) = vpow2.f32 v14;
	v8 =	vpop (erf)  }
0x80: {  	v12 =	vadd.s32 $0xFFFFFF81, v12;
	v14 =	vld [tilespmem:s31+$0x2100];
	v18 =	vmul.f32 $1.442695020e+00, v18;
	v15 =	vmul.f32 v8, v15  }
0x81: {  	v13 =	vadd.f32 v38, v13;
	(erf) = vpow2.f32 v16;
	v16 =	vmul.f32 v21, v21  }
0x82: {  	v8 =	vmul.f32 $1.442695020e+00, v20;
	v20 =	vadd.f32 v35, v22;
	v23 =	vpop (erf);
	v22 =	vmul.f32 v15, v15  }
0x83: {  	v24 =	vnsel vm1, $0x0, v61;
	v61 =	vnsel vm1, $0x0, v26;
	v12 =	vcvt.s32.f32 v12;
	v51 =	vpop (erf)  }
0x84: {  	v13 =	vadd.f32 v47, v13;
	v52 =	vnsel vm1, $0x0, v16;
	v53 =	vpop (erf);
	v21 =	vmul.f32 $1.111111120e-01, v22  }
0x85: {  	(erf) = vpow2.f32 v17;
	v14 =	vmul.f32 $1.442695020e+00, v14;
	v28 =	vadd.f32 $0.0e+00, v51;
	v17 =	vpop (erf)  }
0x86: {  	(erf) = vpow2.f32 v18;
	v16 =	vsub.f32 v16, v52;
	v18 =	vpop (erf);
	v21 =	vadd.f32 $1.428571490e-01, v21  }
0x87: {  	v13 =	vadd.f32 v13, v20;
	(erf) = vpow2.f32 v50;
	v55 =	vadd.f32 v18, v28  }
0x88: {  	v2 =	vadd.f32 v16, v2;
	v18 =	vmul.f32 $1.500000000e+00, v18;
	v57 =	vpop (erf);
	v21 =	vmul.f32 v21, v22  }
0x89: {  	v19 =	vmul.f32 v20, v19;
	v20 =	vadd.f32 v57, v57;
	v16 =	vadd.f32 v57, v55  }
0x8a: {  	v58 =	vld [tilespmem:s31+$0x4380];
	(erf) = vpow2.f32 v14;
	v14 =	vadd.f32 v18, v28;
	v18 =	vadd.f32 $2.000000030e-01, v21  }
0x8b: {  	v4 =	vadd.f32 v24, v4;
	v59 =	vmul.f32 $4.000000000e+00, v23;
	v56 =	vmul.f32 $2.500000000e+00, v53  }
0x8c: {  	v16 =	vadd.f32 v53, v16;
	v14 =	vadd.f32 v20, v14;
	v18 =	vmul.f32 v18, v22  }
0x8d: {  	v15 =	vadd.f32 v15, v15;
	v54 =	vmul.f32 $3.000000000e+00, v17;
	(erf) = vpow2.f32 v46;
	v21 =	vpop (erf)  }
0x8e: {  	v60 =	vmul.f32 $1.000000000e+01, v13;
	v16 =	vadd.f32 v17, v16;
	v14 =	vadd.f32 v56, v14;
	v17 =	vpop (erf)  }
0x8f: {  	v13 =	vmul.f32 $1.442695020e+00, v58;
	(erf) = vrcp.f32 v19;
	v20 =	vpop (erf);
	v19 =	vadd.f32 $3.333333430e-01, v18  }
0x90: {  	v21 =	vadd.f32 $1.000000000e+00, v21;
	v14 =	vadd.f32 v54, v14;
	v18 =	vpop (erf);
	(erf) = vpow2.f32 v27  }
0x91: {  	v22 =	vmul.f32 v19, v22;
	v16 =	vadd.f32 v18, v16;
	(erf) = vpow2.f32 v31  }
0x92: {  	v62 =	vmul.f32 $3.500000000e+00, v18;
	(erf) = vpow2.f32 v11;
	v11 =	vadd.f32 $1.000000000e+00, v20  }
0x93: {  	v20 =	vadd.f32 $1.000000000e+00, v22;
	v16 =	vadd.f32 v23, v16;
	(erf) = vpow2.f32 v29  }
0x94: {  	v23 =	vpop (erf);
	v22 =	vadd.f32 v62, v14;
	v14 =	vmul.f32 $6.931471820e-01, v12;
	(erf) = vrcp.f32 v21  }
0x95: {  	v12 =	vmul.f32 v20, v15;
	v20 =	vld [tilespmem:s31+$0x4200];
	v16 =	vadd.f32 v23, v16;
	(erf) = vpow2.f32 v9  }
0x96: {  	v1 =	vadd.f32 v61, v1;
	v18 =	vmul.f32 $5.000000000e+00, v17;
	v63 =	vpop (erf);
	v9 =	vld [tilespmem:s2+$0xC180];
	(erf) = vrcp.f32 v11  }
0x97: {  	v16 =	vadd.f32 v17, v16;
	v17 =	vadd.f32 v59, v22;
	v22 =	vmul.f32 $4.500000000e+00, v23  }
0x98: {  	v3 =	vadd.f32 v52, v3;
	v19 =	vmul.f32 $5.500000000e+00, v63;
	v23 =	vpop (erf);
	(erf) = vpow2.f32 v10  }
0x99: {  	s25 =	simm.s32 $0x2;
	v10 =	vmul.f32 v60, v23;
	v21 =	vadd.f32 v63, v16;
	v15 =	vpop (erf);
	v16 =	vadd.f32 v22, v17  }
.LBB2_3:
0x9a: {  	s8 =	sshll.u32 s25, $0x7  }
0x9b: {  	v17 =	vld [tilespmem:s31+$0x80];
	v12 =	vadd.f32 v12, v14;
	v11 =	vmul.f32 $1.442695020e+00, v20;
	vm1 =	vgt.f32 v9, $0.0e+00;
	s0 =	sadd.s32 $0x10, s0;
	v14 =	vpop (erf);
	s9 =	smov.u32 s25;
	s7 =	sadd.s32 $0x1, s25  }
0x9c: {  	p0 =	sne.s32 s25, $0x3F;
	s10 =	sand.u32 $0x70, s0;
	s8 =	sand.u32 $0x3FFFFC00, s8;
	v20 =	vld [tilespmem:s2+$0xC100];
	v16 =	vadd.f32 v18, v16;
	v18 =	vadd.f32 v15, v21;
	(erf) = vpow2.f32 v7  }
0x9d: {  	vm2 =	vgt.f32 v5, $0.0e+00;
	s9 =	sshll.u32 s9, $0x6;
	v5 =	vmul.f32 $6.500000000e+00, v14;
	v22 =	vadd.f32 $-1.000000000e+01, v10;
	s31 =	sor.u32 s10, s8;
	v7 =	vld [tilespmem:s2+$0xC000];
	v21 =	vpop (erf)  }
0x9e: {  	s2 =	sand.u32 $0x3FFFFE00, s9;
	v23 =	vld [tilespmem:s31+$0x100];
	v27 =	vadd.f32 v19, v16;
	v14 =	vadd.f32 v14, v18;
	(erf) = vpow2.f32 v11  }
0x9f: {  	s2 =	sor.u32 s10, s2;
	v11 =	vmul.f32 $6.000000000e+00, v15;
	v19 =	vand.u32 $0x7FFFFFFF, v22;
	v24 =	vmul.f32 $5.000000000e-01, v22;
	v10 =	vld [tilespmem:s31+$0x4380];
	v15 =	vpop (erf)  }
0xa0: {  	v25 =	vld [tilespmem:s31+$0x4300];
	v14 =	vadd.f32 v21, v14;
	v18 =	vpop (erf);
	(erf) = vpow2.f32 v6;
	v6 =	vadd.f32 $-5.000000000e-01, v19  }
0xa1: {  	v11 =	vadd.f32 v11, v27;
	v22 =	vmul.f32 v24, v22;
	v26 =	vld [tilespmem:s31+$0x2080];
	v18 =	vsub.f32 v18, v20;
	v16 =	vpop (erf)  }
0xa2: {  	vm3 =	vlt.f32 v19, $1.000000000e+00;
	v24 =	vld [tilespmem:s2+$0xC080];
	v14 =	vadd.f32 v15, v14;
	v27 =	vpop (erf);
	(erf) = vpow2.f32 v13  }
0xa3: {  	v11 =	vadd.f32 v5, v11;
	v13 =	vsub.f32 $0.0e+00, v23;
	v19 =	vld [tilespmem:s31+$0x4280];
	v5 =	vpop (erf);
	(erf) = vpow2.f32 v8  }
0xa4: {  	v21 =	vmul.f32 $7.000000000e+00, v21;
	v7 =	vsub.f32 v27, v7;
	v8 =	vld [tilespmem:s31+$0x4180];
	v14 =	vadd.f32 v16, v14  }
0xa5: {  	v15 =	vmul.f32 $7.500000000e+00, v15;
	v6 =	vsel vm3, v22, v6;
	v27 =	vmul.f32 $8.000000000e+00, v16;
	v23 =	vld [tilespmem:s31+$0x4100];
	v16 =	vpop (erf)  }
0xa6: {  	v29 =	vmul.f32 $8.500000000e+00, v5;
	v28 =	vmul.f32 v7, v7;
	v22 =	vld [tilespmem:s31+$0x2380];
	v7 =	vadd.f32 v5, v14  }
0xa7: {  	v30 =	vmul.f32 $9.000000000e+00, v16;
	v14 =	vnsel vm0, $0x0, v6;
	v5 =	vmul.f32 $6.141468520e+00, v24;
	v24 =	vld [tilespmem:s31+$0x4080];
	v31 =	vpop (erf)  }
0xa8: {  	v32 =	vld [tilespmem:s31+$0x2280];
	v6 =	vmul.f32 $1.442695020e+00, v19;
	v19 =	vadd.f32 v21, v11;
	v16 =	vadd.f32 v16, v7  }
0xa9: {  	v0 =	vadd.f32 v14, v0;
	v21 =	vand.u32 $0x7FFFFF, v5;
	v33 =	vld [tilespmem:s31+$0x4000];
	v7 =	vmul.f32 $1.442695020e+00, v8;
	v8 =	vpop (erf)  }
0xaa: {  	v34 =	vshrl.u32 v5, $0x17;
	v35 =	vld [tilespmem:s31+$0x2180];
	v11 =	vmul.f32 $1.442695020e+00, v23;
	v23 =	vnsel vm2, $0xFF800000, v12  }
0xab: {  	v21 =	vor.u32 $0x3F800000, v21;
	v36 =	vld [tilespmem:s31+$0x2300];
	v14 =	vmul.f32 $1.442695020e+00, v22;
	v22 =	vadd.f32 v15, v19;
	v37 =	vpop (erf)  }
0xac: {  	v15 =	vadd.s32 $0xFFFFFF81, v34;
	v34 =	vadd.f32 $1.000000000e+00, v21;
	v38 =	vld [tilespmem:s31+$0x180];
	v12 =	vmul.f32 $1.442695020e+00, v24;
	v24 =	vpop (erf)  }
0xad: {  	v39 =	vld [tilespmem:s31+$0x200];
	v19 =	vmul.f32 $1.442695020e+00, v32;
	v32 =	vadd.f32 v31, v16;
	v31 =	vmul.f32 $9.500000000e+00, v31  }
0xae: {  	v9 =	vadd.f32 $1.000000000e+00, v9;
	v15 =	vcvt.s32.f32 v15;
	v40 =	vld [tilespmem:s31+$0x300];
	(erf) = vrcp.f32 v34  }
0xaf: {  	v26 =	vmul.f32 $1.442695020e+00, v26;
	v16 =	vmul.f32 $1.442695020e+00, v33;
	v34 =	vld [tilespmem:s31+$0x380];
	v32 =	vadd.f32 v8, v32  }
0xb0: {  	vm2 =	vgt.f32 v20, $0.0e+00;
	v20 =	vmul.f32 $1.050000000e+01, v24;
	v33 =	vld [tilespmem:s31+$0x2200];
	v36 =	vmul.f32 $1.442695020e+00, v36  }
0xb1: {  	v22 =	vadd.f32 v27, v22;
	v38 =	vmul.f32 $1.442695020e+00, v38;
	(erf) = vpow2.f32 v26  }
0xb2: {  	v27 =	vmul.f32 $1.442695020e+00, v35;
	v35 =	vmul.f32 $1.000000000e+01, v8;
	v24 =	vadd.f32 v24, v32;
	v26 =	vld [tilespmem:s31+$0x280]  }
0xb3: {  	v22 =	vadd.f32 v29, v22;
	v8 =	vmul.f32 $1.442695020e+00, v40;
	(erf) = vpow2.f32 v38  }
0xb4: {  	v17 =	vsub.f32 v17, v23;
	v29 =	vmul.f32 $1.442695020e+00, v39;
	v34 =	vmul.f32 $1.442695020e+00, v34  }
0xb5: {  	v23 =	vld [tilespmem:s31+$0x0];
	v33 =	vmul.f32 $1.442695020e+00, v33;
	(erf) = vpow2.f32 v8;
	v8 =	vadd.f32 v30, v22  }
0xb6: {  	v21 =	vadd.f32 $-1.000000000e+00, v21;
	v22 =	vmul.f32 $1.100000000e+01, v37;
	(erf) = vpow2.f32 v34  }
0xb7: {  	v26 =	vmul.f32 $1.442695020e+00, v26;
	v30 =	vld [tilespmem:s31+$0x2000];
	v32 =	vpop (erf);
	(erf) = vpow2.f32 v29;
	v29 =	vadd.f32 v31, v8  }
0xb8: {  	v24 =	vadd.f32 v37, v24;
	v8 =	vmul.f32 $1.442695020e+00, v25;
	v21 =	vmul.f32 v32, v21  }
0xb9: {  	v13 =	vmul.f32 $1.442695020e+00, v13;
	v25 =	vld [tilespmem:s31+$0x2100];
	(erf) = vpow2.f32 v26;
	v26 =	vadd.f32 v35, v29  }
0xba: {  	v28 =	vnsel vm2, $0x0, v28;
	v23 =	vsub.f32 $0.0e+00, v23;
	v29 =	vmul.f32 v21, v21;
	v31 =	vpop (erf)  }
0xbb: {  	v4 =	vadd.f32 v28, v4;
	(erf) = vpow2.f32 v13;
	v13 =	vmul.f32 v18, v18  }
0xbc: {  	v20 =	vadd.f32 v20, v26;
	v18 =	vmul.f32 $1.111111120e-01, v29;
	v28 =	vmul.f32 $1.442695020e+00, v30;
	v30 =	vpop (erf)  }
0xbd: {  	v34 =	vmul.f32 $1.442695020e+00, v23;
	v26 =	vadd.f32 $0.0e+00, v30;
	v30 =	vnsel vm2, $0x0, v13  }
0xbe: {  	v18 =	vadd.f32 $1.428571490e-01, v18;
	v25 =	vmul.f32 $1.442695020e+00, v25;
	v32 =	vpop (erf);
	(erf) = vpow2.f32 v27  }
0xbf: {  	v3 =	vadd.f32 v30, v3;
	v13 =	vsub.f32 v13, v30;
	(erf) = vpow2.f32 v34;
	v23 =	vpop (erf)  }
0xc0: {  	v21 =	vadd.f32 v21, v21;
	v27 =	vmul.f32 $3.000000000e+00, v23;
	v30 =	vpop (erf);
	(erf) = vpow2.f32 v28  }
0xc1: {  	v18 =	vmul.f32 v18, v29;
	v28 =	vadd.f32 v30, v26;
	v30 =	vmul.f32 $1.500000000e+00, v30  }
0xc2: {  	v34 =	vmul.f32 $2.500000000e+00, v32;
	v2 =	vadd.f32 v13, v2;
	v13 =	vadd.f32 v22, v20;
	v35 =	vpop (erf)  }
0xc3: {  	v22 =	vmul.f32 $4.000000000e+00, v31;
	v20 =	vadd.f32 v35, v28;
	(erf) = vpow2.f32 v25  }
0xc4: {  	v13 =	vadd.f32 v13, v24;
	v25 =	vadd.f32 v30, v26;
	v26 =	vpop (erf);
	(erf) = vpow2.f32 v33  }
0xc5: {  	v9 =	vmul.f32 v24, v9;
	v18 =	vadd.f32 $2.000000030e-01, v18;
	v20 =	vadd.f32 v32, v20  }
0xc6: {  	v17 =	vmul.f32 v17, v17;
	v24 =	vadd.f32 v35, v35;
	v28 =	vmul.f32 $1.000000000e+01, v13  }
0xc7: {  	vm0 =	vmand vm2, vm1;
	v30 =	vmul.f32 v18, v29;
	v20 =	vadd.f32 v23, v20;
	v23 =	vpop (erf)  }
0xc8: {  	v13 =	vmul.f32 $1.442695020e+00, v10;
	v24 =	vadd.f32 v24, v25;
	v10 =	vpop (erf);
	(erf) = vrcp.f32 v9  }
0xc9: {  	v25 =	vadd.f32 $1.000000000e+00, v26;
	v9 =	vadd.f32 $3.333333430e-01, v30;
	v18 =	vpop (erf);
	(erf) = vpow2.f32 v19  }
0xca: {  	v17 =	vnsel vm2, $0x0, v17;
	v19 =	vadd.f32 v34, v24;
	v20 =	vadd.f32 v18, v20  }
0xcb: {  	v1 =	vadd.f32 v17, v1;
	v24 =	vmul.f32 $3.500000000e+00, v18;
	(erf) = vpow2.f32 v36  }
0xcc: {  	v18 =	vmul.f32 $5.000000000e+00, v23;
	v17 =	vadd.f32 v27, v19;
	v19 =	vadd.f32 v31, v20;
	v26 =	vpop (erf)  }
0xcd: {  	v20 =	vmul.f32 v9, v29;
	v27 =	vpop (erf);
	(erf) = vpow2.f32 v14  }
0xce: {  	v10 =	vadd.f32 $1.000000000e+00, v10;
	v9 =	vld [tilespmem:s2+$0xC180];
	v29 =	vadd.f32 v26, v19;
	v19 =	vmul.f32 $5.500000000e+00, v27  }
.Ltmp0:
0xcf: {  	v17 =	vadd.f32 v24, v17;
	v30 =	vadd.f32 $1.000000000e+00, v20;
	v20 =	vld [tilespmem:s31+$0x4200];
	(erf) = vpow2.f32 v16;
	(pc) =	sbr.rel @p0 .LBB2_3-.Ltmp0, $4  }
0xd0: {  	v14 =	vmul.f32 $6.931471820e-01, v15;
	v23 =	vadd.f32 v23, v29;
	(erf) = vrcp.f32 v25  }
0xd1: {  	v16 =	vadd.f32 v22, v17;
	v17 =	vmul.f32 $4.500000000e+00, v26;
	(erf) = vpow2.f32 v12;
	v22 =	vpop (erf)  }
0xd2: {  	v12 =	vmul.f32 v30, v21;
	v21 =	vadd.f32 v27, v23;
	(erf) = vrcp.f32 v10;
	v15 =	vpop (erf)  }
0xd3: {  	s25 =	smov.u32 s7;
	v16 =	vadd.f32 v17, v16;
	v10 =	vmul.f32 v28, v22;
	(erf) = vpow2.f32 v11  }
0xd4: {  	v11 =	vadd.f32 v15, v21;
	_ =	sdelay $0x1  }
0xd5: {  	v17 =	vpop (erf)  }
0xd6: {  	v20 =	vmul.f32 $1.442695020e+00, v20;
	(erf) = vpow2.f32 v7;
	v7 =	vadd.f32 v17, v11  }
0xd7: {  	v11 =	vpop (erf)  }
0xd8: {  	v7 =	vadd.f32 v11, v7  }
0xd9: {  	(erf) = vpow2.f32 v20  }
0xda: {  	v20 =	vpop (erf)  }
0xdb: {  	(erf) = vpow2.f32 v6;
	v21 =	vpop (erf);
	v6 =	vadd.f32 v20, v7  }
0xdc: {  	(erf) = vpow2.f32 v13;
	v7 =	vpop (erf)  }
0xdd: {  	v13 =	vpop (erf);
	(erf) = vpow2.f32 v8;
	v6 =	vadd.f32 v7, v6  }
0xde: {  	v8 =	vpop (erf)  }
0xdf: {  	v6 =	vadd.f32 v8, v6  }
0xe0: {  	v22 =	vpop (erf)  }
0xe1: {  	v6 =	vadd.f32 v22, v6  }
0xe2: {  	v23 =	vpop (erf)  }
0xe3: {  	v6 =	vadd.f32 v23, v6  }
0xe4: {  	v24 =	vpop (erf)  }
0xe5: {  	v25 =	vpop (erf);
	v6 =	vadd.f32 v24, v6  }
0xe6: {  	v26 =	vpop (erf)  }
0xe7: {  	s0 =	sadd.s32 $0x2, s30;
	v6 =	vadd.f32 v26, v6  }
0xe8: {  	s7 =	sadd.s32 s5, s0  }
0xe9: {  	v27 =	vadd.f32 $1.000000000e+00, v9;
	s7 =	sshrl.u32 s7, $0x3;
	v6 =	vadd.f32 v25, v6  }
0xea: {  	s0 =	sshll.u32 s0, $0x3;
	v16 =	vadd.f32 v18, v16;
	s8 =	smul.u32 $0xC0, s7  }
0xeb: {  	s0 =	sand.u32 $0x30, s0;
	v27 =	vmul.f32 v6, v27  }
0xec: {  	v15 =	vmul.f32 $6.000000000e+00, v15;
	v16 =	vadd.f32 v19, v16;
	s8 =	sor.u32 s0, s8  }
0xed: {  	s8 =	sshll.u32 s8, $0xA;
	(erf) = vrcp.f32 v27  }
0xee: {  	v29 =	vld [tilespmem:s2+$0xC100];
	s10 =	simm.s32 $0x0;
	v17 =	vmul.f32 $6.500000000e+00, v17;
	v15 =	vadd.f32 v15, v16;
	s9 =	sshrl.u32 s8, $0x3;
	s25 =	sadd.s32 $0x10000, s8  }
0xef: {  	v30 =	vld [tilespmem:s2+$0xC000];
	s8 =	sadd.s32 $0x20000, s8;
	s9 =	sadd.s32 s1, s9;
	s2 =	sshrl.u32 s25, $0x3  }
0xf0: {  	v28 =	vld [tilespmem:s31+$0x80];
	v11 =	vmul.f32 $7.000000000e+00, v11;
	v15 =	vadd.f32 v17, v15;
	[tilespmem:s10], [sflag:$0x1] =	stream.linear.gather [hbm4b:s9+s10], $0x2000, $0x38  }
0xf1: {  	s0 =	sshll.u32 s0, $0x6;
	s2 =	sadd.s32 s1, s2;
	s9 =	sshrl.u32 s8, $0x3  }
0xf2: {  	v17 =	vmul.f32 $7.500000000e+00, v20;
	v11 =	vadd.f32 v11, v15;
	[tilespmem:s16], [sflag:$0x1] =	stream.linear.gather [hbm4b:s2+s10], $0x2000, $0x38;
	[tilespmem:$0xE080] =	vst v63  }
0xf3: {  	s0 =	sadd.s32 s3, s0;
	s25 =	sshll.u32 s7, $0xC;
	s2 =	sadd.s32 s1, s9  }
0xf4: {  	v7 =	vmul.f32 $8.000000000e+00, v7;
	v11 =	vadd.f32 v17, v11;
	[tilespmem:s17], [sflag:$0x1] =	stream.linear.gather [hbm4b:s2+s10], $0x2000, $0x38;
	[tilespmem:$0xE080] =	vst v63  }
0xf5: {  	s0 =	sadd.s32 s25, s0  }
0xf6: {  	v8 =	vmul.f32 $8.500000000e+00, v8;
	v7 =	vadd.f32 v7, v11;
	[tilespmem:s18], [sflag:$0x1] =	stream.linear.gather [hbm4b:s0+s10], $0x1000, $0x38;
	v16 =	vpop (erf);
	[tilespmem:$0xE080] =	vst v63  }
0xf7: {  	_ =	swait.ge [sflag:s24], $0x2000  }
0xf8: {  	v11 =	vmul.f32 $9.000000000e+00, v22;
	v7 =	vadd.f32 v8, v7;
	[sflag:s24] =	ssyncset.done $0x0  }
0xf9: {  	[sflag:s24] =	ssyncadd.s32 $0xFFFFE000  }
0xfa: {  	v8 =	vmul.f32 $9.500000000e+00, v23;
	v7 =	vadd.f32 v11, v7;
	_ =	swait.ge [sflag:s24], $0x2000  }
0xfb: {  	[sflag:s24] =	ssyncset.done $0x0  }
0xfc: {  	v10 =	vadd.f32 $-1.000000000e+01, v10;
	v11 =	vmul.f32 $1.000000000e+01, v24;
	v7 =	vadd.f32 v8, v7;
	[sflag:s24] =	ssyncadd.s32 $0xFFFFE000  }
0xfd: {  	vm1 =	vgt.f32 v9, $0.0e+00;
	v8 =	vadd.f32 v12, v14;
	_ =	swait.ge [sflag:s24], $0x2000  }
0xfe: {  	v12 =	vand.u32 $0x7FFFFFFF, v10;
	v14 =	vmul.f32 $1.050000000e+01, v26;
	v7 =	vadd.f32 v11, v7;
	[sflag:s24] =	ssyncset.done $0x0  }
0xff: {  	vm3 =	vgt.f32 v5, $0.0e+00;
	v9 =	vmul.f32 $5.000000000e-01, v10;
	v15 =	vadd.f32 $-5.000000000e-01, v12;
	[sflag:s24] =	ssyncadd.s32 $0xFFFFE000  }
0x100: {  	s7 =	sand.u32 $0x70, s10;
	s2 =	simm.s32 $0x0;
	vm2 =	vlt.f32 v12, $1.000000000e+00;
	v12 =	vmul.f32 $1.100000000e+01, v25;
	v7 =	vadd.f32 v14, v7;
	_ =	swait.ge [sflag:s24], $0x1000  }
0x101: {  	v9 =	vmul.f32 v9, v10;
	v5 =	vsub.f32 v21, v29;
	s8 =	simm.s32 $0x0;
	s0 =	sand.u32 $0x3FFFFE00, s2;
	v10 =	vsub.f32 v13, v30;
	[sflag:s24] =	ssyncset.done $0x0  }
0x102: {  	s25 =	sor.u32 s7, s0;
	s0 =	sand.u32 $0x3FFFFC00, s8;
	v12 =	vadd.f32 v12, v7;
	[sflag:s24] =	ssyncadd.s32 $0xFFFFF000  }
0x103: {  	v5 =	vmul.f32 v5, v5;
	s2 =	sor.u32 s7, s0;
	v10 =	vmul.f32 v10, v10;
	v9 =	vsel vm2, v9, v15;
	v11 =	vld [tilespmem:s25+$0xD080]  }
0x104: {  	v9 =	vnsel vm0, $0x0, v9;
	vm0 =	vgt.f32 v29, $0.0e+00;
	v6 =	vadd.f32 v12, v6;
	v13 =	vld [tilespmem:s2+$0x8080]  }
0x105: {  	v0 =	vadd.f32 v9, v0;
	v9 =	vnsel vm0, $0x0, v10;
	v12 =	vld [tilespmem:s2+$0x6300]  }
0x106: {  	v14 =	vnsel vm0, $0x0, v5;
	v9 =	vadd.f32 v9, v4;
	v4 =	vmul.f32 $1.000000000e+01, v6;
	v6 =	vld [tilespmem:s2+$0x6380]  }
0x107: {  	v5 =	vsub.f32 v5, v14;
	v3 =	vadd.f32 v14, v3;
	v14 =	vld [tilespmem:s2+$0x6280]  }
0x108: {  	v8 =	vnsel vm3, $0xFF800000, v8;
	v18 =	vld [tilespmem:s2+$0x8100]  }
0x109: {  	v8 =	vsub.f32 v28, v8;
	v21 =	vld [tilespmem:s2+$0x8200];
	v7 =	vmul.f32 $6.141468520e+00, v11  }
0x10a: {  	v11 =	vld [tilespmem:s2+$0x6180]  }
0x10b: {  	v8 =	vmul.f32 v8, v8;
	v47 =	vld [tilespmem:s2+$0xA300];
	v10 =	vand.u32 $0x7FFFFF, v7  }
0x10c: {  	s9 =	simm.s32 $0x80;
	s0 =	simm.s32 $0x10;
	v4 =	vmul.f32 v4, v16;
	v16 =	vld [tilespmem:s2+$0x6100];
	v13 =	vmul.f32 $1.442695020e+00, v13;
	v10 =	vor.u32 $0x3F800000, v10  }
0x10d: {  	s7 =	sand.u32 $0x3FFFFC00, s9;
	s8 =	sand.u32 $0x70, s0;
	v17 =	vld [tilespmem:s2+$0x6200];
	v12 =	vmul.f32 $1.442695020e+00, v12;
	v14 =	vmul.f32 $1.442695020e+00, v14;
	v15 =	vadd.f32 $1.000000000e+00, v10  }
0x10e: {  	s30 =	sor.u32 s8, s7;
	v5 =	vadd.f32 v5, v2;
	v2 =	vld [tilespmem:s2+$0xA280];
	v18 =	vmul.f32 $1.442695020e+00, v18;
	v21 =	vmul.f32 $1.442695020e+00, v21  }
0x10f: {  	v32 =	vld [tilespmem:s30+$0x6180];
	v11 =	vmul.f32 $1.442695020e+00, v11;
	(erf) = vrcp.f32 v15  }
0x110: {  	v4 =	vadd.f32 $-1.000000000e+01, v4;
	v24 =	vmul.f32 $1.442695020e+00, v47;
	v15 =	vld [tilespmem:s2+$0x6000];
	(erf) = vpow2.f32 v13  }
0x111: {  	v16 =	vsub.f32 $0.0e+00, v16;
	v13 =	vld [tilespmem:s2+$0xA180];
	(erf) = vpow2.f32 v11;
	v11 =	vmul.f32 $1.442695020e+00, v6  }
0x112: {  	v6 =	vnsel vm0, $0x0, v8;
	v8 =	vmul.f32 $1.442695020e+00, v17;
	(erf) = vpow2.f32 v12;
	v12 =	vld [tilespmem:s2+$0x8180]  }
0x113: {  	v17 =	vld [tilespmem:s2+$0x8000];
	v6 =	vadd.f32 v6, v1;
	v1 =	vmul.f32 $5.000000000e-01, v4;
	(erf) = vpow2.f32 v11  }
0x114: {  	v32 =	vmul.f32 $1.442695020e+00, v32;
	v11 =	vand.u32 $0x7FFFFFFF, v4;
	(erf) = vpow2.f32 v8  }
0x115: {  	vm0 =	vmand vm0, vm1;
	v8 =	vadd.f32 $-5.000000000e-01, v11;
	v4 =	vmul.f32 v1, v4  }
0x116: {  	vm1 =	vlt.f32 v11, $1.000000000e+00;
	v11 =	vld [tilespmem:s2+$0xA100];
	v1 =	vmul.f32 $1.442695020e+00, v2;
	(erf) = vpow2.f32 v14  }
0x117: {  	v2 =	vmul.f32 $1.442695020e+00, v16;
	v15 =	vsub.f32 $0.0e+00, v15;
	v12 =	vmul.f32 $1.442695020e+00, v12  }
0x118: {  	v10 =	vadd.f32 $-1.000000000e+00, v10;
	v14 =	vld [tilespmem:s2+$0x8380];
	v13 =	vmul.f32 $1.442695020e+00, v13;
	v17 =	vmul.f32 $1.442695020e+00, v17;
	v16 =	vpop (erf)  }
0x119: {  	v4 =	vsel vm1, v4, v8;
	v8 =	vld [tilespmem:s2+$0xA080];
	(erf) = vpow2.f32 v2;
	v2 =	vmul.f32 $1.442695020e+00, v15;
	v19 =	vpop (erf)  }
0x11a: {  	v15 =	vld [tilespmem:s2+$0x8280];
	(erf) = vpow2.f32 v12;
	v10 =	vmul.f32 v16, v10;
	v20 =	vpop (erf)  }
0x11b: {  	v4 =	vnsel vm0, $0x0, v4;
	(erf) = vpow2.f32 v2;
	v2 =	vmul.f32 $1.442695020e+00, v11;
	v12 =	vpop (erf)  }
0x11c: {  	v11 =	vld [tilespmem:s2+$0x8300];
	v16 =	vadd.f32 $0.0e+00, v20;
	(erf) = vpow2.f32 v17;
	v22 =	vmul.f32 v10, v10;
	v20 =	vpop (erf)  }
0x11d: {  	v0 =	vadd.f32 v4, v0;
	v14 =	vmul.f32 $1.442695020e+00, v14;
	v17 =	vshrl.u32 v7, $0x17;
	v23 =	vpop (erf)  }
0x11e: {  	v8 =	vmul.f32 $1.442695020e+00, v8;
	v49 =	vmul.f32 $1.111111120e-01, v22;
	v48 =	vadd.f32 v23, v16  }
0x11f: {  	v10 =	vadd.f32 v10, v10;
	v15 =	vmul.f32 $1.442695020e+00, v15;
	(erf) = vpow2.f32 v18;
	v50 =	vpop (erf)  }
0x120: {  	v4 =	vld [tilespmem:s2+$0xA000];
	v23 =	vmul.f32 $1.500000000e+00, v23;
	v18 =	vadd.f32 $1.428571490e-01, v49;
	v25 =	vadd.f32 v50, v48  }
0x121: {  	(erf) = vpow2.f32 v21;
	v11 =	vmul.f32 $1.442695020e+00, v11;
	v53 =	vadd.f32 v50, v50  }
0x122: {  	v16 =	vadd.f32 v23, v16;
	v51 =	vpop (erf);
	v18 =	vmul.f32 v18, v22;
	v25 =	vadd.f32 v12, v25  }
0x123: {  	v17 =	vadd.s32 $0xFFFFFF81, v17;
	(erf) = vpow2.f32 v15;
	v52 =	vpop (erf);
	v12 =	vmul.f32 $2.500000000e+00, v12  }
0x124: {  	v16 =	vadd.f32 v53, v16;
	(erf) = vpow2.f32 v11;
	v23 =	vpop (erf);
	v21 =	vadd.f32 v20, v25  }
0x125: {  	v4 =	vmul.f32 $1.442695020e+00, v4;
	v18 =	vadd.f32 $2.000000030e-01, v18;
	(erf) = vpow2.f32 v14;
	v54 =	vpop (erf)  }
0x126: {  	v20 =	vmul.f32 $3.000000000e+00, v20;
	v12 =	vadd.f32 v12, v16;
	v15 =	vadd.f32 v54, v21  }
0x127: {  	v26 =	vadd.f32 $1.000000000e+00, v51;
	(erf) = vpow2.f32 v4;
	v18 =	vmul.f32 v18, v22  }
0x128: {  	v14 =	vmul.f32 $3.500000000e+00, v54;
	v4 =	vadd.f32 v20, v12;
	v11 =	vadd.f32 v19, v15  }
0x129: {  	v17 =	vcvt.s32.f32 v17;
	(erf) = vrcp.f32 v26;
	v16 =	vpop (erf);
	v15 =	vadd.f32 $3.333333430e-01, v18  }
0x12a: {  	v21 =	vmul.f32 $4.000000000e+00, v19;
	v4 =	vadd.f32 v14, v4;
	v11 =	vadd.f32 v16, v11  }
0x12b: {  	v55 =	vld [tilespmem:s2+$0xA380];
	v12 =	vadd.f32 $1.000000000e+00, v23;
	(erf) = vpow2.f32 v8;
	v15 =	vmul.f32 v15, v22  }
0x12c: {  	v14 =	vld [tilespmem:s2+$0xA200];
	v4 =	vadd.f32 v21, v4;
	v16 =	vmul.f32 $4.500000000e+00, v16;
	v11 =	vadd.f32 v52, v11  }
0x12d: {  	v36 =	vld [tilespmem:s30+$0x6380];
	v17 =	vmul.f32 $6.931471820e-01, v17;
	v18 =	vpop (erf);
	(erf) = vrcp.f32 v12;
	v15 =	vadd.f32 $1.000000000e+00, v15  }
0x12e: {  	v12 =	vmul.f32 $5.000000000e+00, v52;
	v4 =	vadd.f32 v16, v4;
	v11 =	vadd.f32 v18, v11  }
0x12f: {  	v19 =	vld [tilespmem:s25+$0xD180];
	v20 =	vpop (erf);
	(erf) = vpow2.f32 v2;
	v10 =	vmul.f32 v15, v10  }
0x130: {  	v16 =	vld [tilespmem:s25+$0xD100];
	v4 =	vadd.f32 v12, v4;
	v2 =	vadd.f32 v20, v11;
	v11 =	vmul.f32 $5.500000000e+00, v18  }
0x131: {  	s10 =	simm.s32 $0x40;
	v15 =	vpop (erf);
	(erf) = vpow2.f32 v13;
	v13 =	vadd.f32 v10, v17;
	v10 =	vmul.f32 $1.442695020e+00, v14;
	v18 =	vld [tilespmem:s30+$0x8080]  }
0x132: {  	v40 =	vmul.f32 $1.442695020e+00, v36;
	vm1 =	vgt.f32 v7, $0.0e+00;
	v8 =	vmul.f32 $1.442695020e+00, v55;
	v14 =	vld [tilespmem:s25+$0xD000];
	s25 =	sand.u32 $0x3FFFFE00, s10  }
0x133: {  	v7 =	vld [tilespmem:s30+$0x6100];
	v17 =	vpop (erf);
	s31 =	sor.u32 s8, s25;
	v2 =	vadd.f32 v15, v2;
	v4 =	vadd.f32 v11, v4;
	v11 =	vmul.f32 $6.000000000e+00, v20  }
0x134: {  	v12 =	vpop (erf);
	v15 =	vmul.f32 $6.500000000e+00, v15;
	(erf) = vpow2.f32 v10;
	v20 =	vld [tilespmem:s31+$0xD080]  }
0x135: {  	v2 =	vadd.f32 v17, v2;
	v10 =	vpop (erf);
	(erf) = vpow2.f32 v1;
	v4 =	vadd.f32 v11, v4;
	v11 =	vld [tilespmem:s30+$0xA180]  }
0x136: {  	v1 =	vpop (erf);
	v21 =	vsub.f32 v10, v16;
	(erf) = vpow2.f32 v8;
	v8 =	vld [tilespmem:s30+$0xA280];
	v18 =	vmul.f32 $1.442695020e+00, v18  }
0x137: {  	v2 =	vadd.f32 v12, v2;
	v10 =	vpop (erf);
	(erf) = vpow2.f32 v24;
	v12 =	vmul.f32 $7.500000000e+00, v12  }
0x138: {  	v15 =	vadd.f32 v15, v4;
	v22 =	vmul.f32 $8.000000000e+00, v1;
	v10 =	vsub.f32 v10, v14  }
0x139: {  	v23 =	vld [tilespmem:s30+$0x8380];
	v14 =	vmul.f32 $7.000000000e+00, v17;
	v2 =	vadd.f32 v1, v2;
	v4 =	vpop (erf);
	v1 =	vmul.f32 $6.141468520e+00, v20  }
0x13a: {  	v58 =	vsub.f32 $0.0e+00, v7;
	v17 =	vld [tilespmem:s30+$0xA100];
	v56 =	vmul.f32 v10, v10;
	v57 =	vmul.f32 $8.500000000e+00, v4  }
0x13b: {  	v20 =	vld [tilespmem:s30+$0xA080];
	v7 =	vmul.f32 $1.442695020e+00, v11;
	v2 =	vadd.f32 v4, v2;
	v4 =	vmul.f32 $1.442695020e+00, v8  }
0x13c: {  	v8 =	vadd.f32 v14, v15;
	v14 =	vand.u32 $0x7FFFFF, v1;
	v61 =	vshrl.u32 v1, $0x17;
	v10 =	vpop (erf)  }
0x13d: {  	v63 =	vld [tilespmem:s30+$0x6300];
	v14 =	vor.u32 $0x3F800000, v14;
	v29 =	vadd.s32 $0xFFFFFF81, v61;
	v2 =	vadd.f32 v10, v2  }
0x13e: {  	v59 =	vmul.f32 $9.000000000e+00, v10;
	v8 =	vadd.f32 v12, v8;
	v12 =	vadd.f32 $1.000000000e+00, v14  }
0x13f: {  	v33 =	vld [tilespmem:s30+$0x6200];
	v10 =	vmul.f32 $1.442695020e+00, v17;
	v17 =	vnsel vm1, $0xFF800000, v13;
	v13 =	vmul.f32 $1.442695020e+00, v23;
	v23 =	vpop (erf)  }
0x140: {  	v44 =	vld [tilespmem:s30+$0x8000];
	v11 =	vmul.f32 $1.442695020e+00, v20;
	v20 =	vpop (erf);
	v34 =	vmul.f32 $9.500000000e+00, v23;
	v2 =	vadd.f32 v23, v2  }
0x141: {  	vm1 =	vgt.f32 v16, $0.0e+00;
	v16 =	vld [tilespmem:s30+$0x6280];
	v35 =	vpop (erf);
	v23 =	vcvt.s32.f32 v29;
	(erf) = vrcp.f32 v12  }
0x142: {  	v29 =	vmul.f32 $1.442695020e+00, v63;
	(erf) = vpow2.f32 v18;
	v12 =	vpop (erf);
	v2 =	vadd.f32 v20, v2  }
0x143: {  	v39 =	vld [tilespmem:s2+$0x6080];
	v8 =	vadd.f32 v22, v8;
	(erf) = vpow2.f32 v32;
	v38 =	vmul.f32 $1.050000000e+01, v12  }
0x144: {  	v62 =	vld [tilespmem:s30+$0x8180];
	(erf) = vpow2.f32 v29;
	v2 =	vadd.f32 v12, v2;
	v12 =	vmul.f32 $1.442695020e+00, v33  }
0x145: {  	v48 =	vmul.f32 $1.442695020e+00, v44;
	v22 =	vld [tilespmem:s30+$0xA300];
	v8 =	vadd.f32 v57, v8;
	(erf) = vpow2.f32 v40  }
0x146: {  	v41 =	vld [tilespmem:s30+$0x6000];
	vm0 =	vgt.f32 v19, $0.0e+00;
	v16 =	vmul.f32 $1.442695020e+00, v16;
	(erf) = vpow2.f32 v12  }
0x147: {  	v19 =	vadd.f32 $1.000000000e+00, v19;
	v21 =	vmul.f32 v21, v21;
	v8 =	vadd.f32 v59, v8  }
0x148: {  	v14 =	vadd.f32 $-1.000000000e+00, v14;
	v17 =	vsub.f32 v39, v17;
	(erf) = vpow2.f32 v16  }
0x149: {  	v18 =	vmul.f32 $1.442695020e+00, v62;
	v20 =	vmul.f32 $1.000000000e+01, v20;
	v12 =	vadd.f32 v34, v8  }
0x14a: {  	v8 =	vmul.f32 $1.442695020e+00, v22;
	v22 =	vadd.f32 v35, v2;
	v2 =	vmul.f32 $1.442695020e+00, v58;
	v45 =	vpop (erf)  }
0x14b: {  	v60 =	vld [tilespmem:s30+$0x8280];
	v12 =	vadd.f32 v20, v12;
	v20 =	vsub.f32 $0.0e+00, v41;
	v14 =	vmul.f32 v45, v14;
	v47 =	vpop (erf)  }
0x14c: {  	v24 =	vnsel vm1, $0x0, v56;
	v50 =	vnsel vm1, $0x0, v21;
	v43 =	vmul.f32 $1.100000000e+01, v35;
	v49 =	vpop (erf)  }
0x14d: {  	v37 =	vld [tilespmem:s30+$0x8200];
	(erf) = vpow2.f32 v2;
	v12 =	vadd.f32 v38, v12;
	v20 =	vmul.f32 $1.442695020e+00, v20;
	v51 =	vpop (erf)  }
0x14e: {  	v16 =	vld [tilespmem:s30+$0x8100];
	(erf) = vpow2.f32 v18;
	v46 =	vmul.f32 v14, v14;
	v27 =	vadd.f32 $0.0e+00, v49;
	v18 =	vpop (erf)  }
0x14f: {  	(erf) = vpow2.f32 v20;
	v20 =	vsub.f32 v21, v50;
	v21 =	vadd.f32 v14, v14;
	v14 =	vpop (erf)  }
0x150: {  	v28 =	vmul.f32 $1.442695020e+00, v60;
	v2 =	vadd.f32 v24, v9;
	v53 =	vadd.f32 v14, v27  }
0x151: {  	v31 =	vld [tilespmem:s30+$0x8300];
	v12 =	vadd.f32 v43, v12;
	v9 =	vmul.f32 $1.111111120e-01, v46;
	(erf) = vpow2.f32 v48;
	v55 =	vpop (erf)  }
0x152: {  	v42 =	vmul.f32 $1.442695020e+00, v37;
	v5 =	vadd.f32 v20, v5;
	v20 =	vadd.f32 v55, v53  }
0x153: {  	v15 =	vld [tilespmem:s30+$0xA000];
	v19 =	vmul.f32 v22, v19;
	v16 =	vmul.f32 $1.442695020e+00, v16;
	v9 =	vadd.f32 $1.428571490e-01, v9  }
0x154: {  	v12 =	vadd.f32 v12, v22;
	v14 =	vmul.f32 $1.500000000e+00, v14;
	v20 =	vadd.f32 v51, v20  }
0x155: {  	(erf) = vpow2.f32 v16;
	v22 =	vadd.f32 v55, v55;
	v9 =	vmul.f32 v9, v46  }
0x156: {  	v31 =	vmul.f32 $1.442695020e+00, v31;
	v17 =	vmul.f32 v17, v17  }
0x157: {  	v56 =	vld [tilespmem:s30+$0xA380];
	(erf) = vpow2.f32 v42;
	v14 =	vadd.f32 v14, v27;
	v57 =	vpop (erf);
	v9 =	vadd.f32 $2.000000030e-01, v9  }
0x158: {  	v15 =	vmul.f32 $1.442695020e+00, v15;
	v52 =	vmul.f32 $3.000000000e+00, v18;
	v18 =	vadd.f32 v18, v20;
	v20 =	vpop (erf)  }
0x159: {  	v17 =	vnsel vm1, $0x0, v17;
	v14 =	vadd.f32 v22, v14;
	v9 =	vmul.f32 v9, v46;
	v22 =	vpop (erf)  }
0x15a: {  	v6 =	vadd.f32 v17, v6;
	v54 =	vmul.f32 $2.500000000e+00, v51;
	(erf) = vrcp.f32 v19;
	v19 =	vpop (erf)  }
0x15b: {  	v16 =	vmul.f32 $4.000000000e+00, v47;
	v9 =	vadd.f32 $3.333333430e-01, v9;
	v18 =	vadd.f32 v19, v18  }
0x15c: {  	v58 =	vmul.f32 $1.000000000e+01, v12;
	v12 =	vmul.f32 $1.442695020e+00, v56;
	v14 =	vadd.f32 v54, v14  }
0x15d: {  	(erf) = vpow2.f32 v28;
	v9 =	vmul.f32 v9, v46;
	v17 =	vadd.f32 v47, v18  }
0x15e: {  	v14 =	vadd.f32 v52, v14;
	v60 =	vmul.f32 $3.500000000e+00, v19;
	(erf) = vpow2.f32 v31;
	v61 =	vpop (erf)  }
0x15f: {  	v59 =	vadd.f32 $1.000000000e+00, v57;
	(erf) = vpow2.f32 v13;
	v13 =	vadd.f32 v61, v17  }
0x160: {  	v62 =	vpop (erf);
	(erf) = vpow2.f32 v15;
	v17 =	vadd.f32 $1.000000000e+00, v9;
	v9 =	vadd.f32 v60, v14  }
0x161: {  	v22 =	vadd.f32 $1.000000000e+00, v22;
	v63 =	vmul.f32 $4.500000000e+00, v61;
	(erf) = vrcp.f32 v59  }
0x162: {  	v14 =	vmul.f32 $6.931471820e-01, v23;
	v15 =	vadd.f32 v20, v13;
	v23 =	vadd.f32 v16, v9;
	v9 =	vld [tilespmem:s31+$0xD180]  }
0x163: {  	v18 =	vmul.f32 $5.000000000e+00, v20;
	(erf) = vpow2.f32 v11;
	v20 =	vld [tilespmem:s30+$0xA200]  }
0x164: {  	vm0 =	vmand vm1, vm0;
	v19 =	vmul.f32 $5.500000000e+00, v62;
	v11 =	vpop (erf);
	(erf) = vrcp.f32 v22  }
0x165: {  	v3 =	vadd.f32 v50, v3;
	v13 =	vmul.f32 v17, v21;
	(erf) = vpow2.f32 v10  }
0x166: {  	s7 =	simm.s32 $0x2;
	v10 =	vmul.f32 v58, v11;
	v16 =	vadd.f32 v62, v15;
	v21 =	vadd.f32 v63, v23;
	v15 =	vpop (erf)  }
.LBB2_5:
0x167: {  	s8 =	sshll.u32 s7, $0x7  }
0x168: {  	v17 =	vld [tilespmem:s30+$0x6080];
	v13 =	vadd.f32 v13, v14;
	v11 =	vmul.f32 $1.442695020e+00, v20;
	vm1 =	vgt.f32 v9, $0.0e+00;
	s0 =	sadd.s32 $0x10, s0;
	v14 =	vpop (erf);
	s9 =	smov.u32 s7;
	s2 =	sadd.s32 $0x1, s7  }
0x169: {  	p0 =	sne.s32 s7, $0x3F;
	v16 =	vadd.f32 v15, v16;
	s10 =	sand.u32 $0x70, s0;
	s8 =	sand.u32 $0x3FFFFC00, s8;
	v20 =	vld [tilespmem:s31+$0xD100];
	v18 =	vadd.f32 v18, v21;
	(erf) = vpow2.f32 v7  }
0x16a: {  	vm2 =	vgt.f32 v1, $0.0e+00;
	s7 =	sshll.u32 s9, $0x6;
	v1 =	vmul.f32 $6.500000000e+00, v14;
	v22 =	vadd.f32 $-1.000000000e+01, v10;
	s30 =	sor.u32 s10, s8;
	v7 =	vld [tilespmem:s31+$0xD000];
	v21 =	vpop (erf)  }
0x16b: {  	s7 =	sand.u32 $0x3FFFFE00, s7;
	v14 =	vadd.f32 v14, v16;
	v23 =	vld [tilespmem:s30+$0x6100];
	v27 =	vadd.f32 v19, v18;
	(erf) = vpow2.f32 v11  }
0x16c: {  	s31 =	sor.u32 s10, s7;
	v11 =	vmul.f32 $6.000000000e+00, v15;
	v16 =	vand.u32 $0x7FFFFFFF, v22;
	v24 =	vmul.f32 $5.000000000e-01, v22;
	v10 =	vld [tilespmem:s30+$0xA380];
	v15 =	vpop (erf)  }
0x16d: {  	v14 =	vadd.f32 v21, v14;
	v25 =	vld [tilespmem:s30+$0xA300];
	v18 =	vpop (erf);
	(erf) = vpow2.f32 v4;
	v4 =	vadd.f32 $-5.000000000e-01, v16  }
0x16e: {  	v11 =	vadd.f32 v11, v27;
	v22 =	vmul.f32 v24, v22;
	v26 =	vld [tilespmem:s30+$0x8080];
	v18 =	vsub.f32 v18, v20;
	v19 =	vpop (erf)  }
0x16f: {  	vm3 =	vlt.f32 v16, $1.000000000e+00;
	v14 =	vadd.f32 v15, v14;
	v24 =	vld [tilespmem:s31+$0xD080];
	v27 =	vpop (erf);
	(erf) = vpow2.f32 v12  }
0x170: {  	v11 =	vadd.f32 v1, v11;
	v12 =	vsub.f32 $0.0e+00, v23;
	v16 =	vld [tilespmem:s30+$0xA280];
	v1 =	vpop (erf);
	(erf) = vpow2.f32 v8  }
0x171: {  	v21 =	vmul.f32 $7.000000000e+00, v21;
	v7 =	vsub.f32 v27, v7;
	v14 =	vadd.f32 v19, v14;
	v8 =	vld [tilespmem:s30+$0xA180]  }
0x172: {  	v15 =	vmul.f32 $7.500000000e+00, v15;
	v4 =	vsel vm3, v22, v4;
	v27 =	vmul.f32 $8.000000000e+00, v19;
	v23 =	vld [tilespmem:s30+$0xA100];
	v19 =	vpop (erf)  }
0x173: {  	v29 =	vmul.f32 $8.500000000e+00, v1;
	v28 =	vmul.f32 v7, v7;
	v7 =	vadd.f32 v1, v14;
	v22 =	vld [tilespmem:s30+$0x8380]  }
0x174: {  	v14 =	vnsel vm0, $0x0, v4;
	v30 =	vmul.f32 $9.000000000e+00, v19;
	v1 =	vmul.f32 $6.141468520e+00, v24;
	v24 =	vld [tilespmem:s30+$0xA080];
	v31 =	vpop (erf)  }
0x175: {  	v32 =	vld [tilespmem:s30+$0x8280];
	v4 =	vmul.f32 $1.442695020e+00, v16;
	v16 =	vadd.f32 v21, v11;
	v21 =	vadd.f32 v19, v7  }
0x176: {  	v0 =	vadd.f32 v14, v0;
	v19 =	vand.u32 $0x7FFFFF, v1;
	v33 =	vld [tilespmem:s30+$0xA000];
	v7 =	vmul.f32 $1.442695020e+00, v8;
	v8 =	vpop (erf)  }
0x177: {  	v34 =	vshrl.u32 v1, $0x17;
	v35 =	vld [tilespmem:s30+$0x8180];
	v11 =	vmul.f32 $1.442695020e+00, v23;
	v23 =	vnsel vm2, $0xFF800000, v13  }
0x178: {  	v36 =	vor.u32 $0x3F800000, v19;
	v37 =	vld [tilespmem:s30+$0x8300];
	v14 =	vmul.f32 $1.442695020e+00, v22;
	v22 =	vadd.f32 v15, v16;
	v38 =	vpop (erf)  }
0x179: {  	v15 =	vadd.s32 $0xFFFFFF81, v34;
	v16 =	vadd.f32 $1.000000000e+00, v36;
	v34 =	vld [tilespmem:s30+$0x6180];
	v13 =	vmul.f32 $1.442695020e+00, v24;
	v24 =	vpop (erf)  }
0x17a: {  	v21 =	vadd.f32 v31, v21;
	v31 =	vmul.f32 $9.500000000e+00, v31;
	v39 =	vld [tilespmem:s30+$0x6200];
	v19 =	vmul.f32 $1.442695020e+00, v32  }
0x17b: {  	v9 =	vadd.f32 $1.000000000e+00, v9;
	v15 =	vcvt.s32.f32 v15;
	v32 =	vld [tilespmem:s30+$0x6300];
	(erf) = vrcp.f32 v16  }
0x17c: {  	v26 =	vmul.f32 $1.442695020e+00, v26;
	v21 =	vadd.f32 v8, v21;
	v16 =	vmul.f32 $1.442695020e+00, v33;
	v40 =	vld [tilespmem:s30+$0x6380]  }
0x17d: {  	vm2 =	vgt.f32 v20, $0.0e+00;
	v20 =	vmul.f32 $1.050000000e+01, v24;
	v33 =	vld [tilespmem:s30+$0x8200];
	v37 =	vmul.f32 $1.442695020e+00, v37  }
0x17e: {  	v22 =	vadd.f32 v27, v22;
	v34 =	vmul.f32 $1.442695020e+00, v34;
	(erf) = vpow2.f32 v26  }
0x17f: {  	v21 =	vadd.f32 v24, v21;
	v27 =	vmul.f32 $1.442695020e+00, v35;
	v35 =	vmul.f32 $1.000000000e+01, v8;
	v26 =	vld [tilespmem:s30+$0x6280]  }
0x180: {  	v22 =	vadd.f32 v29, v22;
	v8 =	vmul.f32 $1.442695020e+00, v32;
	(erf) = vpow2.f32 v34  }
0x181: {  	v17 =	vsub.f32 v17, v23;
	v24 =	vmul.f32 $1.442695020e+00, v39;
	v29 =	vmul.f32 $1.442695020e+00, v40  }
0x182: {  	v23 =	vld [tilespmem:s30+$0x6000];
	v32 =	vmul.f32 $1.442695020e+00, v33;
	(erf) = vpow2.f32 v8;
	v8 =	vadd.f32 v30, v22  }
0x183: {  	v22 =	vadd.f32 $-1.000000000e+00, v36;
	(erf) = vpow2.f32 v29;
	v29 =	vmul.f32 $1.100000000e+01, v38  }
0x184: {  	v26 =	vmul.f32 $1.442695020e+00, v26;
	v30 =	vld [tilespmem:s30+$0x8000];
	v33 =	vpop (erf);
	(erf) = vpow2.f32 v24;
	v24 =	vadd.f32 v31, v8  }
0x185: {  	v21 =	vadd.f32 v38, v21;
	v8 =	vmul.f32 $1.442695020e+00, v25;
	v22 =	vmul.f32 v33, v22  }
0x186: {  	v12 =	vmul.f32 $1.442695020e+00, v12;
	v25 =	vld [tilespmem:s30+$0x8100];
	(erf) = vpow2.f32 v26;
	v24 =	vadd.f32 v35, v24  }
0x187: {  	v28 =	vnsel vm2, $0x0, v28;
	v23 =	vsub.f32 $0.0e+00, v23;
	v26 =	vmul.f32 v22, v22;
	v31 =	vpop (erf)  }
0x188: {  	v2 =	vadd.f32 v28, v2;
	(erf) = vpow2.f32 v12;
	v12 =	vmul.f32 v18, v18  }
0x189: {  	v20 =	vadd.f32 v20, v24;
	v18 =	vmul.f32 $1.111111120e-01, v26;
	v28 =	vmul.f32 $1.442695020e+00, v30;
	v30 =	vpop (erf)  }
0x18a: {  	v34 =	vmul.f32 $1.442695020e+00, v23;
	v24 =	vadd.f32 $0.0e+00, v30;
	v30 =	vnsel vm2, $0x0, v12  }
0x18b: {  	v18 =	vadd.f32 $1.428571490e-01, v18;
	v25 =	vmul.f32 $1.442695020e+00, v25;
	v33 =	vpop (erf);
	(erf) = vpow2.f32 v27  }
0x18c: {  	v3 =	vadd.f32 v30, v3;
	v12 =	vsub.f32 v12, v30;
	(erf) = vpow2.f32 v34;
	v23 =	vpop (erf)  }
0x18d: {  	v22 =	vadd.f32 v22, v22;
	v27 =	vmul.f32 $3.000000000e+00, v23;
	v30 =	vpop (erf);
	(erf) = vpow2.f32 v28  }
0x18e: {  	v18 =	vmul.f32 v18, v26;
	v28 =	vadd.f32 v30, v24;
	v30 =	vmul.f32 $1.500000000e+00, v30  }
0x18f: {  	v34 =	vmul.f32 $2.500000000e+00, v33;
	v5 =	vadd.f32 v12, v5;
	v12 =	vadd.f32 v29, v20;
	v35 =	vpop (erf)  }
0x190: {  	v20 =	vadd.f32 v35, v28;
	v28 =	vmul.f32 $4.000000000e+00, v31;
	(erf) = vpow2.f32 v25  }
0x191: {  	v12 =	vadd.f32 v12, v21;
	v24 =	vadd.f32 v30, v24;
	v25 =	vpop (erf);
	(erf) = vpow2.f32 v32  }
0x192: {  	v9 =	vmul.f32 v21, v9;
	v18 =	vadd.f32 $2.000000030e-01, v18;
	v20 =	vadd.f32 v33, v20  }
0x193: {  	v17 =	vmul.f32 v17, v17;
	v21 =	vadd.f32 v35, v35;
	v29 =	vmul.f32 $1.000000000e+01, v12  }
0x194: {  	vm0 =	vmand vm2, vm1;
	v30 =	vmul.f32 v18, v26;
	v20 =	vadd.f32 v23, v20;
	v23 =	vpop (erf)  }
0x195: {  	v12 =	vmul.f32 $1.442695020e+00, v10;
	v21 =	vadd.f32 v21, v24;
	v10 =	vpop (erf);
	(erf) = vrcp.f32 v9  }
0x196: {  	v24 =	vadd.f32 $1.000000000e+00, v25;
	v9 =	vadd.f32 $3.333333430e-01, v30;
	v18 =	vpop (erf);
	(erf) = vpow2.f32 v19  }
0x197: {  	v17 =	vnsel vm2, $0x0, v17;
	v19 =	vadd.f32 v34, v21;
	v20 =	vadd.f32 v18, v20  }
0x198: {  	v6 =	vadd.f32 v17, v6;
	v21 =	vmul.f32 $3.500000000e+00, v18;
	(erf) = vpow2.f32 v37  }
0x199: {  	v18 =	vmul.f32 $5.000000000e+00, v23;
	v17 =	vadd.f32 v27, v19;
	v19 =	vadd.f32 v31, v20;
	v25 =	vpop (erf)  }
0x19a: {  	v20 =	vmul.f32 v9, v26;
	v26 =	vpop (erf);
	(erf) = vpow2.f32 v14  }
0x19b: {  	v10 =	vadd.f32 $1.000000000e+00, v10;
	v9 =	vld [tilespmem:s31+$0xD180];
	v27 =	vadd.f32 v25, v19;
	v19 =	vmul.f32 $5.500000000e+00, v26  }
.Ltmp1:
0x19c: {  	v17 =	vadd.f32 v21, v17;
	v30 =	vadd.f32 $1.000000000e+00, v20;
	v20 =	vld [tilespmem:s30+$0xA200];
	(erf) = vpow2.f32 v16;
	(pc) =	sbr.rel @p0 .LBB2_5-.Ltmp1, $4  }
0x19d: {  	v14 =	vmul.f32 $6.931471820e-01, v15;
	v27 =	vadd.f32 v23, v27;
	(erf) = vrcp.f32 v24  }
0x19e: {  	v21 =	vmul.f32 $4.500000000e+00, v25;
	v17 =	vadd.f32 v28, v17;
	(erf) = vpow2.f32 v13;
	v23 =	vpop (erf)  }
0x19f: {  	v13 =	vmul.f32 v30, v22;
	v16 =	vadd.f32 v26, v27;
	(erf) = vrcp.f32 v10;
	v15 =	vpop (erf)  }
0x1a0: {  	s7 =	smov.u32 s2;
	v21 =	vadd.f32 v21, v17;
	v10 =	vmul.f32 v29, v23;
	(erf) = vpow2.f32 v11  }
0x1a1: {  	v11 =	vadd.f32 v15, v16  }
0x1a2: {  	v34 =	vpop (erf)  }
0x1a3: {  	v17 =	vmul.f32 $1.442695020e+00, v20;
	(erf) = vpow2.f32 v7;
	v7 =	vadd.f32 v34, v11  }
0x1a4: {  	v35 =	vadd.f32 v18, v21;
	v36 =	vpop (erf)  }
0x1a5: {  	(erf) = vpow2.f32 v17;
	v7 =	vadd.f32 v36, v7  }
0x1a6: {  	v38 =	vmul.f32 $6.000000000e+00, v15;
	v11 =	vadd.f32 v19, v35;
	v37 =	vpop (erf)  }
0x1a7: {  	v39 =	vpop (erf);
	(erf) = vpow2.f32 v4;
	v4 =	vadd.f32 v37, v7  }
0x1a8: {  	v11 =	vadd.f32 v38, v11;
	v40 =	vpop (erf);
	(erf) = vpow2.f32 v12  }
0x1a9: {  	v7 =	vmul.f32 $6.500000000e+00, v34;
	v41 =	vpop (erf);
	(erf) = vpow2.f32 v8;
	v4 =	vadd.f32 v40, v4  }
0x1aa: {  	v42 =	vpop (erf)  }
0x1ab: {  	v43 =	vmul.f32 $7.000000000e+00, v36;
	v7 =	vadd.f32 v7, v11;
	v4 =	vadd.f32 v42, v4  }
0x1ac: {  	v44 =	vpop (erf)  }
0x1ad: {  	v17 =	vmul.f32 $7.500000000e+00, v37;
	v7 =	vadd.f32 v43, v7;
	v4 =	vadd.f32 v44, v4  }
0x1ae: {  	v45 =	vpop (erf)  }
0x1af: {  	v16 =	vmul.f32 $8.000000000e+00, v40;
	v7 =	vadd.f32 v17, v7;
	v4 =	vadd.f32 v45, v4  }
0x1b0: {  	v46 =	vpop (erf)  }
0x1b1: {  	v8 =	vmul.f32 $8.500000000e+00, v42;
	v7 =	vadd.f32 v16, v7;
	v47 =	vpop (erf);
	v4 =	vadd.f32 v46, v4  }
0x1b2: {  	v48 =	vpop (erf)  }
0x1b3: {  	v15 =	vmul.f32 $9.000000000e+00, v44;
	v7 =	vadd.f32 v8, v7;
	v4 =	vadd.f32 v48, v4  }
0x1b4: {  	v49 =	vadd.f32 $1.000000000e+00, v9  }
0x1b5: {  	v11 =	vmul.f32 $9.500000000e+00, v45;
	v7 =	vadd.f32 v15, v7;
	v4 =	vadd.f32 v47, v4;
	_ =	sdelay $0x1  }
0x1b6: {  	v50 =	vmul.f32 $1.000000000e+01, v46;
	v7 =	vadd.f32 v11, v7;
	v8 =	vmul.f32 v4, v49;
	_ =	sdelay $0x1  }
0x1b7: {  	v51 =	vmul.f32 $1.050000000e+01, v48;
	v7 =	vadd.f32 v50, v7;
	(erf) = vrcp.f32 v8;
	_ =	sdelay $0x1  }
0x1b8: {  	v52 =	vmul.f32 $1.100000000e+01, v47;
	v7 =	vadd.f32 v51, v7;
	_ =	sdelay $0x1  }
0x1b9: {  	v7 =	vadd.f32 v52, v7  }
0x1ba: {  	v53 =	vld [tilespmem:s31+$0xD000];
	v10 =	vadd.f32 $-1.000000000e+01, v10  }
0x1bb: {  	v54 =	vld [tilespmem:s31+$0xD100];
	v4 =	vadd.f32 v7, v4  }
0x1bc: {  	v7 =	vmul.f32 $5.000000000e-01, v10  }
0x1bd: {  	v13 =	vadd.f32 v13, v14;
	v55 =	vand.u32 $0x7FFFFFFF, v10;
	v4 =	vmul.f32 $1.000000000e+01, v4  }
0x1be: {  	vm1 =	vgt.f32 v9, $0.0e+00;
	v56 =	vadd.f32 $-5.000000000e-01, v55;
	v7 =	vmul.f32 v7, v10;
	v57 =	vpop (erf)  }
0x1bf: {  	v58 =	vld [tilespmem:s30+$0x6080];
	vm2 =	vlt.f32 v55, $1.000000000e+00;
	v8 =	vsub.f32 v41, v53;
	v4 =	vmul.f32 v4, v57  }
0x1c0: {  	vm3 =	vgt.f32 v1, $0.0e+00;
	v1 =	vsub.f32 v39, v54;
	v7 =	vsel vm2, v7, v56  }
0x1c1: {  	v8 =	vmul.f32 v8, v8;
	v7 =	vnsel vm0, $0x0, v7;
	v59 =	vadd.f32 $-1.000000000e+01, v4  }
0x1c2: {  	vm14 =	vgt.f32 v54, $0.0e+00;
	v1 =	vmul.f32 v1, v1;
	v0 =	vadd.f32 v7, v0  }
0x1c3: {  	s29 =	sadd.s32 $0x1, s29;
	v7 =	vnsel vm14, $0x0, v8;
	v4 =	vnsel vm3, $0xFF800000, v13;
	v60 =	vmul.f32 $5.000000000e-01, v59  }
0x1c4: {  	p0 =	sne.s32 s29, $0x7;
	v61 =	vsub.f32 v58, v4;
	v4 =	vadd.f32 v7, v2;
	v2 =	vand.u32 $0x7FFFFFFF, v59  }
.Ltmp2:
0x1c5: {  	v7 =	vnsel vm14, $0x0, v1;
	v62 =	vadd.f32 $-5.000000000e-01, v2;
	v8 =	vmul.f32 v60, v59;
	(pc) =	sbr.rel @p0 .LBB2_2-.Ltmp2, $4  }
0x1c6: {  	v1 =	vsub.f32 v1, v7;
	v63 =	vmul.f32 v61, v61;
	vm15 =	vlt.f32 v2, $1.000000000e+00  }
0x1c7: {  	vm1 =	vmand vm14, vm1;
	v3 =	vadd.f32 v7, v3;
	v7 =	vsel vm15, v8, v62  }
0x1c8: {  	v2 =	vadd.f32 v1, v5;
	v1 =	vnsel vm14, $0x0, v63;
	v5 =	vnsel vm1, $0x0, v7  }
0x1c9: {  	v1 =	vadd.f32 v1, v6;
	v0 =	vadd.f32 v5, v0  }
0x1ca: {  	s0 =	simm.s32 $0x0;
	s2 =	rddreg [dreg:$0x7]  }
0x1cb: {  	[tilespmem:s19], [sflag:$0x2] =	stream.linear.gather [hbm4b:s2+s0], $0x2000, $0x38;
	[tilespmem:$0xE080] =	vst v63  }
0x1cc: {  	_ = 	snop  }
0x1cd: {  	[tilespmem:s20], [sflag:$0x2] =	stream.linear.gather [hbm4b:s11+s0], $0x2000, $0x38;
	[tilespmem:$0xE080] =	vst v63  }
0x1ce: {  	_ = 	snop  }
0x1cf: {  	[tilespmem:s21], [sflag:$0x2] =	stream.linear.gather [hbm4b:s12+s0], $0x2000, $0x38;
	[tilespmem:$0xE080] =	vst v63  }
0x1d0: {  	_ = 	snop  }
0x1d1: {  	[tilespmem:s22], [sflag:$0x2] =	stream.linear.gather [hbm4b:s13+s0], $0x1000, $0x38;
	[tilespmem:$0xE080] =	vst v63  }
0x1d2: {  	_ =	swait.ge [sflag:s23], $0x2000  }
0x1d3: {  	[sflag:s23] =	ssyncset.done $0x0  }
0x1d4: {  	[sflag:s23] =	ssyncadd.s32 $0xFFFFE000  }
0x1d5: {  	_ =	swait.ge [sflag:s23], $0x2000  }
0x1d6: {  	[sflag:s23] =	ssyncset.done $0x0  }
0x1d7: {  	[sflag:s23] =	ssyncadd.s32 $0xFFFFE000  }
0x1d8: {  	_ =	swait.ge [sflag:s23], $0x2000  }
0x1d9: {  	[sflag:s23] =	ssyncset.done $0x0  }
0x1da: {  	[sflag:s23] =	ssyncadd.s32 $0xFFFFE000  }
0x1db: {  	s25 =	simm.s32 $0x0;
	s7 =	simm.s32 $0x0;
	_ =	swait.ge [sflag:s23], $0x1000  }
0x1dc: {  	s2 =	sand.u32 $0x3FFFFE00, s25;
	s0 =	sand.u32 $0x70, s0;
	[sflag:s23] =	ssyncset.done $0x0  }
0x1dd: {  	s7 =	sand.u32 $0x3FFFFC00, s7;
	s2 =	sor.u32 s0, s2;
	[sflag:s23] =	ssyncadd.s32 $0xFFFFF000  }
0x1de: {  	s25 =	sor.u32 s0, s7;
	v5 =	vld [tilespmem:s2+$0xC080]  }
0x1df: {  	v6 =	vld [tilespmem:s25+$0x2080]  }
0x1e0: {  	v7 =	vld [tilespmem:s25+$0x180]  }
0x1e1: {  	v9 =	vld [tilespmem:s25+$0x300]  }
0x1e2: {  	v10 =	vld [tilespmem:s25+$0x380]  }
0x1e3: {  	v12 =	vld [tilespmem:s25+$0x200]  }
0x1e4: {  	v15 =	vld [tilespmem:s25+$0x2180]  }
0x1e5: {  	s30 =	simm.s32 $0x80;
	s0 =	simm.s32 $0x10;
	v17 =	vld [tilespmem:s25+$0x2100]  }
0x1e6: {  	s7 =	sand.u32 $0x3FFFFC00, s30;
	s8 =	sand.u32 $0x70, s0;
	v21 =	vld [tilespmem:s25+$0x2200];
	v5 =	vmul.f32 $6.141468520e+00, v5  }
0x1e7: {  	s29 =	sor.u32 s8, s7;
	v24 =	vld [tilespmem:s25+$0x4300]  }
0x1e8: {  	v29 =	vld [tilespmem:s29+$0x4000];
	v8 =	vand.u32 $0x7FFFFF, v5  }
0x1e9: {  	v31 =	vld [tilespmem:s29+$0x2300];
	v6 =	vmul.f32 $1.442695020e+00, v6;
	v8 =	vor.u32 $0x3F800000, v8  }
0x1ea: {  	v13 =	vld [tilespmem:s25+$0x100];
	v7 =	vmul.f32 $1.442695020e+00, v7;
	v15 =	vmul.f32 $1.442695020e+00, v15;
	v11 =	vadd.f32 $1.000000000e+00, v8  }
0x1eb: {  	v32 =	vld [tilespmem:s29+$0x180];
	v17 =	vmul.f32 $1.442695020e+00, v17;
	v21 =	vmul.f32 $1.442695020e+00, v21  }
0x1ec: {  	v36 =	vld [tilespmem:s29+$0x380];
	v24 =	vmul.f32 $1.442695020e+00, v24;
	(erf) = vrcp.f32 v11  }
0x1ed: {  	v29 =	vmul.f32 $1.442695020e+00, v29;
	v11 =	vld [tilespmem:s25+$0x280];
	(erf) = vpow2.f32 v6  }
0x1ee: {  	v37 =	vld [tilespmem:s29+$0x2200];
	v31 =	vmul.f32 $1.442695020e+00, v31;
	v6 =	vmul.f32 $1.442695020e+00, v9  }
0x1ef: {  	v49 =	vld [tilespmem:s29+$0x2000];
	(erf) = vpow2.f32 v7;
	v7 =	vmul.f32 $1.442695020e+00, v10  }
0x1f0: {  	v10 =	vmul.f32 $1.442695020e+00, v12;
	v12 =	vld [tilespmem:s25+$0x0];
	(erf) = vpow2.f32 v6  }
0x1f1: {  	v14 =	vld [tilespmem:s25+$0x4280];
	v32 =	vmul.f32 $1.442695020e+00, v32;
	(erf) = vpow2.f32 v7  }
0x1f2: {  	v7 =	vsub.f32 $0.0e+00, v13;
	v6 =	vmul.f32 $1.442695020e+00, v11;
	(erf) = vpow2.f32 v10  }
0x1f3: {  	v44 =	vmul.f32 $1.442695020e+00, v36;
	v46 =	vmul.f32 $1.442695020e+00, v37;
	v10 =	vld [tilespmem:s25+$0x2000]  }
0x1f4: {  	v9 =	vld [tilespmem:s25+$0x4180];
	v7 =	vmul.f32 $1.442695020e+00, v7;
	(erf) = vpow2.f32 v6  }
0x1f5: {  	v50 =	vmul.f32 $1.442695020e+00, v49;
	v8 =	vadd.f32 $-1.000000000e+00, v8;
	v11 =	vld [tilespmem:s25+$0x4100];
	v12 =	vsub.f32 $0.0e+00, v12;
	v16 =	vpop (erf)  }
0x1f6: {  	v13 =	vld [tilespmem:s25+$0x2380];
	v6 =	vmul.f32 $1.442695020e+00, v14;
	v18 =	vpop (erf);
	(erf) = vpow2.f32 v7  }
0x1f7: {  	v14 =	vld [tilespmem:s25+$0x4080];
	v7 =	vmul.f32 $1.442695020e+00, v12;
	v8 =	vmul.f32 v16, v8  }
0x1f8: {  	v12 =	vld [tilespmem:s25+$0x2280];
	v10 =	vmul.f32 $1.442695020e+00, v10;
	v19 =	vpop (erf);
	(erf) = vpow2.f32 v15  }
0x1f9: {  	v15 =	vld [tilespmem:s25+$0x4000];
	v16 =	vpop (erf);
	(erf) = vpow2.f32 v7;
	v22 =	vmul.f32 v8, v8  }
0x1fa: {  	v7 =	vmul.f32 $1.442695020e+00, v11;
	v11 =	vld [tilespmem:s25+$0x2300];
	v19 =	vadd.f32 $0.0e+00, v19;
	v20 =	vpop (erf);
	(erf) = vpow2.f32 v10  }
0x1fb: {  	vm1 =	vgt.f32 v5, $0.0e+00;
	v9 =	vmul.f32 $1.442695020e+00, v9;
	v23 =	vpop (erf);
	v26 =	vmul.f32 $1.111111120e-01, v22  }
0x1fc: {  	v13 =	vmul.f32 $1.442695020e+00, v13;
	v14 =	vmul.f32 $1.442695020e+00, v14;
	v25 =	vadd.f32 v23, v19  }
0x1fd: {  	v23 =	vmul.f32 $1.500000000e+00, v23;
	v27 =	vpop (erf);
	(erf) = vpow2.f32 v17;
	v17 =	vadd.f32 $1.428571490e-01, v26  }
0x1fe: {  	v12 =	vmul.f32 $1.442695020e+00, v12;
	v15 =	vmul.f32 $1.442695020e+00, v15;
	v25 =	vadd.f32 v27, v25  }
0x1ff: {  	v11 =	vmul.f32 $1.442695020e+00, v11;
	v19 =	vadd.f32 v23, v19;
	v17 =	vmul.f32 v17, v22  }
0x200: {  	(erf) = vpow2.f32 v21;
	v58 =	vadd.f32 v27, v27;
	v57 =	vpop (erf);
	v25 =	vadd.f32 v16, v25  }
0x201: {  	v16 =	vmul.f32 $2.500000000e+00, v16;
	(erf) = vpow2.f32 v12;
	v28 =	vpop (erf);
	v17 =	vadd.f32 $2.000000030e-01, v17  }
0x202: {  	v19 =	vadd.f32 v58, v19;
	(erf) = vpow2.f32 v11;
	v21 =	vadd.f32 v20, v25;
	v23 =	vpop (erf)  }
0x203: {  	v10 =	vshrl.u32 v5, $0x17;
	v20 =	vmul.f32 $3.000000000e+00, v20;
	v59 =	vpop (erf);
	v17 =	vmul.f32 v17, v22  }
0x204: {  	v16 =	vadd.f32 v16, v19;
	(erf) = vpow2.f32 v13;
	v12 =	vadd.f32 v59, v21  }
0x205: {  	v8 =	vadd.f32 v8, v8;
	v10 =	vadd.s32 $0xFFFFFF81, v10;
	(erf) = vpow2.f32 v15  }
0x206: {  	v13 =	vmul.f32 $3.500000000e+00, v59;
	v15 =	vadd.f32 v20, v16;
	v11 =	vadd.f32 v18, v12  }
0x207: {  	v41 =	vld [tilespmem:s29+$0x2280];
	v10 =	vcvt.s32.f32 v10;
	v26 =	vadd.f32 $1.000000000e+00, v57;
	v12 =	vadd.f32 $3.333333430e-01, v17;
	v17 =	vpop (erf)  }
0x208: {  	v21 =	vmul.f32 $4.000000000e+00, v18;
	v13 =	vadd.f32 v13, v15;
	v11 =	vadd.f32 v17, v11  }
0x209: {  	v16 =	vadd.f32 $1.000000000e+00, v23;
	(erf) = vrcp.f32 v26;
	v15 =	vld [tilespmem:s25+$0x4200];
	v12 =	vmul.f32 v12, v22  }
0x20a: {  	v19 =	vld [tilespmem:s2+$0xC180];
	(erf) = vpow2.f32 v14;
	v13 =	vadd.f32 v21, v13;
	v11 =	vadd.f32 v28, v11  }
0x20b: {  	v60 =	vld [tilespmem:s25+$0x4380];
	v18 =	vpop (erf);
	(erf) = vrcp.f32 v16;
	v17 =	vmul.f32 $4.500000000e+00, v17;
	v12 =	vadd.f32 $1.000000000e+00, v12  }
0x20c: {  	v43 =	vld [tilespmem:s29+$0x300];
	v10 =	vmul.f32 $6.931471820e-01, v10;
	v27 =	vmul.f32 $1.442695020e+00, v41;
	v11 =	vadd.f32 v18, v11  }
0x20d: {  	v20 =	vpop (erf);
	(erf) = vpow2.f32 v7;
	v8 =	vmul.f32 v12, v8;
	v12 =	vadd.f32 v17, v13  }
0x20e: {  	v13 =	vpop (erf);
	(erf) = vpow2.f32 v9;
	v9 =	vmul.f32 $1.442695020e+00, v15;
	v7 =	vadd.f32 v20, v11  }
0x20f: {  	vm0 =	vgt.f32 v19, $0.0e+00;
	v19 =	vadd.f32 $1.000000000e+00, v19;
	v16 =	vmul.f32 $5.000000000e+00, v28;
	v17 =	vld [tilespmem:s2+$0xC100]  }
0x210: {  	s9 =	simm.s32 $0x40;
	v14 =	vmul.f32 $1.442695020e+00, v60;
	v15 =	vpop (erf);
	v8 =	vadd.f32 v8, v10;
	v10 =	vld [tilespmem:s2+$0xC000];
	v7 =	vadd.f32 v13, v7  }
0x211: {  	s31 =	sand.u32 $0x3FFFFE00, s9;
	v28 =	vmul.f32 $1.442695020e+00, v43;
	v11 =	vmul.f32 $5.500000000e+00, v18;
	v12 =	vadd.f32 v16, v12;
	v5 =	vpop (erf)  }
0x212: {  	v30 =	vld [tilespmem:s29+$0x2180];
	(erf) = vpow2.f32 v9;
	s2 =	sor.u32 s8, s31;
	v22 =	vmul.f32 $7.500000000e+00, v5;
	v9 =	vpop (erf);
	v7 =	vadd.f32 v15, v7  }
0x213: {  	v11 =	vadd.f32 v11, v12;
	v12 =	vmul.f32 $6.000000000e+00, v20;
	(erf) = vpow2.f32 v6;
	v20 =	vld [tilespmem:s2+$0xC080];
	v6 =	vpop (erf)  }
0x214: {  	v21 =	vsub.f32 v9, v17;
	(erf) = vpow2.f32 v14;
	v14 =	vld [tilespmem:s29+$0x4280];
	v9 =	vpop (erf);
	v7 =	vadd.f32 v5, v7  }
0x215: {  	v39 =	vld [tilespmem:s25+$0x80];
	v13 =	vmul.f32 $6.500000000e+00, v13;
	v11 =	vadd.f32 v12, v11;
	v9 =	vsub.f32 v9, v10  }
0x216: {  	v8 =	vnsel vm1, $0xFF800000, v8;
	v10 =	vmul.f32 $7.000000000e+00, v15;
	v15 =	vld [tilespmem:s29+$0x4100];
	v7 =	vadd.f32 v6, v7  }
0x217: {  	v16 =	vld [tilespmem:s29+$0x100];
	(erf) = vpow2.f32 v24;
	v11 =	vadd.f32 v13, v11;
	v5 =	vpop (erf);
	v13 =	vmul.f32 $8.000000000e+00, v6  }
0x218: {  	v18 =	vld [tilespmem:s29+$0x2080];
	v62 =	vmul.f32 $8.500000000e+00, v5;
	v7 =	vadd.f32 v5, v7;
	v5 =	vmul.f32 $6.141468520e+00, v20  }
0x219: {  	v23 =	vld [tilespmem:s29+$0x2380];
	v61 =	vmul.f32 v9, v9;
	v6 =	vmul.f32 $1.442695020e+00, v14;
	v14 =	vadd.f32 v10, v11;
	v9 =	vpop (erf)  }
0x21a: {  	v20 =	vld [tilespmem:s29+$0x4080];
	v63 =	vmul.f32 $9.000000000e+00, v9;
	v42 =	vadd.f32 v9, v7;
	v9 =	vand.u32 $0x7FFFFF, v5  }
0x21b: {  	vm1 =	vgt.f32 v17, $0.0e+00;
	v10 =	vmul.f32 $1.442695020e+00, v15;
	v15 =	vor.u32 $0x3F800000, v9  }
0x21c: {  	v17 =	vmul.f32 $1.442695020e+00, v30;
	v14 =	vadd.f32 v22, v14;
	v22 =	vadd.f32 $1.000000000e+00, v15  }
0x21d: {  	v48 =	vsub.f32 v39, v8;
	v16 =	vsub.f32 $0.0e+00, v16;
	v18 =	vmul.f32 $1.442695020e+00, v18  }
0x21e: {  	v33 =	vld [tilespmem:s29+$0x200];
	v11 =	vmul.f32 $1.442695020e+00, v23;
	v23 =	vpop (erf);
	v13 =	vadd.f32 v13, v14;
	(erf) = vrcp.f32 v22  }
0x21f: {  	v45 =	vld [tilespmem:s29+$0x0];
	v34 =	vmul.f32 $9.500000000e+00, v23;
	v23 =	vadd.f32 v23, v42;
	v9 =	vmul.f32 $1.442695020e+00, v20;
	v20 =	vpop (erf)  }
0x220: {  	vm0 =	vmand vm1, vm0;
	v26 =	vmul.f32 v48, v48;
	v14 =	vld [tilespmem:s29+$0x280];
	v13 =	vadd.f32 v62, v13;
	v35 =	vpop (erf)  }
0x221: {  	v12 =	vld [tilespmem:s29+$0x4180];
	v16 =	vmul.f32 $1.442695020e+00, v16;
	v23 =	vadd.f32 v20, v23;
	(erf) = vpow2.f32 v18;
	v22 =	vpop (erf)  }
0x222: {  	v13 =	vadd.f32 v63, v13;
	(erf) = vpow2.f32 v32;
	v38 =	vmul.f32 $1.050000000e+01, v22  }
0x223: {  	v22 =	vadd.f32 v22, v23;
	v23 =	vmul.f32 $1.442695020e+00, v33;
	(erf) = vpow2.f32 v28  }
0x224: {  	v18 =	vmul.f32 $1.000000000e+01, v20;
	v13 =	vadd.f32 v34, v13;
	(erf) = vpow2.f32 v44  }
0x225: {  	v15 =	vadd.f32 $-1.000000000e+00, v15;
	v20 =	vld [tilespmem:s29+$0x4300];
	v14 =	vmul.f32 $1.442695020e+00, v14;
	(erf) = vpow2.f32 v23  }
0x226: {  	v7 =	vmul.f32 $1.442695020e+00, v12;
	v13 =	vadd.f32 v18, v13;
	v18 =	vsub.f32 $0.0e+00, v45  }
0x227: {  	v12 =	vshrl.u32 v5, $0x17;
	v47 =	vmul.f32 $1.100000000e+01, v35;
	(erf) = vpow2.f32 v14;
	v8 =	vpop (erf)  }
0x228: {  	v12 =	vadd.s32 $0xFFFFFF81, v12;
	v14 =	vld [tilespmem:s29+$0x2100];
	v18 =	vmul.f32 $1.442695020e+00, v18;
	v15 =	vmul.f32 v8, v15  }
0x229: {  	v13 =	vadd.f32 v38, v13;
	(erf) = vpow2.f32 v16;
	v16 =	vmul.f32 v21, v21  }
0x22a: {  	v8 =	vmul.f32 $1.442695020e+00, v20;
	v20 =	vadd.f32 v35, v22;
	v23 =	vpop (erf);
	v22 =	vmul.f32 v15, v15  }
0x22b: {  	v24 =	vnsel vm1, $0x0, v61;
	v61 =	vnsel vm1, $0x0, v26;
	v12 =	vcvt.s32.f32 v12;
	v51 =	vpop (erf)  }
0x22c: {  	v13 =	vadd.f32 v47, v13;
	v52 =	vnsel vm1, $0x0, v16;
	v53 =	vpop (erf);
	v21 =	vmul.f32 $1.111111120e-01, v22  }
0x22d: {  	(erf) = vpow2.f32 v17;
	v14 =	vmul.f32 $1.442695020e+00, v14;
	v28 =	vadd.f32 $0.0e+00, v51;
	v17 =	vpop (erf)  }
0x22e: {  	(erf) = vpow2.f32 v18;
	v16 =	vsub.f32 v16, v52;
	v18 =	vpop (erf);
	v21 =	vadd.f32 $1.428571490e-01, v21  }
0x22f: {  	v13 =	vadd.f32 v13, v20;
	(erf) = vpow2.f32 v50;
	v55 =	vadd.f32 v18, v28  }
0x230: {  	v2 =	vadd.f32 v16, v2;
	v18 =	vmul.f32 $1.500000000e+00, v18;
	v57 =	vpop (erf);
	v21 =	vmul.f32 v21, v22  }
0x231: {  	v19 =	vmul.f32 v20, v19;
	v20 =	vadd.f32 v57, v57;
	v16 =	vadd.f32 v57, v55  }
0x232: {  	v58 =	vld [tilespmem:s29+$0x4380];
	(erf) = vpow2.f32 v14;
	v14 =	vadd.f32 v18, v28;
	v18 =	vadd.f32 $2.000000030e-01, v21  }
0x233: {  	v4 =	vadd.f32 v24, v4;
	v59 =	vmul.f32 $4.000000000e+00, v23;
	v56 =	vmul.f32 $2.500000000e+00, v53  }
0x234: {  	v16 =	vadd.f32 v53, v16;
	v14 =	vadd.f32 v20, v14;
	v18 =	vmul.f32 v18, v22  }
0x235: {  	v15 =	vadd.f32 v15, v15;
	v54 =	vmul.f32 $3.000000000e+00, v17;
	(erf) = vpow2.f32 v46;
	v21 =	vpop (erf)  }
0x236: {  	v60 =	vmul.f32 $1.000000000e+01, v13;
	v16 =	vadd.f32 v17, v16;
	v14 =	vadd.f32 v56, v14;
	v17 =	vpop (erf)  }
0x237: {  	v13 =	vmul.f32 $1.442695020e+00, v58;
	(erf) = vrcp.f32 v19;
	v20 =	vpop (erf);
	v19 =	vadd.f32 $3.333333430e-01, v18  }
0x238: {  	v21 =	vadd.f32 $1.000000000e+00, v21;
	v14 =	vadd.f32 v54, v14;
	v18 =	vpop (erf);
	(erf) = vpow2.f32 v27  }
0x239: {  	v22 =	vmul.f32 v19, v22;
	v16 =	vadd.f32 v18, v16;
	(erf) = vpow2.f32 v31  }
0x23a: {  	v62 =	vmul.f32 $3.500000000e+00, v18;
	(erf) = vpow2.f32 v11;
	v11 =	vadd.f32 $1.000000000e+00, v20  }
0x23b: {  	v20 =	vadd.f32 $1.000000000e+00, v22;
	v16 =	vadd.f32 v23, v16;
	(erf) = vpow2.f32 v29  }
0x23c: {  	v23 =	vpop (erf);
	v22 =	vadd.f32 v62, v14;
	v14 =	vmul.f32 $6.931471820e-01, v12;
	(erf) = vrcp.f32 v21  }
0x23d: {  	v12 =	vmul.f32 v20, v15;
	v20 =	vld [tilespmem:s29+$0x4200];
	v16 =	vadd.f32 v23, v16;
	(erf) = vpow2.f32 v9  }
0x23e: {  	v1 =	vadd.f32 v61, v1;
	v18 =	vmul.f32 $5.000000000e+00, v17;
	v63 =	vpop (erf);
	v9 =	vld [tilespmem:s2+$0xC180];
	(erf) = vrcp.f32 v11  }
0x23f: {  	v16 =	vadd.f32 v17, v16;
	v17 =	vadd.f32 v59, v22;
	v22 =	vmul.f32 $4.500000000e+00, v23  }
0x240: {  	v3 =	vadd.f32 v52, v3;
	v19 =	vmul.f32 $5.500000000e+00, v63;
	v23 =	vpop (erf);
	(erf) = vpow2.f32 v10  }
0x241: {  	s7 =	simm.s32 $0x2;
	v10 =	vmul.f32 v60, v23;
	v21 =	vadd.f32 v63, v16;
	v15 =	vpop (erf);
	v16 =	vadd.f32 v22, v17  }
.LBB2_8:
0x242: {  	s8 =	sshll.u32 s7, $0x7  }
0x243: {  	v17 =	vld [tilespmem:s29+$0x80];
	v12 =	vadd.f32 v12, v14;
	v11 =	vmul.f32 $1.442695020e+00, v20;
	vm1 =	vgt.f32 v9, $0.0e+00;
	s0 =	sadd.s32 $0x10, s0;
	v14 =	vpop (erf);
	s9 =	smov.u32 s7;
	s25 =	sadd.s32 $0x1, s7  }
0x244: {  	p0 =	sne.s32 s7, $0x3F;
	s10 =	sand.u32 $0x70, s0;
	s8 =	sand.u32 $0x3FFFFC00, s8;
	v20 =	vld [tilespmem:s2+$0xC100];
	v16 =	vadd.f32 v18, v16;
	v18 =	vadd.f32 v15, v21;
	(erf) = vpow2.f32 v7  }
0x245: {  	vm2 =	vgt.f32 v5, $0.0e+00;
	s7 =	sshll.u32 s9, $0x6;
	v5 =	vmul.f32 $6.500000000e+00, v14;
	v22 =	vadd.f32 $-1.000000000e+01, v10;
	s29 =	sor.u32 s10, s8;
	v7 =	vld [tilespmem:s2+$0xC000];
	v21 =	vpop (erf)  }
0x246: {  	s2 =	sand.u32 $0x3FFFFE00, s7;
	v23 =	vld [tilespmem:s29+$0x100];
	v27 =	vadd.f32 v19, v16;
	v14 =	vadd.f32 v14, v18;
	(erf) = vpow2.f32 v11  }
0x247: {  	s2 =	sor.u32 s10, s2;
	v11 =	vmul.f32 $6.000000000e+00, v15;
	v19 =	vand.u32 $0x7FFFFFFF, v22;
	v24 =	vmul.f32 $5.000000000e-01, v22;
	v10 =	vld [tilespmem:s29+$0x4380];
	v15 =	vpop (erf)  }
0x248: {  	v25 =	vld [tilespmem:s29+$0x4300];
	v14 =	vadd.f32 v21, v14;
	v18 =	vpop (erf);
	(erf) = vpow2.f32 v6;
	v6 =	vadd.f32 $-5.000000000e-01, v19  }
0x249: {  	v11 =	vadd.f32 v11, v27;
	v22 =	vmul.f32 v24, v22;
	v26 =	vld [tilespmem:s29+$0x2080];
	v18 =	vsub.f32 v18, v20;
	v16 =	vpop (erf)  }
0x24a: {  	vm3 =	vlt.f32 v19, $1.000000000e+00;
	v24 =	vld [tilespmem:s2+$0xC080];
	v14 =	vadd.f32 v15, v14;
	v27 =	vpop (erf);
	(erf) = vpow2.f32 v13  }
0x24b: {  	v11 =	vadd.f32 v5, v11;
	v13 =	vsub.f32 $0.0e+00, v23;
	v19 =	vld [tilespmem:s29+$0x4280];
	v5 =	vpop (erf);
	(erf) = vpow2.f32 v8  }
0x24c: {  	v21 =	vmul.f32 $7.000000000e+00, v21;
	v7 =	vsub.f32 v27, v7;
	v8 =	vld [tilespmem:s29+$0x4180];
	v14 =	vadd.f32 v16, v14  }
0x24d: {  	v15 =	vmul.f32 $7.500000000e+00, v15;
	v6 =	vsel vm3, v22, v6;
	v27 =	vmul.f32 $8.000000000e+00, v16;
	v23 =	vld [tilespmem:s29+$0x4100];
	v16 =	vpop (erf)  }
0x24e: {  	v29 =	vmul.f32 $8.500000000e+00, v5;
	v28 =	vmul.f32 v7, v7;
	v22 =	vld [tilespmem:s29+$0x2380];
	v7 =	vadd.f32 v5, v14  }
0x24f: {  	v30 =	vmul.f32 $9.000000000e+00, v16;
	v14 =	vnsel vm0, $0x0, v6;
	v5 =	vmul.f32 $6.141468520e+00, v24;
	v24 =	vld [tilespmem:s29+$0x4080];
	v31 =	vpop (erf)  }
0x250: {  	v32 =	vld [tilespmem:s29+$0x2280];
	v6 =	vmul.f32 $1.442695020e+00, v19;
	v19 =	vadd.f32 v21, v11;
	v16 =	vadd.f32 v16, v7  }
0x251: {  	v0 =	vadd.f32 v14, v0;
	v21 =	vand.u32 $0x7FFFFF, v5;
	v33 =	vld [tilespmem:s29+$0x4000];
	v7 =	vmul.f32 $1.442695020e+00, v8;
	v8 =	vpop (erf)  }
0x252: {  	v34 =	vshrl.u32 v5, $0x17;
	v35 =	vld [tilespmem:s29+$0x2180];
	v11 =	vmul.f32 $1.442695020e+00, v23;
	v23 =	vnsel vm2, $0xFF800000, v12  }
0x253: {  	v21 =	vor.u32 $0x3F800000, v21;
	v36 =	vld [tilespmem:s29+$0x2300];
	v14 =	vmul.f32 $1.442695020e+00, v22;
	v22 =	vadd.f32 v15, v19;
	v37 =	vpop (erf)  }
0x254: {  	v15 =	vadd.s32 $0xFFFFFF81, v34;
	v34 =	vadd.f32 $1.000000000e+00, v21;
	v38 =	vld [tilespmem:s29+$0x180];
	v12 =	vmul.f32 $1.442695020e+00, v24;
	v24 =	vpop (erf)  }
0x255: {  	v39 =	vld [tilespmem:s29+$0x200];
	v19 =	vmul.f32 $1.442695020e+00, v32;
	v32 =	vadd.f32 v31, v16;
	v31 =	vmul.f32 $9.500000000e+00, v31  }
0x256: {  	v9 =	vadd.f32 $1.000000000e+00, v9;
	v15 =	vcvt.s32.f32 v15;
	v40 =	vld [tilespmem:s29+$0x300];
	(erf) = vrcp.f32 v34  }
0x257: {  	v26 =	vmul.f32 $1.442695020e+00, v26;
	v16 =	vmul.f32 $1.442695020e+00, v33;
	v34 =	vld [tilespmem:s29+$0x380];
	v32 =	vadd.f32 v8, v32  }
0x258: {  	vm2 =	vgt.f32 v20, $0.0e+00;
	v20 =	vmul.f32 $1.050000000e+01, v24;
	v33 =	vld [tilespmem:s29+$0x2200];
	v36 =	vmul.f32 $1.442695020e+00, v36  }
0x259: {  	v22 =	vadd.f32 v27, v22;
	v38 =	vmul.f32 $1.442695020e+00, v38;
	(erf) = vpow2.f32 v26  }
0x25a: {  	v27 =	vmul.f32 $1.442695020e+00, v35;
	v35 =	vmul.f32 $1.000000000e+01, v8;
	v24 =	vadd.f32 v24, v32;
	v26 =	vld [tilespmem:s29+$0x280]  }
0x25b: {  	v22 =	vadd.f32 v29, v22;
	v8 =	vmul.f32 $1.442695020e+00, v40;
	(erf) = vpow2.f32 v38  }
0x25c: {  	v17 =	vsub.f32 v17, v23;
	v29 =	vmul.f32 $1.442695020e+00, v39;
	v34 =	vmul.f32 $1.442695020e+00, v34  }
0x25d: {  	v23 =	vld [tilespmem:s29+$0x0];
	v33 =	vmul.f32 $1.442695020e+00, v33;
	(erf) = vpow2.f32 v8;
	v8 =	vadd.f32 v30, v22  }
0x25e: {  	v21 =	vadd.f32 $-1.000000000e+00, v21;
	v22 =	vmul.f32 $1.100000000e+01, v37;
	(erf) = vpow2.f32 v34  }
0x25f: {  	v26 =	vmul.f32 $1.442695020e+00, v26;
	v30 =	vld [tilespmem:s29+$0x2000];
	v32 =	vpop (erf);
	(erf) = vpow2.f32 v29;
	v29 =	vadd.f32 v31, v8  }
0x260: {  	v24 =	vadd.f32 v37, v24;
	v8 =	vmul.f32 $1.442695020e+00, v25;
	v21 =	vmul.f32 v32, v21  }
0x261: {  	v13 =	vmul.f32 $1.442695020e+00, v13;
	v25 =	vld [tilespmem:s29+$0x2100];
	(erf) = vpow2.f32 v26;
	v26 =	vadd.f32 v35, v29  }
0x262: {  	v28 =	vnsel vm2, $0x0, v28;
	v23 =	vsub.f32 $0.0e+00, v23;
	v29 =	vmul.f32 v21, v21;
	v31 =	vpop (erf)  }
0x263: {  	v4 =	vadd.f32 v28, v4;
	(erf) = vpow2.f32 v13;
	v13 =	vmul.f32 v18, v18  }
0x264: {  	v20 =	vadd.f32 v20, v26;
	v18 =	vmul.f32 $1.111111120e-01, v29;
	v28 =	vmul.f32 $1.442695020e+00, v30;
	v30 =	vpop (erf)  }
0x265: {  	v34 =	vmul.f32 $1.442695020e+00, v23;
	v26 =	vadd.f32 $0.0e+00, v30;
	v30 =	vnsel vm2, $0x0, v13  }
0x266: {  	v18 =	vadd.f32 $1.428571490e-01, v18;
	v25 =	vmul.f32 $1.442695020e+00, v25;
	v32 =	vpop (erf);
	(erf) = vpow2.f32 v27  }
0x267: {  	v3 =	vadd.f32 v30, v3;
	v13 =	vsub.f32 v13, v30;
	(erf) = vpow2.f32 v34;
	v23 =	vpop (erf)  }
0x268: {  	v21 =	vadd.f32 v21, v21;
	v27 =	vmul.f32 $3.000000000e+00, v23;
	v30 =	vpop (erf);
	(erf) = vpow2.f32 v28  }
0x269: {  	v18 =	vmul.f32 v18, v29;
	v28 =	vadd.f32 v30, v26;
	v30 =	vmul.f32 $1.500000000e+00, v30  }
0x26a: {  	v34 =	vmul.f32 $2.500000000e+00, v32;
	v2 =	vadd.f32 v13, v2;
	v13 =	vadd.f32 v22, v20;
	v35 =	vpop (erf)  }
0x26b: {  	v22 =	vmul.f32 $4.000000000e+00, v31;
	v20 =	vadd.f32 v35, v28;
	(erf) = vpow2.f32 v25  }
0x26c: {  	v13 =	vadd.f32 v13, v24;
	v25 =	vadd.f32 v30, v26;
	v26 =	vpop (erf);
	(erf) = vpow2.f32 v33  }
0x26d: {  	v9 =	vmul.f32 v24, v9;
	v18 =	vadd.f32 $2.000000030e-01, v18;
	v20 =	vadd.f32 v32, v20  }
0x26e: {  	v17 =	vmul.f32 v17, v17;
	v24 =	vadd.f32 v35, v35;
	v28 =	vmul.f32 $1.000000000e+01, v13  }
0x26f: {  	vm0 =	vmand vm2, vm1;
	v30 =	vmul.f32 v18, v29;
	v20 =	vadd.f32 v23, v20;
	v23 =	vpop (erf)  }
0x270: {  	v13 =	vmul.f32 $1.442695020e+00, v10;
	v24 =	vadd.f32 v24, v25;
	v10 =	vpop (erf);
	(erf) = vrcp.f32 v9  }
0x271: {  	v25 =	vadd.f32 $1.000000000e+00, v26;
	v9 =	vadd.f32 $3.333333430e-01, v30;
	v18 =	vpop (erf);
	(erf) = vpow2.f32 v19  }
0x272: {  	v17 =	vnsel vm2, $0x0, v17;
	v19 =	vadd.f32 v34, v24;
	v20 =	vadd.f32 v18, v20  }
0x273: {  	v1 =	vadd.f32 v17, v1;
	v24 =	vmul.f32 $3.500000000e+00, v18;
	(erf) = vpow2.f32 v36  }
0x274: {  	v18 =	vmul.f32 $5.000000000e+00, v23;
	v17 =	vadd.f32 v27, v19;
	v19 =	vadd.f32 v31, v20;
	v26 =	vpop (erf)  }
0x275: {  	v20 =	vmul.f32 v9, v29;
	v27 =	vpop (erf);
	(erf) = vpow2.f32 v14  }
0x276: {  	v10 =	vadd.f32 $1.000000000e+00, v10;
	v9 =	vld [tilespmem:s2+$0xC180];
	v29 =	vadd.f32 v26, v19;
	v19 =	vmul.f32 $5.500000000e+00, v27  }
.Ltmp3:
0x277: {  	v17 =	vadd.f32 v24, v17;
	v30 =	vadd.f32 $1.000000000e+00, v20;
	v20 =	vld [tilespmem:s29+$0x4200];
	(erf) = vpow2.f32 v16;
	(pc) =	sbr.rel @p0 .LBB2_8-.Ltmp3, $4  }
0x278: {  	v14 =	vmul.f32 $6.931471820e-01, v15;
	v23 =	vadd.f32 v23, v29;
	(erf) = vrcp.f32 v25  }
0x279: {  	v16 =	vadd.f32 v22, v17;
	v17 =	vmul.f32 $4.500000000e+00, v26;
	(erf) = vpow2.f32 v12;
	v22 =	vpop (erf)  }
0x27a: {  	v12 =	vmul.f32 v30, v21;
	v21 =	vadd.f32 v27, v23;
	(erf) = vrcp.f32 v10;
	v15 =	vpop (erf)  }
0x27b: {  	s7 =	smov.u32 s25;
	v16 =	vadd.f32 v17, v16;
	v10 =	vmul.f32 v28, v22;
	(erf) = vpow2.f32 v11  }
0x27c: {  	v11 =	vadd.f32 v15, v21;
	_ =	sdelay $0x1  }
0x27d: {  	v17 =	vpop (erf)  }
0x27e: {  	v20 =	vmul.f32 $1.442695020e+00, v20;
	(erf) = vpow2.f32 v7;
	v7 =	vadd.f32 v17, v11  }
0x27f: {  	v11 =	vpop (erf)  }
0x280: {  	v7 =	vadd.f32 v11, v7  }
0x281: {  	(erf) = vpow2.f32 v20  }
0x282: {  	v20 =	vpop (erf)  }
0x283: {  	(erf) = vpow2.f32 v6;
	v21 =	vpop (erf);
	v6 =	vadd.f32 v20, v7  }
0x284: {  	(erf) = vpow2.f32 v13;
	v7 =	vpop (erf)  }
0x285: {  	v13 =	vpop (erf);
	(erf) = vpow2.f32 v8;
	v6 =	vadd.f32 v7, v6  }
0x286: {  	v8 =	vpop (erf)  }
0x287: {  	v6 =	vadd.f32 v8, v6  }
0x288: {  	v22 =	vpop (erf)  }
0x289: {  	v6 =	vadd.f32 v22, v6  }
0x28a: {  	v23 =	vpop (erf)  }
0x28b: {  	v6 =	vadd.f32 v23, v6  }
0x28c: {  	v24 =	vpop (erf)  }
0x28d: {  	v25 =	vpop (erf);
	v6 =	vadd.f32 v24, v6  }
0x28e: {  	v26 =	vpop (erf)  }
0x28f: {  	v6 =	vadd.f32 v26, v6;
	_ =	sdelay $0x1  }
0x290: {  	v27 =	vadd.f32 $1.000000000e+00, v9;
	v6 =	vadd.f32 v25, v6;
	_ =	sdelay $0x1  }
0x291: {  	v16 =	vadd.f32 v18, v16;
	v27 =	vmul.f32 v6, v27;
	_ =	sdelay $0x1  }
0x292: {  	v15 =	vmul.f32 $6.000000000e+00, v15;
	v16 =	vadd.f32 v19, v16;
	(erf) = vrcp.f32 v27;
	_ =	sdelay $0x1  }
0x293: {  	v17 =	vmul.f32 $6.500000000e+00, v17;
	v15 =	vadd.f32 v15, v16;
	_ =	sdelay $0x1  }
0x294: {  	v11 =	vmul.f32 $7.000000000e+00, v11;
	v15 =	vadd.f32 v17, v15;
	_ =	sdelay $0x1  }
0x295: {  	v20 =	vmul.f32 $7.500000000e+00, v20;
	v11 =	vadd.f32 v11, v15;
	_ =	sdelay $0x1  }
0x296: {  	v18 =	vld [tilespmem:s2+$0xC100];
	v7 =	vmul.f32 $8.000000000e+00, v7;
	v11 =	vadd.f32 v20, v11  }
0x297: {  	v16 =	vld [tilespmem:s29+$0x80];
	v19 =	vpop (erf)  }
0x298: {  	v17 =	vld [tilespmem:s2+$0xC000];
	v8 =	vmul.f32 $8.500000000e+00, v8;
	v7 =	vadd.f32 v7, v11;
	_ =	swait.ge [sflag:s24], $0x2000  }
0x299: {  	[sflag:s24] =	ssyncset.done $0x0  }
0x29a: {  	v11 =	vmul.f32 $9.000000000e+00, v22;
	v7 =	vadd.f32 v8, v7;
	[sflag:s24] =	ssyncadd.s32 $0xFFFFE000  }
0x29b: {  	_ =	swait.ge [sflag:s24], $0x2000  }
0x29c: {  	v8 =	vmul.f32 $9.500000000e+00, v23;
	v7 =	vadd.f32 v11, v7;
	[sflag:s24] =	ssyncset.done $0x0  }
0x29d: {  	[sflag:s24] =	ssyncadd.s32 $0xFFFFE000  }
0x29e: {  	v10 =	vadd.f32 $-1.000000000e+01, v10;
	v11 =	vmul.f32 $1.000000000e+01, v24;
	v7 =	vadd.f32 v8, v7;
	_ =	swait.ge [sflag:s24], $0x2000  }
0x29f: {  	v8 =	vadd.f32 v12, v14;
	[sflag:s24] =	ssyncset.done $0x0  }
0x2a0: {  	v12 =	vand.u32 $0x7FFFFFFF, v10;
	v14 =	vmul.f32 $1.050000000e+01, v26;
	v7 =	vadd.f32 v11, v7;
	[sflag:s24] =	ssyncadd.s32 $0xFFFFE000  }
0x2a1: {  	s0 =	simm.s32 $0x0;
	s9 =	simm.s32 $0x0;
	vm1 =	vgt.f32 v9, $0.0e+00;
	v9 =	vmul.f32 $5.000000000e-01, v10;
	v15 =	vadd.f32 $-5.000000000e-01, v12;
	_ =	swait.ge [sflag:s24], $0x1000  }
0x2a2: {  	s0 =	sand.u32 $0x70, s0;
	s2 =	sand.u32 $0x3FFFFE00, s9;
	vm2 =	vlt.f32 v12, $1.000000000e+00;
	v12 =	vmul.f32 $1.100000000e+01, v25;
	v7 =	vadd.f32 v14, v7;
	[sflag:s24] =	ssyncset.done $0x0  }
0x2a3: {  	s10 =	simm.s32 $0x0;
	v9 =	vmul.f32 v9, v10;
	s25 =	sor.u32 s0, s2;
	v10 =	vsub.f32 v13, v17;
	[sflag:s24] =	ssyncadd.s32 $0xFFFFF000  }
0x2a4: {  	s2 =	sand.u32 $0x3FFFFC00, s10;
	v7 =	vadd.f32 v12, v7;
	v11 =	vld [tilespmem:s25+$0xD080]  }
0x2a5: {  	vm3 =	vgt.f32 v5, $0.0e+00;
	s2 =	sor.u32 s0, s2;
	v5 =	vsel vm2, v9, v15;
	v9 =	vmul.f32 v10, v10  }
0x2a6: {  	v5 =	vnsel vm0, $0x0, v5;
	vm0 =	vgt.f32 v18, $0.0e+00;
	v6 =	vadd.f32 v7, v6;
	v10 =	vld [tilespmem:s2+$0x8080]  }
0x2a7: {  	v13 =	vsub.f32 v21, v18;
	v9 =	vnsel vm0, $0x0, v9;
	v7 =	vld [tilespmem:s2+$0x6180]  }
0x2a8: {  	v8 =	vnsel vm3, $0xFF800000, v8;
	v9 =	vadd.f32 v9, v4;
	v4 =	vmul.f32 $1.000000000e+01, v6;
	v6 =	vld [tilespmem:s2+$0x6380]  }
0x2a9: {  	v8 =	vsub.f32 v16, v8;
	v0 =	vadd.f32 v5, v0;
	v21 =	vld [tilespmem:s2+$0x8200];
	v5 =	vmul.f32 $6.141468520e+00, v11  }
0x2aa: {  	v53 =	vld [tilespmem:s2+$0xA300];
	v11 =	vmul.f32 v13, v13  }
0x2ab: {  	v8 =	vmul.f32 v8, v8;
	v13 =	vld [tilespmem:s2+$0x6300];
	v12 =	vand.u32 $0x7FFFFF, v5  }
0x2ac: {  	v17 =	vmul.f32 v4, v19;
	v16 =	vld [tilespmem:s2+$0x6200];
	v14 =	vnsel vm0, $0x0, v11;
	v12 =	vor.u32 $0x3F800000, v12  }
0x2ad: {  	v18 =	vld [tilespmem:s2+$0x6100];
	v10 =	vmul.f32 $1.442695020e+00, v10;
	v11 =	vsub.f32 v11, v14;
	v15 =	vadd.f32 $1.000000000e+00, v12  }
0x2ae: {  	v7 =	vmul.f32 $1.442695020e+00, v7;
	v21 =	vmul.f32 $1.442695020e+00, v21;
	v3 =	vadd.f32 v14, v3;
	v14 =	vld [tilespmem:s2+$0x6280]  }
0x2af: {  	v24 =	vmul.f32 $1.442695020e+00, v53;
	v4 =	vadd.f32 v11, v2;
	v2 =	vld [tilespmem:s2+$0xA280];
	(erf) = vrcp.f32 v15  }
0x2b0: {  	v11 =	vadd.f32 $-1.000000000e+01, v17;
	v17 =	vld [tilespmem:s2+$0x8000];
	(erf) = vpow2.f32 v10;
	v10 =	vmul.f32 $1.442695020e+00, v13  }
0x2b1: {  	v12 =	vadd.f32 $-1.000000000e+00, v12;
	v15 =	vld [tilespmem:s2+$0x6000];
	(erf) = vpow2.f32 v7;
	v7 =	vmul.f32 $1.442695020e+00, v6  }
0x2b2: {  	v13 =	vld [tilespmem:s2+$0xA180];
	v6 =	vnsel vm0, $0x0, v8;
	v8 =	vmul.f32 $1.442695020e+00, v16;
	(erf) = vpow2.f32 v10  }
0x2b3: {  	v14 =	vmul.f32 $1.442695020e+00, v14;
	v16 =	vsub.f32 $0.0e+00, v18;
	v10 =	vld [tilespmem:s2+$0x8180];
	(erf) = vpow2.f32 v7  }
0x2b4: {  	v6 =	vadd.f32 v6, v1;
	v1 =	vmul.f32 $5.000000000e-01, v11;
	(erf) = vpow2.f32 v8  }
0x2b5: {  	vm0 =	vmand vm0, vm1;
	v18 =	vld [tilespmem:s2+$0x8100];
	v7 =	vand.u32 $0x7FFFFFFF, v11;
	v17 =	vmul.f32 $1.442695020e+00, v17  }
0x2b6: {  	v8 =	vadd.f32 $-5.000000000e-01, v7;
	v11 =	vmul.f32 v1, v11;
	(erf) = vpow2.f32 v14  }
0x2b7: {  	v1 =	vmul.f32 $1.442695020e+00, v2;
	v2 =	vmul.f32 $1.442695020e+00, v16;
	v15 =	vsub.f32 $0.0e+00, v15  }
0x2b8: {  	vm1 =	vlt.f32 v7, $1.000000000e+00;
	v7 =	vld [tilespmem:s2+$0xA100];
	v13 =	vmul.f32 $1.442695020e+00, v13;
	v10 =	vmul.f32 $1.442695020e+00, v10;
	v16 =	vpop (erf)  }
0x2b9: {  	v14 =	vld [tilespmem:s2+$0x8380];
	(erf) = vpow2.f32 v2;
	v2 =	vmul.f32 $1.442695020e+00, v15;
	v19 =	vpop (erf)  }
0x2ba: {  	v8 =	vsel vm1, v11, v8;
	v11 =	vld [tilespmem:s2+$0xA080];
	v18 =	vmul.f32 $1.442695020e+00, v18;
	(erf) = vpow2.f32 v10;
	v20 =	vpop (erf)  }
0x2bb: {  	v10 =	vmul.f32 v16, v12;
	(erf) = vpow2.f32 v2;
	v12 =	vpop (erf)  }
0x2bc: {  	v8 =	vnsel vm0, $0x0, v8;
	v15 =	vld [tilespmem:s2+$0x8280];
	v16 =	vadd.f32 $0.0e+00, v20;
	(erf) = vpow2.f32 v17;
	v20 =	vpop (erf)  }
0x2bd: {  	v0 =	vadd.f32 v8, v0;
	v8 =	vld [tilespmem:s2+$0xA000];
	v2 =	vmul.f32 $1.442695020e+00, v7;
	v22 =	vmul.f32 v10, v10;
	v23 =	vpop (erf)  }
0x2be: {  	v14 =	vmul.f32 $1.442695020e+00, v14;
	v17 =	vshrl.u32 v5, $0x17;
	v54 =	vadd.f32 v23, v16  }
0x2bf: {  	v7 =	vld [tilespmem:s2+$0x8300];
	v11 =	vmul.f32 $1.442695020e+00, v11;
	v10 =	vadd.f32 v10, v10;
	v55 =	vmul.f32 $1.111111120e-01, v22;
	v56 =	vpop (erf)  }
0x2c0: {  	(erf) = vpow2.f32 v18;
	v23 =	vmul.f32 $1.500000000e+00, v23;
	v25 =	vadd.f32 v56, v54  }
0x2c1: {  	v17 =	vadd.s32 $0xFFFFFF81, v17;
	v15 =	vmul.f32 $1.442695020e+00, v15;
	v18 =	vadd.f32 $1.428571490e-01, v55  }
0x2c2: {  	v17 =	vcvt.s32.f32 v17;
	v8 =	vmul.f32 $1.442695020e+00, v8;
	v57 =	vpop (erf);
	v25 =	vadd.f32 v12, v25  }
0x2c3: {  	v58 =	vadd.f32 v56, v56;
	v16 =	vadd.f32 v23, v16;
	v18 =	vmul.f32 v18, v22;
	v28 =	vpop (erf)  }
0x2c4: {  	(erf) = vpow2.f32 v21;
	v7 =	vmul.f32 $1.442695020e+00, v7;
	v23 =	vpop (erf);
	v21 =	vadd.f32 v20, v25  }
0x2c5: {  	(erf) = vpow2.f32 v15;
	v16 =	vadd.f32 v58, v16;
	v18 =	vadd.f32 $2.000000030e-01, v18;
	v59 =	vpop (erf)  }
0x2c6: {  	v12 =	vmul.f32 $2.500000000e+00, v12;
	(erf) = vpow2.f32 v7;
	v15 =	vadd.f32 v59, v21  }
0x2c7: {  	v26 =	vadd.f32 $1.000000000e+00, v57;
	(erf) = vpow2.f32 v14;
	v18 =	vmul.f32 v18, v22  }
0x2c8: {  	v20 =	vmul.f32 $3.000000000e+00, v20;
	v12 =	vadd.f32 v12, v16;
	v7 =	vadd.f32 v19, v15  }
0x2c9: {  	(erf) = vpow2.f32 v8;
	v14 =	vmul.f32 $3.500000000e+00, v59;
	v16 =	vpop (erf);
	v15 =	vadd.f32 $3.333333430e-01, v18  }
0x2ca: {  	(erf) = vrcp.f32 v26;
	v8 =	vadd.f32 v20, v12;
	v7 =	vadd.f32 v16, v7  }
0x2cb: {  	v21 =	vmul.f32 $4.000000000e+00, v19;
	v12 =	vadd.f32 $1.000000000e+00, v23;
	v15 =	vmul.f32 v15, v22  }
0x2cc: {  	(erf) = vpow2.f32 v11;
	v8 =	vadd.f32 v14, v8;
	v14 =	vld [tilespmem:s2+$0xA200];
	v7 =	vadd.f32 v28, v7  }
0x2cd: {  	s7 =	simm.s32 $0x80;
	s0 =	simm.s32 $0x10;
	v17 =	vmul.f32 $6.931471820e-01, v17;
	v18 =	vpop (erf);
	(erf) = vrcp.f32 v12;
	v15 =	vadd.f32 $1.000000000e+00, v15  }
0x2ce: {  	s7 =	sand.u32 $0x3FFFFC00, s7;
	s8 =	sand.u32 $0x70, s0;
	v60 =	vld [tilespmem:s2+$0xA380];
	v8 =	vadd.f32 v21, v8;
	v16 =	vmul.f32 $4.500000000e+00, v16;
	v7 =	vadd.f32 v18, v7  }
0x2cf: {  	s29 =	sor.u32 s8, s7;
	vm1 =	vgt.f32 v5, $0.0e+00;
	v12 =	vmul.f32 $5.000000000e+00, v28;
	v20 =	vpop (erf);
	v10 =	vmul.f32 v15, v10  }
0x2d0: {  	v40 =	vld [tilespmem:s29+$0x8280];
	(erf) = vpow2.f32 v2;
	v8 =	vadd.f32 v16, v8;
	v2 =	vadd.f32 v20, v7  }
0x2d1: {  	s9 =	simm.s32 $0x40;
	v5 =	vld [tilespmem:s29+$0x6100];
	v15 =	vpop (erf);
	(erf) = vpow2.f32 v13;
	v13 =	vadd.f32 v10, v17;
	v10 =	vmul.f32 $1.442695020e+00, v14  }
0x2d2: {  	s31 =	sand.u32 $0x3FFFFE00, s9;
	v16 =	vld [tilespmem:s25+$0xD100];
	v8 =	vadd.f32 v12, v8;
	v7 =	vmul.f32 $5.500000000e+00, v18;
	v17 =	vpop (erf);
	v2 =	vadd.f32 v15, v2  }
0x2d3: {  	s30 =	sor.u32 s8, s31;
	v11 =	vmul.f32 $1.442695020e+00, v60;
	v14 =	vld [tilespmem:s25+$0xD000];
	v12 =	vpop (erf);
	(erf) = vpow2.f32 v10  }
0x2d4: {  	v7 =	vadd.f32 v7, v8;
	v8 =	vmul.f32 $6.000000000e+00, v20;
	v20 =	vld [tilespmem:s30+$0xD080];
	v2 =	vadd.f32 v17, v2  }
0x2d5: {  	v15 =	vmul.f32 $6.500000000e+00, v15;
	v10 =	vpop (erf);
	(erf) = vpow2.f32 v1  }
0x2d6: {  	v62 =	vsub.f32 $0.0e+00, v5;
	v1 =	vpop (erf);
	(erf) = vpow2.f32 v11;
	v11 =	vld [tilespmem:s29+$0xA280];
	v2 =	vadd.f32 v12, v2  }
0x2d7: {  	v27 =	vmul.f32 $1.442695020e+00, v40;
	v7 =	vadd.f32 v8, v7;
	v8 =	vld [tilespmem:s29+$0xA180];
	v21 =	vsub.f32 v10, v16;
	v10 =	vpop (erf)  }
0x2d8: {  	v23 =	vld [tilespmem:s29+$0x8380];
	v22 =	vmul.f32 $8.000000000e+00, v1;
	v10 =	vsub.f32 v10, v14;
	v2 =	vadd.f32 v1, v2  }
0x2d9: {  	v7 =	vadd.f32 v15, v7;
	v14 =	vmul.f32 $7.000000000e+00, v17;
	v17 =	vld [tilespmem:s29+$0xA100];
	v15 =	vpop (erf);
	v1 =	vmul.f32 $6.141468520e+00, v20  }
0x2da: {  	v30 =	vld [tilespmem:s29+$0x8300];
	(erf) = vpow2.f32 v24;
	v61 =	vmul.f32 v10, v10;
	v2 =	vadd.f32 v15, v2  }
0x2db: {  	v32 =	vld [tilespmem:s29+$0x6180];
	v5 =	vmul.f32 $1.442695020e+00, v11;
	v11 =	vadd.f32 v14, v7;
	v14 =	vand.u32 $0x7FFFFF, v1  }
0x2dc: {  	v36 =	vld [tilespmem:s29+$0x6380];
	v7 =	vmul.f32 $1.442695020e+00, v8;
	v8 =	vshrl.u32 v1, $0x17;
	v10 =	vpop (erf);
	v14 =	vor.u32 $0x3F800000, v14  }
0x2dd: {  	v18 =	vld [tilespmem:s29+$0x8080];
	v8 =	vadd.s32 $0xFFFFFF81, v8;
	v63 =	vmul.f32 $9.000000000e+00, v10;
	v2 =	vadd.f32 v10, v2  }
0x2de: {  	v37 =	vld [tilespmem:s29+$0x8200];
	v10 =	vmul.f32 $1.442695020e+00, v17;
	v17 =	vnsel vm1, $0xFF800000, v13;
	v13 =	vmul.f32 $1.442695020e+00, v23;
	v23 =	vpop (erf)  }
0x2df: {  	v34 =	vmul.f32 $9.500000000e+00, v23;
	v2 =	vadd.f32 v23, v2;
	v23 =	vcvt.s32.f32 v8;
	v8 =	vld [tilespmem:s29+$0x6300]  }
0x2e0: {  	v30 =	vmul.f32 $1.442695020e+00, v30;
	v12 =	vmul.f32 $7.500000000e+00, v12;
	v20 =	vld [tilespmem:s29+$0xA080];
	v31 =	vadd.f32 $1.000000000e+00, v14  }
0x2e1: {  	v33 =	vld [tilespmem:s29+$0x6200];
	v32 =	vmul.f32 $1.442695020e+00, v32;
	v43 =	vmul.f32 $1.442695020e+00, v36  }
0x2e2: {  	v46 =	vld [tilespmem:s29+$0x8000];
	v18 =	vmul.f32 $1.442695020e+00, v18;
	v12 =	vadd.f32 v12, v11;
	(erf) = vrcp.f32 v31  }
0x2e3: {  	v45 =	vmul.f32 $1.442695020e+00, v37;
	v15 =	vmul.f32 $8.500000000e+00, v15;
	vm1 =	vgt.f32 v16, $0.0e+00;
	v16 =	vld [tilespmem:s29+$0x6280]  }
0x2e4: {  	v12 =	vadd.f32 v22, v12;
	(erf) = vpow2.f32 v18;
	v8 =	vmul.f32 $1.442695020e+00, v8  }
0x2e5: {  	v11 =	vmul.f32 $1.442695020e+00, v20;
	v20 =	vpop (erf);
	(erf) = vpow2.f32 v32  }
0x2e6: {  	v29 =	vld [tilespmem:s29+$0x8180];
	v35 =	vpop (erf);
	v12 =	vadd.f32 v15, v12;
	v15 =	vmul.f32 $1.442695020e+00, v33;
	(erf) = vpow2.f32 v8  }
0x2e7: {  	v50 =	vmul.f32 $1.442695020e+00, v46;
	v22 =	vld [tilespmem:s29+$0xA300];
	(erf) = vpow2.f32 v43  }
0x2e8: {  	v44 =	vld [tilespmem:s29+$0x6000];
	v42 =	vpop (erf);
	v2 =	vadd.f32 v20, v2;
	v16 =	vmul.f32 $1.442695020e+00, v16;
	(erf) = vpow2.f32 v15  }
0x2e9: {  	v21 =	vmul.f32 v21, v21;
	v24 =	vnsel vm1, $0x0, v61;
	v8 =	vadd.f32 v63, v12  }
0x2ea: {  	v2 =	vadd.f32 v42, v2;
	v12 =	vadd.f32 $-1.000000000e+00, v14;
	(erf) = vpow2.f32 v16  }
0x2eb: {  	v18 =	vmul.f32 $1.442695020e+00, v29;
	v20 =	vmul.f32 $1.000000000e+01, v20;
	v47 =	vpop (erf);
	v15 =	vadd.f32 v34, v8  }
0x2ec: {  	v39 =	vld [tilespmem:s2+$0x6080];
	v8 =	vmul.f32 $1.442695020e+00, v22;
	v22 =	vadd.f32 v35, v2;
	v12 =	vmul.f32 v47, v12  }
0x2ed: {  	v19 =	vld [tilespmem:s25+$0xD180];
	v2 =	vmul.f32 $1.442695020e+00, v62;
	v49 =	vpop (erf);
	v15 =	vadd.f32 v20, v15;
	v20 =	vsub.f32 $0.0e+00, v44  }
0x2ee: {  	v52 =	vnsel vm1, $0x0, v21;
	v38 =	vmul.f32 $1.050000000e+01, v42;
	v51 =	vpop (erf);
	v48 =	vmul.f32 v12, v12  }
0x2ef: {  	(erf) = vpow2.f32 v2;
	v2 =	vadd.f32 v24, v9;
	v20 =	vmul.f32 $1.442695020e+00, v20;
	v53 =	vpop (erf)  }
0x2f0: {  	v16 =	vld [tilespmem:s29+$0x8100];
	v26 =	vadd.f32 $0.0e+00, v51;
	(erf) = vpow2.f32 v18;
	v9 =	vmul.f32 $1.111111120e-01, v48;
	v18 =	vpop (erf)  }
0x2f1: {  	(erf) = vpow2.f32 v20;
	v20 =	vsub.f32 v21, v52;
	v21 =	vadd.f32 v12, v12;
	v12 =	vpop (erf)  }
0x2f2: {  	vm0 =	vgt.f32 v19, $0.0e+00;
	v17 =	vsub.f32 v39, v17;
	v55 =	vadd.f32 v12, v26  }
0x2f3: {  	v15 =	vadd.f32 v38, v15;
	v9 =	vadd.f32 $1.428571490e-01, v9;
	(erf) = vpow2.f32 v50;
	v57 =	vpop (erf)  }
0x2f4: {  	v14 =	vmul.f32 $1.100000000e+01, v35;
	v4 =	vadd.f32 v20, v4;
	v20 =	vadd.f32 v57, v55  }
0x2f5: {  	v19 =	vadd.f32 $1.000000000e+00, v19;
	v17 =	vmul.f32 v17, v17;
	v16 =	vmul.f32 $1.442695020e+00, v16  }
0x2f6: {  	v14 =	vadd.f32 v14, v15;
	v15 =	vld [tilespmem:s29+$0xA380];
	v9 =	vmul.f32 v9, v48;
	v20 =	vadd.f32 v53, v20  }
0x2f7: {  	v12 =	vmul.f32 $1.500000000e+00, v12;
	(erf) = vpow2.f32 v16  }
0x2f8: {  	v19 =	vmul.f32 v22, v19;
	v14 =	vadd.f32 v14, v22;
	v9 =	vadd.f32 $2.000000030e-01, v9  }
0x2f9: {  	v41 =	vld [tilespmem:s29+$0xA000];
	v54 =	vmul.f32 $3.000000000e+00, v18;
	v58 =	vpop (erf);
	v22 =	vadd.f32 v57, v57;
	v12 =	vadd.f32 v12, v26  }
0x2fa: {  	v59 =	vmul.f32 $1.000000000e+01, v14;
	(erf) = vpow2.f32 v45;
	v14 =	vadd.f32 v18, v20;
	v20 =	vpop (erf)  }
0x2fb: {  	v9 =	vmul.f32 v9, v48;
	v18 =	vadd.f32 v22, v12;
	v12 =	vmul.f32 $1.442695020e+00, v15;
	v15 =	vpop (erf)  }
0x2fc: {  	v56 =	vmul.f32 $2.500000000e+00, v53;
	(erf) = vrcp.f32 v19;
	v19 =	vpop (erf)  }
0x2fd: {  	v17 =	vnsel vm1, $0x0, v17;
	v9 =	vadd.f32 $3.333333430e-01, v9;
	v14 =	vadd.f32 v19, v14  }
0x2fe: {  	v28 =	vmul.f32 $1.442695020e+00, v41;
	v6 =	vadd.f32 v17, v6;
	v60 =	vadd.f32 v56, v18  }
0x2ff: {  	v9 =	vmul.f32 v9, v48;
	(erf) = vpow2.f32 v27;
	v14 =	vadd.f32 v49, v14  }
0x300: {  	v24 =	vadd.f32 v54, v60;
	v61 =	vmul.f32 $3.500000000e+00, v19;
	(erf) = vpow2.f32 v30;
	v17 =	vpop (erf)  }
0x301: {  	v22 =	vadd.f32 $1.000000000e+00, v58;
	(erf) = vpow2.f32 v13;
	v13 =	vadd.f32 v17, v14  }
0x302: {  	v16 =	vmul.f32 $4.000000000e+00, v49;
	v63 =	vadd.f32 $1.000000000e+00, v9;
	v9 =	vadd.f32 v61, v24  }
0x303: {  	v18 =	vmul.f32 $5.000000000e+00, v20;
	v62 =	vpop (erf);
	(erf) = vpow2.f32 v28;
	v20 =	vadd.f32 v20, v13  }
0x304: {  	v15 =	vadd.f32 $1.000000000e+00, v15;
	(erf) = vrcp.f32 v22;
	v22 =	vadd.f32 v16, v9;
	v9 =	vld [tilespmem:s30+$0xD180]  }
0x305: {  	v19 =	vmul.f32 $5.500000000e+00, v62;
	v14 =	vmul.f32 $6.931471820e-01, v23;
	v16 =	vadd.f32 v62, v20;
	v20 =	vld [tilespmem:s29+$0xA200]  }
0x306: {  	vm0 =	vmand vm1, vm0;
	v17 =	vmul.f32 $4.500000000e+00, v17;
	(erf) = vpow2.f32 v11  }
0x307: {  	v3 =	vadd.f32 v52, v3;
	v11 =	vpop (erf);
	(erf) = vrcp.f32 v15;
	v13 =	vmul.f32 v63, v21  }
0x308: {  	s7 =	simm.s32 $0x2;
	v21 =	vadd.f32 v17, v22;
	(erf) = vpow2.f32 v10;
	v10 =	vmul.f32 v59, v11;
	v15 =	vpop (erf)  }
.LBB2_10:
0x309: {  	s8 =	sshll.u32 s7, $0x7  }
0x30a: {  	v17 =	vld [tilespmem:s29+$0x6080];
	v13 =	vadd.f32 v13, v14;
	v11 =	vmul.f32 $1.442695020e+00, v20;
	vm1 =	vgt.f32 v9, $0.0e+00;
	s0 =	sadd.s32 $0x10, s0;
	v14 =	vpop (erf);
	s9 =	smov.u32 s7;
	s2 =	sadd.s32 $0x1, s7  }
0x30b: {  	p0 =	sne.s32 s7, $0x3F;
	v16 =	vadd.f32 v15, v16;
	s10 =	sand.u32 $0x70, s0;
	s8 =	sand.u32 $0x3FFFFC00, s8;
	v20 =	vld [tilespmem:s30+$0xD100];
	v18 =	vadd.f32 v18, v21;
	(erf) = vpow2.f32 v7  }
0x30c: {  	vm2 =	vgt.f32 v1, $0.0e+00;
	s7 =	sshll.u32 s9, $0x6;
	v1 =	vmul.f32 $6.500000000e+00, v14;
	v22 =	vadd.f32 $-1.000000000e+01, v10;
	s29 =	sor.u32 s10, s8;
	v7 =	vld [tilespmem:s30+$0xD000];
	v21 =	vpop (erf)  }
0x30d: {  	s7 =	sand.u32 $0x3FFFFE00, s7;
	v14 =	vadd.f32 v14, v16;
	v23 =	vld [tilespmem:s29+$0x6100];
	v27 =	vadd.f32 v19, v18;
	(erf) = vpow2.f32 v11  }
0x30e: {  	s30 =	sor.u32 s10, s7;
	v11 =	vmul.f32 $6.000000000e+00, v15;
	v16 =	vand.u32 $0x7FFFFFFF, v22;
	v24 =	vmul.f32 $5.000000000e-01, v22;
	v10 =	vld [tilespmem:s29+$0xA380];
	v15 =	vpop (erf)  }
0x30f: {  	v14 =	vadd.f32 v21, v14;
	v25 =	vld [tilespmem:s29+$0xA300];
	v18 =	vpop (erf);
	(erf) = vpow2.f32 v5;
	v5 =	vadd.f32 $-5.000000000e-01, v16  }
0x310: {  	v11 =	vadd.f32 v11, v27;
	v22 =	vmul.f32 v24, v22;
	v26 =	vld [tilespmem:s29+$0x8080];
	v18 =	vsub.f32 v18, v20;
	v19 =	vpop (erf)  }
0x311: {  	vm3 =	vlt.f32 v16, $1.000000000e+00;
	v14 =	vadd.f32 v15, v14;
	v24 =	vld [tilespmem:s30+$0xD080];
	v27 =	vpop (erf);
	(erf) = vpow2.f32 v12  }
0x312: {  	v11 =	vadd.f32 v1, v11;
	v12 =	vsub.f32 $0.0e+00, v23;
	v16 =	vld [tilespmem:s29+$0xA280];
	v1 =	vpop (erf);
	(erf) = vpow2.f32 v8  }
0x313: {  	v21 =	vmul.f32 $7.000000000e+00, v21;
	v7 =	vsub.f32 v27, v7;
	v14 =	vadd.f32 v19, v14;
	v8 =	vld [tilespmem:s29+$0xA180]  }
0x314: {  	v15 =	vmul.f32 $7.500000000e+00, v15;
	v5 =	vsel vm3, v22, v5;
	v27 =	vmul.f32 $8.000000000e+00, v19;
	v23 =	vld [tilespmem:s29+$0xA100];
	v19 =	vpop (erf)  }
0x315: {  	v29 =	vmul.f32 $8.500000000e+00, v1;
	v28 =	vmul.f32 v7, v7;
	v7 =	vadd.f32 v1, v14;
	v22 =	vld [tilespmem:s29+$0x8380]  }
0x316: {  	v14 =	vnsel vm0, $0x0, v5;
	v30 =	vmul.f32 $9.000000000e+00, v19;
	v1 =	vmul.f32 $6.141468520e+00, v24;
	v24 =	vld [tilespmem:s29+$0xA080];
	v31 =	vpop (erf)  }
0x317: {  	v32 =	vld [tilespmem:s29+$0x8280];
	v5 =	vmul.f32 $1.442695020e+00, v16;
	v16 =	vadd.f32 v21, v11;
	v21 =	vadd.f32 v19, v7  }
0x318: {  	v0 =	vadd.f32 v14, v0;
	v19 =	vand.u32 $0x7FFFFF, v1;
	v33 =	vld [tilespmem:s29+$0xA000];
	v7 =	vmul.f32 $1.442695020e+00, v8;
	v8 =	vpop (erf)  }
0x319: {  	v34 =	vshrl.u32 v1, $0x17;
	v35 =	vld [tilespmem:s29+$0x8180];
	v11 =	vmul.f32 $1.442695020e+00, v23;
	v23 =	vnsel vm2, $0xFF800000, v13  }
0x31a: {  	v36 =	vor.u32 $0x3F800000, v19;
	v37 =	vld [tilespmem:s29+$0x8300];
	v14 =	vmul.f32 $1.442695020e+00, v22;
	v22 =	vadd.f32 v15, v16;
	v38 =	vpop (erf)  }
0x31b: {  	v15 =	vadd.s32 $0xFFFFFF81, v34;
	v16 =	vadd.f32 $1.000000000e+00, v36;
	v34 =	vld [tilespmem:s29+$0x6180];
	v13 =	vmul.f32 $1.442695020e+00, v24;
	v24 =	vpop (erf)  }
0x31c: {  	v21 =	vadd.f32 v31, v21;
	v31 =	vmul.f32 $9.500000000e+00, v31;
	v39 =	vld [tilespmem:s29+$0x6200];
	v19 =	vmul.f32 $1.442695020e+00, v32  }
0x31d: {  	v9 =	vadd.f32 $1.000000000e+00, v9;
	v15 =	vcvt.s32.f32 v15;
	v32 =	vld [tilespmem:s29+$0x6300];
	(erf) = vrcp.f32 v16  }
0x31e: {  	v26 =	vmul.f32 $1.442695020e+00, v26;
	v21 =	vadd.f32 v8, v21;
	v16 =	vmul.f32 $1.442695020e+00, v33;
	v40 =	vld [tilespmem:s29+$0x6380]  }
0x31f: {  	vm2 =	vgt.f32 v20, $0.0e+00;
	v20 =	vmul.f32 $1.050000000e+01, v24;
	v33 =	vld [tilespmem:s29+$0x8200];
	v37 =	vmul.f32 $1.442695020e+00, v37  }
0x320: {  	v22 =	vadd.f32 v27, v22;
	v34 =	vmul.f32 $1.442695020e+00, v34;
	(erf) = vpow2.f32 v26  }
0x321: {  	v21 =	vadd.f32 v24, v21;
	v27 =	vmul.f32 $1.442695020e+00, v35;
	v35 =	vmul.f32 $1.000000000e+01, v8;
	v26 =	vld [tilespmem:s29+$0x6280]  }
0x322: {  	v22 =	vadd.f32 v29, v22;
	v8 =	vmul.f32 $1.442695020e+00, v32;
	(erf) = vpow2.f32 v34  }
0x323: {  	v17 =	vsub.f32 v17, v23;
	v24 =	vmul.f32 $1.442695020e+00, v39;
	v29 =	vmul.f32 $1.442695020e+00, v40  }
0x324: {  	v23 =	vld [tilespmem:s29+$0x6000];
	v32 =	vmul.f32 $1.442695020e+00, v33;
	(erf) = vpow2.f32 v8;
	v8 =	vadd.f32 v30, v22  }
0x325: {  	v22 =	vadd.f32 $-1.000000000e+00, v36;
	(erf) = vpow2.f32 v29;
	v29 =	vmul.f32 $1.100000000e+01, v38  }
0x326: {  	v26 =	vmul.f32 $1.442695020e+00, v26;
	v30 =	vld [tilespmem:s29+$0x8000];
	v33 =	vpop (erf);
	(erf) = vpow2.f32 v24;
	v24 =	vadd.f32 v31, v8  }
0x327: {  	v21 =	vadd.f32 v38, v21;
	v8 =	vmul.f32 $1.442695020e+00, v25;
	v22 =	vmul.f32 v33, v22  }
0x328: {  	v12 =	vmul.f32 $1.442695020e+00, v12;
	v25 =	vld [tilespmem:s29+$0x8100];
	(erf) = vpow2.f32 v26;
	v24 =	vadd.f32 v35, v24  }
0x329: {  	v28 =	vnsel vm2, $0x0, v28;
	v23 =	vsub.f32 $0.0e+00, v23;
	v26 =	vmul.f32 v22, v22;
	v31 =	vpop (erf)  }
0x32a: {  	v2 =	vadd.f32 v28, v2;
	(erf) = vpow2.f32 v12;
	v12 =	vmul.f32 v18, v18  }
0x32b: {  	v20 =	vadd.f32 v20, v24;
	v18 =	vmul.f32 $1.111111120e-01, v26;
	v28 =	vmul.f32 $1.442695020e+00, v30;
	v30 =	vpop (erf)  }
0x32c: {  	v34 =	vmul.f32 $1.442695020e+00, v23;
	v24 =	vadd.f32 $0.0e+00, v30;
	v30 =	vnsel vm2, $0x0, v12  }
0x32d: {  	v18 =	vadd.f32 $1.428571490e-01, v18;
	v25 =	vmul.f32 $1.442695020e+00, v25;
	v33 =	vpop (erf);
	(erf) = vpow2.f32 v27  }
0x32e: {  	v3 =	vadd.f32 v30, v3;
	v12 =	vsub.f32 v12, v30;
	(erf) = vpow2.f32 v34;
	v23 =	vpop (erf)  }
0x32f: {  	v22 =	vadd.f32 v22, v22;
	v27 =	vmul.f32 $3.000000000e+00, v23;
	v30 =	vpop (erf);
	(erf) = vpow2.f32 v28  }
0x330: {  	v18 =	vmul.f32 v18, v26;
	v28 =	vadd.f32 v30, v24;
	v30 =	vmul.f32 $1.500000000e+00, v30  }
0x331: {  	v34 =	vmul.f32 $2.500000000e+00, v33;
	v4 =	vadd.f32 v12, v4;
	v12 =	vadd.f32 v29, v20;
	v35 =	vpop (erf)  }
0x332: {  	v20 =	vadd.f32 v35, v28;
	v28 =	vmul.f32 $4.000000000e+00, v31;
	(erf) = vpow2.f32 v25  }
0x333: {  	v12 =	vadd.f32 v12, v21;
	v24 =	vadd.f32 v30, v24;
	v25 =	vpop (erf);
	(erf) = vpow2.f32 v32  }
0x334: {  	v9 =	vmul.f32 v21, v9;
	v18 =	vadd.f32 $2.000000030e-01, v18;
	v20 =	vadd.f32 v33, v20  }
0x335: {  	v17 =	vmul.f32 v17, v17;
	v21 =	vadd.f32 v35, v35;
	v29 =	vmul.f32 $1.000000000e+01, v12  }
0x336: {  	vm0 =	vmand vm2, vm1;
	v30 =	vmul.f32 v18, v26;
	v20 =	vadd.f32 v23, v20;
	v23 =	vpop (erf)  }
0x337: {  	v12 =	vmul.f32 $1.442695020e+00, v10;
	v21 =	vadd.f32 v21, v24;
	v10 =	vpop (erf);
	(erf) = vrcp.f32 v9  }
0x338: {  	v24 =	vadd.f32 $1.000000000e+00, v25;
	v9 =	vadd.f32 $3.333333430e-01, v30;
	v18 =	vpop (erf);
	(erf) = vpow2.f32 v19  }
0x339: {  	v17 =	vnsel vm2, $0x0, v17;
	v19 =	vadd.f32 v34, v21;
	v20 =	vadd.f32 v18, v20  }
0x33a: {  	v6 =	vadd.f32 v17, v6;
	v21 =	vmul.f32 $3.500000000e+00, v18;
	(erf) = vpow2.f32 v37  }
0x33b: {  	v18 =	vmul.f32 $5.000000000e+00, v23;
	v17 =	vadd.f32 v27, v19;
	v19 =	vadd.f32 v31, v20;
	v25 =	vpop (erf)  }
0x33c: {  	v20 =	vmul.f32 v9, v26;
	v26 =	vpop (erf);
	(erf) = vpow2.f32 v14  }
0x33d: {  	v10 =	vadd.f32 $1.000000000e+00, v10;
	v9 =	vld [tilespmem:s30+$0xD180];
	v27 =	vadd.f32 v25, v19;
	v19 =	vmul.f32 $5.500000000e+00, v26  }
.Ltmp4:
0x33e: {  	v17 =	vadd.f32 v21, v17;
	v30 =	vadd.f32 $1.000000000e+00, v20;
	v20 =	vld [tilespmem:s29+$0xA200];
	(erf) = vpow2.f32 v16;
	(pc) =	sbr.rel @p0 .LBB2_10-.Ltmp4, $4  }
0x33f: {  	v14 =	vmul.f32 $6.931471820e-01, v15;
	v27 =	vadd.f32 v23, v27;
	(erf) = vrcp.f32 v24  }
0x340: {  	v21 =	vmul.f32 $4.500000000e+00, v25;
	v17 =	vadd.f32 v28, v17;
	(erf) = vpow2.f32 v13;
	v23 =	vpop (erf)  }
0x341: {  	v13 =	vmul.f32 v30, v22;
	v16 =	vadd.f32 v26, v27;
	(erf) = vrcp.f32 v10;
	v15 =	vpop (erf)  }
0x342: {  	s7 =	smov.u32 s2;
	v21 =	vadd.f32 v21, v17;
	v10 =	vmul.f32 v29, v23;
	(erf) = vpow2.f32 v11  }
0x343: {  	v11 =	vadd.f32 v15, v16  }
0x344: {  	v23 =	vpop (erf)  }
0x345: {  	v17 =	vmul.f32 $1.442695020e+00, v20;
	(erf) = vpow2.f32 v7;
	v24 =	vadd.f32 v23, v11  }
0x346: {  	v26 =	vpop (erf)  }
0x347: {  	v25 =	vadd.f32 v18, v21;
	(erf) = vpow2.f32 v17;
	v7 =	vadd.f32 v26, v24  }
0x348: {  	v28 =	vmul.f32 $6.000000000e+00, v15;
	v27 =	vpop (erf)  }
0x349: {  	v11 =	vadd.f32 v19, v25;
	v29 =	vpop (erf);
	(erf) = vpow2.f32 v5;
	v30 =	vadd.f32 v27, v7  }
0x34a: {  	v31 =	vmul.f32 $6.500000000e+00, v23;
	v32 =	vpop (erf);
	(erf) = vpow2.f32 v12  }
0x34b: {  	v11 =	vadd.f32 v28, v11;
	v33 =	vpop (erf);
	(erf) = vpow2.f32 v8;
	v5 =	vadd.f32 v32, v30  }
0x34c: {  	v34 =	vpop (erf)  }
0x34d: {  	v35 =	vmul.f32 $7.000000000e+00, v26;
	v7 =	vadd.f32 v31, v11;
	v5 =	vadd.f32 v34, v5  }
0x34e: {  	v36 =	vpop (erf)  }
0x34f: {  	v17 =	vmul.f32 $7.500000000e+00, v27;
	v7 =	vadd.f32 v35, v7;
	v5 =	vadd.f32 v36, v5  }
0x350: {  	v37 =	vpop (erf)  }
0x351: {  	v16 =	vmul.f32 $8.000000000e+00, v32;
	v7 =	vadd.f32 v17, v7;
	v5 =	vadd.f32 v37, v5  }
0x352: {  	v38 =	vpop (erf)  }
0x353: {  	v8 =	vmul.f32 $8.500000000e+00, v34;
	v7 =	vadd.f32 v16, v7;
	v39 =	vpop (erf);
	v5 =	vadd.f32 v38, v5  }
0x354: {  	v40 =	vpop (erf)  }
0x355: {  	v15 =	vmul.f32 $9.000000000e+00, v36;
	v7 =	vadd.f32 v8, v7;
	v5 =	vadd.f32 v40, v5  }
0x356: {  	v41 =	vadd.f32 $1.000000000e+00, v9  }
0x357: {  	v11 =	vmul.f32 $9.500000000e+00, v37;
	v7 =	vadd.f32 v15, v7;
	v5 =	vadd.f32 v39, v5;
	_ =	sdelay $0x1  }
0x358: {  	v42 =	vmul.f32 $1.000000000e+01, v38;
	v7 =	vadd.f32 v11, v7;
	v8 =	vmul.f32 v5, v41;
	_ =	sdelay $0x1  }
0x359: {  	v43 =	vmul.f32 $1.050000000e+01, v40;
	v7 =	vadd.f32 v42, v7;
	(erf) = vrcp.f32 v8;
	_ =	sdelay $0x1  }
0x35a: {  	v44 =	vmul.f32 $1.100000000e+01, v39;
	v7 =	vadd.f32 v43, v7;
	_ =	sdelay $0x1  }
0x35b: {  	v46 =	vld [tilespmem:s30+$0xD100];
	v7 =	vadd.f32 v44, v7  }
0x35c: {  	v45 =	vld [tilespmem:s30+$0xD000];
	v13 =	vadd.f32 v13, v14  }
0x35d: {  	v47 =	vld [tilespmem:s29+$0x6080];
	v10 =	vadd.f32 $-1.000000000e+01, v10;
	v5 =	vadd.f32 v7, v5  }
0x35e: {  	vm1 =	vgt.f32 v9, $0.0e+00;
	vm2 =	vgt.f32 v1, $0.0e+00  }
0x35f: {  	v57 =	vnsel vm2, $0xFF800000, v13;
	v49 =	vand.u32 $0x7FFFFFFF, v10;
	v5 =	vmul.f32 $1.000000000e+01, v5  }
0x360: {  	v48 =	vmul.f32 $5.000000000e-01, v10;
	v50 =	vadd.f32 $-5.000000000e-01, v49;
	v53 =	vsub.f32 v29, v46;
	v52 =	vpop (erf)  }
0x361: {  	vm3 =	vlt.f32 v49, $1.000000000e+00;
	v51 =	vsub.f32 v33, v45;
	v54 =	vmul.f32 v5, v52  }
0x362: {  	v9 =	vmul.f32 v48, v10;
	v58 =	vmul.f32 v53, v53;
	v7 =	vsub.f32 v47, v57  }
0x363: {  	vm14 =	vgt.f32 v46, $0.0e+00;
	v56 =	vmul.f32 v51, v51;
	v1 =	vadd.f32 $-1.000000000e+01, v54  }
0x364: {  	v55 =	vsel vm3, v9, v50;
	v60 =	vnsel vm14, $0x0, v58;
	v7 =	vmul.f32 v7, v7  }
0x365: {  	v3 =	vadd.f32 v60, v3;
	v8 =	vnsel vm14, $0x0, v56;
	v59 =	vmul.f32 $5.000000000e-01, v1  }
0x366: {  	v2 =	vadd.f32 v8, v2;
	v7 =	vnsel vm14, $0x0, v7;
	v61 =	vand.u32 $0x7FFFFFFF, v1  }
0x367: {  	v5 =	vnsel vm0, $0x0, v55;
	v62 =	vadd.f32 $-5.000000000e-01, v61;
	v1 =	vmul.f32 v59, v1  }
0x368: {  	v0 =	vadd.f32 v5, v0;
	v5 =	vsub.f32 v58, v60;
	vm15 =	vlt.f32 v61, $1.000000000e+00  }
0x369: {  	[tilespmem:$0xE020] =	vst v3;
	v6 =	vadd.f32 v7, v6;
	vm0 =	vmand vm14, vm1;
	v1 =	vsel vm15, v1, v62  }
0x36a: {  	[tilespmem:$0xE000] =	vst v2;
	v63 =	vadd.f32 v5, v4;
	v1 =	vnsel vm0, $0x0, v1  }
0x36b: {  	s28 =	sadd.s32 $0x1, s28;
	[tilespmem:$0xE010] =	vst v6;
	v0 =	vadd.f32 v1, v0  }
0x36c: {  	p0 =	sne.s32 s28, s15;
	[tilespmem:$0xE030] =	vst v63  }
.Ltmp5:
0x36d: {  	s0 =	simm.s32 $0xE000;
	[tilespmem:$0xE040] =	vst v0;
	(pc) =	sbr.rel @p0 .LBB2_1-.Ltmp5, $4  }
0x36e: {  	[hbm4b:s14+s4] =	stream.linear.scatter [tilespmem:s0], [sflag:$0x3], $0x50, $0x38;
	[tilespmem:$0xE080] =	vst v63  }
0x36f: {  	_ =	swait.ge [sflag:s26], $0x50  }
0x370: {  	[sflag:s26] =	ssyncset.done $0x0  }
0x371: {  	[sflag:s26] =	ssyncadd.s32 $0xFFFFFFB0  }
0x372: {  	_ =	sfence.sel $0x180000  }
0x373: {  	[bflag:$0x0] =	sbarrier.arrive $0xFFFF  }
0x374: {  	_ =	strace $0x90000047  }
0x375: {  	s0 =	stileid.u32;
	[bflag:$0x2] =	sbarrier.arrive $0xFFFF  }
0x376: {  	p0 =	sne.s32 s0, $0x0;
	s0 =	rddreg [dreg:$0x3]  }
0x377: {  	s0 =	sadd.s32 @!p0 $0x100000, s0  }
0x378: {  	[sflag:s0] =	ssyncadd.tile.s32 @!p0 $0x1;
	_ =	shalt  }
.Lfunc_end2:
_tile_overlayer_lowered:
.L_overlay_start_2:
0x379: {  	(tag) =	ssettag $0x2  }
0x37a: {  	s0 =	rddreg [dreg:$0x0];
	s2 =	stileid.u32  }
0x37b: {  	s1 =	rddreg [dreg:$0x1];
	p0 =	sne.s32 s2, $0x0  }
0x37c: {  	s3 =	rddreg [dreg:$0x2];
	[bflag:$0x3] =	sbarrier.arrive $0xFFFF;
	s2 =	simm.s32 @!p0 $0x1C03  }
0x37d: {  	[timem:s3], [sflag:s2] =	dma.local @!p0 [hbm:s0], s1  }
0x37e: {  	s0 =	simm.s32 @!p0 $0x3  }
0x37f: {  	_ =	swait.ge @!p0 [sflag:s0], s1  }
0x380: {  	s1 =	ssub.s32 @!p0 $0x0, s1;
	[sflag:s0] =	ssyncset.done @!p0 $0x0  }
0x381: {  	[sflag:s0] =	ssyncadd.s32 @!p0 s1  }
0x382: {  	[bflag:$0x3] =	sbarrier.arrive $0xFFFF  }
0x383: {  	_ =	shalt  }

</sc_bundles>
